<compile_context>
chip_gen: v7x
topology: tpu7x:2x2x1
jax: 0.10.2.dev20260603
libtpu: 0.0.44.dev20260713+nightly
codegen_flags: <defaults>
</compile_context>

<pallas_src>
import functools

import jax
import jax.numpy as jnp
from jax import lax
from jax.experimental import pallas as pl
from jax.experimental.pallas import tpu as pltpu
from jax.experimental.pallas import tpu_sc as plsc

_NC = 2
_NS = 16
_NW = _NC * _NS
_BLK = 128
_PAIRS = 2
_CHUNK = _PAIRS * _BLK
_NBUF = 2
_LPAD = _BLK + 1


@functools.cache
def _build(batch, seq, vocab, dim):
    n_bblk = batch // _BLK
    n_pairs = seq * n_bblk
    pairs_per_worker = n_pairs // _NW
    chunks_per_worker = pairs_per_worker // _PAIRS
    assert chunks_per_worker % _NBUF == 0
    idx_per_worker = pairs_per_worker * _BLK
    n_dblk = dim // 8
    tile_rows = _PAIRS * 8

    mesh = plsc.VectorSubcoreMesh(core_axis_name="c", subcore_axis_name="s")

    @functools.partial(
        pl.kernel,
        out_type=jax.ShapeDtypeStruct((seq, n_dblk * n_bblk * 8, _BLK),
                                      jnp.float32),
        mesh=mesh,
        compiler_params=pltpu.CompilerParams(
            use_tc_tiling_on_sc=False, needs_layout_passes=False),
        scratch_types=[
            pltpu.VMEM((idx_per_worker,), jnp.int32),
            pltpu.VMEM((_NBUF, _CHUNK, dim), jnp.float32),
            pltpu.VMEM((_NBUF, n_dblk, tile_rows, _LPAD), jnp.float32),
            pltpu.SemaphoreType.DMA,
            pltpu.SemaphoreType.DMA,
            pltpu.SemaphoreType.DMA,
            pltpu.SemaphoreType.DMA,
        ],
    )
    def gather_kernel(text_hbm, table_hbm, out_hbm, idx_v, rows_v, tile_v,
                      gsem0, gsem1, osem0, osem1):
        c = lax.axis_index("c")
        s_ax = lax.axis_index("s")
        wid = s_ax * _NC + c
        pair0 = wid * pairs_per_worker
        gsems = (gsem0, gsem1)
        osems = (osem0, osem1)
        iota16 = jax.lax.iota(jnp.int32, 16)

        pltpu.sync_copy(text_hbm.at[pl.ds(pair0 * _BLK, idx_per_worker)],
                        idx_v)

        def chunk_pos(g):
            p = pair0 + g * _PAIRS
            return p // n_bblk, p % n_bblk

        def gather_copies(g, b, fire):
            for j in range(_PAIRS):
                desc = pltpu.make_async_copy(
                    table_hbm.at[idx_v.at[pl.ds((g * _PAIRS + j) * _BLK,
                                                _BLK)]],
                    rows_v.at[b, pl.ds(j * _BLK, _BLK)],
                    gsems[b])
                desc.start() if fire else desc.wait()

        def out_copies(g, b, fire):
            s, bt0 = chunk_pos(g)
            for dt in range(n_dblk):
                desc = pltpu.make_async_copy(
                    tile_v.at[b, dt, pl.ds(0, tile_rows), pl.ds(0, _BLK)],
                    out_hbm.at[s, pl.ds(dt * n_bblk * 8 + bt0 * 8,
                                        tile_rows)],
                    osems[b])
                desc.start() if fire else desc.wait()

        dt_vecs = [(iota16 // 8) + 2 * cc for cc in range(dim // 16)]
        sub_vec = iota16 % 8

        def transpose_chunk(b):
            def t_body(t, carry):
                p = t // (_BLK // 8)
                lbase = (t % (_BLK // 8)) * 8
                row_vec = sub_vec + p * 8
                for rr in range(8):
                    lane = lbase + rr
                    r = p * _BLK + lane
                    lane_vec = jnp.full((16,), 0, jnp.int32) + lane
                    for cc in range(dim // 16):
                        vals = rows_v[b, r, pl.ds(cc * 16, 16)]
                        plsc.store_scatter(
                            tile_v.at[b],
                            [dt_vecs[cc], row_vec, lane_vec], vals)
                return carry

            lax.fori_loop(0, _CHUNK // 8, t_body, 0)

        for b in range(_NBUF):
            gather_copies(b, b, fire=True)

        def loop_body(t, carry):
            for b in range(_NBUF):
                g = t * _NBUF + b
                gather_copies(g, b, fire=False)

                @pl.when(g >= _NBUF)
                def _():
                    out_copies(g - _NBUF, b, fire=False)

                transpose_chunk(b)
                out_copies(g, b, fire=True)

                @pl.when(g + _NBUF < chunks_per_worker)
                def _():
                    gather_copies(g + _NBUF, b, fire=True)
            return carry

        lax.fori_loop(0, chunks_per_worker // _NBUF, loop_body, 0)

        for b in range(_NBUF):
            out_copies(chunks_per_worker - _NBUF + b, b, fire=False)

    return gather_kernel


def kernel(text, table):
    batch, seq = text.shape
    vocab, dim = table.shape
    text_flat = jnp.transpose(text).astype(jnp.int32).reshape(batch * seq)
    out3 = _build(batch, seq, vocab, dim)(text_flat, table)
    n_bblk = batch // _BLK
    n_dblk = dim // 8
    out6 = out3.reshape(seq, n_dblk, n_bblk, 8, _BLK)
    return jnp.transpose(out6, (2, 4, 0, 1, 3)).reshape(batch, seq, dim)

# --- scband reference (transcript-rebuilt; emitter-appended) ---
"""Pipeline reference for scband-word-embeddor-17910013625039 (READ-ONLY COPY).

The authoritative reference and input builder live on the scoring server;
editing this copy changes nothing except your own understanding.
"""

import jax, jax.numpy as jnp
import numpy as np

VOCAB = 1000000
EMBED_DIM = 64
BATCH = 4096
SEQ = 200


def setup_inputs(seed: int = 0) -> dict:
    key = jax.random.key(seed)
    k_text, k_table = jax.random.split(key)
    text = jax.random.randint(k_text, (BATCH, SEQ), 0, VOCAB, dtype=jnp.int64 if jax.config.jax_enable_x64 else jnp.int32)
    table = jax.random.normal(k_table, (VOCAB, EMBED_DIM), dtype=jnp.float32)
    return {"text": text, "table": table}


def reference(text, table):
    # WordEmbeddor.forward: self.embed(text) -> gather rows of the pretrained table
    return jnp.take(table, text, axis=0)

if __name__ == "__main__":
    import jax
    _d = setup_inputs()
    print(jax.jit(kernel)(*tuple(_d.values())))

</pallas_src>

<mosaic_0001>
#map = affine_map<(d0, d1) -> (0)>
#map1 = affine_map<(d0, d1) -> (0, 0)>
#map2 = affine_map<(d0, d1) -> (0, 0, 0)>
module attributes {stable_mosaic.version = 14 : i64} {
  func.func @gather_kernel(%arg0: i32, %arg1: i32, %arg2: memref<819200xi32, #tpu.memory_space<hbm>>, %arg3: memref<1000000x64xf32, #tpu.memory_space<hbm>>, %arg4: memref<200x2048x128xf32, #tpu.memory_space<hbm>>, %arg5: memref<25600xi32, #tpu.memory_space<vmem>>, %arg6: memref<2x256x64xf32, #tpu.memory_space<vmem>>, %arg7: memref<2x8x16x129xf32, #tpu.memory_space<vmem>>, %arg8: memref<!tpu.dma_semaphore, #tpu.memory_space<semaphore_mem>>, %arg9: memref<!tpu.dma_semaphore, #tpu.memory_space<semaphore_mem>>, %arg10: memref<!tpu.dma_semaphore, #tpu.memory_space<semaphore_mem>>, %arg11: memref<!tpu.dma_semaphore, #tpu.memory_space<semaphore_mem>>) attributes {dimension_semantics = [#tpu.dimension_semantics<core_parallel>, #tpu.dimension_semantics<subcore_parallel>], iteration_bounds = array<i64: 2, 16>, scalar_prefetch = 0 : i64, scratch_operands = 7 : i64, tpu.core_type = #tpu.core_type<sc_vector_subcore>, window_params = [{transform_indices = #map}, {transform_indices = #map1}, {transform_indices = #map2}]} {
    %mul3A = arith.constant 2 : i32
    %mul3A_0 = arith.muli %arg1, %mul3A : i32
    %add3A = arith.addi %mul3A_0, %arg0 : i32
    %mul3A_1 = arith.constant 200 : i32
    %mul3A_2 = arith.muli %add3A, %mul3A_1 : i32
    %iota3A = tpu.iota {dimensions = array<i32: 0>} : vector<16xi32>
    %mul3A_3 = arith.constant 128 : i32
    %mul3A_4 = arith.muli %mul3A_2, %mul3A_3 : i32
    "tpu.region"() ({
      %run_scoped3A = tpu.sem_alloc : memref<!tpu.dma_semaphore, #tpu.memory_space<semaphore_mem>>
      %dma_start3A_600 = tpu.memref_slice %arg2[%mul3A_4] : memref<819200xi32, #tpu.memory_space<hbm>> -> memref<25600xi32, #tpu.memory_space<hbm>>
      %dma_start3A_601 = tpu.memref_slice %arg2[%mul3A_4] : memref<819200xi32, #tpu.memory_space<hbm>> -> memref<25600xi32, #tpu.memory_space<hbm>>
      tpu.enqueue_dma source(%dma_start3A_601 : memref<25600xi32, #tpu.memory_space<hbm>>) target(%arg5 : memref<25600xi32, #tpu.memory_space<vmem>>) target_semaphore(%run_scoped3A : memref<!tpu.dma_semaphore, #tpu.memory_space<semaphore_mem>>)
      %dma_wait3A_602 = tpu.memref_slice %arg2[%mul3A_4] : memref<819200xi32, #tpu.memory_space<hbm>> -> memref<25600xi32, #tpu.memory_space<hbm>>
      %dma_wait3A_603 = tpu.memref_slice %arg2[%mul3A_4] : memref<819200xi32, #tpu.memory_space<hbm>> -> memref<25600xi32, #tpu.memory_space<hbm>>
      tpu.wait_dma2 semaphore(%run_scoped3A : memref<!tpu.dma_semaphore, #tpu.memory_space<semaphore_mem>>) src(%dma_wait3A_603 : memref<25600xi32, #tpu.memory_space<hbm>>) dst(%arg5 : memref<25600xi32, #tpu.memory_space<vmem>>)
      tpu.yield
    }) : () -> ()
    %jit3A = arith.constant 8 : i32
    %div3A = vector.broadcast %jit3A : i32 to vector<16xi32>
    %div3A_5 = arith.divsi %iota3A, %div3A : vector<16xi32>
    %sign3A = arith.constant 0 : i32
    %sign3A_6 = vector.broadcast %sign3A : i32 to vector<16xi32>
    %sign3A_7 = arith.cmpi sgt, %iota3A, %sign3A_6 : vector<16xi32>
    %sign3A_8 = arith.extui %sign3A_7 : vector<16xi1> to vector<16xi32>
    %sign3A_9 = arith.constant 0 : i32
    %sign3A_10 = vector.broadcast %sign3A_9 : i32 to vector<16xi32>
    %sign3A_11 = arith.cmpi slt, %iota3A, %sign3A_10 : vector<16xi32>
    %sign3A_12 = arith.extui %sign3A_11 : vector<16xi1> to vector<16xi32>
    %sign3A_13 = arith.subi %sign3A_8, %sign3A_12 : vector<16xi32>
    %sign3A_14 = arith.constant 0 : i32
    %sign3A_15 = arith.cmpi sgt, %jit3A, %sign3A_14 : i32
    %sign3A_16 = arith.extui %sign3A_15 : i1 to i32
    %sign3A_17 = arith.constant 0 : i32
    %sign3A_18 = arith.cmpi slt, %jit3A, %sign3A_17 : i32
    %sign3A_19 = arith.extui %sign3A_18 : i1 to i32
    %sign3A_20 = arith.subi %sign3A_16, %sign3A_19 : i32
    %ne3A = vector.broadcast %sign3A_20 : i32 to vector<16xi32>
    %ne3A_21 = arith.cmpi ne, %sign3A_13, %ne3A : vector<16xi32>
    %rem3A = vector.broadcast %jit3A : i32 to vector<16xi32>
    %rem3A_22 = arith.remsi %iota3A, %rem3A : vector<16xi32>
    %ne3A_23 = arith.constant 0 : i32
    %ne3A_24 = vector.broadcast %ne3A_23 : i32 to vector<16xi32>
    %ne3A_25 = arith.cmpi ne, %rem3A_22, %ne3A_24 : vector<16xi32>
    %and3A = arith.andi %ne3A_21, %ne3A_25 : vector<16xi1>
    %sub3A = arith.constant 1 : i32
    %sub3A_26 = vector.broadcast %sub3A : i32 to vector<16xi32>
    %sub3A_27 = arith.subi %div3A_5, %sub3A_26 : vector<16xi32>
    %select_n3A = arith.select %and3A, %sub3A_27, %div3A_5 : vector<16xi1>, vector<16xi32>
    %add3A_28 = arith.constant 0 : i32
    %add3A_29 = vector.broadcast %add3A_28 : i32 to vector<16xi32>
    %add3A_30 = arith.addi %select_n3A, %add3A_29 : vector<16xi32>
    %jit3A_31 = arith.constant 8 : i32
    %div3A_32 = vector.broadcast %jit3A_31 : i32 to vector<16xi32>
    %div3A_33 = arith.divsi %iota3A, %div3A_32 : vector<16xi32>
    %sign3A_34 = arith.constant 0 : i32
    %sign3A_35 = vector.broadcast %sign3A_34 : i32 to vector<16xi32>
    %sign3A_36 = arith.cmpi sgt, %iota3A, %sign3A_35 : vector<16xi32>
    %sign3A_37 = arith.extui %sign3A_36 : vector<16xi1> to vector<16xi32>
    %sign3A_38 = arith.constant 0 : i32
    %sign3A_39 = vector.broadcast %sign3A_38 : i32 to vector<16xi32>
    %sign3A_40 = arith.cmpi slt, %iota3A, %sign3A_39 : vector<16xi32>
    %sign3A_41 = arith.extui %sign3A_40 : vector<16xi1> to vector<16xi32>
    %sign3A_42 = arith.subi %sign3A_37, %sign3A_41 : vector<16xi32>
    %sign3A_43 = arith.constant 0 : i32
    %sign3A_44 = arith.cmpi sgt, %jit3A_31, %sign3A_43 : i32
    %sign3A_45 = arith.extui %sign3A_44 : i1 to i32
    %sign3A_46 = arith.constant 0 : i32
    %sign3A_47 = arith.cmpi slt, %jit3A_31, %sign3A_46 : i32
    %sign3A_48 = arith.extui %sign3A_47 : i1 to i32
    %sign3A_49 = arith.subi %sign3A_45, %sign3A_48 : i32
    %ne3A_50 = vector.broadcast %sign3A_49 : i32 to vector<16xi32>
    %ne3A_51 = arith.cmpi ne, %sign3A_42, %ne3A_50 : vector<16xi32>
    %rem3A_52 = vector.broadcast %jit3A_31 : i32 to vector<16xi32>
    %rem3A_53 = arith.remsi %iota3A, %rem3A_52 : vector<16xi32>
    %ne3A_54 = arith.constant 0 : i32
    %ne3A_55 = vector.broadcast %ne3A_54 : i32 to vector<16xi32>
    %ne3A_56 = arith.cmpi ne, %rem3A_53, %ne3A_55 : vector<16xi32>
    %and3A_57 = arith.andi %ne3A_51, %ne3A_56 : vector<16xi1>
    %sub3A_58 = arith.constant 1 : i32
    %sub3A_59 = vector.broadcast %sub3A_58 : i32 to vector<16xi32>
    %sub3A_60 = arith.subi %div3A_33, %sub3A_59 : vector<16xi32>
    %select_n3A_61 = arith.select %and3A_57, %sub3A_60, %div3A_33 : vector<16xi1>, vector<16xi32>
    %add3A_62 = arith.constant 2 : i32
    %add3A_63 = vector.broadcast %add3A_62 : i32 to vector<16xi32>
    %add3A_64 = arith.addi %select_n3A_61, %add3A_63 : vector<16xi32>
    %jit3A_65 = arith.constant 8 : i32
    %div3A_66 = vector.broadcast %jit3A_65 : i32 to vector<16xi32>
    %div3A_67 = arith.divsi %iota3A, %div3A_66 : vector<16xi32>
    %sign3A_68 = arith.constant 0 : i32
    %sign3A_69 = vector.broadcast %sign3A_68 : i32 to vector<16xi32>
    %sign3A_70 = arith.cmpi sgt, %iota3A, %sign3A_69 : vector<16xi32>
    %sign3A_71 = arith.extui %sign3A_70 : vector<16xi1> to vector<16xi32>
    %sign3A_72 = arith.constant 0 : i32
    %sign3A_73 = vector.broadcast %sign3A_72 : i32 to vector<16xi32>
    %sign3A_74 = arith.cmpi slt, %iota3A, %sign3A_73 : vector<16xi32>
    %sign3A_75 = arith.extui %sign3A_74 : vector<16xi1> to vector<16xi32>
    %sign3A_76 = arith.subi %sign3A_71, %sign3A_75 : vector<16xi32>
    %sign3A_77 = arith.constant 0 : i32
    %sign3A_78 = arith.cmpi sgt, %jit3A_65, %sign3A_77 : i32
    %sign3A_79 = arith.extui %sign3A_78 : i1 to i32
    %sign3A_80 = arith.constant 0 : i32
    %sign3A_81 = arith.cmpi slt, %jit3A_65, %sign3A_80 : i32
    %sign3A_82 = arith.extui %sign3A_81 : i1 to i32
    %sign3A_83 = arith.subi %sign3A_79, %sign3A_82 : i32
    %ne3A_84 = vector.broadcast %sign3A_83 : i32 to vector<16xi32>
    %ne3A_85 = arith.cmpi ne, %sign3A_76, %ne3A_84 : vector<16xi32>
    %rem3A_86 = vector.broadcast %jit3A_65 : i32 to vector<16xi32>
    %rem3A_87 = arith.remsi %iota3A, %rem3A_86 : vector<16xi32>
    %ne3A_88 = arith.constant 0 : i32
    %ne3A_89 = vector.broadcast %ne3A_88 : i32 to vector<16xi32>
    %ne3A_90 = arith.cmpi ne, %rem3A_87, %ne3A_89 : vector<16xi32>
    %and3A_91 = arith.andi %ne3A_85, %ne3A_90 : vector<16xi1>
    %sub3A_92 = arith.constant 1 : i32
    %sub3A_93 = vector.broadcast %sub3A_92 : i32 to vector<16xi32>
    %sub3A_94 = arith.subi %div3A_67, %sub3A_93 : vector<16xi32>
    %select_n3A_95 = arith.select %and3A_91, %sub3A_94, %div3A_67 : vector<16xi1>, vector<16xi32>
    %add3A_96 = arith.constant 4 : i32
    %add3A_97 = vector.broadcast %add3A_96 : i32 to vector<16xi32>
    %add3A_98 = arith.addi %select_n3A_95, %add3A_97 : vector<16xi32>
    %jit3A_99 = arith.constant 8 : i32
    %div3A_100 = vector.broadcast %jit3A_99 : i32 to vector<16xi32>
    %div3A_101 = arith.divsi %iota3A, %div3A_100 : vector<16xi32>
    %sign3A_102 = arith.constant 0 : i32
    %sign3A_103 = vector.broadcast %sign3A_102 : i32 to vector<16xi32>
    %sign3A_104 = arith.cmpi sgt, %iota3A, %sign3A_103 : vector<16xi32>
    %sign3A_105 = arith.extui %sign3A_104 : vector<16xi1> to vector<16xi32>
    %sign3A_106 = arith.constant 0 : i32
    %sign3A_107 = vector.broadcast %sign3A_106 : i32 to vector<16xi32>
    %sign3A_108 = arith.cmpi slt, %iota3A, %sign3A_107 : vector<16xi32>
    %sign3A_109 = arith.extui %sign3A_108 : vector<16xi1> to vector<16xi32>
    %sign3A_110 = arith.subi %sign3A_105, %sign3A_109 : vector<16xi32>
    %sign3A_111 = arith.constant 0 : i32
    %sign3A_112 = arith.cmpi sgt, %jit3A_99, %sign3A_111 : i32
    %sign3A_113 = arith.extui %sign3A_112 : i1 to i32
    %sign3A_114 = arith.constant 0 : i32
    %sign3A_115 = arith.cmpi slt, %jit3A_99, %sign3A_114 : i32
    %sign3A_116 = arith.extui %sign3A_115 : i1 to i32
    %sign3A_117 = arith.subi %sign3A_113, %sign3A_116 : i32
    %ne3A_118 = vector.broadcast %sign3A_117 : i32 to vector<16xi32>
    %ne3A_119 = arith.cmpi ne, %sign3A_110, %ne3A_118 : vector<16xi32>
    %rem3A_120 = vector.broadcast %jit3A_99 : i32 to vector<16xi32>
    %rem3A_121 = arith.remsi %iota3A, %rem3A_120 : vector<16xi32>
    %ne3A_122 = arith.constant 0 : i32
    %ne3A_123 = vector.broadcast %ne3A_122 : i32 to vector<16xi32>
    %ne3A_124 = arith.cmpi ne, %rem3A_121, %ne3A_123 : vector<16xi32>
    %and3A_125 = arith.andi %ne3A_119, %ne3A_124 : vector<16xi1>
    %sub3A_126 = arith.constant 1 : i32
    %sub3A_127 = vector.broadcast %sub3A_126 : i32 to vector<16xi32>
    %sub3A_128 = arith.subi %div3A_101, %sub3A_127 : vector<16xi32>
    %select_n3A_129 = arith.select %and3A_125, %sub3A_128, %div3A_101 : vector<16xi1>, vector<16xi32>
    %add3A_130 = arith.constant 6 : i32
    %add3A_131 = vector.broadcast %add3A_130 : i32 to vector<16xi32>
    %add3A_132 = arith.addi %select_n3A_129, %add3A_131 : vector<16xi32>
    %jit3A_133 = arith.constant 8 : i32
    %eq3A = arith.constant 0 : i32
    %eq3A_134 = arith.cmpi eq, %jit3A_133, %eq3A : i32
    %jit3A_135 = arith.constant 1 : i32
    %select_n3A_136 = arith.select %eq3A_134, %jit3A_135, %jit3A_133 : i32
    %rem3A_137 = vector.broadcast %select_n3A_136 : i32 to vector<16xi32>
    %rem3A_138 = arith.remsi %iota3A, %rem3A_137 : vector<16xi32>
    %ne3A_139 = arith.constant 0 : i32
    %ne3A_140 = vector.broadcast %ne3A_139 : i32 to vector<16xi32>
    %ne3A_141 = arith.cmpi ne, %rem3A_138, %ne3A_140 : vector<16xi32>
    %lt3A = arith.constant 0 : i32
    %lt3A_142 = vector.broadcast %lt3A : i32 to vector<16xi32>
    %lt3A_143 = arith.cmpi slt, %rem3A_138, %lt3A_142 : vector<16xi32>
    %lt3A_144 = arith.constant 0 : i32
    %lt3A_145 = arith.cmpi slt, %select_n3A_136, %lt3A_144 : i32
    %ne3A_146 = vector.broadcast %lt3A_145 : i1 to vector<16xi1>
    %ne3A_147 = vector.broadcast %ne3A_146 : vector<16xi1> to vector<16xi1>
    %ne3A_148 = arith.xori %lt3A_143, %ne3A_147 : vector<16xi1>
    %and3A_149 = arith.andi %ne3A_148, %ne3A_141 : vector<16xi1>
    %add3A_150 = vector.broadcast %select_n3A_136 : i32 to vector<16xi32>
    %add3A_151 = arith.addi %rem3A_138, %add3A_150 : vector<16xi32>
    %select_n3A_152 = arith.select %and3A_149, %add3A_151, %rem3A_138 : vector<16xi1>, vector<16xi32>
    %dma_start3A = arith.constant 0 : i32
    %dma_start3A_153 = arith.constant 0 : i32
    %dma_start3A_154 = arith.constant 0 : i32
    %dma_start3A_155 = tpu.memref_slice %arg6[%dma_start3A, %dma_start3A_153, %dma_start3A_154] : memref<2x256x64xf32, #tpu.memory_space<vmem>> -> memref<1x128x64xf32, #tpu.memory_space<vmem>>
    %dma_start3A_156 = tpu.memref_squeeze %dma_start3A_155 : memref<1x128x64xf32, #tpu.memory_space<vmem>> -> memref<128x64xf32, #tpu.memory_space<vmem>>
    %dma_start3A_157 = arith.constant 0 : i32
    %dma_start3A_158 = tpu.memref_slice %arg5[%dma_start3A_157] : memref<25600xi32, #tpu.memory_space<vmem>> -> memref<128xi32, #tpu.memory_space<vmem>>
    %dma_start3A_159 = arith.constant 0 : i32
    %dma_start3A_160 = arith.constant 0 : i32
    %dma_start3A_161 = tpu.memref_slice %arg3[%dma_start3A_159, %dma_start3A_160] : memref<1000000x64xf32, #tpu.memory_space<hbm>> -> memref<1000000x64xf32, #tpu.memory_space<hbm>>
    tpu.enqueue_indirect_dma source(%dma_start3A_161 : memref<1000000x64xf32, #tpu.memory_space<hbm>>) target(%dma_start3A_156 : memref<128x64xf32, #tpu.memory_space<vmem>>) offsets(%dma_start3A_158 : memref<128xi32, #tpu.memory_space<vmem>>) semaphore(%arg8 : memref<!tpu.dma_semaphore, #tpu.memory_space<semaphore_mem>>)
    %dma_start3A_162 = arith.constant 0 : i32
    %dma_start3A_163 = arith.constant 128 : i32
    %dma_start3A_164 = arith.constant 0 : i32
    %dma_start3A_165 = tpu.memref_slice %arg6[%dma_start3A_162, %dma_start3A_163, %dma_start3A_164] : memref<2x256x64xf32, #tpu.memory_space<vmem>> -> memref<1x128x64xf32, #tpu.memory_space<vmem>>
    %dma_start3A_166 = tpu.memref_squeeze %dma_start3A_165 : memref<1x128x64xf32, #tpu.memory_space<vmem>> -> memref<128x64xf32, #tpu.memory_space<vmem>>
    %dma_start3A_167 = arith.constant 128 : i32
    %dma_start3A_168 = tpu.memref_slice %arg5[%dma_start3A_167] : memref<25600xi32, #tpu.memory_space<vmem>> -> memref<128xi32, #tpu.memory_space<vmem>>
    %dma_start3A_169 = arith.constant 0 : i32
    %dma_start3A_170 = arith.constant 0 : i32
    %dma_start3A_171 = tpu.memref_slice %arg3[%dma_start3A_169, %dma_start3A_170] : memref<1000000x64xf32, #tpu.memory_space<hbm>> -> memref<1000000x64xf32, #tpu.memory_space<hbm>>
    tpu.enqueue_indirect_dma source(%dma_start3A_171 : memref<1000000x64xf32, #tpu.memory_space<hbm>>) target(%dma_start3A_166 : memref<128x64xf32, #tpu.memory_space<vmem>>) offsets(%dma_start3A_168 : memref<128xi32, #tpu.memory_space<vmem>>) semaphore(%arg8 : memref<!tpu.dma_semaphore, #tpu.memory_space<semaphore_mem>>)
    %dma_start3A_172 = arith.constant 1 : i32
    %dma_start3A_173 = arith.constant 0 : i32
    %dma_start3A_174 = arith.constant 0 : i32
    %dma_start3A_175 = tpu.memref_slice %arg6[%dma_start3A_172, %dma_start3A_173, %dma_start3A_174] : memref<2x256x64xf32, #tpu.memory_space<vmem>> -> memref<1x128x64xf32, #tpu.memory_space<vmem>>
    %dma_start3A_176 = tpu.memref_squeeze %dma_start3A_175 : memref<1x128x64xf32, #tpu.memory_space<vmem>> -> memref<128x64xf32, #tpu.memory_space<vmem>>
    %dma_start3A_177 = arith.constant 256 : i32
    %dma_start3A_178 = tpu.memref_slice %arg5[%dma_start3A_177] : memref<25600xi32, #tpu.memory_space<vmem>> -> memref<128xi32, #tpu.memory_space<vmem>>
    %dma_start3A_179 = arith.constant 0 : i32
    %dma_start3A_180 = arith.constant 0 : i32
    %dma_start3A_181 = tpu.memref_slice %arg3[%dma_start3A_179, %dma_start3A_180] : memref<1000000x64xf32, #tpu.memory_space<hbm>> -> memref<1000000x64xf32, #tpu.memory_space<hbm>>
    tpu.enqueue_indirect_dma source(%dma_start3A_181 : memref<1000000x64xf32, #tpu.memory_space<hbm>>) target(%dma_start3A_176 : memref<128x64xf32, #tpu.memory_space<vmem>>) offsets(%dma_start3A_178 : memref<128xi32, #tpu.memory_space<vmem>>) semaphore(%arg9 : memref<!tpu.dma_semaphore, #tpu.memory_space<semaphore_mem>>)
    %dma_start3A_182 = arith.constant 1 : i32
    %dma_start3A_183 = arith.constant 128 : i32
    %dma_start3A_184 = arith.constant 0 : i32
    %dma_start3A_185 = tpu.memref_slice %arg6[%dma_start3A_182, %dma_start3A_183, %dma_start3A_184] : memref<2x256x64xf32, #tpu.memory_space<vmem>> -> memref<1x128x64xf32, #tpu.memory_space<vmem>>
    %dma_start3A_186 = tpu.memref_squeeze %dma_start3A_185 : memref<1x128x64xf32, #tpu.memory_space<vmem>> -> memref<128x64xf32, #tpu.memory_space<vmem>>
    %dma_start3A_187 = arith.constant 384 : i32
    %dma_start3A_188 = tpu.memref_slice %arg5[%dma_start3A_187] : memref<25600xi32, #tpu.memory_space<vmem>> -> memref<128xi32, #tpu.memory_space<vmem>>
    %dma_start3A_189 = arith.constant 0 : i32
    %dma_start3A_190 = arith.constant 0 : i32
    %dma_start3A_191 = tpu.memref_slice %arg3[%dma_start3A_189, %dma_start3A_190] : memref<1000000x64xf32, #tpu.memory_space<hbm>> -> memref<1000000x64xf32, #tpu.memory_space<hbm>>
    tpu.enqueue_indirect_dma source(%dma_start3A_191 : memref<1000000x64xf32, #tpu.memory_space<hbm>>) target(%dma_start3A_186 : memref<128x64xf32, #tpu.memory_space<vmem>>) offsets(%dma_start3A_188 : memref<128xi32, #tpu.memory_space<vmem>>) semaphore(%arg9 : memref<!tpu.dma_semaphore, #tpu.memory_space<semaphore_mem>>)
    %scan3A = arith.constant 0 : i32
    %scan3A_192 = arith.constant 0 : i32
    %scan3A_193 = arith.constant 50 : i32
    %scan3A_194 = arith.addi %scan3A_192, %scan3A_193 : i32
    %scan3A_195 = arith.constant 1 : i32
    scf.for %scan3A_600 = %scan3A_192 to %scan3A_194 step %scan3A_195  : i32 {
      %mul3A_601 = arith.constant 2 : i32
      %mul3A_602 = arith.muli %scan3A_600, %mul3A_601 : i32
      %add3A_603 = arith.constant 0 : i32
      %add3A_604 = arith.addi %mul3A_602, %add3A_603 : i32
      %mul3A_605 = arith.constant 2 : i32
      %mul3A_606 = arith.muli %add3A_604, %mul3A_605 : i32
      %add3A_607 = arith.constant 0 : i32
      %add3A_608 = arith.addi %mul3A_606, %add3A_607 : i32
      %mul3A_609 = arith.constant 128 : i32
      %mul3A_610 = arith.muli %add3A_608, %mul3A_609 : i32
      %dma_wait3A_611 = arith.constant 0 : i32
      %dma_wait3A_612 = arith.constant 0 : i32
      %dma_wait3A_613 = arith.constant 0 : i32
      %dma_wait3A_614 = tpu.memref_slice %arg6[%dma_wait3A_611, %dma_wait3A_612, %dma_wait3A_613] : memref<2x256x64xf32, #tpu.memory_space<vmem>> -> memref<1x128x64xf32, #tpu.memory_space<vmem>>
      %dma_wait3A_615 = tpu.memref_squeeze %dma_wait3A_614 : memref<1x128x64xf32, #tpu.memory_space<vmem>> -> memref<128x64xf32, #tpu.memory_space<vmem>>
      %dma_wait3A_616 = tpu.memref_slice %arg5[%mul3A_610] : memref<25600xi32, #tpu.memory_space<vmem>> -> memref<128xi32, #tpu.memory_space<vmem>>
      %dma_wait3A_617 = arith.constant 0 : i32
      %dma_wait3A_618 = arith.constant 0 : i32
      %dma_wait3A_619 = tpu.memref_slice %arg3[%dma_wait3A_617, %dma_wait3A_618] : memref<1000000x64xf32, #tpu.memory_space<hbm>> -> memref<1000000x64xf32, #tpu.memory_space<hbm>>
      tpu.wait_indirect_dma semaphore(%arg8 : memref<!tpu.dma_semaphore, #tpu.memory_space<semaphore_mem>>) src(%dma_wait3A_619 : memref<1000000x64xf32, #tpu.memory_space<hbm>>) dst(%dma_wait3A_615 : memref<128x64xf32, #tpu.memory_space<vmem>>)
      %mul3A_620 = arith.constant 2 : i32
      %mul3A_621 = arith.muli %add3A_604, %mul3A_620 : i32
      %add3A_622 = arith.constant 1 : i32
      %add3A_623 = arith.addi %mul3A_621, %add3A_622 : i32
      %mul3A_624 = arith.constant 128 : i32
      %mul3A_625 = arith.muli %add3A_623, %mul3A_624 : i32
      %dma_wait3A_626 = arith.constant 0 : i32
      %dma_wait3A_627 = arith.constant 128 : i32
      %dma_wait3A_628 = arith.constant 0 : i32
      %dma_wait3A_629 = tpu.memref_slice %arg6[%dma_wait3A_626, %dma_wait3A_627, %dma_wait3A_628] : memref<2x256x64xf32, #tpu.memory_space<vmem>> -> memref<1x128x64xf32, #tpu.memory_space<vmem>>
      %dma_wait3A_630 = tpu.memref_squeeze %dma_wait3A_629 : memref<1x128x64xf32, #tpu.memory_space<vmem>> -> memref<128x64xf32, #tpu.memory_space<vmem>>
      %dma_wait3A_631 = tpu.memref_slice %arg5[%mul3A_625] : memref<25600xi32, #tpu.memory_space<vmem>> -> memref<128xi32, #tpu.memory_space<vmem>>
      %dma_wait3A_632 = arith.constant 0 : i32
      %dma_wait3A_633 = arith.constant 0 : i32
      %dma_wait3A_634 = tpu.memref_slice %arg3[%dma_wait3A_632, %dma_wait3A_633] : memref<1000000x64xf32, #tpu.memory_space<hbm>> -> memref<1000000x64xf32, #tpu.memory_space<hbm>>
      tpu.wait_indirect_dma semaphore(%arg8 : memref<!tpu.dma_semaphore, #tpu.memory_space<semaphore_mem>>) src(%dma_wait3A_634 : memref<1000000x64xf32, #tpu.memory_space<hbm>>) dst(%dma_wait3A_630 : memref<128x64xf32, #tpu.memory_space<vmem>>)
      %ge3A = arith.constant 2 : i32
      %ge3A_635 = arith.cmpi sge, %add3A_604, %ge3A : i32
      %convert_element_type3A = arith.extui %ge3A_635 : i1 to i32
      %cond3A = arith.constant 0 : i32
      %cond3A_636 = arith.cmpi ne, %convert_element_type3A, %cond3A : i32
      scf.if %cond3A_636 {
        %sub3A_1108 = arith.constant 2 : i32
        %sub3A_1109 = arith.subi %add3A_604, %sub3A_1108 : i32
        %mul3A_1110 = arith.constant 2 : i32
        %mul3A_1111 = arith.muli %sub3A_1109, %mul3A_1110 : i32
        %add3A_1112 = arith.addi %mul3A_2, %mul3A_1111 : i32
        %jit3A_1113 = arith.constant 32 : i32
        %div3A_1114 = arith.divsi %add3A_1112, %jit3A_1113 : i32
        %sign3A_1115 = arith.constant 0 : i32
        %sign3A_1116 = arith.cmpi sgt, %add3A_1112, %sign3A_1115 : i32
        %sign3A_1117 = arith.extui %sign3A_1116 : i1 to i32
        %sign3A_1118 = arith.constant 0 : i32
        %sign3A_1119 = arith.cmpi slt, %add3A_1112, %sign3A_1118 : i32
        %sign3A_1120 = arith.extui %sign3A_1119 : i1 to i32
        %sign3A_1121 = arith.subi %sign3A_1117, %sign3A_1120 : i32
        %sign3A_1122 = arith.constant 0 : i32
        %sign3A_1123 = arith.cmpi sgt, %jit3A_1113, %sign3A_1122 : i32
        %sign3A_1124 = arith.extui %sign3A_1123 : i1 to i32
        %sign3A_1125 = arith.constant 0 : i32
        %sign3A_1126 = arith.cmpi slt, %jit3A_1113, %sign3A_1125 : i32
        %sign3A_1127 = arith.extui %sign3A_1126 : i1 to i32
        %sign3A_1128 = arith.subi %sign3A_1124, %sign3A_1127 : i32
        %ne3A_1129 = arith.cmpi ne, %sign3A_1121, %sign3A_1128 : i32
        %rem3A_1130 = arith.remsi %add3A_1112, %jit3A_1113 : i32
        %ne3A_1131 = arith.constant 0 : i32
        %ne3A_1132 = arith.cmpi ne, %rem3A_1130, %ne3A_1131 : i32
        %and3A_1133 = arith.andi %ne3A_1129, %ne3A_1132 : i1
        %sub3A_1134 = arith.constant 1 : i32
        %sub3A_1135 = arith.subi %div3A_1114, %sub3A_1134 : i32
        %select_n3A_1136 = arith.select %and3A_1133, %sub3A_1135, %div3A_1114 : i32
        %jit3A_1137 = arith.constant 32 : i32
        %eq3A_1138 = arith.constant 0 : i32
        %eq3A_1139 = arith.cmpi eq, %jit3A_1137, %eq3A_1138 : i32
        %jit3A_1140 = arith.constant 1 : i32
        %select_n3A_1141 = arith.select %eq3A_1139, %jit3A_1140, %jit3A_1137 : i32
        %rem3A_1142 = arith.remsi %add3A_1112, %select_n3A_1141 : i32
        %ne3A_1143 = arith.constant 0 : i32
        %ne3A_1144 = arith.cmpi ne, %rem3A_1142, %ne3A_1143 : i32
        %lt3A_1145 = arith.constant 0 : i32
        %lt3A_1146 = arith.cmpi slt, %rem3A_1142, %lt3A_1145 : i32
        %lt3A_1147 = arith.constant 0 : i32
        %lt3A_1148 = arith.cmpi slt, %select_n3A_1141, %lt3A_1147 : i32
        %ne3A_1149 = arith.xori %lt3A_1146, %lt3A_1148 : i1
        %and3A_1150 = arith.andi %ne3A_1149, %ne3A_1144 : i1
        %add3A_1151 = arith.addi %rem3A_1142, %select_n3A_1141 : i32
        %select_n3A_1152 = arith.select %and3A_1150, %add3A_1151, %rem3A_1142 : i32
        %mul3A_1153 = arith.constant 8 : i32
        %mul3A_1154 = arith.muli %select_n3A_1152, %mul3A_1153 : i32
        %add3A_1155 = arith.constant 0 : i32
        %add3A_1156 = arith.addi %add3A_1155, %mul3A_1154 : i32
        %dma_wait3A_1157 = arith.constant 0 : i32
        %dma_wait3A_1158 = arith.constant 0 : i32
        %dma_wait3A_1159 = arith.constant 0 : i32
        %dma_wait3A_1160 = arith.constant 0 : i32
        %dma_wait3A_1161 = tpu.memref_slice %arg7[%dma_wait3A_1157, %dma_wait3A_1158, %dma_wait3A_1159, %dma_wait3A_1160] : memref<2x8x16x129xf32, #tpu.memory_space<vmem>> -> memref<1x1x16x128xf32, #tpu.memory_space<vmem>>
        %dma_wait3A_1162 = tpu.memref_squeeze %dma_wait3A_1161 : memref<1x1x16x128xf32, #tpu.memory_space<vmem>> -> memref<16x128xf32, #tpu.memory_space<vmem>>
        %dma_wait3A_1163 = arith.constant 0 : i32
        %dma_wait3A_1164 = tpu.memref_slice %arg4[%select_n3A_1136, %add3A_1156, %dma_wait3A_1163] : memref<200x2048x128xf32, #tpu.memory_space<hbm>> -> memref<1x16x128xf32, #tpu.memory_space<hbm>>
        %dma_wait3A_1165 = tpu.memref_squeeze %dma_wait3A_1164 : memref<1x16x128xf32, #tpu.memory_space<hbm>> -> memref<16x128xf32, #tpu.memory_space<hbm>>
        %dma_wait3A_1166 = arith.constant 0 : i32
        %dma_wait3A_1167 = tpu.memref_slice %arg4[%select_n3A_1136, %add3A_1156, %dma_wait3A_1166] : memref<200x2048x128xf32, #tpu.memory_space<hbm>> -> memref<1x16x128xf32, #tpu.memory_space<hbm>>
        %dma_wait3A_1168 = tpu.memref_squeeze %dma_wait3A_1167 : memref<1x16x128xf32, #tpu.memory_space<hbm>> -> memref<16x128xf32, #tpu.memory_space<hbm>>
        %dma_wait3A_1169 = arith.constant 0 : i32
        %dma_wait3A_1170 = arith.constant 0 : i32
        %dma_wait3A_1171 = tpu.memref_slice %arg7[%dma_wait3A_1157, %dma_wait3A_1158, %dma_wait3A_1169, %dma_wait3A_1170] : memref<2x8x16x129xf32, #tpu.memory_space<vmem>> -> memref<1x1x16x128xf32, #tpu.memory_space<vmem>>
        %dma_wait3A_1172 = tpu.memref_squeeze %dma_wait3A_1171 : memref<1x1x16x128xf32, #tpu.memory_space<vmem>> -> memref<16x128xf32, #tpu.memory_space<vmem>>
        tpu.wait_dma2 semaphore(%arg10 : memref<!tpu.dma_semaphore, #tpu.memory_space<semaphore_mem>>) src(%dma_wait3A_1172 : memref<16x128xf32, #tpu.memory_space<vmem>>) dst(%dma_wait3A_1168 : memref<16x128xf32, #tpu.memory_space<hbm>>)
        %mul3A_1173 = arith.constant 8 : i32
        %mul3A_1174 = arith.muli %select_n3A_1152, %mul3A_1173 : i32
        %add3A_1175 = arith.constant 256 : i32
        %add3A_1176 = arith.addi %add3A_1175, %mul3A_1174 : i32
        %dma_wait3A_1177 = arith.constant 0 : i32
        %dma_wait3A_1178 = arith.constant 1 : i32
        %dma_wait3A_1179 = arith.constant 0 : i32
        %dma_wait3A_1180 = arith.constant 0 : i32
        %dma_wait3A_1181 = tpu.memref_slice %arg7[%dma_wait3A_1177, %dma_wait3A_1178, %dma_wait3A_1179, %dma_wait3A_1180] : memref<2x8x16x129xf32, #tpu.memory_space<vmem>> -> memref<1x1x16x128xf32, #tpu.memory_space<vmem>>
        %dma_wait3A_1182 = tpu.memref_squeeze %dma_wait3A_1181 : memref<1x1x16x128xf32, #tpu.memory_space<vmem>> -> memref<16x128xf32, #tpu.memory_space<vmem>>
        %dma_wait3A_1183 = arith.constant 0 : i32
        %dma_wait3A_1184 = tpu.memref_slice %arg4[%select_n3A_1136, %add3A_1176, %dma_wait3A_1183] : memref<200x2048x128xf32, #tpu.memory_space<hbm>> -> memref<1x16x128xf32, #tpu.memory_space<hbm>>
        %dma_wait3A_1185 = tpu.memref_squeeze %dma_wait3A_1184 : memref<1x16x128xf32, #tpu.memory_space<hbm>> -> memref<16x128xf32, #tpu.memory_space<hbm>>
        %dma_wait3A_1186 = arith.constant 0 : i32
        %dma_wait3A_1187 = tpu.memref_slice %arg4[%select_n3A_1136, %add3A_1176, %dma_wait3A_1186] : memref<200x2048x128xf32, #tpu.memory_space<hbm>> -> memref<1x16x128xf32, #tpu.memory_space<hbm>>
        %dma_wait3A_1188 = tpu.memref_squeeze %dma_wait3A_1187 : memref<1x16x128xf32, #tpu.memory_space<hbm>> -> memref<16x128xf32, #tpu.memory_space<hbm>>
        %dma_wait3A_1189 = arith.constant 0 : i32
        %dma_wait3A_1190 = arith.constant 0 : i32
        %dma_wait3A_1191 = tpu.memref_slice %arg7[%dma_wait3A_1177, %dma_wait3A_1178, %dma_wait3A_1189, %dma_wait3A_1190] : memref<2x8x16x129xf32, #tpu.memory_space<vmem>> -> memref<1x1x16x128xf32, #tpu.memory_space<vmem>>
        %dma_wait3A_1192 = tpu.memref_squeeze %dma_wait3A_1191 : memref<1x1x16x128xf32, #tpu.memory_space<vmem>> -> memref<16x128xf32, #tpu.memory_space<vmem>>
        tpu.wait_dma2 semaphore(%arg10 : memref<!tpu.dma_semaphore, #tpu.memory_space<semaphore_mem>>) src(%dma_wait3A_1192 : memref<16x128xf32, #tpu.memory_space<vmem>>) dst(%dma_wait3A_1188 : memref<16x128xf32, #tpu.memory_space<hbm>>)
        %mul3A_1193 = arith.constant 8 : i32
        %mul3A_1194 = arith.muli %select_n3A_1152, %mul3A_1193 : i32
        %add3A_1195 = arith.constant 512 : i32
        %add3A_1196 = arith.addi %add3A_1195, %mul3A_1194 : i32
        %dma_wait3A_1197 = arith.constant 0 : i32
        %dma_wait3A_1198 = arith.constant 2 : i32
        %dma_wait3A_1199 = arith.constant 0 : i32
        %dma_wait3A_1200 = arith.constant 0 : i32
        %dma_wait3A_1201 = tpu.memref_slice %arg7[%dma_wait3A_1197, %dma_wait3A_1198, %dma_wait3A_1199, %dma_wait3A_1200] : memref<2x8x16x129xf32, #tpu.memory_space<vmem>> -> memref<1x1x16x128xf32, #tpu.memory_space<vmem>>
        %dma_wait3A_1202 = tpu.memref_squeeze %dma_wait3A_1201 : memref<1x1x16x128xf32, #tpu.memory_space<vmem>> -> memref<16x128xf32, #tpu.memory_space<vmem>>
        %dma_wait3A_1203 = arith.constant 0 : i32
        %dma_wait3A_1204 = tpu.memref_slice %arg4[%select_n3A_1136, %add3A_1196, %dma_wait3A_1203] : memref<200x2048x128xf32, #tpu.memory_space<hbm>> -> memref<1x16x128xf32, #tpu.memory_space<hbm>>
        %dma_wait3A_1205 = tpu.memref_squeeze %dma_wait3A_1204 : memref<1x16x128xf32, #tpu.memory_space<hbm>> -> memref<16x128xf32, #tpu.memory_space<hbm>>
        %dma_wait3A_1206 = arith.constant 0 : i32
        %dma_wait3A_1207 = tpu.memref_slice %arg4[%select_n3A_1136, %add3A_1196, %dma_wait3A_1206] : memref<200x2048x128xf32, #tpu.memory_space<hbm>> -> memref<1x16x128xf32, #tpu.memory_space<hbm>>
        %dma_wait3A_1208 = tpu.memref_squeeze %dma_wait3A_1207 : memref<1x16x128xf32, #tpu.memory_space<hbm>> -> memref<16x128xf32, #tpu.memory_space<hbm>>
        %dma_wait3A_1209 = arith.constant 0 : i32
        %dma_wait3A_1210 = arith.constant 0 : i32
        %dma_wait3A_1211 = tpu.memref_slice %arg7[%dma_wait3A_1197, %dma_wait3A_1198, %dma_wait3A_1209, %dma_wait3A_1210] : memref<2x8x16x129xf32, #tpu.memory_space<vmem>> -> memref<1x1x16x128xf32, #tpu.memory_space<vmem>>
        %dma_wait3A_1212 = tpu.memref_squeeze %dma_wait3A_1211 : memref<1x1x16x128xf32, #tpu.memory_space<vmem>> -> memref<16x128xf32, #tpu.memory_space<vmem>>
        tpu.wait_dma2 semaphore(%arg10 : memref<!tpu.dma_semaphore, #tpu.memory_space<semaphore_mem>>) src(%dma_wait3A_1212 : memref<16x128xf32, #tpu.memory_space<vmem>>) dst(%dma_wait3A_1208 : memref<16x128xf32, #tpu.memory_space<hbm>>)
        %mul3A_1213 = arith.constant 8 : i32
        %mul3A_1214 = arith.muli %select_n3A_1152, %mul3A_1213 : i32
        %add3A_1215 = arith.constant 768 : i32
        %add3A_1216 = arith.addi %add3A_1215, %mul3A_1214 : i32
        %dma_wait3A_1217 = arith.constant 0 : i32
        %dma_wait3A_1218 = arith.constant 3 : i32
        %dma_wait3A_1219 = arith.constant 0 : i32
        %dma_wait3A_1220 = arith.constant 0 : i32
        %dma_wait3A_1221 = tpu.memref_slice %arg7[%dma_wait3A_1217, %dma_wait3A_1218, %dma_wait3A_1219, %dma_wait3A_1220] : memref<2x8x16x129xf32, #tpu.memory_space<vmem>> -> memref<1x1x16x128xf32, #tpu.memory_space<vmem>>
        %dma_wait3A_1222 = tpu.memref_squeeze %dma_wait3A_1221 : memref<1x1x16x128xf32, #tpu.memory_space<vmem>> -> memref<16x128xf32, #tpu.memory_space<vmem>>
        %dma_wait3A_1223 = arith.constant 0 : i32
        %dma_wait3A_1224 = tpu.memref_slice %arg4[%select_n3A_1136, %add3A_1216, %dma_wait3A_1223] : memref<200x2048x128xf32, #tpu.memory_space<hbm>> -> memref<1x16x128xf32, #tpu.memory_space<hbm>>
        %dma_wait3A_1225 = tpu.memref_squeeze %dma_wait3A_1224 : memref<1x16x128xf32, #tpu.memory_space<hbm>> -> memref<16x128xf32, #tpu.memory_space<hbm>>
        %dma_wait3A_1226 = arith.constant 0 : i32
        %dma_wait3A_1227 = tpu.memref_slice %arg4[%select_n3A_1136, %add3A_1216, %dma_wait3A_1226] : memref<200x2048x128xf32, #tpu.memory_space<hbm>> -> memref<1x16x128xf32, #tpu.memory_space<hbm>>
        %dma_wait3A_1228 = tpu.memref_squeeze %dma_wait3A_1227 : memref<1x16x128xf32, #tpu.memory_space<hbm>> -> memref<16x128xf32, #tpu.memory_space<hbm>>
        %dma_wait3A_1229 = arith.constant 0 : i32
        %dma_wait3A_1230 = arith.constant 0 : i32
        %dma_wait3A_1231 = tpu.memref_slice %arg7[%dma_wait3A_1217, %dma_wait3A_1218, %dma_wait3A_1229, %dma_wait3A_1230] : memref<2x8x16x129xf32, #tpu.memory_space<vmem>> -> memref<1x1x16x128xf32, #tpu.memory_space<vmem>>
        %dma_wait3A_1232 = tpu.memref_squeeze %dma_wait3A_1231 : memref<1x1x16x128xf32, #tpu.memory_space<vmem>> -> memref<16x128xf32, #tpu.memory_space<vmem>>
        tpu.wait_dma2 semaphore(%arg10 : memref<!tpu.dma_semaphore, #tpu.memory_space<semaphore_mem>>) src(%dma_wait3A_1232 : memref<16x128xf32, #tpu.memory_space<vmem>>) dst(%dma_wait3A_1228 : memref<16x128xf32, #tpu.memory_space<hbm>>)
        %mul3A_1233 = arith.constant 8 : i32
        %mul3A_1234 = arith.muli %select_n3A_1152, %mul3A_1233 : i32
        %add3A_1235 = arith.constant 1024 : i32
        %add3A_1236 = arith.addi %add3A_1235, %mul3A_1234 : i32
        %dma_wait3A_1237 = arith.constant 0 : i32
        %dma_wait3A_1238 = arith.constant 4 : i32
        %dma_wait3A_1239 = arith.constant 0 : i32
        %dma_wait3A_1240 = arith.constant 0 : i32
        %dma_wait3A_1241 = tpu.memref_slice %arg7[%dma_wait3A_1237, %dma_wait3A_1238, %dma_wait3A_1239, %dma_wait3A_1240] : memref<2x8x16x129xf32, #tpu.memory_space<vmem>> -> memref<1x1x16x128xf32, #tpu.memory_space<vmem>>
        %dma_wait3A_1242 = tpu.memref_squeeze %dma_wait3A_1241 : memref<1x1x16x128xf32, #tpu.memory_space<vmem>> -> memref<16x128xf32, #tpu.memory_space<vmem>>
        %dma_wait3A_1243 = arith.constant 0 : i32
        %dma_wait3A_1244 = tpu.memref_slice %arg4[%select_n3A_1136, %add3A_1236, %dma_wait3A_1243] : memref<200x2048x128xf32, #tpu.memory_space<hbm>> -> memref<1x16x128xf32, #tpu.memory_space<hbm>>
        %dma_wait3A_1245 = tpu.memref_squeeze %dma_wait3A_1244 : memref<1x16x128xf32, #tpu.memory_space<hbm>> -> memref<16x128xf32, #tpu.memory_space<hbm>>
        %dma_wait3A_1246 = arith.constant 0 : i32
        %dma_wait3A_1247 = tpu.memref_slice %arg4[%select_n3A_1136, %add3A_1236, %dma_wait3A_1246] : memref<200x2048x128xf32, #tpu.memory_space<hbm>> -> memref<1x16x128xf32, #tpu.memory_space<hbm>>
        %dma_wait3A_1248 = tpu.memref_squeeze %dma_wait3A_1247 : memref<1x16x128xf32, #tpu.memory_space<hbm>> -> memref<16x128xf32, #tpu.memory_space<hbm>>
        %dma_wait3A_1249 = arith.constant 0 : i32
        %dma_wait3A_1250 = arith.constant 0 : i32
        %dma_wait3A_1251 = tpu.memref_slice %arg7[%dma_wait3A_1237, %dma_wait3A_1238, %dma_wait3A_1249, %dma_wait3A_1250] : memref<2x8x16x129xf32, #tpu.memory_space<vmem>> -> memref<1x1x16x128xf32, #tpu.memory_space<vmem>>
        %dma_wait3A_1252 = tpu.memref_squeeze %dma_wait3A_1251 : memref<1x1x16x128xf32, #tpu.memory_space<vmem>> -> memref<16x128xf32, #tpu.memory_space<vmem>>
        tpu.wait_dma2 semaphore(%arg10 : memref<!tpu.dma_semaphore, #tpu.memory_space<semaphore_mem>>) src(%dma_wait3A_1252 : memref<16x128xf32, #tpu.memory_space<vmem>>) dst(%dma_wait3A_1248 : memref<16x128xf32, #tpu.memory_space<hbm>>)
        %mul3A_1253 = arith.constant 8 : i32
        %mul3A_1254 = arith.muli %select_n3A_1152, %mul3A_1253 : i32
        %add3A_1255 = arith.constant 1280 : i32
        %add3A_1256 = arith.addi %add3A_1255, %mul3A_1254 : i32
        %dma_wait3A_1257 = arith.constant 0 : i32
        %dma_wait3A_1258 = arith.constant 5 : i32
        %dma_wait3A_1259 = arith.constant 0 : i32
        %dma_wait3A_1260 = arith.constant 0 : i32
        %dma_wait3A_1261 = tpu.memref_slice %arg7[%dma_wait3A_1257, %dma_wait3A_1258, %dma_wait3A_1259, %dma_wait3A_1260] : memref<2x8x16x129xf32, #tpu.memory_space<vmem>> -> memref<1x1x16x128xf32, #tpu.memory_space<vmem>>
        %dma_wait3A_1262 = tpu.memref_squeeze %dma_wait3A_1261 : memref<1x1x16x128xf32, #tpu.memory_space<vmem>> -> memref<16x128xf32, #tpu.memory_space<vmem>>
        %dma_wait3A_1263 = arith.constant 0 : i32
        %dma_wait3A_1264 = tpu.memref_slice %arg4[%select_n3A_1136, %add3A_1256, %dma_wait3A_1263] : memref<200x2048x128xf32, #tpu.memory_space<hbm>> -> memref<1x16x128xf32, #tpu.memory_space<hbm>>
        %dma_wait3A_1265 = tpu.memref_squeeze %dma_wait3A_1264 : memref<1x16x128xf32, #tpu.memory_space<hbm>> -> memref<16x128xf32, #tpu.memory_space<hbm>>
        %dma_wait3A_1266 = arith.constant 0 : i32
        %dma_wait3A_1267 = tpu.memref_slice %arg4[%select_n3A_1136, %add3A_1256, %dma_wait3A_1266] : memref<200x2048x128xf32, #tpu.memory_space<hbm>> -> memref<1x16x128xf32, #tpu.memory_space<hbm>>
        %dma_wait3A_1268 = tpu.memref_squeeze %dma_wait3A_1267 : memref<1x16x128xf32, #tpu.memory_space<hbm>> -> memref<16x128xf32, #tpu.memory_space<hbm>>
        %dma_wait3A_1269 = arith.constant 0 : i32
        %dma_wait3A_1270 = arith.constant 0 : i32
        %dma_wait3A_1271 = tpu.memref_slice %arg7[%dma_wait3A_1257, %dma_wait3A_1258, %dma_wait3A_1269, %dma_wait3A_1270] : memref<2x8x16x129xf32, #tpu.memory_space<vmem>> -> memref<1x1x16x128xf32, #tpu.memory_space<vmem>>
        %dma_wait3A_1272 = tpu.memref_squeeze %dma_wait3A_1271 : memref<1x1x16x128xf32, #tpu.memory_space<vmem>> -> memref<16x128xf32, #tpu.memory_space<vmem>>
        tpu.wait_dma2 semaphore(%arg10 : memref<!tpu.dma_semaphore, #tpu.memory_space<semaphore_mem>>) src(%dma_wait3A_1272 : memref<16x128xf32, #tpu.memory_space<vmem>>) dst(%dma_wait3A_1268 : memref<16x128xf32, #tpu.memory_space<hbm>>)
        %mul3A_1273 = arith.constant 8 : i32
        %mul3A_1274 = arith.muli %select_n3A_1152, %mul3A_1273 : i32
        %add3A_1275 = arith.constant 1536 : i32
        %add3A_1276 = arith.addi %add3A_1275, %mul3A_1274 : i32
        %dma_wait3A_1277 = arith.constant 0 : i32
        %dma_wait3A_1278 = arith.constant 6 : i32
        %dma_wait3A_1279 = arith.constant 0 : i32
        %dma_wait3A_1280 = arith.constant 0 : i32
        %dma_wait3A_1281 = tpu.memref_slice %arg7[%dma_wait3A_1277, %dma_wait3A_1278, %dma_wait3A_1279, %dma_wait3A_1280] : memref<2x8x16x129xf32, #tpu.memory_space<vmem>> -> memref<1x1x16x128xf32, #tpu.memory_space<vmem>>
        %dma_wait3A_1282 = tpu.memref_squeeze %dma_wait3A_1281 : memref<1x1x16x128xf32, #tpu.memory_space<vmem>> -> memref<16x128xf32, #tpu.memory_space<vmem>>
        %dma_wait3A_1283 = arith.constant 0 : i32
        %dma_wait3A_1284 = tpu.memref_slice %arg4[%select_n3A_1136, %add3A_1276, %dma_wait3A_1283] : memref<200x2048x128xf32, #tpu.memory_space<hbm>> -> memref<1x16x128xf32, #tpu.memory_space<hbm>>
        %dma_wait3A_1285 = tpu.memref_squeeze %dma_wait3A_1284 : memref<1x16x128xf32, #tpu.memory_space<hbm>> -> memref<16x128xf32, #tpu.memory_space<hbm>>
        %dma_wait3A_1286 = arith.constant 0 : i32
        %dma_wait3A_1287 = tpu.memref_slice %arg4[%select_n3A_1136, %add3A_1276, %dma_wait3A_1286] : memref<200x2048x128xf32, #tpu.memory_space<hbm>> -> memref<1x16x128xf32, #tpu.memory_space<hbm>>
        %dma_wait3A_1288 = tpu.memref_squeeze %dma_wait3A_1287 : memref<1x16x128xf32, #tpu.memory_space<hbm>> -> memref<16x128xf32, #tpu.memory_space<hbm>>
        %dma_wait3A_1289 = arith.constant 0 : i32
        %dma_wait3A_1290 = arith.constant 0 : i32
        %dma_wait3A_1291 = tpu.memref_slice %arg7[%dma_wait3A_1277, %dma_wait3A_1278, %dma_wait3A_1289, %dma_wait3A_1290] : memref<2x8x16x129xf32, #tpu.memory_space<vmem>> -> memref<1x1x16x128xf32, #tpu.memory_space<vmem>>
        %dma_wait3A_1292 = tpu.memref_squeeze %dma_wait3A_1291 : memref<1x1x16x128xf32, #tpu.memory_space<vmem>> -> memref<16x128xf32, #tpu.memory_space<vmem>>
        tpu.wait_dma2 semaphore(%arg10 : memref<!tpu.dma_semaphore, #tpu.memory_space<semaphore_mem>>) src(%dma_wait3A_1292 : memref<16x128xf32, #tpu.memory_space<vmem>>) dst(%dma_wait3A_1288 : memref<16x128xf32, #tpu.memory_space<hbm>>)
        %mul3A_1293 = arith.constant 8 : i32
        %mul3A_1294 = arith.muli %select_n3A_1152, %mul3A_1293 : i32
        %add3A_1295 = arith.constant 1792 : i32
        %add3A_1296 = arith.addi %add3A_1295, %mul3A_1294 : i32
        %dma_wait3A_1297 = arith.constant 0 : i32
        %dma_wait3A_1298 = arith.constant 7 : i32
        %dma_wait3A_1299 = arith.constant 0 : i32
        %dma_wait3A_1300 = arith.constant 0 : i32
        %dma_wait3A_1301 = tpu.memref_slice %arg7[%dma_wait3A_1297, %dma_wait3A_1298, %dma_wait3A_1299, %dma_wait3A_1300] : memref<2x8x16x129xf32, #tpu.memory_space<vmem>> -> memref<1x1x16x128xf32, #tpu.memory_space<vmem>>
        %dma_wait3A_1302 = tpu.memref_squeeze %dma_wait3A_1301 : memref<1x1x16x128xf32, #tpu.memory_space<vmem>> -> memref<16x128xf32, #tpu.memory_space<vmem>>
        %dma_wait3A_1303 = arith.constant 0 : i32
        %dma_wait3A_1304 = tpu.memref_slice %arg4[%select_n3A_1136, %add3A_1296, %dma_wait3A_1303] : memref<200x2048x128xf32, #tpu.memory_space<hbm>> -> memref<1x16x128xf32, #tpu.memory_space<hbm>>
        %dma_wait3A_1305 = tpu.memref_squeeze %dma_wait3A_1304 : memref<1x16x128xf32, #tpu.memory_space<hbm>> -> memref<16x128xf32, #tpu.memory_space<hbm>>
        %dma_wait3A_1306 = arith.constant 0 : i32
        %dma_wait3A_1307 = tpu.memref_slice %arg4[%select_n3A_1136, %add3A_1296, %dma_wait3A_1306] : memref<200x2048x128xf32, #tpu.memory_space<hbm>> -> memref<1x16x128xf32, #tpu.memory_space<hbm>>
        %dma_wait3A_1308 = tpu.memref_squeeze %dma_wait3A_1307 : memref<1x16x128xf32, #tpu.memory_space<hbm>> -> memref<16x128xf32, #tpu.memory_space<hbm>>
        %dma_wait3A_1309 = arith.constant 0 : i32
        %dma_wait3A_1310 = arith.constant 0 : i32
        %dma_wait3A_1311 = tpu.memref_slice %arg7[%dma_wait3A_1297, %dma_wait3A_1298, %dma_wait3A_1309, %dma_wait3A_1310] : memref<2x8x16x129xf32, #tpu.memory_space<vmem>> -> memref<1x1x16x128xf32, #tpu.memory_space<vmem>>
        %dma_wait3A_1312 = tpu.memref_squeeze %dma_wait3A_1311 : memref<1x1x16x128xf32, #tpu.memory_space<vmem>> -> memref<16x128xf32, #tpu.memory_space<vmem>>
        tpu.wait_dma2 semaphore(%arg10 : memref<!tpu.dma_semaphore, #tpu.memory_space<semaphore_mem>>) src(%dma_wait3A_1312 : memref<16x128xf32, #tpu.memory_space<vmem>>) dst(%dma_wait3A_1308 : memref<16x128xf32, #tpu.memory_space<hbm>>)
      } else {
      }
      %scan3A_637 = arith.constant 0 : i32
      %scan3A_638 = arith.constant 0 : i32
      %scan3A_639 = arith.constant 32 : i32
      %scan3A_640 = arith.addi %scan3A_638, %scan3A_639 : i32
      %scan3A_641 = arith.constant 1 : i32
      scf.for %scan3A_1108 = %scan3A_638 to %scan3A_640 step %scan3A_641  : i32 {
        %jit3A_1109 = arith.constant 16 : i32
        %div3A_1110 = arith.divsi %scan3A_1108, %jit3A_1109 : i32
        %sign3A_1111 = arith.constant 0 : i32
        %sign3A_1112 = arith.cmpi sgt, %scan3A_1108, %sign3A_1111 : i32
        %sign3A_1113 = arith.extui %sign3A_1112 : i1 to i32
        %sign3A_1114 = arith.constant 0 : i32
        %sign3A_1115 = arith.cmpi slt, %scan3A_1108, %sign3A_1114 : i32
        %sign3A_1116 = arith.extui %sign3A_1115 : i1 to i32
        %sign3A_1117 = arith.subi %sign3A_1113, %sign3A_1116 : i32
        %sign3A_1118 = arith.constant 0 : i32
        %sign3A_1119 = arith.cmpi sgt, %jit3A_1109, %sign3A_1118 : i32
        %sign3A_1120 = arith.extui %sign3A_1119 : i1 to i32
        %sign3A_1121 = arith.constant 0 : i32
        %sign3A_1122 = arith.cmpi slt, %jit3A_1109, %sign3A_1121 : i32
        %sign3A_1123 = arith.extui %sign3A_1122 : i1 to i32
        %sign3A_1124 = arith.subi %sign3A_1120, %sign3A_1123 : i32
        %ne3A_1125 = arith.cmpi ne, %sign3A_1117, %sign3A_1124 : i32
        %rem3A_1126 = arith.remsi %scan3A_1108, %jit3A_1109 : i32
        %ne3A_1127 = arith.constant 0 : i32
        %ne3A_1128 = arith.cmpi ne, %rem3A_1126, %ne3A_1127 : i32
        %and3A_1129 = arith.andi %ne3A_1125, %ne3A_1128 : i1
        %sub3A_1130 = arith.constant 1 : i32
        %sub3A_1131 = arith.subi %div3A_1110, %sub3A_1130 : i32
        %select_n3A_1132 = arith.select %and3A_1129, %sub3A_1131, %div3A_1110 : i32
        %jit3A_1133 = arith.constant 16 : i32
        %eq3A_1134 = arith.constant 0 : i32
        %eq3A_1135 = arith.cmpi eq, %jit3A_1133, %eq3A_1134 : i32
        %jit3A_1136 = arith.constant 1 : i32
        %select_n3A_1137 = arith.select %eq3A_1135, %jit3A_1136, %jit3A_1133 : i32
        %rem3A_1138 = arith.remsi %scan3A_1108, %select_n3A_1137 : i32
        %ne3A_1139 = arith.constant 0 : i32
        %ne3A_1140 = arith.cmpi ne, %rem3A_1138, %ne3A_1139 : i32
        %lt3A_1141 = arith.constant 0 : i32
        %lt3A_1142 = arith.cmpi slt, %rem3A_1138, %lt3A_1141 : i32
        %lt3A_1143 = arith.constant 0 : i32
        %lt3A_1144 = arith.cmpi slt, %select_n3A_1137, %lt3A_1143 : i32
        %ne3A_1145 = arith.xori %lt3A_1142, %lt3A_1144 : i1
        %and3A_1146 = arith.andi %ne3A_1145, %ne3A_1140 : i1
        %add3A_1147 = arith.addi %rem3A_1138, %select_n3A_1137 : i32
        %select_n3A_1148 = arith.select %and3A_1146, %add3A_1147, %rem3A_1138 : i32
        %mul3A_1149 = arith.constant 8 : i32
        %mul3A_1150 = arith.muli %select_n3A_1148, %mul3A_1149 : i32
        %mul3A_1151 = arith.constant 8 : i32
        %mul3A_1152 = arith.muli %select_n3A_1132, %mul3A_1151 : i32
        %add3A_1153 = vector.broadcast %mul3A_1152 : i32 to vector<16xi32>
        %add3A_1154 = arith.addi %select_n3A_152, %add3A_1153 : vector<16xi32>
        %add3A_1155 = arith.constant 0 : i32
        %add3A_1156 = arith.addi %mul3A_1150, %add3A_1155 : i32
        %mul3A_1157 = arith.constant 128 : i32
        %mul3A_1158 = arith.muli %select_n3A_1132, %mul3A_1157 : i32
        %add3A_1159 = arith.addi %mul3A_1158, %add3A_1156 : i32
        %broadcast_in_dim3A = arith.constant 0 : i32
        %broadcast_in_dim3A_1160 = vector.broadcast %broadcast_in_dim3A : i32 to vector<16xi32>
        %add3A_1161 = vector.broadcast %add3A_1156 : i32 to vector<16xi32>
        %add3A_1162 = arith.addi %broadcast_in_dim3A_1160, %add3A_1161 : vector<16xi32>
        %get3A = arith.constant 0 : i32
        %get3A_1163 = arith.index_cast %get3A : i32 to index
        %get3A_1164 = arith.index_cast %add3A_1159 : i32 to index
        %get3A_1165 = arith.constant 0 : index
        %get3A_1166 = tpu.vector_load %arg6[%get3A_1163, %get3A_1164, %get3A_1165] {strides = array<i32>} : memref<2x256x64xf32, #tpu.memory_space<vmem>>, vector<16xf32>,
        %scatter3A = arith.constant 0 : i32
        %scatter3A_1167 = arith.constant 0 : i32
        %scatter3A_1168 = arith.constant 0 : i32
        %scatter3A_1169 = arith.constant 0 : i32
        %scatter3A_1170 = tpu.memref_slice %arg7[%scatter3A, %scatter3A_1167, %scatter3A_1168, %scatter3A_1169] : memref<2x8x16x129xf32, #tpu.memory_space<vmem>> -> memref<1x8x16x129xf32, #tpu.memory_space<vmem>>
        %scatter3A_1171 = tpu.memref_squeeze %scatter3A_1170 : memref<1x8x16x129xf32, #tpu.memory_space<vmem>> -> memref<8x16x129xf32, #tpu.memory_space<vmem>>
        tpu.vector_store_idx %scatter3A_1171[%add3A_30, %add3A_1154, %add3A_1162], %get3A_1166 : memref<8x16x129xf32, #tpu.memory_space<vmem>>[vector<16xi32>, vector<16xi32>, vector<16xi32>], vector<16xf32>,
        %get3A_1172 = arith.constant 0 : i32
        %get3A_1173 = arith.index_cast %get3A_1172 : i32 to index
        %get3A_1174 = arith.index_cast %add3A_1159 : i32 to index
        %get3A_1175 = arith.constant 16 : index
        %get3A_1176 = tpu.vector_load %arg6[%get3A_1173, %get3A_1174, %get3A_1175] {strides = array<i32>} : memref<2x256x64xf32, #tpu.memory_space<vmem>>, vector<16xf32>,
        %scatter3A_1177 = arith.constant 0 : i32
        %scatter3A_1178 = arith.constant 0 : i32
        %scatter3A_1179 = arith.constant 0 : i32
        %scatter3A_1180 = arith.constant 0 : i32
        %scatter3A_1181 = tpu.memref_slice %arg7[%scatter3A_1177, %scatter3A_1178, %scatter3A_1179, %scatter3A_1180] : memref<2x8x16x129xf32, #tpu.memory_space<vmem>> -> memref<1x8x16x129xf32, #tpu.memory_space<vmem>>
        %scatter3A_1182 = tpu.memref_squeeze %scatter3A_1181 : memref<1x8x16x129xf32, #tpu.memory_space<vmem>> -> memref<8x16x129xf32, #tpu.memory_space<vmem>>
        tpu.vector_store_idx %scatter3A_1182[%add3A_64, %add3A_1154, %add3A_1162], %get3A_1176 : memref<8x16x129xf32, #tpu.memory_space<vmem>>[vector<16xi32>, vector<16xi32>, vector<16xi32>], vector<16xf32>,
        %get3A_1183 = arith.constant 0 : i32
        %get3A_1184 = arith.index_cast %get3A_1183 : i32 to index
        %get3A_1185 = arith.index_cast %add3A_1159 : i32 to index
        %get3A_1186 = arith.constant 32 : index
        %get3A_1187 = tpu.vector_load %arg6[%get3A_1184, %get3A_1185, %get3A_1186] {strides = array<i32>} : memref<2x256x64xf32, #tpu.memory_space<vmem>>, vector<16xf32>,
        %scatter3A_1188 = arith.constant 0 : i32
        %scatter3A_1189 = arith.constant 0 : i32
        %scatter3A_1190 = arith.constant 0 : i32
        %scatter3A_1191 = arith.constant 0 : i32
        %scatter3A_1192 = tpu.memref_slice %arg7[%scatter3A_1188, %scatter3A_1189, %scatter3A_1190, %scatter3A_1191] : memref<2x8x16x129xf32, #tpu.memory_space<vmem>> -> memref<1x8x16x129xf32, #tpu.memory_space<vmem>>
        %scatter3A_1193 = tpu.memref_squeeze %scatter3A_1192 : memref<1x8x16x129xf32, #tpu.memory_space<vmem>> -> memref<8x16x129xf32, #tpu.memory_space<vmem>>
        tpu.vector_store_idx %scatter3A_1193[%add3A_98, %add3A_1154, %add3A_1162], %get3A_1187 : memref<8x16x129xf32, #tpu.memory_space<vmem>>[vector<16xi32>, vector<16xi32>, vector<16xi32>], vector<16xf32>,
        %get3A_1194 = arith.constant 0 : i32
        %get3A_1195 = arith.index_cast %get3A_1194 : i32 to index
        %get3A_1196 = arith.index_cast %add3A_1159 : i32 to index
        %get3A_1197 = arith.constant 48 : index
        %get3A_1198 = tpu.vector_load %arg6[%get3A_1195, %get3A_1196, %get3A_1197] {strides = array<i32>} : memref<2x256x64xf32, #tpu.memory_space<vmem>>, vector<16xf32>,
        %scatter3A_1199 = arith.constant 0 : i32
        %scatter3A_1200 = arith.constant 0 : i32
        %scatter3A_1201 = arith.constant 0 : i32
        %scatter3A_1202 = arith.constant 0 : i32
        %scatter3A_1203 = tpu.memref_slice %arg7[%scatter3A_1199, %scatter3A_1200, %scatter3A_1201, %scatter3A_1202] : memref<2x8x16x129xf32, #tpu.memory_space<vmem>> -> memref<1x8x16x129xf32, #tpu.memory_space<vmem>>
        %scatter3A_1204 = tpu.memref_squeeze %scatter3A_1203 : memref<1x8x16x129xf32, #tpu.memory_space<vmem>> -> memref<8x16x129xf32, #tpu.memory_space<vmem>>
        tpu.vector_store_idx %scatter3A_1204[%add3A_132, %add3A_1154, %add3A_1162], %get3A_1198 : memref<8x16x129xf32, #tpu.memory_space<vmem>>[vector<16xi32>, vector<16xi32>, vector<16xi32>], vector<16xf32>,
        %add3A_1205 = arith.constant 1 : i32
        %add3A_1206 = arith.addi %mul3A_1150, %add3A_1205 : i32
        %mul3A_1207 = arith.constant 128 : i32
        %mul3A_1208 = arith.muli %select_n3A_1132, %mul3A_1207 : i32
        %add3A_1209 = arith.addi %mul3A_1208, %add3A_1206 : i32
        %broadcast_in_dim3A_1210 = arith.constant 0 : i32
        %broadcast_in_dim3A_1211 = vector.broadcast %broadcast_in_dim3A_1210 : i32 to vector<16xi32>
        %add3A_1212 = vector.broadcast %add3A_1206 : i32 to vector<16xi32>
        %add3A_1213 = arith.addi %broadcast_in_dim3A_1211, %add3A_1212 : vector<16xi32>
        %get3A_1214 = arith.constant 0 : i32
        %get3A_1215 = arith.index_cast %get3A_1214 : i32 to index
        %get3A_1216 = arith.index_cast %add3A_1209 : i32 to index
        %get3A_1217 = arith.constant 0 : index
        %get3A_1218 = tpu.vector_load %arg6[%get3A_1215, %get3A_1216, %get3A_1217] {strides = array<i32>} : memref<2x256x64xf32, #tpu.memory_space<vmem>>, vector<16xf32>,
        %scatter3A_1219 = arith.constant 0 : i32
        %scatter3A_1220 = arith.constant 0 : i32
        %scatter3A_1221 = arith.constant 0 : i32
        %scatter3A_1222 = arith.constant 0 : i32
        %scatter3A_1223 = tpu.memref_slice %arg7[%scatter3A_1219, %scatter3A_1220, %scatter3A_1221, %scatter3A_1222] : memref<2x8x16x129xf32, #tpu.memory_space<vmem>> -> memref<1x8x16x129xf32, #tpu.memory_space<vmem>>
        %scatter3A_1224 = tpu.memref_squeeze %scatter3A_1223 : memref<1x8x16x129xf32, #tpu.memory_space<vmem>> -> memref<8x16x129xf32, #tpu.memory_space<vmem>>
        tpu.vector_store_idx %scatter3A_1224[%add3A_30, %add3A_1154, %add3A_1213], %get3A_1218 : memref<8x16x129xf32, #tpu.memory_space<vmem>>[vector<16xi32>, vector<16xi32>, vector<16xi32>], vector<16xf32>,
        %get3A_1225 = arith.constant 0 : i32
        %get3A_1226 = arith.index_cast %get3A_1225 : i32 to index
        %get3A_1227 = arith.index_cast %add3A_1209 : i32 to index
        %get3A_1228 = arith.constant 16 : index
        %get3A_1229 = tpu.vector_load %arg6[%get3A_1226, %get3A_1227, %get3A_1228] {strides = array<i32>} : memref<2x256x64xf32, #tpu.memory_space<vmem>>, vector<16xf32>,
        %scatter3A_1230 = arith.constant 0 : i32
        %scatter3A_1231 = arith.constant 0 : i32
        %scatter3A_1232 = arith.constant 0 : i32
        %scatter3A_1233 = arith.constant 0 : i32
        %scatter3A_1234 = tpu.memref_slice %arg7[%scatter3A_1230, %scatter3A_1231, %scatter3A_1232, %scatter3A_1233] : memref<2x8x16x129xf32, #tpu.memory_space<vmem>> -> memref<1x8x16x129xf32, #tpu.memory_space<vmem>>
        %scatter3A_1235 = tpu.memref_squeeze %scatter3A_1234 : memref<1x8x16x129xf32, #tpu.memory_space<vmem>> -> memref<8x16x129xf32, #tpu.memory_space<vmem>>
        tpu.vector_store_idx %scatter3A_1235[%add3A_64, %add3A_1154, %add3A_1213], %get3A_1229 : memref<8x16x129xf32, #tpu.memory_space<vmem>>[vector<16xi32>, vector<16xi32>, vector<16xi32>], vector<16xf32>,
        %get3A_1236 = arith.constant 0 : i32
        %get3A_1237 = arith.index_cast %get3A_1236 : i32 to index
        %get3A_1238 = arith.index_cast %add3A_1209 : i32 to index
        %get3A_1239 = arith.constant 32 : index
        %get3A_1240 = tpu.vector_load %arg6[%get3A_1237, %get3A_1238, %get3A_1239] {strides = array<i32>} : memref<2x256x64xf32, #tpu.memory_space<vmem>>, vector<16xf32>,
        %scatter3A_1241 = arith.constant 0 : i32
        %scatter3A_1242 = arith.constant 0 : i32
        %scatter3A_1243 = arith.constant 0 : i32
        %scatter3A_1244 = arith.constant 0 : i32
        %scatter3A_1245 = tpu.memref_slice %arg7[%scatter3A_1241, %scatter3A_1242, %scatter3A_1243, %scatter3A_1244] : memref<2x8x16x129xf32, #tpu.memory_space<vmem>> -> memref<1x8x16x129xf32, #tpu.memory_space<vmem>>
        %scatter3A_1246 = tpu.memref_squeeze %scatter3A_1245 : memref<1x8x16x129xf32, #tpu.memory_space<vmem>> -> memref<8x16x129xf32, #tpu.memory_space<vmem>>
        tpu.vector_store_idx %scatter3A_1246[%add3A_98, %add3A_1154, %add3A_1213], %get3A_1240 : memref<8x16x129xf32, #tpu.memory_space<vmem>>[vector<16xi32>, vector<16xi32>, vector<16xi32>], vector<16xf32>,
        %get3A_1247 = arith.constant 0 : i32
        %get3A_1248 = arith.index_cast %get3A_1247 : i32 to index
        %get3A_1249 = arith.index_cast %add3A_1209 : i32 to index
        %get3A_1250 = arith.constant 48 : index
        %get3A_1251 = tpu.vector_load %arg6[%get3A_1248, %get3A_1249, %get3A_1250] {strides = array<i32>} : memref<2x256x64xf32, #tpu.memory_space<vmem>>, vector<16xf32>,
        %scatter3A_1252 = arith.constant 0 : i32
        %scatter3A_1253 = arith.constant 0 : i32
        %scatter3A_1254 = arith.constant 0 : i32
        %scatter3A_1255 = arith.constant 0 : i32
        %scatter3A_1256 = tpu.memref_slice %arg7[%scatter3A_1252, %scatter3A_1253, %scatter3A_1254, %scatter3A_1255] : memref<2x8x16x129xf32, #tpu.memory_space<vmem>> -> memref<1x8x16x129xf32, #tpu.memory_space<vmem>>
        %scatter3A_1257 = tpu.memref_squeeze %scatter3A_1256 : memref<1x8x16x129xf32, #tpu.memory_space<vmem>> -> memref<8x16x129xf32, #tpu.memory_space<vmem>>
        tpu.vector_store_idx %scatter3A_1257[%add3A_132, %add3A_1154, %add3A_1213], %get3A_1251 : memref<8x16x129xf32, #tpu.memory_space<vmem>>[vector<16xi32>, vector<16xi32>, vector<16xi32>], vector<16xf32>,
        %add3A_1258 = arith.constant 2 : i32
        %add3A_1259 = arith.addi %mul3A_1150, %add3A_1258 : i32
        %mul3A_1260 = arith.constant 128 : i32
        %mul3A_1261 = arith.muli %select_n3A_1132, %mul3A_1260 : i32
        %add3A_1262 = arith.addi %mul3A_1261, %add3A_1259 : i32
        %broadcast_in_dim3A_1263 = arith.constant 0 : i32
        %broadcast_in_dim3A_1264 = vector.broadcast %broadcast_in_dim3A_1263 : i32 to vector<16xi32>
        %add3A_1265 = vector.broadcast %add3A_1259 : i32 to vector<16xi32>
        %add3A_1266 = arith.addi %broadcast_in_dim3A_1264, %add3A_1265 : vector<16xi32>
        %get3A_1267 = arith.constant 0 : i32
        %get3A_1268 = arith.index_cast %get3A_1267 : i32 to index
        %get3A_1269 = arith.index_cast %add3A_1262 : i32 to index
        %get3A_1270 = arith.constant 0 : index
        %get3A_1271 = tpu.vector_load %arg6[%get3A_1268, %get3A_1269, %get3A_1270] {strides = array<i32>} : memref<2x256x64xf32, #tpu.memory_space<vmem>>, vector<16xf32>,
        %scatter3A_1272 = arith.constant 0 : i32
        %scatter3A_1273 = arith.constant 0 : i32
        %scatter3A_1274 = arith.constant 0 : i32
        %scatter3A_1275 = arith.constant 0 : i32
        %scatter3A_1276 = tpu.memref_slice %arg7[%scatter3A_1272, %scatter3A_1273, %scatter3A_1274, %scatter3A_1275] : memref<2x8x16x129xf32, #tpu.memory_space<vmem>> -> memref<1x8x16x129xf32, #tpu.memory_space<vmem>>
        %scatter3A_1277 = tpu.memref_squeeze %scatter3A_1276 : memref<1x8x16x129xf32, #tpu.memory_space<vmem>> -> memref<8x16x129xf32, #tpu.memory_space<vmem>>
        tpu.vector_store_idx %scatter3A_1277[%add3A_30, %add3A_1154, %add3A_1266], %get3A_1271 : memref<8x16x129xf32, #tpu.memory_space<vmem>>[vector<16xi32>, vector<16xi32>, vector<16xi32>], vector<16xf32>,
        %get3A_1278 = arith.constant 0 : i32
        %get3A_1279 = arith.index_cast %get3A_1278 : i32 to index
        %get3A_1280 = arith.index_cast %add3A_1262 : i32 to index
        %get3A_1281 = arith.constant 16 : index
        %get3A_1282 = tpu.vector_load %arg6[%get3A_1279, %get3A_1280, %get3A_1281] {strides = array<i32>} : memref<2x256x64xf32, #tpu.memory_space<vmem>>, vector<16xf32>,
        %scatter3A_1283 = arith.constant 0 : i32
        %scatter3A_1284 = arith.constant 0 : i32
        %scatter3A_1285 = arith.constant 0 : i32
        %scatter3A_1286 = arith.constant 0 : i32
        %scatter3A_1287 = tpu.memref_slice %arg7[%scatter3A_1283, %scatter3A_1284, %scatter3A_1285, %scatter3A_1286] : memref<2x8x16x129xf32, #tpu.memory_space<vmem>> -> memref<1x8x16x129xf32, #tpu.memory_space<vmem>>
        %scatter3A_1288 = tpu.memref_squeeze %scatter3A_1287 : memref<1x8x16x129xf32, #tpu.memory_space<vmem>> -> memref<8x16x129xf32, #tpu.memory_space<vmem>>
        tpu.vector_store_idx %scatter3A_1288[%add3A_64, %add3A_1154, %add3A_1266], %get3A_1282 : memref<8x16x129xf32, #tpu.memory_space<vmem>>[vector<16xi32>, vector<16xi32>, vector<16xi32>], vector<16xf32>,
        %get3A_1289 = arith.constant 0 : i32
        %get3A_1290 = arith.index_cast %get3A_1289 : i32 to index
        %get3A_1291 = arith.index_cast %add3A_1262 : i32 to index
        %get3A_1292 = arith.constant 32 : index
        %get3A_1293 = tpu.vector_load %arg6[%get3A_1290, %get3A_1291, %get3A_1292] {strides = array<i32>} : memref<2x256x64xf32, #tpu.memory_space<vmem>>, vector<16xf32>,
        %scatter3A_1294 = arith.constant 0 : i32
        %scatter3A_1295 = arith.constant 0 : i32
        %scatter3A_1296 = arith.constant 0 : i32
        %scatter3A_1297 = arith.constant 0 : i32
        %scatter3A_1298 = tpu.memref_slice %arg7[%scatter3A_1294, %scatter3A_1295, %scatter3A_1296, %scatter3A_1297] : memref<2x8x16x129xf32, #tpu.memory_space<vmem>> -> memref<1x8x16x129xf32, #tpu.memory_space<vmem>>
        %scatter3A_1299 = tpu.memref_squeeze %scatter3A_1298 : memref<1x8x16x129xf32, #tpu.memory_space<vmem>> -> memref<8x16x129xf32, #tpu.memory_space<vmem>>
        tpu.vector_store_idx %scatter3A_1299[%add3A_98, %add3A_1154, %add3A_1266], %get3A_1293 : memref<8x16x129xf32, #tpu.memory_space<vmem>>[vector<16xi32>, vector<16xi32>, vector<16xi32>], vector<16xf32>,
        %get3A_1300 = arith.constant 0 : i32
        %get3A_1301 = arith.index_cast %get3A_1300 : i32 to index
        %get3A_1302 = arith.index_cast %add3A_1262 : i32 to index
        %get3A_1303 = arith.constant 48 : index
        %get3A_1304 = tpu.vector_load %arg6[%get3A_1301, %get3A_1302, %get3A_1303] {strides = array<i32>} : memref<2x256x64xf32, #tpu.memory_space<vmem>>, vector<16xf32>,
        %scatter3A_1305 = arith.constant 0 : i32
        %scatter3A_1306 = arith.constant 0 : i32
        %scatter3A_1307 = arith.constant 0 : i32
        %scatter3A_1308 = arith.constant 0 : i32
        %scatter3A_1309 = tpu.memref_slice %arg7[%scatter3A_1305, %scatter3A_1306, %scatter3A_1307, %scatter3A_1308] : memref<2x8x16x129xf32, #tpu.memory_space<vmem>> -> memref<1x8x16x129xf32, #tpu.memory_space<vmem>>
        %scatter3A_1310 = tpu.memref_squeeze %scatter3A_1309 : memref<1x8x16x129xf32, #tpu.memory_space<vmem>> -> memref<8x16x129xf32, #tpu.memory_space<vmem>>
        tpu.vector_store_idx %scatter3A_1310[%add3A_132, %add3A_1154, %add3A_1266], %get3A_1304 : memref<8x16x129xf32, #tpu.memory_space<vmem>>[vector<16xi32>, vector<16xi32>, vector<16xi32>], vector<16xf32>,
        %add3A_1311 = arith.constant 3 : i32
        %add3A_1312 = arith.addi %mul3A_1150, %add3A_1311 : i32
        %mul3A_1313 = arith.constant 128 : i32
        %mul3A_1314 = arith.muli %select_n3A_1132, %mul3A_1313 : i32
        %add3A_1315 = arith.addi %mul3A_1314, %add3A_1312 : i32
        %broadcast_in_dim3A_1316 = arith.constant 0 : i32
        %broadcast_in_dim3A_1317 = vector.broadcast %broadcast_in_dim3A_1316 : i32 to vector<16xi32>
        %add3A_1318 = vector.broadcast %add3A_1312 : i32 to vector<16xi32>
        %add3A_1319 = arith.addi %broadcast_in_dim3A_1317, %add3A_1318 : vector<16xi32>
        %get3A_1320 = arith.constant 0 : i32
        %get3A_1321 = arith.index_cast %get3A_1320 : i32 to index
        %get3A_1322 = arith.index_cast %add3A_1315 : i32 to index
        %get3A_1323 = arith.constant 0 : index
        %get3A_1324 = tpu.vector_load %arg6[%get3A_1321, %get3A_1322, %get3A_1323] {strides = array<i32>} : memref<2x256x64xf32, #tpu.memory_space<vmem>>, vector<16xf32>,
        %scatter3A_1325 = arith.constant 0 : i32
        %scatter3A_1326 = arith.constant 0 : i32
        %scatter3A_1327 = arith.constant 0 : i32
        %scatter3A_1328 = arith.constant 0 : i32
        %scatter3A_1329 = tpu.memref_slice %arg7[%scatter3A_1325, %scatter3A_1326, %scatter3A_1327, %scatter3A_1328] : memref<2x8x16x129xf32, #tpu.memory_space<vmem>> -> memref<1x8x16x129xf32, #tpu.memory_space<vmem>>
        %scatter3A_1330 = tpu.memref_squeeze %scatter3A_1329 : memref<1x8x16x129xf32, #tpu.memory_space<vmem>> -> memref<8x16x129xf32, #tpu.memory_space<vmem>>
        tpu.vector_store_idx %scatter3A_1330[%add3A_30, %add3A_1154, %add3A_1319], %get3A_1324 : memref<8x16x129xf32, #tpu.memory_space<vmem>>[vector<16xi32>, vector<16xi32>, vector<16xi32>], vector<16xf32>,
        %get3A_1331 = arith.constant 0 : i32
        %get3A_1332 = arith.index_cast %get3A_1331 : i32 to index
        %get3A_1333 = arith.index_cast %add3A_1315 : i32 to index
        %get3A_1334 = arith.constant 16 : index
        %get3A_1335 = tpu.vector_load %arg6[%get3A_1332, %get3A_1333, %get3A_1334] {strides = array<i32>} : memref<2x256x64xf32, #tpu.memory_space<vmem>>, vector<16xf32>,
        %scatter3A_1336 = arith.constant 0 : i32
        %scatter3A_1337 = arith.constant 0 : i32
        %scatter3A_1338 = arith.constant 0 : i32
        %scatter3A_1339 = arith.constant 0 : i32
        %scatter3A_1340 = tpu.memref_slice %arg7[%scatter3A_1336, %scatter3A_1337, %scatter3A_1338, %scatter3A_1339] : memref<2x8x16x129xf32, #tpu.memory_space<vmem>> -> memref<1x8x16x129xf32, #tpu.memory_space<vmem>>
        %scatter3A_1341 = tpu.memref_squeeze %scatter3A_1340 : memref<1x8x16x129xf32, #tpu.memory_space<vmem>> -> memref<8x16x129xf32, #tpu.memory_space<vmem>>
        tpu.vector_store_idx %scatter3A_1341[%add3A_64, %add3A_1154, %add3A_1319], %get3A_1335 : memref<8x16x129xf32, #tpu.memory_space<vmem>>[vector<16xi32>, vector<16xi32>, vector<16xi32>], vector<16xf32>,
        %get3A_1342 = arith.constant 0 : i32
        %get3A_1343 = arith.index_cast %get3A_1342 : i32 to index
        %get3A_1344 = arith.index_cast %add3A_1315 : i32 to index
        %get3A_1345 = arith.constant 32 : index
        %get3A_1346 = tpu.vector_load %arg6[%get3A_1343, %get3A_1344, %get3A_1345] {strides = array<i32>} : memref<2x256x64xf32, #tpu.memory_space<vmem>>, vector<16xf32>,
        %scatter3A_1347 = arith.constant 0 : i32
        %scatter3A_1348 = arith.constant 0 : i32
        %scatter3A_1349 = arith.constant 0 : i32
        %scatter3A_1350 = arith.constant 0 : i32
        %scatter3A_1351 = tpu.memref_slice %arg7[%scatter3A_1347, %scatter3A_1348, %scatter3A_1349, %scatter3A_1350] : memref<2x8x16x129xf32, #tpu.memory_space<vmem>> -> memref<1x8x16x129xf32, #tpu.memory_space<vmem>>
        %scatter3A_1352 = tpu.memref_squeeze %scatter3A_1351 : memref<1x8x16x129xf32, #tpu.memory_space<vmem>> -> memref<8x16x129xf32, #tpu.memory_space<vmem>>
        tpu.vector_store_idx %scatter3A_1352[%add3A_98, %add3A_1154, %add3A_1319], %get3A_1346 : memref<8x16x129xf32, #tpu.memory_space<vmem>>[vector<16xi32>, vector<16xi32>, vector<16xi32>], vector<16xf32>,
        %get3A_1353 = arith.constant 0 : i32
        %get3A_1354 = arith.index_cast %get3A_1353 : i32 to index
        %get3A_1355 = arith.index_cast %add3A_1315 : i32 to index
        %get3A_1356 = arith.constant 48 : index
        %get3A_1357 = tpu.vector_load %arg6[%get3A_1354, %get3A_1355, %get3A_1356] {strides = array<i32>} : memref<2x256x64xf32, #tpu.memory_space<vmem>>, vector<16xf32>,
        %scatter3A_1358 = arith.constant 0 : i32
        %scatter3A_1359 = arith.constant 0 : i32
        %scatter3A_1360 = arith.constant 0 : i32
        %scatter3A_1361 = arith.constant 0 : i32
        %scatter3A_1362 = tpu.memref_slice %arg7[%scatter3A_1358, %scatter3A_1359, %scatter3A_1360, %scatter3A_1361] : memref<2x8x16x129xf32, #tpu.memory_space<vmem>> -> memref<1x8x16x129xf32, #tpu.memory_space<vmem>>
        %scatter3A_1363 = tpu.memref_squeeze %scatter3A_1362 : memref<1x8x16x129xf32, #tpu.memory_space<vmem>> -> memref<8x16x129xf32, #tpu.memory_space<vmem>>
        tpu.vector_store_idx %scatter3A_1363[%add3A_132, %add3A_1154, %add3A_1319], %get3A_1357 : memref<8x16x129xf32, #tpu.memory_space<vmem>>[vector<16xi32>, vector<16xi32>, vector<16xi32>], vector<16xf32>,
        %add3A_1364 = arith.constant 4 : i32
        %add3A_1365 = arith.addi %mul3A_1150, %add3A_1364 : i32
        %mul3A_1366 = arith.constant 128 : i32
        %mul3A_1367 = arith.muli %select_n3A_1132, %mul3A_1366 : i32
        %add3A_1368 = arith.addi %mul3A_1367, %add3A_1365 : i32
        %broadcast_in_dim3A_1369 = arith.constant 0 : i32
        %broadcast_in_dim3A_1370 = vector.broadcast %broadcast_in_dim3A_1369 : i32 to vector<16xi32>
        %add3A_1371 = vector.broadcast %add3A_1365 : i32 to vector<16xi32>
        %add3A_1372 = arith.addi %broadcast_in_dim3A_1370, %add3A_1371 : vector<16xi32>
        %get3A_1373 = arith.constant 0 : i32
        %get3A_1374 = arith.index_cast %get3A_1373 : i32 to index
        %get3A_1375 = arith.index_cast %add3A_1368 : i32 to index
        %get3A_1376 = arith.constant 0 : index
        %get3A_1377 = tpu.vector_load %arg6[%get3A_1374, %get3A_1375, %get3A_1376] {strides = array<i32>} : memref<2x256x64xf32, #tpu.memory_space<vmem>>, vector<16xf32>,
        %scatter3A_1378 = arith.constant 0 : i32
        %scatter3A_1379 = arith.constant 0 : i32
        %scatter3A_1380 = arith.constant 0 : i32
        %scatter3A_1381 = arith.constant 0 : i32
        %scatter3A_1382 = tpu.memref_slice %arg7[%scatter3A_1378, %scatter3A_1379, %scatter3A_1380, %scatter3A_1381] : memref<2x8x16x129xf32, #tpu.memory_space<vmem>> -> memref<1x8x16x129xf32, #tpu.memory_space<vmem>>
        %scatter3A_1383 = tpu.memref_squeeze %scatter3A_1382 : memref<1x8x16x129xf32, #tpu.memory_space<vmem>> -> memref<8x16x129xf32, #tpu.memory_space<vmem>>
        tpu.vector_store_idx %scatter3A_1383[%add3A_30, %add3A_1154, %add3A_1372], %get3A_1377 : memref<8x16x129xf32, #tpu.memory_space<vmem>>[vector<16xi32>, vector<16xi32>, vector<16xi32>], vector<16xf32>,
        %get3A_1384 = arith.constant 0 : i32
        %get3A_1385 = arith.index_cast %get3A_1384 : i32 to index
        %get3A_1386 = arith.index_cast %add3A_1368 : i32 to index
        %get3A_1387 = arith.constant 16 : index
        %get3A_1388 = tpu.vector_load %arg6[%get3A_1385, %get3A_1386, %get3A_1387] {strides = array<i32>} : memref<2x256x64xf32, #tpu.memory_space<vmem>>, vector<16xf32>,
        %scatter3A_1389 = arith.constant 0 : i32
        %scatter3A_1390 = arith.constant 0 : i32
        %scatter3A_1391 = arith.constant 0 : i32
        %scatter3A_1392 = arith.constant 0 : i32
        %scatter3A_1393 = tpu.memref_slice %arg7[%scatter3A_1389, %scatter3A_1390, %scatter3A_1391, %scatter3A_1392] : memref<2x8x16x129xf32, #tpu.memory_space<vmem>> -> memref<1x8x16x129xf32, #tpu.memory_space<vmem>>
        %scatter3A_1394 = tpu.memref_squeeze %scatter3A_1393 : memref<1x8x16x129xf32, #tpu.memory_space<vmem>> -> memref<8x16x129xf32, #tpu.memory_space<vmem>>
        tpu.vector_store_idx %scatter3A_1394[%add3A_64, %add3A_1154, %add3A_1372], %get3A_1388 : memref<8x16x129xf32, #tpu.memory_space<vmem>>[vector<16xi32>, vector<16xi32>, vector<16xi32>], vector<16xf32>,
        %get3A_1395 = arith.constant 0 : i32
        %get3A_1396 = arith.index_cast %get3A_1395 : i32 to index
        %get3A_1397 = arith.index_cast %add3A_1368 : i32 to index
        %get3A_1398 = arith.constant 32 : index
        %get3A_1399 = tpu.vector_load %arg6[%get3A_1396, %get3A_1397, %get3A_1398] {strides = array<i32>} : memref<2x256x64xf32, #tpu.memory_space<vmem>>, vector<16xf32>,
        %scatter3A_1400 = arith.constant 0 : i32
        %scatter3A_1401 = arith.constant 0 : i32
        %scatter3A_1402 = arith.constant 0 : i32
        %scatter3A_1403 = arith.constant 0 : i32
        %scatter3A_1404 = tpu.memref_slice %arg7[%scatter3A_1400, %scatter3A_1401, %scatter3A_1402, %scatter3A_1403] : memref<2x8x16x129xf32, #tpu.memory_space<vmem>> -> memref<1x8x16x129xf32, #tpu.memory_space<vmem>>
        %scatter3A_1405 = tpu.memref_squeeze %scatter3A_1404 : memref<1x8x16x129xf32, #tpu.memory_space<vmem>> -> memref<8x16x129xf32, #tpu.memory_space<vmem>>
        tpu.vector_store_idx %scatter3A_1405[%add3A_98, %add3A_1154, %add3A_1372], %get3A_1399 : memref<8x16x129xf32, #tpu.memory_space<vmem>>[vector<16xi32>, vector<16xi32>, vector<16xi32>], vector<16xf32>,
        %get3A_1406 = arith.constant 0 : i32
        %get3A_1407 = arith.index_cast %get3A_1406 : i32 to index
        %get3A_1408 = arith.index_cast %add3A_1368 : i32 to index
        %get3A_1409 = arith.constant 48 : index
        %get3A_1410 = tpu.vector_load %arg6[%get3A_1407, %get3A_1408, %get3A_1409] {strides = array<i32>} : memref<2x256x64xf32, #tpu.memory_space<vmem>>, vector<16xf32>,
        %scatter3A_1411 = arith.constant 0 : i32
        %scatter3A_1412 = arith.constant 0 : i32
        %scatter3A_1413 = arith.constant 0 : i32
        %scatter3A_1414 = arith.constant 0 : i32
        %scatter3A_1415 = tpu.memref_slice %arg7[%scatter3A_1411, %scatter3A_1412, %scatter3A_1413, %scatter3A_1414] : memref<2x8x16x129xf32, #tpu.memory_space<vmem>> -> memref<1x8x16x129xf32, #tpu.memory_space<vmem>>
        %scatter3A_1416 = tpu.memref_squeeze %scatter3A_1415 : memref<1x8x16x129xf32, #tpu.memory_space<vmem>> -> memref<8x16x129xf32, #tpu.memory_space<vmem>>
        tpu.vector_store_idx %scatter3A_1416[%add3A_132, %add3A_1154, %add3A_1372], %get3A_1410 : memref<8x16x129xf32, #tpu.memory_space<vmem>>[vector<16xi32>, vector<16xi32>, vector<16xi32>], vector<16xf32>,
        %add3A_1417 = arith.constant 5 : i32
        %add3A_1418 = arith.addi %mul3A_1150, %add3A_1417 : i32
        %mul3A_1419 = arith.constant 128 : i32
        %mul3A_1420 = arith.muli %select_n3A_1132, %mul3A_1419 : i32
        %add3A_1421 = arith.addi %mul3A_1420, %add3A_1418 : i32
        %broadcast_in_dim3A_1422 = arith.constant 0 : i32
        %broadcast_in_dim3A_1423 = vector.broadcast %broadcast_in_dim3A_1422 : i32 to vector<16xi32>
        %add3A_1424 = vector.broadcast %add3A_1418 : i32 to vector<16xi32>
        %add3A_1425 = arith.addi %broadcast_in_dim3A_1423, %add3A_1424 : vector<16xi32>
        %get3A_1426 = arith.constant 0 : i32
        %get3A_1427 = arith.index_cast %get3A_1426 : i32 to index
        %get3A_1428 = arith.index_cast %add3A_1421 : i32 to index
        %get3A_1429 = arith.constant 0 : index
        %get3A_1430 = tpu.vector_load %arg6[%get3A_1427, %get3A_1428, %get3A_1429] {strides = array<i32>} : memref<2x256x64xf32, #tpu.memory_space<vmem>>, vector<16xf32>,
        %scatter3A_1431 = arith.constant 0 : i32
        %scatter3A_1432 = arith.constant 0 : i32
        %scatter3A_1433 = arith.constant 0 : i32
        %scatter3A_1434 = arith.constant 0 : i32
        %scatter3A_1435 = tpu.memref_slice %arg7[%scatter3A_1431, %scatter3A_1432, %scatter3A_1433, %scatter3A_1434] : memref<2x8x16x129xf32, #tpu.memory_space<vmem>> -> memref<1x8x16x129xf32, #tpu.memory_space<vmem>>
        %scatter3A_1436 = tpu.memref_squeeze %scatter3A_1435 : memref<1x8x16x129xf32, #tpu.memory_space<vmem>> -> memref<8x16x129xf32, #tpu.memory_space<vmem>>
        tpu.vector_store_idx %scatter3A_1436[%add3A_30, %add3A_1154, %add3A_1425], %get3A_1430 : memref<8x16x129xf32, #tpu.memory_space<vmem>>[vector<16xi32>, vector<16xi32>, vector<16xi32>], vector<16xf32>,
        %get3A_1437 = arith.constant 0 : i32
        %get3A_1438 = arith.index_cast %get3A_1437 : i32 to index
        %get3A_1439 = arith.index_cast %add3A_1421 : i32 to index
        %get3A_1440 = arith.constant 16 : index
        %get3A_1441 = tpu.vector_load %arg6[%get3A_1438, %get3A_1439, %get3A_1440] {strides = array<i32>} : memref<2x256x64xf32, #tpu.memory_space<vmem>>, vector<16xf32>,
        %scatter3A_1442 = arith.constant 0 : i32
        %scatter3A_1443 = arith.constant 0 : i32
        %scatter3A_1444 = arith.constant 0 : i32
        %scatter3A_1445 = arith.constant 0 : i32
        %scatter3A_1446 = tpu.memref_slice %arg7[%scatter3A_1442, %scatter3A_1443, %scatter3A_1444, %scatter3A_1445] : memref<2x8x16x129xf32, #tpu.memory_space<vmem>> -> memref<1x8x16x129xf32, #tpu.memory_space<vmem>>
        %scatter3A_1447 = tpu.memref_squeeze %scatter3A_1446 : memref<1x8x16x129xf32, #tpu.memory_space<vmem>> -> memref<8x16x129xf32, #tpu.memory_space<vmem>>
        tpu.vector_store_idx %scatter3A_1447[%add3A_64, %add3A_1154, %add3A_1425], %get3A_1441 : memref<8x16x129xf32, #tpu.memory_space<vmem>>[vector<16xi32>, vector<16xi32>, vector<16xi32>], vector<16xf32>,
        %get3A_1448 = arith.constant 0 : i32
        %get3A_1449 = arith.index_cast %get3A_1448 : i32 to index
        %get3A_1450 = arith.index_cast %add3A_1421 : i32 to index
        %get3A_1451 = arith.constant 32 : index
        %get3A_1452 = tpu.vector_load %arg6[%get3A_1449, %get3A_1450, %get3A_1451] {strides = array<i32>} : memref<2x256x64xf32, #tpu.memory_space<vmem>>, vector<16xf32>,
        %scatter3A_1453 = arith.constant 0 : i32
        %scatter3A_1454 = arith.constant 0 : i32
        %scatter3A_1455 = arith.constant 0 : i32
        %scatter3A_1456 = arith.constant 0 : i32
        %scatter3A_1457 = tpu.memref_slice %arg7[%scatter3A_1453, %scatter3A_1454, %scatter3A_1455, %scatter3A_1456] : memref<2x8x16x129xf32, #tpu.memory_space<vmem>> -> memref<1x8x16x129xf32, #tpu.memory_space<vmem>>
        %scatter3A_1458 = tpu.memref_squeeze %scatter3A_1457 : memref<1x8x16x129xf32, #tpu.memory_space<vmem>> -> memref<8x16x129xf32, #tpu.memory_space<vmem>>
        tpu.vector_store_idx %scatter3A_1458[%add3A_98, %add3A_1154, %add3A_1425], %get3A_1452 : memref<8x16x129xf32, #tpu.memory_space<vmem>>[vector<16xi32>, vector<16xi32>, vector<16xi32>], vector<16xf32>,
        %get3A_1459 = arith.constant 0 : i32
        %get3A_1460 = arith.index_cast %get3A_1459 : i32 to index
        %get3A_1461 = arith.index_cast %add3A_1421 : i32 to index
        %get3A_1462 = arith.constant 48 : index
        %get3A_1463 = tpu.vector_load %arg6[%get3A_1460, %get3A_1461, %get3A_1462] {strides = array<i32>} : memref<2x256x64xf32, #tpu.memory_space<vmem>>, vector<16xf32>,
        %scatter3A_1464 = arith.constant 0 : i32
        %scatter3A_1465 = arith.constant 0 : i32
        %scatter3A_1466 = arith.constant 0 : i32
        %scatter3A_1467 = arith.constant 0 : i32
        %scatter3A_1468 = tpu.memref_slice %arg7[%scatter3A_1464, %scatter3A_1465, %scatter3A_1466, %scatter3A_1467] : memref<2x8x16x129xf32, #tpu.memory_space<vmem>> -> memref<1x8x16x129xf32, #tpu.memory_space<vmem>>
        %scatter3A_1469 = tpu.memref_squeeze %scatter3A_1468 : memref<1x8x16x129xf32, #tpu.memory_space<vmem>> -> memref<8x16x129xf32, #tpu.memory_space<vmem>>
        tpu.vector_store_idx %scatter3A_1469[%add3A_132, %add3A_1154, %add3A_1425], %get3A_1463 : memref<8x16x129xf32, #tpu.memory_space<vmem>>[vector<16xi32>, vector<16xi32>, vector<16xi32>], vector<16xf32>,
        %add3A_1470 = arith.constant 6 : i32
        %add3A_1471 = arith.addi %mul3A_1150, %add3A_1470 : i32
        %mul3A_1472 = arith.constant 128 : i32
        %mul3A_1473 = arith.muli %select_n3A_1132, %mul3A_1472 : i32
        %add3A_1474 = arith.addi %mul3A_1473, %add3A_1471 : i32
        %broadcast_in_dim3A_1475 = arith.constant 0 : i32
        %broadcast_in_dim3A_1476 = vector.broadcast %broadcast_in_dim3A_1475 : i32 to vector<16xi32>
        %add3A_1477 = vector.broadcast %add3A_1471 : i32 to vector<16xi32>
        %add3A_1478 = arith.addi %broadcast_in_dim3A_1476, %add3A_1477 : vector<16xi32>
        %get3A_1479 = arith.constant 0 : i32
        %get3A_1480 = arith.index_cast %get3A_1479 : i32 to index
        %get3A_1481 = arith.index_cast %add3A_1474 : i32 to index
        %get3A_1482 = arith.constant 0 : index
        %get3A_1483 = tpu.vector_load %arg6[%get3A_1480, %get3A_1481, %get3A_1482] {strides = array<i32>} : memref<2x256x64xf32, #tpu.memory_space<vmem>>, vector<16xf32>,
        %scatter3A_1484 = arith.constant 0 : i32
        %scatter3A_1485 = arith.constant 0 : i32
        %scatter3A_1486 = arith.constant 0 : i32
        %scatter3A_1487 = arith.constant 0 : i32
        %scatter3A_1488 = tpu.memref_slice %arg7[%scatter3A_1484, %scatter3A_1485, %scatter3A_1486, %scatter3A_1487] : memref<2x8x16x129xf32, #tpu.memory_space<vmem>> -> memref<1x8x16x129xf32, #tpu.memory_space<vmem>>
        %scatter3A_1489 = tpu.memref_squeeze %scatter3A_1488 : memref<1x8x16x129xf32, #tpu.memory_space<vmem>> -> memref<8x16x129xf32, #tpu.memory_space<vmem>>
        tpu.vector_store_idx %scatter3A_1489[%add3A_30, %add3A_1154, %add3A_1478], %get3A_1483 : memref<8x16x129xf32, #tpu.memory_space<vmem>>[vector<16xi32>, vector<16xi32>, vector<16xi32>], vector<16xf32>,
        %get3A_1490 = arith.constant 0 : i32
        %get3A_1491 = arith.index_cast %get3A_1490 : i32 to index
        %get3A_1492 = arith.index_cast %add3A_1474 : i32 to index
        %get3A_1493 = arith.constant 16 : index
        %get3A_1494 = tpu.vector_load %arg6[%get3A_1491, %get3A_1492, %get3A_1493] {strides = array<i32>} : memref<2x256x64xf32, #tpu.memory_space<vmem>>, vector<16xf32>,
        %scatter3A_1495 = arith.constant 0 : i32
        %scatter3A_1496 = arith.constant 0 : i32
        %scatter3A_1497 = arith.constant 0 : i32
        %scatter3A_1498 = arith.constant 0 : i32
        %scatter3A_1499 = tpu.memref_slice %arg7[%scatter3A_1495, %scatter3A_1496, %scatter3A_1497, %scatter3A_1498] : memref<2x8x16x129xf32, #tpu.memory_space<vmem>> -> memref<1x8x16x129xf32, #tpu.memory_space<vmem>>
        %scatter3A_1500 = tpu.memref_squeeze %scatter3A_1499 : memref<1x8x16x129xf32, #tpu.memory_space<vmem>> -> memref<8x16x129xf32, #tpu.memory_space<vmem>>
        tpu.vector_store_idx %scatter3A_1500[%add3A_64, %add3A_1154, %add3A_1478], %get3A_1494 : memref<8x16x129xf32, #tpu.memory_space<vmem>>[vector<16xi32>, vector<16xi32>, vector<16xi32>], vector<16xf32>,
        %get3A_1501 = arith.constant 0 : i32
        %get3A_1502 = arith.index_cast %get3A_1501 : i32 to index
        %get3A_1503 = arith.index_cast %add3A_1474 : i32 to index
        %get3A_1504 = arith.constant 32 : index
        %get3A_1505 = tpu.vector_load %arg6[%get3A_1502, %get3A_1503, %get3A_1504] {strides = array<i32>} : memref<2x256x64xf32, #tpu.memory_space<vmem>>, vector<16xf32>,
        %scatter3A_1506 = arith.constant 0 : i32
        %scatter3A_1507 = arith.constant 0 : i32
        %scatter3A_1508 = arith.constant 0 : i32
        %scatter3A_1509 = arith.constant 0 : i32
        %scatter3A_1510 = tpu.memref_slice %arg7[%scatter3A_1506, %scatter3A_1507, %scatter3A_1508, %scatter3A_1509] : memref<2x8x16x129xf32, #tpu.memory_space<vmem>> -> memref<1x8x16x129xf32, #tpu.memory_space<vmem>>
        %scatter3A_1511 = tpu.memref_squeeze %scatter3A_1510 : memref<1x8x16x129xf32, #tpu.memory_space<vmem>> -> memref<8x16x129xf32, #tpu.memory_space<vmem>>
        tpu.vector_store_idx %scatter3A_1511[%add3A_98, %add3A_1154, %add3A_1478], %get3A_1505 : memref<8x16x129xf32, #tpu.memory_space<vmem>>[vector<16xi32>, vector<16xi32>, vector<16xi32>], vector<16xf32>,
        %get3A_1512 = arith.constant 0 : i32
        %get3A_1513 = arith.index_cast %get3A_1512 : i32 to index
        %get3A_1514 = arith.index_cast %add3A_1474 : i32 to index
        %get3A_1515 = arith.constant 48 : index
        %get3A_1516 = tpu.vector_load %arg6[%get3A_1513, %get3A_1514, %get3A_1515] {strides = array<i32>} : memref<2x256x64xf32, #tpu.memory_space<vmem>>, vector<16xf32>,
        %scatter3A_1517 = arith.constant 0 : i32
        %scatter3A_1518 = arith.constant 0 : i32
        %scatter3A_1519 = arith.constant 0 : i32
        %scatter3A_1520 = arith.constant 0 : i32
        %scatter3A_1521 = tpu.memref_slice %arg7[%scatter3A_1517, %scatter3A_1518, %scatter3A_1519, %scatter3A_1520] : memref<2x8x16x129xf32, #tpu.memory_space<vmem>> -> memref<1x8x16x129xf32, #tpu.memory_space<vmem>>
        %scatter3A_1522 = tpu.memref_squeeze %scatter3A_1521 : memref<1x8x16x129xf32, #tpu.memory_space<vmem>> -> memref<8x16x129xf32, #tpu.memory_space<vmem>>
        tpu.vector_store_idx %scatter3A_1522[%add3A_132, %add3A_1154, %add3A_1478], %get3A_1516 : memref<8x16x129xf32, #tpu.memory_space<vmem>>[vector<16xi32>, vector<16xi32>, vector<16xi32>], vector<16xf32>,
        %add3A_1523 = arith.constant 7 : i32
        %add3A_1524 = arith.addi %mul3A_1150, %add3A_1523 : i32
        %mul3A_1525 = arith.constant 128 : i32
        %mul3A_1526 = arith.muli %select_n3A_1132, %mul3A_1525 : i32
        %add3A_1527 = arith.addi %mul3A_1526, %add3A_1524 : i32
        %broadcast_in_dim3A_1528 = arith.constant 0 : i32
        %broadcast_in_dim3A_1529 = vector.broadcast %broadcast_in_dim3A_1528 : i32 to vector<16xi32>
        %add3A_1530 = vector.broadcast %add3A_1524 : i32 to vector<16xi32>
        %add3A_1531 = arith.addi %broadcast_in_dim3A_1529, %add3A_1530 : vector<16xi32>
        %get3A_1532 = arith.constant 0 : i32
        %get3A_1533 = arith.index_cast %get3A_1532 : i32 to index
        %get3A_1534 = arith.index_cast %add3A_1527 : i32 to index
        %get3A_1535 = arith.constant 0 : index
        %get3A_1536 = tpu.vector_load %arg6[%get3A_1533, %get3A_1534, %get3A_1535] {strides = array<i32>} : memref<2x256x64xf32, #tpu.memory_space<vmem>>, vector<16xf32>,
        %scatter3A_1537 = arith.constant 0 : i32
        %scatter3A_1538 = arith.constant 0 : i32
        %scatter3A_1539 = arith.constant 0 : i32
        %scatter3A_1540 = arith.constant 0 : i32
        %scatter3A_1541 = tpu.memref_slice %arg7[%scatter3A_1537, %scatter3A_1538, %scatter3A_1539, %scatter3A_1540] : memref<2x8x16x129xf32, #tpu.memory_space<vmem>> -> memref<1x8x16x129xf32, #tpu.memory_space<vmem>>
        %scatter3A_1542 = tpu.memref_squeeze %scatter3A_1541 : memref<1x8x16x129xf32, #tpu.memory_space<vmem>> -> memref<8x16x129xf32, #tpu.memory_space<vmem>>
        tpu.vector_store_idx %scatter3A_1542[%add3A_30, %add3A_1154, %add3A_1531], %get3A_1536 : memref<8x16x129xf32, #tpu.memory_space<vmem>>[vector<16xi32>, vector<16xi32>, vector<16xi32>], vector<16xf32>,
        %get3A_1543 = arith.constant 0 : i32
        %get3A_1544 = arith.index_cast %get3A_1543 : i32 to index
        %get3A_1545 = arith.index_cast %add3A_1527 : i32 to index
        %get3A_1546 = arith.constant 16 : index
        %get3A_1547 = tpu.vector_load %arg6[%get3A_1544, %get3A_1545, %get3A_1546] {strides = array<i32>} : memref<2x256x64xf32, #tpu.memory_space<vmem>>, vector<16xf32>,
        %scatter3A_1548 = arith.constant 0 : i32
        %scatter3A_1549 = arith.constant 0 : i32
        %scatter3A_1550 = arith.constant 0 : i32
        %scatter3A_1551 = arith.constant 0 : i32
        %scatter3A_1552 = tpu.memref_slice %arg7[%scatter3A_1548, %scatter3A_1549, %scatter3A_1550, %scatter3A_1551] : memref<2x8x16x129xf32, #tpu.memory_space<vmem>> -> memref<1x8x16x129xf32, #tpu.memory_space<vmem>>
        %scatter3A_1553 = tpu.memref_squeeze %scatter3A_1552 : memref<1x8x16x129xf32, #tpu.memory_space<vmem>> -> memref<8x16x129xf32, #tpu.memory_space<vmem>>
        tpu.vector_store_idx %scatter3A_1553[%add3A_64, %add3A_1154, %add3A_1531], %get3A_1547 : memref<8x16x129xf32, #tpu.memory_space<vmem>>[vector<16xi32>, vector<16xi32>, vector<16xi32>], vector<16xf32>,
        %get3A_1554 = arith.constant 0 : i32
        %get3A_1555 = arith.index_cast %get3A_1554 : i32 to index
        %get3A_1556 = arith.index_cast %add3A_1527 : i32 to index
        %get3A_1557 = arith.constant 32 : index
        %get3A_1558 = tpu.vector_load %arg6[%get3A_1555, %get3A_1556, %get3A_1557] {strides = array<i32>} : memref<2x256x64xf32, #tpu.memory_space<vmem>>, vector<16xf32>,
        %scatter3A_1559 = arith.constant 0 : i32
        %scatter3A_1560 = arith.constant 0 : i32
        %scatter3A_1561 = arith.constant 0 : i32
        %scatter3A_1562 = arith.constant 0 : i32
        %scatter3A_1563 = tpu.memref_slice %arg7[%scatter3A_1559, %scatter3A_1560, %scatter3A_1561, %scatter3A_1562] : memref<2x8x16x129xf32, #tpu.memory_space<vmem>> -> memref<1x8x16x129xf32, #tpu.memory_space<vmem>>
        %scatter3A_1564 = tpu.memref_squeeze %scatter3A_1563 : memref<1x8x16x129xf32, #tpu.memory_space<vmem>> -> memref<8x16x129xf32, #tpu.memory_space<vmem>>
        tpu.vector_store_idx %scatter3A_1564[%add3A_98, %add3A_1154, %add3A_1531], %get3A_1558 : memref<8x16x129xf32, #tpu.memory_space<vmem>>[vector<16xi32>, vector<16xi32>, vector<16xi32>], vector<16xf32>,
        %get3A_1565 = arith.constant 0 : i32
        %get3A_1566 = arith.index_cast %get3A_1565 : i32 to index
        %get3A_1567 = arith.index_cast %add3A_1527 : i32 to index
        %get3A_1568 = arith.constant 48 : index
        %get3A_1569 = tpu.vector_load %arg6[%get3A_1566, %get3A_1567, %get3A_1568] {strides = array<i32>} : memref<2x256x64xf32, #tpu.memory_space<vmem>>, vector<16xf32>,
        %scatter3A_1570 = arith.constant 0 : i32
        %scatter3A_1571 = arith.constant 0 : i32
        %scatter3A_1572 = arith.constant 0 : i32
        %scatter3A_1573 = arith.constant 0 : i32
        %scatter3A_1574 = tpu.memref_slice %arg7[%scatter3A_1570, %scatter3A_1571, %scatter3A_1572, %scatter3A_1573] : memref<2x8x16x129xf32, #tpu.memory_space<vmem>> -> memref<1x8x16x129xf32, #tpu.memory_space<vmem>>
        %scatter3A_1575 = tpu.memref_squeeze %scatter3A_1574 : memref<1x8x16x129xf32, #tpu.memory_space<vmem>> -> memref<8x16x129xf32, #tpu.memory_space<vmem>>
        tpu.vector_store_idx %scatter3A_1575[%add3A_132, %add3A_1154, %add3A_1531], %get3A_1569 : memref<8x16x129xf32, #tpu.memory_space<vmem>>[vector<16xi32>, vector<16xi32>, vector<16xi32>], vector<16xf32>,
      }
      %scan3A_642 = arith.constant 32 : i32
      %mul3A_643 = arith.constant 2 : i32
      %mul3A_644 = arith.muli %add3A_604, %mul3A_643 : i32
      %add3A_645 = arith.addi %mul3A_2, %mul3A_644 : i32
      %jit3A_646 = arith.constant 32 : i32
      %div3A_647 = arith.divsi %add3A_645, %jit3A_646 : i32
      %sign3A_648 = arith.constant 0 : i32
      %sign3A_649 = arith.cmpi sgt, %add3A_645, %sign3A_648 : i32
      %sign3A_650 = arith.extui %sign3A_649 : i1 to i32
      %sign3A_651 = arith.constant 0 : i32
      %sign3A_652 = arith.cmpi slt, %add3A_645, %sign3A_651 : i32
      %sign3A_653 = arith.extui %sign3A_652 : i1 to i32
      %sign3A_654 = arith.subi %sign3A_650, %sign3A_653 : i32
      %sign3A_655 = arith.constant 0 : i32
      %sign3A_656 = arith.cmpi sgt, %jit3A_646, %sign3A_655 : i32
      %sign3A_657 = arith.extui %sign3A_656 : i1 to i32
      %sign3A_658 = arith.constant 0 : i32
      %sign3A_659 = arith.cmpi slt, %jit3A_646, %sign3A_658 : i32
      %sign3A_660 = arith.extui %sign3A_659 : i1 to i32
      %sign3A_661 = arith.subi %sign3A_657, %sign3A_660 : i32
      %ne3A_662 = arith.cmpi ne, %sign3A_654, %sign3A_661 : i32
      %rem3A_663 = arith.remsi %add3A_645, %jit3A_646 : i32
      %ne3A_664 = arith.constant 0 : i32
      %ne3A_665 = arith.cmpi ne, %rem3A_663, %ne3A_664 : i32
      %and3A_666 = arith.andi %ne3A_662, %ne3A_665 : i1
      %sub3A_667 = arith.constant 1 : i32
      %sub3A_668 = arith.subi %div3A_647, %sub3A_667 : i32
      %select_n3A_669 = arith.select %and3A_666, %sub3A_668, %div3A_647 : i32
      %jit3A_670 = arith.constant 32 : i32
      %eq3A_671 = arith.constant 0 : i32
      %eq3A_672 = arith.cmpi eq, %jit3A_670, %eq3A_671 : i32
      %jit3A_673 = arith.constant 1 : i32
      %select_n3A_674 = arith.select %eq3A_672, %jit3A_673, %jit3A_670 : i32
      %rem3A_675 = arith.remsi %add3A_645, %select_n3A_674 : i32
      %ne3A_676 = arith.constant 0 : i32
      %ne3A_677 = arith.cmpi ne, %rem3A_675, %ne3A_676 : i32
      %lt3A_678 = arith.constant 0 : i32
      %lt3A_679 = arith.cmpi slt, %rem3A_675, %lt3A_678 : i32
      %lt3A_680 = arith.constant 0 : i32
      %lt3A_681 = arith.cmpi slt, %select_n3A_674, %lt3A_680 : i32
      %ne3A_682 = arith.xori %lt3A_679, %lt3A_681 : i1
      %and3A_683 = arith.andi %ne3A_682, %ne3A_677 : i1
      %add3A_684 = arith.addi %rem3A_675, %select_n3A_674 : i32
      %select_n3A_685 = arith.select %and3A_683, %add3A_684, %rem3A_675 : i32
      %mul3A_686 = arith.constant 8 : i32
      %mul3A_687 = arith.muli %select_n3A_685, %mul3A_686 : i32
      %add3A_688 = arith.constant 0 : i32
      %add3A_689 = arith.addi %add3A_688, %mul3A_687 : i32
      %dma_start3A_690 = arith.constant 0 : i32
      %dma_start3A_691 = arith.constant 0 : i32
      %dma_start3A_692 = arith.constant 0 : i32
      %dma_start3A_693 = arith.constant 0 : i32
      %dma_start3A_694 = tpu.memref_slice %arg7[%dma_start3A_690, %dma_start3A_691, %dma_start3A_692, %dma_start3A_693] : memref<2x8x16x129xf32, #tpu.memory_space<vmem>> -> memref<1x1x16x128xf32, #tpu.memory_space<vmem>>
      %dma_start3A_695 = tpu.memref_squeeze %dma_start3A_694 : memref<1x1x16x128xf32, #tpu.memory_space<vmem>> -> memref<16x128xf32, #tpu.memory_space<vmem>>
      %dma_start3A_696 = arith.constant 0 : i32
      %dma_start3A_697 = tpu.memref_slice %arg4[%select_n3A_669, %add3A_689, %dma_start3A_696] : memref<200x2048x128xf32, #tpu.memory_space<hbm>> -> memref<1x16x128xf32, #tpu.memory_space<hbm>>
      %dma_start3A_698 = tpu.memref_squeeze %dma_start3A_697 : memref<1x16x128xf32, #tpu.memory_space<hbm>> -> memref<16x128xf32, #tpu.memory_space<hbm>>
      %dma_start3A_699 = arith.constant 0 : i32
      %dma_start3A_700 = tpu.memref_slice %arg4[%select_n3A_669, %add3A_689, %dma_start3A_699] : memref<200x2048x128xf32, #tpu.memory_space<hbm>> -> memref<1x16x128xf32, #tpu.memory_space<hbm>>
      %dma_start3A_701 = tpu.memref_squeeze %dma_start3A_700 : memref<1x16x128xf32, #tpu.memory_space<hbm>> -> memref<16x128xf32, #tpu.memory_space<hbm>>
      %dma_start3A_702 = arith.constant 0 : i32
      %dma_start3A_703 = arith.constant 0 : i32
      %dma_start3A_704 = tpu.memref_slice %arg7[%dma_start3A_690, %dma_start3A_691, %dma_start3A_702, %dma_start3A_703] : memref<2x8x16x129xf32, #tpu.memory_space<vmem>> -> memref<1x1x16x128xf32, #tpu.memory_space<vmem>>
      %dma_start3A_705 = tpu.memref_squeeze %dma_start3A_704 : memref<1x1x16x128xf32, #tpu.memory_space<vmem>> -> memref<16x128xf32, #tpu.memory_space<vmem>>
      tpu.enqueue_dma source(%dma_start3A_705 : memref<16x128xf32, #tpu.memory_space<vmem>>) target(%dma_start3A_701 : memref<16x128xf32, #tpu.memory_space<hbm>>) target_semaphore(%arg10 : memref<!tpu.dma_semaphore, #tpu.memory_space<semaphore_mem>>)
      %mul3A_706 = arith.constant 8 : i32
      %mul3A_707 = arith.muli %select_n3A_685, %mul3A_706 : i32
      %add3A_708 = arith.constant 256 : i32
      %add3A_709 = arith.addi %add3A_708, %mul3A_707 : i32
      %dma_start3A_710 = arith.constant 0 : i32
      %dma_start3A_711 = arith.constant 1 : i32
      %dma_start3A_712 = arith.constant 0 : i32
      %dma_start3A_713 = arith.constant 0 : i32
      %dma_start3A_714 = tpu.memref_slice %arg7[%dma_start3A_710, %dma_start3A_711, %dma_start3A_712, %dma_start3A_713] : memref<2x8x16x129xf32, #tpu.memory_space<vmem>> -> memref<1x1x16x128xf32, #tpu.memory_space<vmem>>
      %dma_start3A_715 = tpu.memref_squeeze %dma_start3A_714 : memref<1x1x16x128xf32, #tpu.memory_space<vmem>> -> memref<16x128xf32, #tpu.memory_space<vmem>>
      %dma_start3A_716 = arith.constant 0 : i32
      %dma_start3A_717 = tpu.memref_slice %arg4[%select_n3A_669, %add3A_709, %dma_start3A_716] : memref<200x2048x128xf32, #tpu.memory_space<hbm>> -> memref<1x16x128xf32, #tpu.memory_space<hbm>>
      %dma_start3A_718 = tpu.memref_squeeze %dma_start3A_717 : memref<1x16x128xf32, #tpu.memory_space<hbm>> -> memref<16x128xf32, #tpu.memory_space<hbm>>
      %dma_start3A_719 = arith.constant 0 : i32
      %dma_start3A_720 = tpu.memref_slice %arg4[%select_n3A_669, %add3A_709, %dma_start3A_719] : memref<200x2048x128xf32, #tpu.memory_space<hbm>> -> memref<1x16x128xf32, #tpu.memory_space<hbm>>
      %dma_start3A_721 = tpu.memref_squeeze %dma_start3A_720 : memref<1x16x128xf32, #tpu.memory_space<hbm>> -> memref<16x128xf32, #tpu.memory_space<hbm>>
      %dma_start3A_722 = arith.constant 0 : i32
      %dma_start3A_723 = arith.constant 0 : i32
      %dma_start3A_724 = tpu.memref_slice %arg7[%dma_start3A_710, %dma_start3A_711, %dma_start3A_722, %dma_start3A_723] : memref<2x8x16x129xf32, #tpu.memory_space<vmem>> -> memref<1x1x16x128xf32, #tpu.memory_space<vmem>>
      %dma_start3A_725 = tpu.memref_squeeze %dma_start3A_724 : memref<1x1x16x128xf32, #tpu.memory_space<vmem>> -> memref<16x128xf32, #tpu.memory_space<vmem>>
      tpu.enqueue_dma source(%dma_start3A_725 : memref<16x128xf32, #tpu.memory_space<vmem>>) target(%dma_start3A_721 : memref<16x128xf32, #tpu.memory_space<hbm>>) target_semaphore(%arg10 : memref<!tpu.dma_semaphore, #tpu.memory_space<semaphore_mem>>)
      %mul3A_726 = arith.constant 8 : i32
      %mul3A_727 = arith.muli %select_n3A_685, %mul3A_726 : i32
      %add3A_728 = arith.constant 512 : i32
      %add3A_729 = arith.addi %add3A_728, %mul3A_727 : i32
      %dma_start3A_730 = arith.constant 0 : i32
      %dma_start3A_731 = arith.constant 2 : i32
      %dma_start3A_732 = arith.constant 0 : i32
      %dma_start3A_733 = arith.constant 0 : i32
      %dma_start3A_734 = tpu.memref_slice %arg7[%dma_start3A_730, %dma_start3A_731, %dma_start3A_732, %dma_start3A_733] : memref<2x8x16x129xf32, #tpu.memory_space<vmem>> -> memref<1x1x16x128xf32, #tpu.memory_space<vmem>>
      %dma_start3A_735 = tpu.memref_squeeze %dma_start3A_734 : memref<1x1x16x128xf32, #tpu.memory_space<vmem>> -> memref<16x128xf32, #tpu.memory_space<vmem>>
      %dma_start3A_736 = arith.constant 0 : i32
      %dma_start3A_737 = tpu.memref_slice %arg4[%select_n3A_669, %add3A_729, %dma_start3A_736] : memref<200x2048x128xf32, #tpu.memory_space<hbm>> -> memref<1x16x128xf32, #tpu.memory_space<hbm>>
      %dma_start3A_738 = tpu.memref_squeeze %dma_start3A_737 : memref<1x16x128xf32, #tpu.memory_space<hbm>> -> memref<16x128xf32, #tpu.memory_space<hbm>>
      %dma_start3A_739 = arith.constant 0 : i32
      %dma_start3A_740 = tpu.memref_slice %arg4[%select_n3A_669, %add3A_729, %dma_start3A_739] : memref<200x2048x128xf32, #tpu.memory_space<hbm>> -> memref<1x16x128xf32, #tpu.memory_space<hbm>>
      %dma_start3A_741 = tpu.memref_squeeze %dma_start3A_740 : memref<1x16x128xf32, #tpu.memory_space<hbm>> -> memref<16x128xf32, #tpu.memory_space<hbm>>
      %dma_start3A_742 = arith.constant 0 : i32
      %dma_start3A_743 = arith.constant 0 : i32
      %dma_start3A_744 = tpu.memref_slice %arg7[%dma_start3A_730, %dma_start3A_731, %dma_start3A_742, %dma_start3A_743] : memref<2x8x16x129xf32, #tpu.memory_space<vmem>> -> memref<1x1x16x128xf32, #tpu.memory_space<vmem>>
      %dma_start3A_745 = tpu.memref_squeeze %dma_start3A_744 : memref<1x1x16x128xf32, #tpu.memory_space<vmem>> -> memref<16x128xf32, #tpu.memory_space<vmem>>
      tpu.enqueue_dma source(%dma_start3A_745 : memref<16x128xf32, #tpu.memory_space<vmem>>) target(%dma_start3A_741 : memref<16x128xf32, #tpu.memory_space<hbm>>) target_semaphore(%arg10 : memref<!tpu.dma_semaphore, #tpu.memory_space<semaphore_mem>>)
      %mul3A_746 = arith.constant 8 : i32
      %mul3A_747 = arith.muli %select_n3A_685, %mul3A_746 : i32
      %add3A_748 = arith.constant 768 : i32
      %add3A_749 = arith.addi %add3A_748, %mul3A_747 : i32
      %dma_start3A_750 = arith.constant 0 : i32
      %dma_start3A_751 = arith.constant 3 : i32
      %dma_start3A_752 = arith.constant 0 : i32
      %dma_start3A_753 = arith.constant 0 : i32
      %dma_start3A_754 = tpu.memref_slice %arg7[%dma_start3A_750, %dma_start3A_751, %dma_start3A_752, %dma_start3A_753] : memref<2x8x16x129xf32, #tpu.memory_space<vmem>> -> memref<1x1x16x128xf32, #tpu.memory_space<vmem>>
      %dma_start3A_755 = tpu.memref_squeeze %dma_start3A_754 : memref<1x1x16x128xf32, #tpu.memory_space<vmem>> -> memref<16x128xf32, #tpu.memory_space<vmem>>
      %dma_start3A_756 = arith.constant 0 : i32
      %dma_start3A_757 = tpu.memref_slice %arg4[%select_n3A_669, %add3A_749, %dma_start3A_756] : memref<200x2048x128xf32, #tpu.memory_space<hbm>> -> memref<1x16x128xf32, #tpu.memory_space<hbm>>
      %dma_start3A_758 = tpu.memref_squeeze %dma_start3A_757 : memref<1x16x128xf32, #tpu.memory_space<hbm>> -> memref<16x128xf32, #tpu.memory_space<hbm>>
      %dma_start3A_759 = arith.constant 0 : i32
      %dma_start3A_760 = tpu.memref_slice %arg4[%select_n3A_669, %add3A_749, %dma_start3A_759] : memref<200x2048x128xf32, #tpu.memory_space<hbm>> -> memref<1x16x128xf32, #tpu.memory_space<hbm>>
      %dma_start3A_761 = tpu.memref_squeeze %dma_start3A_760 : memref<1x16x128xf32, #tpu.memory_space<hbm>> -> memref<16x128xf32, #tpu.memory_space<hbm>>
      %dma_start3A_762 = arith.constant 0 : i32
      %dma_start3A_763 = arith.constant 0 : i32
      %dma_start3A_764 = tpu.memref_slice %arg7[%dma_start3A_750, %dma_start3A_751, %dma_start3A_762, %dma_start3A_763] : memref<2x8x16x129xf32, #tpu.memory_space<vmem>> -> memref<1x1x16x128xf32, #tpu.memory_space<vmem>>
      %dma_start3A_765 = tpu.memref_squeeze %dma_start3A_764 : memref<1x1x16x128xf32, #tpu.memory_space<vmem>> -> memref<16x128xf32, #tpu.memory_space<vmem>>
      tpu.enqueue_dma source(%dma_start3A_765 : memref<16x128xf32, #tpu.memory_space<vmem>>) target(%dma_start3A_761 : memref<16x128xf32, #tpu.memory_space<hbm>>) target_semaphore(%arg10 : memref<!tpu.dma_semaphore, #tpu.memory_space<semaphore_mem>>)
      %mul3A_766 = arith.constant 8 : i32
      %mul3A_767 = arith.muli %select_n3A_685, %mul3A_766 : i32
      %add3A_768 = arith.constant 1024 : i32
      %add3A_769 = arith.addi %add3A_768, %mul3A_767 : i32
      %dma_start3A_770 = arith.constant 0 : i32
      %dma_start3A_771 = arith.constant 4 : i32
      %dma_start3A_772 = arith.constant 0 : i32
      %dma_start3A_773 = arith.constant 0 : i32
      %dma_start3A_774 = tpu.memref_slice %arg7[%dma_start3A_770, %dma_start3A_771, %dma_start3A_772, %dma_start3A_773] : memref<2x8x16x129xf32, #tpu.memory_space<vmem>> -> memref<1x1x16x128xf32, #tpu.memory_space<vmem>>
      %dma_start3A_775 = tpu.memref_squeeze %dma_start3A_774 : memref<1x1x16x128xf32, #tpu.memory_space<vmem>> -> memref<16x128xf32, #tpu.memory_space<vmem>>
      %dma_start3A_776 = arith.constant 0 : i32
      %dma_start3A_777 = tpu.memref_slice %arg4[%select_n3A_669, %add3A_769, %dma_start3A_776] : memref<200x2048x128xf32, #tpu.memory_space<hbm>> -> memref<1x16x128xf32, #tpu.memory_space<hbm>>
      %dma_start3A_778 = tpu.memref_squeeze %dma_start3A_777 : memref<1x16x128xf32, #tpu.memory_space<hbm>> -> memref<16x128xf32, #tpu.memory_space<hbm>>
      %dma_start3A_779 = arith.constant 0 : i32
      %dma_start3A_780 = tpu.memref_slice %arg4[%select_n3A_669, %add3A_769, %dma_start3A_779] : memref<200x2048x128xf32, #tpu.memory_space<hbm>> -> memref<1x16x128xf32, #tpu.memory_space<hbm>>
      %dma_start3A_781 = tpu.memref_squeeze %dma_start3A_780 : memref<1x16x128xf32, #tpu.memory_space<hbm>> -> memref<16x128xf32, #tpu.memory_space<hbm>>
      %dma_start3A_782 = arith.constant 0 : i32
      %dma_start3A_783 = arith.constant 0 : i32
      %dma_start3A_784 = tpu.memref_slice %arg7[%dma_start3A_770, %dma_start3A_771, %dma_start3A_782, %dma_start3A_783] : memref<2x8x16x129xf32, #tpu.memory_space<vmem>> -> memref<1x1x16x128xf32, #tpu.memory_space<vmem>>
      %dma_start3A_785 = tpu.memref_squeeze %dma_start3A_784 : memref<1x1x16x128xf32, #tpu.memory_space<vmem>> -> memref<16x128xf32, #tpu.memory_space<vmem>>
      tpu.enqueue_dma source(%dma_start3A_785 : memref<16x128xf32, #tpu.memory_space<vmem>>) target(%dma_start3A_781 : memref<16x128xf32, #tpu.memory_space<hbm>>) target_semaphore(%arg10 : memref<!tpu.dma_semaphore, #tpu.memory_space<semaphore_mem>>)
      %mul3A_786 = arith.constant 8 : i32
      %mul3A_787 = arith.muli %select_n3A_685, %mul3A_786 : i32
      %add3A_788 = arith.constant 1280 : i32
      %add3A_789 = arith.addi %add3A_788, %mul3A_787 : i32
      %dma_start3A_790 = arith.constant 0 : i32
      %dma_start3A_791 = arith.constant 5 : i32
      %dma_start3A_792 = arith.constant 0 : i32
      %dma_start3A_793 = arith.constant 0 : i32
      %dma_start3A_794 = tpu.memref_slice %arg7[%dma_start3A_790, %dma_start3A_791, %dma_start3A_792, %dma_start3A_793] : memref<2x8x16x129xf32, #tpu.memory_space<vmem>> -> memref<1x1x16x128xf32, #tpu.memory_space<vmem>>
      %dma_start3A_795 = tpu.memref_squeeze %dma_start3A_794 : memref<1x1x16x128xf32, #tpu.memory_space<vmem>> -> memref<16x128xf32, #tpu.memory_space<vmem>>
      %dma_start3A_796 = arith.constant 0 : i32
      %dma_start3A_797 = tpu.memref_slice %arg4[%select_n3A_669, %add3A_789, %dma_start3A_796] : memref<200x2048x128xf32, #tpu.memory_space<hbm>> -> memref<1x16x128xf32, #tpu.memory_space<hbm>>
      %dma_start3A_798 = tpu.memref_squeeze %dma_start3A_797 : memref<1x16x128xf32, #tpu.memory_space<hbm>> -> memref<16x128xf32, #tpu.memory_space<hbm>>
      %dma_start3A_799 = arith.constant 0 : i32
      %dma_start3A_800 = tpu.memref_slice %arg4[%select_n3A_669, %add3A_789, %dma_start3A_799] : memref<200x2048x128xf32, #tpu.memory_space<hbm>> -> memref<1x16x128xf32, #tpu.memory_space<hbm>>
      %dma_start3A_801 = tpu.memref_squeeze %dma_start3A_800 : memref<1x16x128xf32, #tpu.memory_space<hbm>> -> memref<16x128xf32, #tpu.memory_space<hbm>>
      %dma_start3A_802 = arith.constant 0 : i32
      %dma_start3A_803 = arith.constant 0 : i32
      %dma_start3A_804 = tpu.memref_slice %arg7[%dma_start3A_790, %dma_start3A_791, %dma_start3A_802, %dma_start3A_803] : memref<2x8x16x129xf32, #tpu.memory_space<vmem>> -> memref<1x1x16x128xf32, #tpu.memory_space<vmem>>
      %dma_start3A_805 = tpu.memref_squeeze %dma_start3A_804 : memref<1x1x16x128xf32, #tpu.memory_space<vmem>> -> memref<16x128xf32, #tpu.memory_space<vmem>>
      tpu.enqueue_dma source(%dma_start3A_805 : memref<16x128xf32, #tpu.memory_space<vmem>>) target(%dma_start3A_801 : memref<16x128xf32, #tpu.memory_space<hbm>>) target_semaphore(%arg10 : memref<!tpu.dma_semaphore, #tpu.memory_space<semaphore_mem>>)
      %mul3A_806 = arith.constant 8 : i32
      %mul3A_807 = arith.muli %select_n3A_685, %mul3A_806 : i32
      %add3A_808 = arith.constant 1536 : i32
      %add3A_809 = arith.addi %add3A_808, %mul3A_807 : i32
      %dma_start3A_810 = arith.constant 0 : i32
      %dma_start3A_811 = arith.constant 6 : i32
      %dma_start3A_812 = arith.constant 0 : i32
      %dma_start3A_813 = arith.constant 0 : i32
      %dma_start3A_814 = tpu.memref_slice %arg7[%dma_start3A_810, %dma_start3A_811, %dma_start3A_812, %dma_start3A_813] : memref<2x8x16x129xf32, #tpu.memory_space<vmem>> -> memref<1x1x16x128xf32, #tpu.memory_space<vmem>>
      %dma_start3A_815 = tpu.memref_squeeze %dma_start3A_814 : memref<1x1x16x128xf32, #tpu.memory_space<vmem>> -> memref<16x128xf32, #tpu.memory_space<vmem>>
      %dma_start3A_816 = arith.constant 0 : i32
      %dma_start3A_817 = tpu.memref_slice %arg4[%select_n3A_669, %add3A_809, %dma_start3A_816] : memref<200x2048x128xf32, #tpu.memory_space<hbm>> -> memref<1x16x128xf32, #tpu.memory_space<hbm>>
      %dma_start3A_818 = tpu.memref_squeeze %dma_start3A_817 : memref<1x16x128xf32, #tpu.memory_space<hbm>> -> memref<16x128xf32, #tpu.memory_space<hbm>>
      %dma_start3A_819 = arith.constant 0 : i32
      %dma_start3A_820 = tpu.memref_slice %arg4[%select_n3A_669, %add3A_809, %dma_start3A_819] : memref<200x2048x128xf32, #tpu.memory_space<hbm>> -> memref<1x16x128xf32, #tpu.memory_space<hbm>>
      %dma_start3A_821 = tpu.memref_squeeze %dma_start3A_820 : memref<1x16x128xf32, #tpu.memory_space<hbm>> -> memref<16x128xf32, #tpu.memory_space<hbm>>
      %dma_start3A_822 = arith.constant 0 : i32
      %dma_start3A_823 = arith.constant 0 : i32
      %dma_start3A_824 = tpu.memref_slice %arg7[%dma_start3A_810, %dma_start3A_811, %dma_start3A_822, %dma_start3A_823] : memref<2x8x16x129xf32, #tpu.memory_space<vmem>> -> memref<1x1x16x128xf32, #tpu.memory_space<vmem>>
      %dma_start3A_825 = tpu.memref_squeeze %dma_start3A_824 : memref<1x1x16x128xf32, #tpu.memory_space<vmem>> -> memref<16x128xf32, #tpu.memory_space<vmem>>
      tpu.enqueue_dma source(%dma_start3A_825 : memref<16x128xf32, #tpu.memory_space<vmem>>) target(%dma_start3A_821 : memref<16x128xf32, #tpu.memory_space<hbm>>) target_semaphore(%arg10 : memref<!tpu.dma_semaphore, #tpu.memory_space<semaphore_mem>>)
      %mul3A_826 = arith.constant 8 : i32
      %mul3A_827 = arith.muli %select_n3A_685, %mul3A_826 : i32
      %add3A_828 = arith.constant 1792 : i32
      %add3A_829 = arith.addi %add3A_828, %mul3A_827 : i32
      %dma_start3A_830 = arith.constant 0 : i32
      %dma_start3A_831 = arith.constant 7 : i32
      %dma_start3A_832 = arith.constant 0 : i32
      %dma_start3A_833 = arith.constant 0 : i32
      %dma_start3A_834 = tpu.memref_slice %arg7[%dma_start3A_830, %dma_start3A_831, %dma_start3A_832, %dma_start3A_833] : memref<2x8x16x129xf32, #tpu.memory_space<vmem>> -> memref<1x1x16x128xf32, #tpu.memory_space<vmem>>
      %dma_start3A_835 = tpu.memref_squeeze %dma_start3A_834 : memref<1x1x16x128xf32, #tpu.memory_space<vmem>> -> memref<16x128xf32, #tpu.memory_space<vmem>>
      %dma_start3A_836 = arith.constant 0 : i32
      %dma_start3A_837 = tpu.memref_slice %arg4[%select_n3A_669, %add3A_829, %dma_start3A_836] : memref<200x2048x128xf32, #tpu.memory_space<hbm>> -> memref<1x16x128xf32, #tpu.memory_space<hbm>>
      %dma_start3A_838 = tpu.memref_squeeze %dma_start3A_837 : memref<1x16x128xf32, #tpu.memory_space<hbm>> -> memref<16x128xf32, #tpu.memory_space<hbm>>
      %dma_start3A_839 = arith.constant 0 : i32
      %dma_start3A_840 = tpu.memref_slice %arg4[%select_n3A_669, %add3A_829, %dma_start3A_839] : memref<200x2048x128xf32, #tpu.memory_space<hbm>> -> memref<1x16x128xf32, #tpu.memory_space<hbm>>
      %dma_start3A_841 = tpu.memref_squeeze %dma_start3A_840 : memref<1x16x128xf32, #tpu.memory_space<hbm>> -> memref<16x128xf32, #tpu.memory_space<hbm>>
      %dma_start3A_842 = arith.constant 0 : i32
      %dma_start3A_843 = arith.constant 0 : i32
      %dma_start3A_844 = tpu.memref_slice %arg7[%dma_start3A_830, %dma_start3A_831, %dma_start3A_842, %dma_start3A_843] : memref<2x8x16x129xf32, #tpu.memory_space<vmem>> -> memref<1x1x16x128xf32, #tpu.memory_space<vmem>>
      %dma_start3A_845 = tpu.memref_squeeze %dma_start3A_844 : memref<1x1x16x128xf32, #tpu.memory_space<vmem>> -> memref<16x128xf32, #tpu.memory_space<vmem>>
      tpu.enqueue_dma source(%dma_start3A_845 : memref<16x128xf32, #tpu.memory_space<vmem>>) target(%dma_start3A_841 : memref<16x128xf32, #tpu.memory_space<hbm>>) target_semaphore(%arg10 : memref<!tpu.dma_semaphore, #tpu.memory_space<semaphore_mem>>)
      %add3A_846 = arith.constant 2 : i32
      %add3A_847 = arith.addi %add3A_604, %add3A_846 : i32
      %lt3A_848 = arith.constant 100 : i32
      %lt3A_849 = arith.cmpi slt, %add3A_847, %lt3A_848 : i32
      %convert_element_type3A_850 = arith.extui %lt3A_849 : i1 to i32
      %cond3A_851 = arith.constant 0 : i32
      %cond3A_852 = arith.cmpi ne, %convert_element_type3A_850, %cond3A_851 : i32
      scf.if %cond3A_852 {
        %add3A_1108 = arith.constant 2 : i32
        %add3A_1109 = arith.addi %add3A_604, %add3A_1108 : i32
        %mul3A_1110 = arith.constant 2 : i32
        %mul3A_1111 = arith.muli %add3A_1109, %mul3A_1110 : i32
        %add3A_1112 = arith.constant 0 : i32
        %add3A_1113 = arith.addi %mul3A_1111, %add3A_1112 : i32
        %mul3A_1114 = arith.constant 128 : i32
        %mul3A_1115 = arith.muli %add3A_1113, %mul3A_1114 : i32
        %dma_start3A_1116 = arith.constant 0 : i32
        %dma_start3A_1117 = arith.constant 0 : i32
        %dma_start3A_1118 = arith.constant 0 : i32
        %dma_start3A_1119 = tpu.memref_slice %arg6[%dma_start3A_1116, %dma_start3A_1117, %dma_start3A_1118] : memref<2x256x64xf32, #tpu.memory_space<vmem>> -> memref<1x128x64xf32, #tpu.memory_space<vmem>>
        %dma_start3A_1120 = tpu.memref_squeeze %dma_start3A_1119 : memref<1x128x64xf32, #tpu.memory_space<vmem>> -> memref<128x64xf32, #tpu.memory_space<vmem>>
        %dma_start3A_1121 = tpu.memref_slice %arg5[%mul3A_1115] : memref<25600xi32, #tpu.memory_space<vmem>> -> memref<128xi32, #tpu.memory_space<vmem>>
        %dma_start3A_1122 = arith.constant 0 : i32
        %dma_start3A_1123 = arith.constant 0 : i32
        %dma_start3A_1124 = tpu.memref_slice %arg3[%dma_start3A_1122, %dma_start3A_1123] : memref<1000000x64xf32, #tpu.memory_space<hbm>> -> memref<1000000x64xf32, #tpu.memory_space<hbm>>
        tpu.enqueue_indirect_dma source(%dma_start3A_1124 : memref<1000000x64xf32, #tpu.memory_space<hbm>>) target(%dma_start3A_1120 : memref<128x64xf32, #tpu.memory_space<vmem>>) offsets(%dma_start3A_1121 : memref<128xi32, #tpu.memory_space<vmem>>) semaphore(%arg8 : memref<!tpu.dma_semaphore, #tpu.memory_space<semaphore_mem>>)
        %mul3A_1125 = arith.constant 2 : i32
        %mul3A_1126 = arith.muli %add3A_1109, %mul3A_1125 : i32
        %add3A_1127 = arith.constant 1 : i32
        %add3A_1128 = arith.addi %mul3A_1126, %add3A_1127 : i32
        %mul3A_1129 = arith.constant 128 : i32
        %mul3A_1130 = arith.muli %add3A_1128, %mul3A_1129 : i32
        %dma_start3A_1131 = arith.constant 0 : i32
        %dma_start3A_1132 = arith.constant 128 : i32
        %dma_start3A_1133 = arith.constant 0 : i32
        %dma_start3A_1134 = tpu.memref_slice %arg6[%dma_start3A_1131, %dma_start3A_1132, %dma_start3A_1133] : memref<2x256x64xf32, #tpu.memory_space<vmem>> -> memref<1x128x64xf32, #tpu.memory_space<vmem>>
        %dma_start3A_1135 = tpu.memref_squeeze %dma_start3A_1134 : memref<1x128x64xf32, #tpu.memory_space<vmem>> -> memref<128x64xf32, #tpu.memory_space<vmem>>
        %dma_start3A_1136 = tpu.memref_slice %arg5[%mul3A_1130] : memref<25600xi32, #tpu.memory_space<vmem>> -> memref<128xi32, #tpu.memory_space<vmem>>
        %dma_start3A_1137 = arith.constant 0 : i32
        %dma_start3A_1138 = arith.constant 0 : i32
        %dma_start3A_1139 = tpu.memref_slice %arg3[%dma_start3A_1137, %dma_start3A_1138] : memref<1000000x64xf32, #tpu.memory_space<hbm>> -> memref<1000000x64xf32, #tpu.memory_space<hbm>>
        tpu.enqueue_indirect_dma source(%dma_start3A_1139 : memref<1000000x64xf32, #tpu.memory_space<hbm>>) target(%dma_start3A_1135 : memref<128x64xf32, #tpu.memory_space<vmem>>) offsets(%dma_start3A_1136 : memref<128xi32, #tpu.memory_space<vmem>>) semaphore(%arg8 : memref<!tpu.dma_semaphore, #tpu.memory_space<semaphore_mem>>)
      } else {
      }
      %mul3A_853 = arith.constant 2 : i32
      %mul3A_854 = arith.muli %scan3A_600, %mul3A_853 : i32
      %add3A_855 = arith.constant 1 : i32
      %add3A_856 = arith.addi %mul3A_854, %add3A_855 : i32
      %mul3A_857 = arith.constant 2 : i32
      %mul3A_858 = arith.muli %add3A_856, %mul3A_857 : i32
      %add3A_859 = arith.constant 0 : i32
      %add3A_860 = arith.addi %mul3A_858, %add3A_859 : i32
      %mul3A_861 = arith.constant 128 : i32
      %mul3A_862 = arith.muli %add3A_860, %mul3A_861 : i32
      %dma_wait3A_863 = arith.constant 1 : i32
      %dma_wait3A_864 = arith.constant 0 : i32
      %dma_wait3A_865 = arith.constant 0 : i32
      %dma_wait3A_866 = tpu.memref_slice %arg6[%dma_wait3A_863, %dma_wait3A_864, %dma_wait3A_865] : memref<2x256x64xf32, #tpu.memory_space<vmem>> -> memref<1x128x64xf32, #tpu.memory_space<vmem>>
      %dma_wait3A_867 = tpu.memref_squeeze %dma_wait3A_866 : memref<1x128x64xf32, #tpu.memory_space<vmem>> -> memref<128x64xf32, #tpu.memory_space<vmem>>
      %dma_wait3A_868 = tpu.memref_slice %arg5[%mul3A_862] : memref<25600xi32, #tpu.memory_space<vmem>> -> memref<128xi32, #tpu.memory_space<vmem>>
      %dma_wait3A_869 = arith.constant 0 : i32
      %dma_wait3A_870 = arith.constant 0 : i32
      %dma_wait3A_871 = tpu.memref_slice %arg3[%dma_wait3A_869, %dma_wait3A_870] : memref<1000000x64xf32, #tpu.memory_space<hbm>> -> memref<1000000x64xf32, #tpu.memory_space<hbm>>
      tpu.wait_indirect_dma semaphore(%arg9 : memref<!tpu.dma_semaphore, #tpu.memory_space<semaphore_mem>>) src(%dma_wait3A_871 : memref<1000000x64xf32, #tpu.memory_space<hbm>>) dst(%dma_wait3A_867 : memref<128x64xf32, #tpu.memory_space<vmem>>)
      %mul3A_872 = arith.constant 2 : i32
      %mul3A_873 = arith.muli %add3A_856, %mul3A_872 : i32
      %add3A_874 = arith.constant 1 : i32
      %add3A_875 = arith.addi %mul3A_873, %add3A_874 : i32
      %mul3A_876 = arith.constant 128 : i32
      %mul3A_877 = arith.muli %add3A_875, %mul3A_876 : i32
      %dma_wait3A_878 = arith.constant 1 : i32
      %dma_wait3A_879 = arith.constant 128 : i32
      %dma_wait3A_880 = arith.constant 0 : i32
      %dma_wait3A_881 = tpu.memref_slice %arg6[%dma_wait3A_878, %dma_wait3A_879, %dma_wait3A_880] : memref<2x256x64xf32, #tpu.memory_space<vmem>> -> memref<1x128x64xf32, #tpu.memory_space<vmem>>
      %dma_wait3A_882 = tpu.memref_squeeze %dma_wait3A_881 : memref<1x128x64xf32, #tpu.memory_space<vmem>> -> memref<128x64xf32, #tpu.memory_space<vmem>>
      %dma_wait3A_883 = tpu.memref_slice %arg5[%mul3A_877] : memref<25600xi32, #tpu.memory_space<vmem>> -> memref<128xi32, #tpu.memory_space<vmem>>
      %dma_wait3A_884 = arith.constant 0 : i32
      %dma_wait3A_885 = arith.constant 0 : i32
      %dma_wait3A_886 = tpu.memref_slice %arg3[%dma_wait3A_884, %dma_wait3A_885] : memref<1000000x64xf32, #tpu.memory_space<hbm>> -> memref<1000000x64xf32, #tpu.memory_space<hbm>>
      tpu.wait_indirect_dma semaphore(%arg9 : memref<!tpu.dma_semaphore, #tpu.memory_space<semaphore_mem>>) src(%dma_wait3A_886 : memref<1000000x64xf32, #tpu.memory_space<hbm>>) dst(%dma_wait3A_882 : memref<128x64xf32, #tpu.memory_space<vmem>>)
      %ge3A_887 = arith.constant 2 : i32
      %ge3A_888 = arith.cmpi sge, %add3A_856, %ge3A_887 : i32
      %convert_element_type3A_889 = arith.extui %ge3A_888 : i1 to i32
      %cond3A_890 = arith.constant 0 : i32
      %cond3A_891 = arith.cmpi ne, %convert_element_type3A_889, %cond3A_890 : i32
      scf.if %cond3A_891 {
        %sub3A_1108 = arith.constant 2 : i32
        %sub3A_1109 = arith.subi %add3A_856, %sub3A_1108 : i32
        %mul3A_1110 = arith.constant 2 : i32
        %mul3A_1111 = arith.muli %sub3A_1109, %mul3A_1110 : i32
        %add3A_1112 = arith.addi %mul3A_2, %mul3A_1111 : i32
        %jit3A_1113 = arith.constant 32 : i32
        %div3A_1114 = arith.divsi %add3A_1112, %jit3A_1113 : i32
        %sign3A_1115 = arith.constant 0 : i32
        %sign3A_1116 = arith.cmpi sgt, %add3A_1112, %sign3A_1115 : i32
        %sign3A_1117 = arith.extui %sign3A_1116 : i1 to i32
        %sign3A_1118 = arith.constant 0 : i32
        %sign3A_1119 = arith.cmpi slt, %add3A_1112, %sign3A_1118 : i32
        %sign3A_1120 = arith.extui %sign3A_1119 : i1 to i32
        %sign3A_1121 = arith.subi %sign3A_1117, %sign3A_1120 : i32
        %sign3A_1122 = arith.constant 0 : i32
        %sign3A_1123 = arith.cmpi sgt, %jit3A_1113, %sign3A_1122 : i32
        %sign3A_1124 = arith.extui %sign3A_1123 : i1 to i32
        %sign3A_1125 = arith.constant 0 : i32
        %sign3A_1126 = arith.cmpi slt, %jit3A_1113, %sign3A_1125 : i32
        %sign3A_1127 = arith.extui %sign3A_1126 : i1 to i32
        %sign3A_1128 = arith.subi %sign3A_1124, %sign3A_1127 : i32
        %ne3A_1129 = arith.cmpi ne, %sign3A_1121, %sign3A_1128 : i32
        %rem3A_1130 = arith.remsi %add3A_1112, %jit3A_1113 : i32
        %ne3A_1131 = arith.constant 0 : i32
        %ne3A_1132 = arith.cmpi ne, %rem3A_1130, %ne3A_1131 : i32
        %and3A_1133 = arith.andi %ne3A_1129, %ne3A_1132 : i1
        %sub3A_1134 = arith.constant 1 : i32
        %sub3A_1135 = arith.subi %div3A_1114, %sub3A_1134 : i32
        %select_n3A_1136 = arith.select %and3A_1133, %sub3A_1135, %div3A_1114 : i32
        %jit3A_1137 = arith.constant 32 : i32
        %eq3A_1138 = arith.constant 0 : i32
        %eq3A_1139 = arith.cmpi eq, %jit3A_1137, %eq3A_1138 : i32
        %jit3A_1140 = arith.constant 1 : i32
        %select_n3A_1141 = arith.select %eq3A_1139, %jit3A_1140, %jit3A_1137 : i32
        %rem3A_1142 = arith.remsi %add3A_1112, %select_n3A_1141 : i32
        %ne3A_1143 = arith.constant 0 : i32
        %ne3A_1144 = arith.cmpi ne, %rem3A_1142, %ne3A_1143 : i32
        %lt3A_1145 = arith.constant 0 : i32
        %lt3A_1146 = arith.cmpi slt, %rem3A_1142, %lt3A_1145 : i32
        %lt3A_1147 = arith.constant 0 : i32
        %lt3A_1148 = arith.cmpi slt, %select_n3A_1141, %lt3A_1147 : i32
        %ne3A_1149 = arith.xori %lt3A_1146, %lt3A_1148 : i1
        %and3A_1150 = arith.andi %ne3A_1149, %ne3A_1144 : i1
        %add3A_1151 = arith.addi %rem3A_1142, %select_n3A_1141 : i32
        %select_n3A_1152 = arith.select %and3A_1150, %add3A_1151, %rem3A_1142 : i32
        %mul3A_1153 = arith.constant 8 : i32
        %mul3A_1154 = arith.muli %select_n3A_1152, %mul3A_1153 : i32
        %add3A_1155 = arith.constant 0 : i32
        %add3A_1156 = arith.addi %add3A_1155, %mul3A_1154 : i32
        %dma_wait3A_1157 = arith.constant 1 : i32
        %dma_wait3A_1158 = arith.constant 0 : i32
        %dma_wait3A_1159 = arith.constant 0 : i32
        %dma_wait3A_1160 = arith.constant 0 : i32
        %dma_wait3A_1161 = tpu.memref_slice %arg7[%dma_wait3A_1157, %dma_wait3A_1158, %dma_wait3A_1159, %dma_wait3A_1160] : memref<2x8x16x129xf32, #tpu.memory_space<vmem>> -> memref<1x1x16x128xf32, #tpu.memory_space<vmem>>
        %dma_wait3A_1162 = tpu.memref_squeeze %dma_wait3A_1161 : memref<1x1x16x128xf32, #tpu.memory_space<vmem>> -> memref<16x128xf32, #tpu.memory_space<vmem>>
        %dma_wait3A_1163 = arith.constant 0 : i32
        %dma_wait3A_1164 = tpu.memref_slice %arg4[%select_n3A_1136, %add3A_1156, %dma_wait3A_1163] : memref<200x2048x128xf32, #tpu.memory_space<hbm>> -> memref<1x16x128xf32, #tpu.memory_space<hbm>>
        %dma_wait3A_1165 = tpu.memref_squeeze %dma_wait3A_1164 : memref<1x16x128xf32, #tpu.memory_space<hbm>> -> memref<16x128xf32, #tpu.memory_space<hbm>>
        %dma_wait3A_1166 = arith.constant 0 : i32
        %dma_wait3A_1167 = tpu.memref_slice %arg4[%select_n3A_1136, %add3A_1156, %dma_wait3A_1166] : memref<200x2048x128xf32, #tpu.memory_space<hbm>> -> memref<1x16x128xf32, #tpu.memory_space<hbm>>
        %dma_wait3A_1168 = tpu.memref_squeeze %dma_wait3A_1167 : memref<1x16x128xf32, #tpu.memory_space<hbm>> -> memref<16x128xf32, #tpu.memory_space<hbm>>
        %dma_wait3A_1169 = arith.constant 0 : i32
        %dma_wait3A_1170 = arith.constant 0 : i32
        %dma_wait3A_1171 = tpu.memref_slice %arg7[%dma_wait3A_1157, %dma_wait3A_1158, %dma_wait3A_1169, %dma_wait3A_1170] : memref<2x8x16x129xf32, #tpu.memory_space<vmem>> -> memref<1x1x16x128xf32, #tpu.memory_space<vmem>>
        %dma_wait3A_1172 = tpu.memref_squeeze %dma_wait3A_1171 : memref<1x1x16x128xf32, #tpu.memory_space<vmem>> -> memref<16x128xf32, #tpu.memory_space<vmem>>
        tpu.wait_dma2 semaphore(%arg11 : memref<!tpu.dma_semaphore, #tpu.memory_space<semaphore_mem>>) src(%dma_wait3A_1172 : memref<16x128xf32, #tpu.memory_space<vmem>>) dst(%dma_wait3A_1168 : memref<16x128xf32, #tpu.memory_space<hbm>>)
        %mul3A_1173 = arith.constant 8 : i32
        %mul3A_1174 = arith.muli %select_n3A_1152, %mul3A_1173 : i32
        %add3A_1175 = arith.constant 256 : i32
        %add3A_1176 = arith.addi %add3A_1175, %mul3A_1174 : i32
        %dma_wait3A_1177 = arith.constant 1 : i32
        %dma_wait3A_1178 = arith.constant 1 : i32
        %dma_wait3A_1179 = arith.constant 0 : i32
        %dma_wait3A_1180 = arith.constant 0 : i32
        %dma_wait3A_1181 = tpu.memref_slice %arg7[%dma_wait3A_1177, %dma_wait3A_1178, %dma_wait3A_1179, %dma_wait3A_1180] : memref<2x8x16x129xf32, #tpu.memory_space<vmem>> -> memref<1x1x16x128xf32, #tpu.memory_space<vmem>>
        %dma_wait3A_1182 = tpu.memref_squeeze %dma_wait3A_1181 : memref<1x1x16x128xf32, #tpu.memory_space<vmem>> -> memref<16x128xf32, #tpu.memory_space<vmem>>
        %dma_wait3A_1183 = arith.constant 0 : i32
        %dma_wait3A_1184 = tpu.memref_slice %arg4[%select_n3A_1136, %add3A_1176, %dma_wait3A_1183] : memref<200x2048x128xf32, #tpu.memory_space<hbm>> -> memref<1x16x128xf32, #tpu.memory_space<hbm>>
        %dma_wait3A_1185 = tpu.memref_squeeze %dma_wait3A_1184 : memref<1x16x128xf32, #tpu.memory_space<hbm>> -> memref<16x128xf32, #tpu.memory_space<hbm>>
        %dma_wait3A_1186 = arith.constant 0 : i32
        %dma_wait3A_1187 = tpu.memref_slice %arg4[%select_n3A_1136, %add3A_1176, %dma_wait3A_1186] : memref<200x2048x128xf32, #tpu.memory_space<hbm>> -> memref<1x16x128xf32, #tpu.memory_space<hbm>>
        %dma_wait3A_1188 = tpu.memref_squeeze %dma_wait3A_1187 : memref<1x16x128xf32, #tpu.memory_space<hbm>> -> memref<16x128xf32, #tpu.memory_space<hbm>>
        %dma_wait3A_1189 = arith.constant 0 : i32
        %dma_wait3A_1190 = arith.constant 0 : i32
        %dma_wait3A_1191 = tpu.memref_slice %arg7[%dma_wait3A_1177, %dma_wait3A_1178, %dma_wait3A_1189, %dma_wait3A_1190] : memref<2x8x16x129xf32, #tpu.memory_space<vmem>> -> memref<1x1x16x128xf32, #tpu.memory_space<vmem>>
        %dma_wait3A_1192 = tpu.memref_squeeze %dma_wait3A_1191 : memref<1x1x16x128xf32, #tpu.memory_space<vmem>> -> memref<16x128xf32, #tpu.memory_space<vmem>>
        tpu.wait_dma2 semaphore(%arg11 : memref<!tpu.dma_semaphore, #tpu.memory_space<semaphore_mem>>) src(%dma_wait3A_1192 : memref<16x128xf32, #tpu.memory_space<vmem>>) dst(%dma_wait3A_1188 : memref<16x128xf32, #tpu.memory_space<hbm>>)
        %mul3A_1193 = arith.constant 8 : i32
        %mul3A_1194 = arith.muli %select_n3A_1152, %mul3A_1193 : i32
        %add3A_1195 = arith.constant 512 : i32
        %add3A_1196 = arith.addi %add3A_1195, %mul3A_1194 : i32
        %dma_wait3A_1197 = arith.constant 1 : i32
        %dma_wait3A_1198 = arith.constant 2 : i32
        %dma_wait3A_1199 = arith.constant 0 : i32
        %dma_wait3A_1200 = arith.constant 0 : i32
        %dma_wait3A_1201 = tpu.memref_slice %arg7[%dma_wait3A_1197, %dma_wait3A_1198, %dma_wait3A_1199, %dma_wait3A_1200] : memref<2x8x16x129xf32, #tpu.memory_space<vmem>> -> memref<1x1x16x128xf32, #tpu.memory_space<vmem>>
        %dma_wait3A_1202 = tpu.memref_squeeze %dma_wait3A_1201 : memref<1x1x16x128xf32, #tpu.memory_space<vmem>> -> memref<16x128xf32, #tpu.memory_space<vmem>>
        %dma_wait3A_1203 = arith.constant 0 : i32
        %dma_wait3A_1204 = tpu.memref_slice %arg4[%select_n3A_1136, %add3A_1196, %dma_wait3A_1203] : memref<200x2048x128xf32, #tpu.memory_space<hbm>> -> memref<1x16x128xf32, #tpu.memory_space<hbm>>
        %dma_wait3A_1205 = tpu.memref_squeeze %dma_wait3A_1204 : memref<1x16x128xf32, #tpu.memory_space<hbm>> -> memref<16x128xf32, #tpu.memory_space<hbm>>
        %dma_wait3A_1206 = arith.constant 0 : i32
        %dma_wait3A_1207 = tpu.memref_slice %arg4[%select_n3A_1136, %add3A_1196, %dma_wait3A_1206] : memref<200x2048x128xf32, #tpu.memory_space<hbm>> -> memref<1x16x128xf32, #tpu.memory_space<hbm>>
        %dma_wait3A_1208 = tpu.memref_squeeze %dma_wait3A_1207 : memref<1x16x128xf32, #tpu.memory_space<hbm>> -> memref<16x128xf32, #tpu.memory_space<hbm>>
        %dma_wait3A_1209 = arith.constant 0 : i32
        %dma_wait3A_1210 = arith.constant 0 : i32
        %dma_wait3A_1211 = tpu.memref_slice %arg7[%dma_wait3A_1197, %dma_wait3A_1198, %dma_wait3A_1209, %dma_wait3A_1210] : memref<2x8x16x129xf32, #tpu.memory_space<vmem>> -> memref<1x1x16x128xf32, #tpu.memory_space<vmem>>
        %dma_wait3A_1212 = tpu.memref_squeeze %dma_wait3A_1211 : memref<1x1x16x128xf32, #tpu.memory_space<vmem>> -> memref<16x128xf32, #tpu.memory_space<vmem>>
        tpu.wait_dma2 semaphore(%arg11 : memref<!tpu.dma_semaphore, #tpu.memory_space<semaphore_mem>>) src(%dma_wait3A_1212 : memref<16x128xf32, #tpu.memory_space<vmem>>) dst(%dma_wait3A_1208 : memref<16x128xf32, #tpu.memory_space<hbm>>)
        %mul3A_1213 = arith.constant 8 : i32
        %mul3A_1214 = arith.muli %select_n3A_1152, %mul3A_1213 : i32
        %add3A_1215 = arith.constant 768 : i32
        %add3A_1216 = arith.addi %add3A_1215, %mul3A_1214 : i32
        %dma_wait3A_1217 = arith.constant 1 : i32
        %dma_wait3A_1218 = arith.constant 3 : i32
        %dma_wait3A_1219 = arith.constant 0 : i32
        %dma_wait3A_1220 = arith.constant 0 : i32
        %dma_wait3A_1221 = tpu.memref_slice %arg7[%dma_wait3A_1217, %dma_wait3A_1218, %dma_wait3A_1219, %dma_wait3A_1220] : memref<2x8x16x129xf32, #tpu.memory_space<vmem>> -> memref<1x1x16x128xf32, #tpu.memory_space<vmem>>
        %dma_wait3A_1222 = tpu.memref_squeeze %dma_wait3A_1221 : memref<1x1x16x128xf32, #tpu.memory_space<vmem>> -> memref<16x128xf32, #tpu.memory_space<vmem>>
        %dma_wait3A_1223 = arith.constant 0 : i32
        %dma_wait3A_1224 = tpu.memref_slice %arg4[%select_n3A_1136, %add3A_1216, %dma_wait3A_1223] : memref<200x2048x128xf32, #tpu.memory_space<hbm>> -> memref<1x16x128xf32, #tpu.memory_space<hbm>>
        %dma_wait3A_1225 = tpu.memref_squeeze %dma_wait3A_1224 : memref<1x16x128xf32, #tpu.memory_space<hbm>> -> memref<16x128xf32, #tpu.memory_space<hbm>>
        %dma_wait3A_1226 = arith.constant 0 : i32
        %dma_wait3A_1227 = tpu.memref_slice %arg4[%select_n3A_1136, %add3A_1216, %dma_wait3A_1226] : memref<200x2048x128xf32, #tpu.memory_space<hbm>> -> memref<1x16x128xf32, #tpu.memory_space<hbm>>
        %dma_wait3A_1228 = tpu.memref_squeeze %dma_wait3A_1227 : memref<1x16x128xf32, #tpu.memory_space<hbm>> -> memref<16x128xf32, #tpu.memory_space<hbm>>
        %dma_wait3A_1229 = arith.constant 0 : i32
        %dma_wait3A_1230 = arith.constant 0 : i32
        %dma_wait3A_1231 = tpu.memref_slice %arg7[%dma_wait3A_1217, %dma_wait3A_1218, %dma_wait3A_1229, %dma_wait3A_1230] : memref<2x8x16x129xf32, #tpu.memory_space<vmem>> -> memref<1x1x16x128xf32, #tpu.memory_space<vmem>>
        %dma_wait3A_1232 = tpu.memref_squeeze %dma_wait3A_1231 : memref<1x1x16x128xf32, #tpu.memory_space<vmem>> -> memref<16x128xf32, #tpu.memory_space<vmem>>
        tpu.wait_dma2 semaphore(%arg11 : memref<!tpu.dma_semaphore, #tpu.memory_space<semaphore_mem>>) src(%dma_wait3A_1232 : memref<16x128xf32, #tpu.memory_space<vmem>>) dst(%dma_wait3A_1228 : memref<16x128xf32, #tpu.memory_space<hbm>>)
        %mul3A_1233 = arith.constant 8 : i32
        %mul3A_1234 = arith.muli %select_n3A_1152, %mul3A_1233 : i32
        %add3A_1235 = arith.constant 1024 : i32
        %add3A_1236 = arith.addi %add3A_1235, %mul3A_1234 : i32
        %dma_wait3A_1237 = arith.constant 1 : i32
        %dma_wait3A_1238 = arith.constant 4 : i32
        %dma_wait3A_1239 = arith.constant 0 : i32
        %dma_wait3A_1240 = arith.constant 0 : i32
        %dma_wait3A_1241 = tpu.memref_slice %arg7[%dma_wait3A_1237, %dma_wait3A_1238, %dma_wait3A_1239, %dma_wait3A_1240] : memref<2x8x16x129xf32, #tpu.memory_space<vmem>> -> memref<1x1x16x128xf32, #tpu.memory_space<vmem>>
        %dma_wait3A_1242 = tpu.memref_squeeze %dma_wait3A_1241 : memref<1x1x16x128xf32, #tpu.memory_space<vmem>> -> memref<16x128xf32, #tpu.memory_space<vmem>>
        %dma_wait3A_1243 = arith.constant 0 : i32
        %dma_wait3A_1244 = tpu.memref_slice %arg4[%select_n3A_1136, %add3A_1236, %dma_wait3A_1243] : memref<200x2048x128xf32, #tpu.memory_space<hbm>> -> memref<1x16x128xf32, #tpu.memory_space<hbm>>
        %dma_wait3A_1245 = tpu.memref_squeeze %dma_wait3A_1244 : memref<1x16x128xf32, #tpu.memory_space<hbm>> -> memref<16x128xf32, #tpu.memory_space<hbm>>
        %dma_wait3A_1246 = arith.constant 0 : i32
        %dma_wait3A_1247 = tpu.memref_slice %arg4[%select_n3A_1136, %add3A_1236, %dma_wait3A_1246] : memref<200x2048x128xf32, #tpu.memory_space<hbm>> -> memref<1x16x128xf32, #tpu.memory_space<hbm>>
        %dma_wait3A_1248 = tpu.memref_squeeze %dma_wait3A_1247 : memref<1x16x128xf32, #tpu.memory_space<hbm>> -> memref<16x128xf32, #tpu.memory_space<hbm>>
        %dma_wait3A_1249 = arith.constant 0 : i32
        %dma_wait3A_1250 = arith.constant 0 : i32
        %dma_wait3A_1251 = tpu.memref_slice %arg7[%dma_wait3A_1237, %dma_wait3A_1238, %dma_wait3A_1249, %dma_wait3A_1250] : memref<2x8x16x129xf32, #tpu.memory_space<vmem>> -> memref<1x1x16x128xf32, #tpu.memory_space<vmem>>
        %dma_wait3A_1252 = tpu.memref_squeeze %dma_wait3A_1251 : memref<1x1x16x128xf32, #tpu.memory_space<vmem>> -> memref<16x128xf32, #tpu.memory_space<vmem>>
        tpu.wait_dma2 semaphore(%arg11 : memref<!tpu.dma_semaphore, #tpu.memory_space<semaphore_mem>>) src(%dma_wait3A_1252 : memref<16x128xf32, #tpu.memory_space<vmem>>) dst(%dma_wait3A_1248 : memref<16x128xf32, #tpu.memory_space<hbm>>)
        %mul3A_1253 = arith.constant 8 : i32
        %mul3A_1254 = arith.muli %select_n3A_1152, %mul3A_1253 : i32
        %add3A_1255 = arith.constant 1280 : i32
        %add3A_1256 = arith.addi %add3A_1255, %mul3A_1254 : i32
        %dma_wait3A_1257 = arith.constant 1 : i32
        %dma_wait3A_1258 = arith.constant 5 : i32
        %dma_wait3A_1259 = arith.constant 0 : i32
        %dma_wait3A_1260 = arith.constant 0 : i32
        %dma_wait3A_1261 = tpu.memref_slice %arg7[%dma_wait3A_1257, %dma_wait3A_1258, %dma_wait3A_1259, %dma_wait3A_1260] : memref<2x8x16x129xf32, #tpu.memory_space<vmem>> -> memref<1x1x16x128xf32, #tpu.memory_space<vmem>>
        %dma_wait3A_1262 = tpu.memref_squeeze %dma_wait3A_1261 : memref<1x1x16x128xf32, #tpu.memory_space<vmem>> -> memref<16x128xf32, #tpu.memory_space<vmem>>
        %dma_wait3A_1263 = arith.constant 0 : i32
        %dma_wait3A_1264 = tpu.memref_slice %arg4[%select_n3A_1136, %add3A_1256, %dma_wait3A_1263] : memref<200x2048x128xf32, #tpu.memory_space<hbm>> -> memref<1x16x128xf32, #tpu.memory_space<hbm>>
        %dma_wait3A_1265 = tpu.memref_squeeze %dma_wait3A_1264 : memref<1x16x128xf32, #tpu.memory_space<hbm>> -> memref<16x128xf32, #tpu.memory_space<hbm>>
        %dma_wait3A_1266 = arith.constant 0 : i32
        %dma_wait3A_1267 = tpu.memref_slice %arg4[%select_n3A_1136, %add3A_1256, %dma_wait3A_1266] : memref<200x2048x128xf32, #tpu.memory_space<hbm>> -> memref<1x16x128xf32, #tpu.memory_space<hbm>>
        %dma_wait3A_1268 = tpu.memref_squeeze %dma_wait3A_1267 : memref<1x16x128xf32, #tpu.memory_space<hbm>> -> memref<16x128xf32, #tpu.memory_space<hbm>>
        %dma_wait3A_1269 = arith.constant 0 : i32
        %dma_wait3A_1270 = arith.constant 0 : i32
        %dma_wait3A_1271 = tpu.memref_slice %arg7[%dma_wait3A_1257, %dma_wait3A_1258, %dma_wait3A_1269, %dma_wait3A_1270] : memref<2x8x16x129xf32, #tpu.memory_space<vmem>> -> memref<1x1x16x128xf32, #tpu.memory_space<vmem>>
        %dma_wait3A_1272 = tpu.memref_squeeze %dma_wait3A_1271 : memref<1x1x16x128xf32, #tpu.memory_space<vmem>> -> memref<16x128xf32, #tpu.memory_space<vmem>>
        tpu.wait_dma2 semaphore(%arg11 : memref<!tpu.dma_semaphore, #tpu.memory_space<semaphore_mem>>) src(%dma_wait3A_1272 : memref<16x128xf32, #tpu.memory_space<vmem>>) dst(%dma_wait3A_1268 : memref<16x128xf32, #tpu.memory_space<hbm>>)
        %mul3A_1273 = arith.constant 8 : i32
        %mul3A_1274 = arith.muli %select_n3A_1152, %mul3A_1273 : i32
        %add3A_1275 = arith.constant 1536 : i32
        %add3A_1276 = arith.addi %add3A_1275, %mul3A_1274 : i32
        %dma_wait3A_1277 = arith.constant 1 : i32
        %dma_wait3A_1278 = arith.constant 6 : i32
        %dma_wait3A_1279 = arith.constant 0 : i32
        %dma_wait3A_1280 = arith.constant 0 : i32
        %dma_wait3A_1281 = tpu.memref_slice %arg7[%dma_wait3A_1277, %dma_wait3A_1278, %dma_wait3A_1279, %dma_wait3A_1280] : memref<2x8x16x129xf32, #tpu.memory_space<vmem>> -> memref<1x1x16x128xf32, #tpu.memory_space<vmem>>
        %dma_wait3A_1282 = tpu.memref_squeeze %dma_wait3A_1281 : memref<1x1x16x128xf32, #tpu.memory_space<vmem>> -> memref<16x128xf32, #tpu.memory_space<vmem>>
        %dma_wait3A_1283 = arith.constant 0 : i32
        %dma_wait3A_1284 = tpu.memref_slice %arg4[%select_n3A_1136, %add3A_1276, %dma_wait3A_1283] : memref<200x2048x128xf32, #tpu.memory_space<hbm>> -> memref<1x16x128xf32, #tpu.memory_space<hbm>>
        %dma_wait3A_1285 = tpu.memref_squeeze %dma_wait3A_1284 : memref<1x16x128xf32, #tpu.memory_space<hbm>> -> memref<16x128xf32, #tpu.memory_space<hbm>>
        %dma_wait3A_1286 = arith.constant 0 : i32
        %dma_wait3A_1287 = tpu.memref_slice %arg4[%select_n3A_1136, %add3A_1276, %dma_wait3A_1286] : memref<200x2048x128xf32, #tpu.memory_space<hbm>> -> memref<1x16x128xf32, #tpu.memory_space<hbm>>
        %dma_wait3A_1288 = tpu.memref_squeeze %dma_wait3A_1287 : memref<1x16x128xf32, #tpu.memory_space<hbm>> -> memref<16x128xf32, #tpu.memory_space<hbm>>
        %dma_wait3A_1289 = arith.constant 0 : i32
        %dma_wait3A_1290 = arith.constant 0 : i32
        %dma_wait3A_1291 = tpu.memref_slice %arg7[%dma_wait3A_1277, %dma_wait3A_1278, %dma_wait3A_1289, %dma_wait3A_1290] : memref<2x8x16x129xf32, #tpu.memory_space<vmem>> -> memref<1x1x16x128xf32, #tpu.memory_space<vmem>>
        %dma_wait3A_1292 = tpu.memref_squeeze %dma_wait3A_1291 : memref<1x1x16x128xf32, #tpu.memory_space<vmem>> -> memref<16x128xf32, #tpu.memory_space<vmem>>
        tpu.wait_dma2 semaphore(%arg11 : memref<!tpu.dma_semaphore, #tpu.memory_space<semaphore_mem>>) src(%dma_wait3A_1292 : memref<16x128xf32, #tpu.memory_space<vmem>>) dst(%dma_wait3A_1288 : memref<16x128xf32, #tpu.memory_space<hbm>>)
        %mul3A_1293 = arith.constant 8 : i32
        %mul3A_1294 = arith.muli %select_n3A_1152, %mul3A_1293 : i32
        %add3A_1295 = arith.constant 1792 : i32
        %add3A_1296 = arith.addi %add3A_1295, %mul3A_1294 : i32
        %dma_wait3A_1297 = arith.constant 1 : i32
        %dma_wait3A_1298 = arith.constant 7 : i32
        %dma_wait3A_1299 = arith.constant 0 : i32
        %dma_wait3A_1300 = arith.constant 0 : i32
        %dma_wait3A_1301 = tpu.memref_slice %arg7[%dma_wait3A_1297, %dma_wait3A_1298, %dma_wait3A_1299, %dma_wait3A_1300] : memref<2x8x16x129xf32, #tpu.memory_space<vmem>> -> memref<1x1x16x128xf32, #tpu.memory_space<vmem>>
        %dma_wait3A_1302 = tpu.memref_squeeze %dma_wait3A_1301 : memref<1x1x16x128xf32, #tpu.memory_space<vmem>> -> memref<16x128xf32, #tpu.memory_space<vmem>>
        %dma_wait3A_1303 = arith.constant 0 : i32
        %dma_wait3A_1304 = tpu.memref_slice %arg4[%select_n3A_1136, %add3A_1296, %dma_wait3A_1303] : memref<200x2048x128xf32, #tpu.memory_space<hbm>> -> memref<1x16x128xf32, #tpu.memory_space<hbm>>
        %dma_wait3A_1305 = tpu.memref_squeeze %dma_wait3A_1304 : memref<1x16x128xf32, #tpu.memory_space<hbm>> -> memref<16x128xf32, #tpu.memory_space<hbm>>
        %dma_wait3A_1306 = arith.constant 0 : i32
        %dma_wait3A_1307 = tpu.memref_slice %arg4[%select_n3A_1136, %add3A_1296, %dma_wait3A_1306] : memref<200x2048x128xf32, #tpu.memory_space<hbm>> -> memref<1x16x128xf32, #tpu.memory_space<hbm>>
        %dma_wait3A_1308 = tpu.memref_squeeze %dma_wait3A_1307 : memref<1x16x128xf32, #tpu.memory_space<hbm>> -> memref<16x128xf32, #tpu.memory_space<hbm>>
        %dma_wait3A_1309 = arith.constant 0 : i32
        %dma_wait3A_1310 = arith.constant 0 : i32
        %dma_wait3A_1311 = tpu.memref_slice %arg7[%dma_wait3A_1297, %dma_wait3A_1298, %dma_wait3A_1309, %dma_wait3A_1310] : memref<2x8x16x129xf32, #tpu.memory_space<vmem>> -> memref<1x1x16x128xf32, #tpu.memory_space<vmem>>
        %dma_wait3A_1312 = tpu.memref_squeeze %dma_wait3A_1311 : memref<1x1x16x128xf32, #tpu.memory_space<vmem>> -> memref<16x128xf32, #tpu.memory_space<vmem>>
        tpu.wait_dma2 semaphore(%arg11 : memref<!tpu.dma_semaphore, #tpu.memory_space<semaphore_mem>>) src(%dma_wait3A_1312 : memref<16x128xf32, #tpu.memory_space<vmem>>) dst(%dma_wait3A_1308 : memref<16x128xf32, #tpu.memory_space<hbm>>)
      } else {
      }
      %scan3A_892 = arith.constant 0 : i32
      %scan3A_893 = arith.constant 0 : i32
      %scan3A_894 = arith.constant 32 : i32
      %scan3A_895 = arith.addi %scan3A_893, %scan3A_894 : i32
      %scan3A_896 = arith.constant 1 : i32
      scf.for %scan3A_1108 = %scan3A_893 to %scan3A_895 step %scan3A_896  : i32 {
        %jit3A_1109 = arith.constant 16 : i32
        %div3A_1110 = arith.divsi %scan3A_1108, %jit3A_1109 : i32
        %sign3A_1111 = arith.constant 0 : i32
        %sign3A_1112 = arith.cmpi sgt, %scan3A_1108, %sign3A_1111 : i32
        %sign3A_1113 = arith.extui %sign3A_1112 : i1 to i32
        %sign3A_1114 = arith.constant 0 : i32
        %sign3A_1115 = arith.cmpi slt, %scan3A_1108, %sign3A_1114 : i32
        %sign3A_1116 = arith.extui %sign3A_1115 : i1 to i32
        %sign3A_1117 = arith.subi %sign3A_1113, %sign3A_1116 : i32
        %sign3A_1118 = arith.constant 0 : i32
        %sign3A_1119 = arith.cmpi sgt, %jit3A_1109, %sign3A_1118 : i32
        %sign3A_1120 = arith.extui %sign3A_1119 : i1 to i32
        %sign3A_1121 = arith.constant 0 : i32
        %sign3A_1122 = arith.cmpi slt, %jit3A_1109, %sign3A_1121 : i32
        %sign3A_1123 = arith.extui %sign3A_1122 : i1 to i32
        %sign3A_1124 = arith.subi %sign3A_1120, %sign3A_1123 : i32
        %ne3A_1125 = arith.cmpi ne, %sign3A_1117, %sign3A_1124 : i32
        %rem3A_1126 = arith.remsi %scan3A_1108, %jit3A_1109 : i32
        %ne3A_1127 = arith.constant 0 : i32
        %ne3A_1128 = arith.cmpi ne, %rem3A_1126, %ne3A_1127 : i32
        %and3A_1129 = arith.andi %ne3A_1125, %ne3A_1128 : i1
        %sub3A_1130 = arith.constant 1 : i32
        %sub3A_1131 = arith.subi %div3A_1110, %sub3A_1130 : i32
        %select_n3A_1132 = arith.select %and3A_1129, %sub3A_1131, %div3A_1110 : i32
        %jit3A_1133 = arith.constant 16 : i32
        %eq3A_1134 = arith.constant 0 : i32
        %eq3A_1135 = arith.cmpi eq, %jit3A_1133, %eq3A_1134 : i32
        %jit3A_1136 = arith.constant 1 : i32
        %select_n3A_1137 = arith.select %eq3A_1135, %jit3A_1136, %jit3A_1133 : i32
        %rem3A_1138 = arith.remsi %scan3A_1108, %select_n3A_1137 : i32
        %ne3A_1139 = arith.constant 0 : i32
        %ne3A_1140 = arith.cmpi ne, %rem3A_1138, %ne3A_1139 : i32
        %lt3A_1141 = arith.constant 0 : i32
        %lt3A_1142 = arith.cmpi slt, %rem3A_1138, %lt3A_1141 : i32
        %lt3A_1143 = arith.constant 0 : i32
        %lt3A_1144 = arith.cmpi slt, %select_n3A_1137, %lt3A_1143 : i32
        %ne3A_1145 = arith.xori %lt3A_1142, %lt3A_1144 : i1
        %and3A_1146 = arith.andi %ne3A_1145, %ne3A_1140 : i1
        %add3A_1147 = arith.addi %rem3A_1138, %select_n3A_1137 : i32
        %select_n3A_1148 = arith.select %and3A_1146, %add3A_1147, %rem3A_1138 : i32
        %mul3A_1149 = arith.constant 8 : i32
        %mul3A_1150 = arith.muli %select_n3A_1148, %mul3A_1149 : i32
        %mul3A_1151 = arith.constant 8 : i32
        %mul3A_1152 = arith.muli %select_n3A_1132, %mul3A_1151 : i32
        %add3A_1153 = vector.broadcast %mul3A_1152 : i32 to vector<16xi32>
        %add3A_1154 = arith.addi %select_n3A_152, %add3A_1153 : vector<16xi32>
        %add3A_1155 = arith.constant 0 : i32
        %add3A_1156 = arith.addi %mul3A_1150, %add3A_1155 : i32
        %mul3A_1157 = arith.constant 128 : i32
        %mul3A_1158 = arith.muli %select_n3A_1132, %mul3A_1157 : i32
        %add3A_1159 = arith.addi %mul3A_1158, %add3A_1156 : i32
        %broadcast_in_dim3A = arith.constant 0 : i32
        %broadcast_in_dim3A_1160 = vector.broadcast %broadcast_in_dim3A : i32 to vector<16xi32>
        %add3A_1161 = vector.broadcast %add3A_1156 : i32 to vector<16xi32>
        %add3A_1162 = arith.addi %broadcast_in_dim3A_1160, %add3A_1161 : vector<16xi32>
        %get3A = arith.constant 1 : i32
        %get3A_1163 = arith.index_cast %get3A : i32 to index
        %get3A_1164 = arith.index_cast %add3A_1159 : i32 to index
        %get3A_1165 = arith.constant 0 : index
        %get3A_1166 = tpu.vector_load %arg6[%get3A_1163, %get3A_1164, %get3A_1165] {strides = array<i32>} : memref<2x256x64xf32, #tpu.memory_space<vmem>>, vector<16xf32>,
        %scatter3A = arith.constant 1 : i32
        %scatter3A_1167 = arith.constant 0 : i32
        %scatter3A_1168 = arith.constant 0 : i32
        %scatter3A_1169 = arith.constant 0 : i32
        %scatter3A_1170 = tpu.memref_slice %arg7[%scatter3A, %scatter3A_1167, %scatter3A_1168, %scatter3A_1169] : memref<2x8x16x129xf32, #tpu.memory_space<vmem>> -> memref<1x8x16x129xf32, #tpu.memory_space<vmem>>
        %scatter3A_1171 = tpu.memref_squeeze %scatter3A_1170 : memref<1x8x16x129xf32, #tpu.memory_space<vmem>> -> memref<8x16x129xf32, #tpu.memory_space<vmem>>
        tpu.vector_store_idx %scatter3A_1171[%add3A_30, %add3A_1154, %add3A_1162], %get3A_1166 : memref<8x16x129xf32, #tpu.memory_space<vmem>>[vector<16xi32>, vector<16xi32>, vector<16xi32>], vector<16xf32>,
        %get3A_1172 = arith.constant 1 : i32
        %get3A_1173 = arith.index_cast %get3A_1172 : i32 to index
        %get3A_1174 = arith.index_cast %add3A_1159 : i32 to index
        %get3A_1175 = arith.constant 16 : index
        %get3A_1176 = tpu.vector_load %arg6[%get3A_1173, %get3A_1174, %get3A_1175] {strides = array<i32>} : memref<2x256x64xf32, #tpu.memory_space<vmem>>, vector<16xf32>,
        %scatter3A_1177 = arith.constant 1 : i32
        %scatter3A_1178 = arith.constant 0 : i32
        %scatter3A_1179 = arith.constant 0 : i32
        %scatter3A_1180 = arith.constant 0 : i32
        %scatter3A_1181 = tpu.memref_slice %arg7[%scatter3A_1177, %scatter3A_1178, %scatter3A_1179, %scatter3A_1180] : memref<2x8x16x129xf32, #tpu.memory_space<vmem>> -> memref<1x8x16x129xf32, #tpu.memory_space<vmem>>
        %scatter3A_1182 = tpu.memref_squeeze %scatter3A_1181 : memref<1x8x16x129xf32, #tpu.memory_space<vmem>> -> memref<8x16x129xf32, #tpu.memory_space<vmem>>
        tpu.vector_store_idx %scatter3A_1182[%add3A_64, %add3A_1154, %add3A_1162], %get3A_1176 : memref<8x16x129xf32, #tpu.memory_space<vmem>>[vector<16xi32>, vector<16xi32>, vector<16xi32>], vector<16xf32>,
        %get3A_1183 = arith.constant 1 : i32
        %get3A_1184 = arith.index_cast %get3A_1183 : i32 to index
        %get3A_1185 = arith.index_cast %add3A_1159 : i32 to index
        %get3A_1186 = arith.constant 32 : index
        %get3A_1187 = tpu.vector_load %arg6[%get3A_1184, %get3A_1185, %get3A_1186] {strides = array<i32>} : memref<2x256x64xf32, #tpu.memory_space<vmem>>, vector<16xf32>,
        %scatter3A_1188 = arith.constant 1 : i32
        %scatter3A_1189 = arith.constant 0 : i32
        %scatter3A_1190 = arith.constant 0 : i32
        %scatter3A_1191 = arith.constant 0 : i32
        %scatter3A_1192 = tpu.memref_slice %arg7[%scatter3A_1188, %scatter3A_1189, %scatter3A_1190, %scatter3A_1191] : memref<2x8x16x129xf32, #tpu.memory_space<vmem>> -> memref<1x8x16x129xf32, #tpu.memory_space<vmem>>
        %scatter3A_1193 = tpu.memref_squeeze %scatter3A_1192 : memref<1x8x16x129xf32, #tpu.memory_space<vmem>> -> memref<8x16x129xf32, #tpu.memory_space<vmem>>
        tpu.vector_store_idx %scatter3A_1193[%add3A_98, %add3A_1154, %add3A_1162], %get3A_1187 : memref<8x16x129xf32, #tpu.memory_space<vmem>>[vector<16xi32>, vector<16xi32>, vector<16xi32>], vector<16xf32>,
        %get3A_1194 = arith.constant 1 : i32
        %get3A_1195 = arith.index_cast %get3A_1194 : i32 to index
        %get3A_1196 = arith.index_cast %add3A_1159 : i32 to index
        %get3A_1197 = arith.constant 48 : index
        %get3A_1198 = tpu.vector_load %arg6[%get3A_1195, %get3A_1196, %get3A_1197] {strides = array<i32>} : memref<2x256x64xf32, #tpu.memory_space<vmem>>, vector<16xf32>,
        %scatter3A_1199 = arith.constant 1 : i32
        %scatter3A_1200 = arith.constant 0 : i32
        %scatter3A_1201 = arith.constant 0 : i32
        %scatter3A_1202 = arith.constant 0 : i32
        %scatter3A_1203 = tpu.memref_slice %arg7[%scatter3A_1199, %scatter3A_1200, %scatter3A_1201, %scatter3A_1202] : memref<2x8x16x129xf32, #tpu.memory_space<vmem>> -> memref<1x8x16x129xf32, #tpu.memory_space<vmem>>
        %scatter3A_1204 = tpu.memref_squeeze %scatter3A_1203 : memref<1x8x16x129xf32, #tpu.memory_space<vmem>> -> memref<8x16x129xf32, #tpu.memory_space<vmem>>
        tpu.vector_store_idx %scatter3A_1204[%add3A_132, %add3A_1154, %add3A_1162], %get3A_1198 : memref<8x16x129xf32, #tpu.memory_space<vmem>>[vector<16xi32>, vector<16xi32>, vector<16xi32>], vector<16xf32>,
        %add3A_1205 = arith.constant 1 : i32
        %add3A_1206 = arith.addi %mul3A_1150, %add3A_1205 : i32
        %mul3A_1207 = arith.constant 128 : i32
        %mul3A_1208 = arith.muli %select_n3A_1132, %mul3A_1207 : i32
        %add3A_1209 = arith.addi %mul3A_1208, %add3A_1206 : i32
        %broadcast_in_dim3A_1210 = arith.constant 0 : i32
        %broadcast_in_dim3A_1211 = vector.broadcast %broadcast_in_dim3A_1210 : i32 to vector<16xi32>
        %add3A_1212 = vector.broadcast %add3A_1206 : i32 to vector<16xi32>
        %add3A_1213 = arith.addi %broadcast_in_dim3A_1211, %add3A_1212 : vector<16xi32>
        %get3A_1214 = arith.constant 1 : i32
        %get3A_1215 = arith.index_cast %get3A_1214 : i32 to index
        %get3A_1216 = arith.index_cast %add3A_1209 : i32 to index
        %get3A_1217 = arith.constant 0 : index
        %get3A_1218 = tpu.vector_load %arg6[%get3A_1215, %get3A_1216, %get3A_1217] {strides = array<i32>} : memref<2x256x64xf32, #tpu.memory_space<vmem>>, vector<16xf32>,
        %scatter3A_1219 = arith.constant 1 : i32
        %scatter3A_1220 = arith.constant 0 : i32
        %scatter3A_1221 = arith.constant 0 : i32
        %scatter3A_1222 = arith.constant 0 : i32
        %scatter3A_1223 = tpu.memref_slice %arg7[%scatter3A_1219, %scatter3A_1220, %scatter3A_1221, %scatter3A_1222] : memref<2x8x16x129xf32, #tpu.memory_space<vmem>> -> memref<1x8x16x129xf32, #tpu.memory_space<vmem>>
        %scatter3A_1224 = tpu.memref_squeeze %scatter3A_1223 : memref<1x8x16x129xf32, #tpu.memory_space<vmem>> -> memref<8x16x129xf32, #tpu.memory_space<vmem>>
        tpu.vector_store_idx %scatter3A_1224[%add3A_30, %add3A_1154, %add3A_1213], %get3A_1218 : memref<8x16x129xf32, #tpu.memory_space<vmem>>[vector<16xi32>, vector<16xi32>, vector<16xi32>], vector<16xf32>,
        %get3A_1225 = arith.constant 1 : i32
        %get3A_1226 = arith.index_cast %get3A_1225 : i32 to index
        %get3A_1227 = arith.index_cast %add3A_1209 : i32 to index
        %get3A_1228 = arith.constant 16 : index
        %get3A_1229 = tpu.vector_load %arg6[%get3A_1226, %get3A_1227, %get3A_1228] {strides = array<i32>} : memref<2x256x64xf32, #tpu.memory_space<vmem>>, vector<16xf32>,
        %scatter3A_1230 = arith.constant 1 : i32
        %scatter3A_1231 = arith.constant 0 : i32
        %scatter3A_1232 = arith.constant 0 : i32
        %scatter3A_1233 = arith.constant 0 : i32
        %scatter3A_1234 = tpu.memref_slice %arg7[%scatter3A_1230, %scatter3A_1231, %scatter3A_1232, %scatter3A_1233] : memref<2x8x16x129xf32, #tpu.memory_space<vmem>> -> memref<1x8x16x129xf32, #tpu.memory_space<vmem>>
        %scatter3A_1235 = tpu.memref_squeeze %scatter3A_1234 : memref<1x8x16x129xf32, #tpu.memory_space<vmem>> -> memref<8x16x129xf32, #tpu.memory_space<vmem>>
        tpu.vector_store_idx %scatter3A_1235[%add3A_64, %add3A_1154, %add3A_1213], %get3A_1229 : memref<8x16x129xf32, #tpu.memory_space<vmem>>[vector<16xi32>, vector<16xi32>, vector<16xi32>], vector<16xf32>,
        %get3A_1236 = arith.constant 1 : i32
        %get3A_1237 = arith.index_cast %get3A_1236 : i32 to index
        %get3A_1238 = arith.index_cast %add3A_1209 : i32 to index
        %get3A_1239 = arith.constant 32 : index
        %get3A_1240 = tpu.vector_load %arg6[%get3A_1237, %get3A_1238, %get3A_1239] {strides = array<i32>} : memref<2x256x64xf32, #tpu.memory_space<vmem>>, vector<16xf32>,
        %scatter3A_1241 = arith.constant 1 : i32
        %scatter3A_1242 = arith.constant 0 : i32
        %scatter3A_1243 = arith.constant 0 : i32
        %scatter3A_1244 = arith.constant 0 : i32
        %scatter3A_1245 = tpu.memref_slice %arg7[%scatter3A_1241, %scatter3A_1242, %scatter3A_1243, %scatter3A_1244] : memref<2x8x16x129xf32, #tpu.memory_space<vmem>> -> memref<1x8x16x129xf32, #tpu.memory_space<vmem>>
        %scatter3A_1246 = tpu.memref_squeeze %scatter3A_1245 : memref<1x8x16x129xf32, #tpu.memory_space<vmem>> -> memref<8x16x129xf32, #tpu.memory_space<vmem>>
        tpu.vector_store_idx %scatter3A_1246[%add3A_98, %add3A_1154, %add3A_1213], %get3A_1240 : memref<8x16x129xf32, #tpu.memory_space<vmem>>[vector<16xi32>, vector<16xi32>, vector<16xi32>], vector<16xf32>,
        %get3A_1247 = arith.constant 1 : i32
        %get3A_1248 = arith.index_cast %get3A_1247 : i32 to index
        %get3A_1249 = arith.index_cast %add3A_1209 : i32 to index
        %get3A_1250 = arith.constant 48 : index
        %get3A_1251 = tpu.vector_load %arg6[%get3A_1248, %get3A_1249, %get3A_1250] {strides = array<i32>} : memref<2x256x64xf32, #tpu.memory_space<vmem>>, vector<16xf32>,
        %scatter3A_1252 = arith.constant 1 : i32
        %scatter3A_1253 = arith.constant 0 : i32
        %scatter3A_1254 = arith.constant 0 : i32
        %scatter3A_1255 = arith.constant 0 : i32
        %scatter3A_1256 = tpu.memref_slice %arg7[%scatter3A_1252, %scatter3A_1253, %scatter3A_1254, %scatter3A_1255] : memref<2x8x16x129xf32, #tpu.memory_space<vmem>> -> memref<1x8x16x129xf32, #tpu.memory_space<vmem>>
        %scatter3A_1257 = tpu.memref_squeeze %scatter3A_1256 : memref<1x8x16x129xf32, #tpu.memory_space<vmem>> -> memref<8x16x129xf32, #tpu.memory_space<vmem>>
        tpu.vector_store_idx %scatter3A_1257[%add3A_132, %add3A_1154, %add3A_1213], %get3A_1251 : memref<8x16x129xf32, #tpu.memory_space<vmem>>[vector<16xi32>, vector<16xi32>, vector<16xi32>], vector<16xf32>,
        %add3A_1258 = arith.constant 2 : i32
        %add3A_1259 = arith.addi %mul3A_1150, %add3A_1258 : i32
        %mul3A_1260 = arith.constant 128 : i32
        %mul3A_1261 = arith.muli %select_n3A_1132, %mul3A_1260 : i32
        %add3A_1262 = arith.addi %mul3A_1261, %add3A_1259 : i32
        %broadcast_in_dim3A_1263 = arith.constant 0 : i32
        %broadcast_in_dim3A_1264 = vector.broadcast %broadcast_in_dim3A_1263 : i32 to vector<16xi32>
        %add3A_1265 = vector.broadcast %add3A_1259 : i32 to vector<16xi32>
        %add3A_1266 = arith.addi %broadcast_in_dim3A_1264, %add3A_1265 : vector<16xi32>
        %get3A_1267 = arith.constant 1 : i32
        %get3A_1268 = arith.index_cast %get3A_1267 : i32 to index
        %get3A_1269 = arith.index_cast %add3A_1262 : i32 to index
        %get3A_1270 = arith.constant 0 : index
        %get3A_1271 = tpu.vector_load %arg6[%get3A_1268, %get3A_1269, %get3A_1270] {strides = array<i32>} : memref<2x256x64xf32, #tpu.memory_space<vmem>>, vector<16xf32>,
        %scatter3A_1272 = arith.constant 1 : i32
        %scatter3A_1273 = arith.constant 0 : i32
        %scatter3A_1274 = arith.constant 0 : i32
        %scatter3A_1275 = arith.constant 0 : i32
        %scatter3A_1276 = tpu.memref_slice %arg7[%scatter3A_1272, %scatter3A_1273, %scatter3A_1274, %scatter3A_1275] : memref<2x8x16x129xf32, #tpu.memory_space<vmem>> -> memref<1x8x16x129xf32, #tpu.memory_space<vmem>>
        %scatter3A_1277 = tpu.memref_squeeze %scatter3A_1276 : memref<1x8x16x129xf32, #tpu.memory_space<vmem>> -> memref<8x16x129xf32, #tpu.memory_space<vmem>>
        tpu.vector_store_idx %scatter3A_1277[%add3A_30, %add3A_1154, %add3A_1266], %get3A_1271 : memref<8x16x129xf32, #tpu.memory_space<vmem>>[vector<16xi32>, vector<16xi32>, vector<16xi32>], vector<16xf32>,
        %get3A_1278 = arith.constant 1 : i32
        %get3A_1279 = arith.index_cast %get3A_1278 : i32 to index
        %get3A_1280 = arith.index_cast %add3A_1262 : i32 to index
        %get3A_1281 = arith.constant 16 : index
        %get3A_1282 = tpu.vector_load %arg6[%get3A_1279, %get3A_1280, %get3A_1281] {strides = array<i32>} : memref<2x256x64xf32, #tpu.memory_space<vmem>>, vector<16xf32>,
        %scatter3A_1283 = arith.constant 1 : i32
        %scatter3A_1284 = arith.constant 0 : i32
        %scatter3A_1285 = arith.constant 0 : i32
        %scatter3A_1286 = arith.constant 0 : i32
        %scatter3A_1287 = tpu.memref_slice %arg7[%scatter3A_1283, %scatter3A_1284, %scatter3A_1285, %scatter3A_1286] : memref<2x8x16x129xf32, #tpu.memory_space<vmem>> -> memref<1x8x16x129xf32, #tpu.memory_space<vmem>>
        %scatter3A_1288 = tpu.memref_squeeze %scatter3A_1287 : memref<1x8x16x129xf32, #tpu.memory_space<vmem>> -> memref<8x16x129xf32, #tpu.memory_space<vmem>>
        tpu.vector_store_idx %scatter3A_1288[%add3A_64, %add3A_1154, %add3A_1266], %get3A_1282 : memref<8x16x129xf32, #tpu.memory_space<vmem>>[vector<16xi32>, vector<16xi32>, vector<16xi32>], vector<16xf32>,
        %get3A_1289 = arith.constant 1 : i32
        %get3A_1290 = arith.index_cast %get3A_1289 : i32 to index
        %get3A_1291 = arith.index_cast %add3A_1262 : i32 to index
        %get3A_1292 = arith.constant 32 : index
        %get3A_1293 = tpu.vector_load %arg6[%get3A_1290, %get3A_1291, %get3A_1292] {strides = array<i32>} : memref<2x256x64xf32, #tpu.memory_space<vmem>>, vector<16xf32>,
        %scatter3A_1294 = arith.constant 1 : i32
        %scatter3A_1295 = arith.constant 0 : i32
        %scatter3A_1296 = arith.constant 0 : i32
        %scatter3A_1297 = arith.constant 0 : i32
        %scatter3A_1298 = tpu.memref_slice %arg7[%scatter3A_1294, %scatter3A_1295, %scatter3A_1296, %scatter3A_1297] : memref<2x8x16x129xf32, #tpu.memory_space<vmem>> -> memref<1x8x16x129xf32, #tpu.memory_space<vmem>>
        %scatter3A_1299 = tpu.memref_squeeze %scatter3A_1298 : memref<1x8x16x129xf32, #tpu.memory_space<vmem>> -> memref<8x16x129xf32, #tpu.memory_space<vmem>>
        tpu.vector_store_idx %scatter3A_1299[%add3A_98, %add3A_1154, %add3A_1266], %get3A_1293 : memref<8x16x129xf32, #tpu.memory_space<vmem>>[vector<16xi32>, vector<16xi32>, vector<16xi32>], vector<16xf32>,
        %get3A_1300 = arith.constant 1 : i32
        %get3A_1301 = arith.index_cast %get3A_1300 : i32 to index
        %get3A_1302 = arith.index_cast %add3A_1262 : i32 to index
        %get3A_1303 = arith.constant 48 : index
        %get3A_1304 = tpu.vector_load %arg6[%get3A_1301, %get3A_1302, %get3A_1303] {strides = array<i32>} : memref<2x256x64xf32, #tpu.memory_space<vmem>>, vector<16xf32>,
        %scatter3A_1305 = arith.constant 1 : i32
        %scatter3A_1306 = arith.constant 0 : i32
        %scatter3A_1307 = arith.constant 0 : i32
        %scatter3A_1308 = arith.constant 0 : i32
        %scatter3A_1309 = tpu.memref_slice %arg7[%scatter3A_1305, %scatter3A_1306, %scatter3A_1307, %scatter3A_1308] : memref<2x8x16x129xf32, #tpu.memory_space<vmem>> -> memref<1x8x16x129xf32, #tpu.memory_space<vmem>>
        %scatter3A_1310 = tpu.memref_squeeze %scatter3A_1309 : memref<1x8x16x129xf32, #tpu.memory_space<vmem>> -> memref<8x16x129xf32, #tpu.memory_space<vmem>>
        tpu.vector_store_idx %scatter3A_1310[%add3A_132, %add3A_1154, %add3A_1266], %get3A_1304 : memref<8x16x129xf32, #tpu.memory_space<vmem>>[vector<16xi32>, vector<16xi32>, vector<16xi32>], vector<16xf32>,
        %add3A_1311 = arith.constant 3 : i32
        %add3A_1312 = arith.addi %mul3A_1150, %add3A_1311 : i32
        %mul3A_1313 = arith.constant 128 : i32
        %mul3A_1314 = arith.muli %select_n3A_1132, %mul3A_1313 : i32
        %add3A_1315 = arith.addi %mul3A_1314, %add3A_1312 : i32
        %broadcast_in_dim3A_1316 = arith.constant 0 : i32
        %broadcast_in_dim3A_1317 = vector.broadcast %broadcast_in_dim3A_1316 : i32 to vector<16xi32>
        %add3A_1318 = vector.broadcast %add3A_1312 : i32 to vector<16xi32>
        %add3A_1319 = arith.addi %broadcast_in_dim3A_1317, %add3A_1318 : vector<16xi32>
        %get3A_1320 = arith.constant 1 : i32
        %get3A_1321 = arith.index_cast %get3A_1320 : i32 to index
        %get3A_1322 = arith.index_cast %add3A_1315 : i32 to index
        %get3A_1323 = arith.constant 0 : index
        %get3A_1324 = tpu.vector_load %arg6[%get3A_1321, %get3A_1322, %get3A_1323] {strides = array<i32>} : memref<2x256x64xf32, #tpu.memory_space<vmem>>, vector<16xf32>,
        %scatter3A_1325 = arith.constant 1 : i32
        %scatter3A_1326 = arith.constant 0 : i32
        %scatter3A_1327 = arith.constant 0 : i32
        %scatter3A_1328 = arith.constant 0 : i32
        %scatter3A_1329 = tpu.memref_slice %arg7[%scatter3A_1325, %scatter3A_1326, %scatter3A_1327, %scatter3A_1328] : memref<2x8x16x129xf32, #tpu.memory_space<vmem>> -> memref<1x8x16x129xf32, #tpu.memory_space<vmem>>
        %scatter3A_1330 = tpu.memref_squeeze %scatter3A_1329 : memref<1x8x16x129xf32, #tpu.memory_space<vmem>> -> memref<8x16x129xf32, #tpu.memory_space<vmem>>
        tpu.vector_store_idx %scatter3A_1330[%add3A_30, %add3A_1154, %add3A_1319], %get3A_1324 : memref<8x16x129xf32, #tpu.memory_space<vmem>>[vector<16xi32>, vector<16xi32>, vector<16xi32>], vector<16xf32>,
        %get3A_1331 = arith.constant 1 : i32
        %get3A_1332 = arith.index_cast %get3A_1331 : i32 to index
        %get3A_1333 = arith.index_cast %add3A_1315 : i32 to index
        %get3A_1334 = arith.constant 16 : index
        %get3A_1335 = tpu.vector_load %arg6[%get3A_1332, %get3A_1333, %get3A_1334] {strides = array<i32>} : memref<2x256x64xf32, #tpu.memory_space<vmem>>, vector<16xf32>,
        %scatter3A_1336 = arith.constant 1 : i32
        %scatter3A_1337 = arith.constant 0 : i32
        %scatter3A_1338 = arith.constant 0 : i32
        %scatter3A_1339 = arith.constant 0 : i32
        %scatter3A_1340 = tpu.memref_slice %arg7[%scatter3A_1336, %scatter3A_1337, %scatter3A_1338, %scatter3A_1339] : memref<2x8x16x129xf32, #tpu.memory_space<vmem>> -> memref<1x8x16x129xf32, #tpu.memory_space<vmem>>
        %scatter3A_1341 = tpu.memref_squeeze %scatter3A_1340 : memref<1x8x16x129xf32, #tpu.memory_space<vmem>> -> memref<8x16x129xf32, #tpu.memory_space<vmem>>
        tpu.vector_store_idx %scatter3A_1341[%add3A_64, %add3A_1154, %add3A_1319], %get3A_1335 : memref<8x16x129xf32, #tpu.memory_space<vmem>>[vector<16xi32>, vector<16xi32>, vector<16xi32>], vector<16xf32>,
        %get3A_1342 = arith.constant 1 : i32
        %get3A_1343 = arith.index_cast %get3A_1342 : i32 to index
        %get3A_1344 = arith.index_cast %add3A_1315 : i32 to index
        %get3A_1345 = arith.constant 32 : index
        %get3A_1346 = tpu.vector_load %arg6[%get3A_1343, %get3A_1344, %get3A_1345] {strides = array<i32>} : memref<2x256x64xf32, #tpu.memory_space<vmem>>, vector<16xf32>,
        %scatter3A_1347 = arith.constant 1 : i32
        %scatter3A_1348 = arith.constant 0 : i32
        %scatter3A_1349 = arith.constant 0 : i32
        %scatter3A_1350 = arith.constant 0 : i32
        %scatter3A_1351 = tpu.memref_slice %arg7[%scatter3A_1347, %scatter3A_1348, %scatter3A_1349, %scatter3A_1350] : memref<2x8x16x129xf32, #tpu.memory_space<vmem>> -> memref<1x8x16x129xf32, #tpu.memory_space<vmem>>
        %scatter3A_1352 = tpu.memref_squeeze %scatter3A_1351 : memref<1x8x16x129xf32, #tpu.memory_space<vmem>> -> memref<8x16x129xf32, #tpu.memory_space<vmem>>
        tpu.vector_store_idx %scatter3A_1352[%add3A_98, %add3A_1154, %add3A_1319], %get3A_1346 : memref<8x16x129xf32, #tpu.memory_space<vmem>>[vector<16xi32>, vector<16xi32>, vector<16xi32>], vector<16xf32>,
        %get3A_1353 = arith.constant 1 : i32
        %get3A_1354 = arith.index_cast %get3A_1353 : i32 to index
        %get3A_1355 = arith.index_cast %add3A_1315 : i32 to index
        %get3A_1356 = arith.constant 48 : index
        %get3A_1357 = tpu.vector_load %arg6[%get3A_1354, %get3A_1355, %get3A_1356] {strides = array<i32>} : memref<2x256x64xf32, #tpu.memory_space<vmem>>, vector<16xf32>,
        %scatter3A_1358 = arith.constant 1 : i32
        %scatter3A_1359 = arith.constant 0 : i32
        %scatter3A_1360 = arith.constant 0 : i32
        %scatter3A_1361 = arith.constant 0 : i32
        %scatter3A_1362 = tpu.memref_slice %arg7[%scatter3A_1358, %scatter3A_1359, %scatter3A_1360, %scatter3A_1361] : memref<2x8x16x129xf32, #tpu.memory_space<vmem>> -> memref<1x8x16x129xf32, #tpu.memory_space<vmem>>
        %scatter3A_1363 = tpu.memref_squeeze %scatter3A_1362 : memref<1x8x16x129xf32, #tpu.memory_space<vmem>> -> memref<8x16x129xf32, #tpu.memory_space<vmem>>
        tpu.vector_store_idx %scatter3A_1363[%add3A_132, %add3A_1154, %add3A_1319], %get3A_1357 : memref<8x16x129xf32, #tpu.memory_space<vmem>>[vector<16xi32>, vector<16xi32>, vector<16xi32>], vector<16xf32>,
        %add3A_1364 = arith.constant 4 : i32
        %add3A_1365 = arith.addi %mul3A_1150, %add3A_1364 : i32
        %mul3A_1366 = arith.constant 128 : i32
        %mul3A_1367 = arith.muli %select_n3A_1132, %mul3A_1366 : i32
        %add3A_1368 = arith.addi %mul3A_1367, %add3A_1365 : i32
        %broadcast_in_dim3A_1369 = arith.constant 0 : i32
        %broadcast_in_dim3A_1370 = vector.broadcast %broadcast_in_dim3A_1369 : i32 to vector<16xi32>
        %add3A_1371 = vector.broadcast %add3A_1365 : i32 to vector<16xi32>
        %add3A_1372 = arith.addi %broadcast_in_dim3A_1370, %add3A_1371 : vector<16xi32>
        %get3A_1373 = arith.constant 1 : i32
        %get3A_1374 = arith.index_cast %get3A_1373 : i32 to index
        %get3A_1375 = arith.index_cast %add3A_1368 : i32 to index
        %get3A_1376 = arith.constant 0 : index
        %get3A_1377 = tpu.vector_load %arg6[%get3A_1374, %get3A_1375, %get3A_1376] {strides = array<i32>} : memref<2x256x64xf32, #tpu.memory_space<vmem>>, vector<16xf32>,
        %scatter3A_1378 = arith.constant 1 : i32
        %scatter3A_1379 = arith.constant 0 : i32
        %scatter3A_1380 = arith.constant 0 : i32
        %scatter3A_1381 = arith.constant 0 : i32
        %scatter3A_1382 = tpu.memref_slice %arg7[%scatter3A_1378, %scatter3A_1379, %scatter3A_1380, %scatter3A_1381] : memref<2x8x16x129xf32, #tpu.memory_space<vmem>> -> memref<1x8x16x129xf32, #tpu.memory_space<vmem>>
        %scatter3A_1383 = tpu.memref_squeeze %scatter3A_1382 : memref<1x8x16x129xf32, #tpu.memory_space<vmem>> -> memref<8x16x129xf32, #tpu.memory_space<vmem>>
        tpu.vector_store_idx %scatter3A_1383[%add3A_30, %add3A_1154, %add3A_1372], %get3A_1377 : memref<8x16x129xf32, #tpu.memory_space<vmem>>[vector<16xi32>, vector<16xi32>, vector<16xi32>], vector<16xf32>,
        %get3A_1384 = arith.constant 1 : i32
        %get3A_1385 = arith.index_cast %get3A_1384 : i32 to index
        %get3A_1386 = arith.index_cast %add3A_1368 : i32 to index
        %get3A_1387 = arith.constant 16 : index
        %get3A_1388 = tpu.vector_load %arg6[%get3A_1385, %get3A_1386, %get3A_1387] {strides = array<i32>} : memref<2x256x64xf32, #tpu.memory_space<vmem>>, vector<16xf32>,
        %scatter3A_1389 = arith.constant 1 : i32
        %scatter3A_1390 = arith.constant 0 : i32
        %scatter3A_1391 = arith.constant 0 : i32
        %scatter3A_1392 = arith.constant 0 : i32
        %scatter3A_1393 = tpu.memref_slice %arg7[%scatter3A_1389, %scatter3A_1390, %scatter3A_1391, %scatter3A_1392] : memref<2x8x16x129xf32, #tpu.memory_space<vmem>> -> memref<1x8x16x129xf32, #tpu.memory_space<vmem>>
        %scatter3A_1394 = tpu.memref_squeeze %scatter3A_1393 : memref<1x8x16x129xf32, #tpu.memory_space<vmem>> -> memref<8x16x129xf32, #tpu.memory_space<vmem>>
        tpu.vector_store_idx %scatter3A_1394[%add3A_64, %add3A_1154, %add3A_1372], %get3A_1388 : memref<8x16x129xf32, #tpu.memory_space<vmem>>[vector<16xi32>, vector<16xi32>, vector<16xi32>], vector<16xf32>,
        %get3A_1395 = arith.constant 1 : i32
        %get3A_1396 = arith.index_cast %get3A_1395 : i32 to index
        %get3A_1397 = arith.index_cast %add3A_1368 : i32 to index
        %get3A_1398 = arith.constant 32 : index
        %get3A_1399 = tpu.vector_load %arg6[%get3A_1396, %get3A_1397, %get3A_1398] {strides = array<i32>} : memref<2x256x64xf32, #tpu.memory_space<vmem>>, vector<16xf32>,
        %scatter3A_1400 = arith.constant 1 : i32
        %scatter3A_1401 = arith.constant 0 : i32
        %scatter3A_1402 = arith.constant 0 : i32
        %scatter3A_1403 = arith.constant 0 : i32
        %scatter3A_1404 = tpu.memref_slice %arg7[%scatter3A_1400, %scatter3A_1401, %scatter3A_1402, %scatter3A_1403] : memref<2x8x16x129xf32, #tpu.memory_space<vmem>> -> memref<1x8x16x129xf32, #tpu.memory_space<vmem>>
        %scatter3A_1405 = tpu.memref_squeeze %scatter3A_1404 : memref<1x8x16x129xf32, #tpu.memory_space<vmem>> -> memref<8x16x129xf32, #tpu.memory_space<vmem>>
        tpu.vector_store_idx %scatter3A_1405[%add3A_98, %add3A_1154, %add3A_1372], %get3A_1399 : memref<8x16x129xf32, #tpu.memory_space<vmem>>[vector<16xi32>, vector<16xi32>, vector<16xi32>], vector<16xf32>,
        %get3A_1406 = arith.constant 1 : i32
        %get3A_1407 = arith.index_cast %get3A_1406 : i32 to index
        %get3A_1408 = arith.index_cast %add3A_1368 : i32 to index
        %get3A_1409 = arith.constant 48 : index
        %get3A_1410 = tpu.vector_load %arg6[%get3A_1407, %get3A_1408, %get3A_1409] {strides = array<i32>} : memref<2x256x64xf32, #tpu.memory_space<vmem>>, vector<16xf32>,
        %scatter3A_1411 = arith.constant 1 : i32
        %scatter3A_1412 = arith.constant 0 : i32
        %scatter3A_1413 = arith.constant 0 : i32
        %scatter3A_1414 = arith.constant 0 : i32
        %scatter3A_1415 = tpu.memref_slice %arg7[%scatter3A_1411, %scatter3A_1412, %scatter3A_1413, %scatter3A_1414] : memref<2x8x16x129xf32, #tpu.memory_space<vmem>> -> memref<1x8x16x129xf32, #tpu.memory_space<vmem>>
        %scatter3A_1416 = tpu.memref_squeeze %scatter3A_1415 : memref<1x8x16x129xf32, #tpu.memory_space<vmem>> -> memref<8x16x129xf32, #tpu.memory_space<vmem>>
        tpu.vector_store_idx %scatter3A_1416[%add3A_132, %add3A_1154, %add3A_1372], %get3A_1410 : memref<8x16x129xf32, #tpu.memory_space<vmem>>[vector<16xi32>, vector<16xi32>, vector<16xi32>], vector<16xf32>,
        %add3A_1417 = arith.constant 5 : i32
        %add3A_1418 = arith.addi %mul3A_1150, %add3A_1417 : i32
        %mul3A_1419 = arith.constant 128 : i32
        %mul3A_1420 = arith.muli %select_n3A_1132, %mul3A_1419 : i32
        %add3A_1421 = arith.addi %mul3A_1420, %add3A_1418 : i32
        %broadcast_in_dim3A_1422 = arith.constant 0 : i32
        %broadcast_in_dim3A_1423 = vector.broadcast %broadcast_in_dim3A_1422 : i32 to vector<16xi32>
        %add3A_1424 = vector.broadcast %add3A_1418 : i32 to vector<16xi32>
        %add3A_1425 = arith.addi %broadcast_in_dim3A_1423, %add3A_1424 : vector<16xi32>
        %get3A_1426 = arith.constant 1 : i32
        %get3A_1427 = arith.index_cast %get3A_1426 : i32 to index
        %get3A_1428 = arith.index_cast %add3A_1421 : i32 to index
        %get3A_1429 = arith.constant 0 : index
        %get3A_1430 = tpu.vector_load %arg6[%get3A_1427, %get3A_1428, %get3A_1429] {strides = array<i32>} : memref<2x256x64xf32, #tpu.memory_space<vmem>>, vector<16xf32>,
        %scatter3A_1431 = arith.constant 1 : i32
        %scatter3A_1432 = arith.constant 0 : i32
        %scatter3A_1433 = arith.constant 0 : i32
        %scatter3A_1434 = arith.constant 0 : i32
        %scatter3A_1435 = tpu.memref_slice %arg7[%scatter3A_1431, %scatter3A_1432, %scatter3A_1433, %scatter3A_1434] : memref<2x8x16x129xf32, #tpu.memory_space<vmem>> -> memref<1x8x16x129xf32, #tpu.memory_space<vmem>>
        %scatter3A_1436 = tpu.memref_squeeze %scatter3A_1435 : memref<1x8x16x129xf32, #tpu.memory_space<vmem>> -> memref<8x16x129xf32, #tpu.memory_space<vmem>>
        tpu.vector_store_idx %scatter3A_1436[%add3A_30, %add3A_1154, %add3A_1425], %get3A_1430 : memref<8x16x129xf32, #tpu.memory_space<vmem>>[vector<16xi32>, vector<16xi32>, vector<16xi32>], vector<16xf32>,
        %get3A_1437 = arith.constant 1 : i32
        %get3A_1438 = arith.index_cast %get3A_1437 : i32 to index
        %get3A_1439 = arith.index_cast %add3A_1421 : i32 to index
        %get3A_1440 = arith.constant 16 : index
        %get3A_1441 = tpu.vector_load %arg6[%get3A_1438, %get3A_1439, %get3A_1440] {strides = array<i32>} : memref<2x256x64xf32, #tpu.memory_space<vmem>>, vector<16xf32>,
        %scatter3A_1442 = arith.constant 1 : i32
        %scatter3A_1443 = arith.constant 0 : i32
        %scatter3A_1444 = arith.constant 0 : i32
        %scatter3A_1445 = arith.constant 0 : i32
        %scatter3A_1446 = tpu.memref_slice %arg7[%scatter3A_1442, %scatter3A_1443, %scatter3A_1444, %scatter3A_1445] : memref<2x8x16x129xf32, #tpu.memory_space<vmem>> -> memref<1x8x16x129xf32, #tpu.memory_space<vmem>>
        %scatter3A_1447 = tpu.memref_squeeze %scatter3A_1446 : memref<1x8x16x129xf32, #tpu.memory_space<vmem>> -> memref<8x16x129xf32, #tpu.memory_space<vmem>>
        tpu.vector_store_idx %scatter3A_1447[%add3A_64, %add3A_1154, %add3A_1425], %get3A_1441 : memref<8x16x129xf32, #tpu.memory_space<vmem>>[vector<16xi32>, vector<16xi32>, vector<16xi32>], vector<16xf32>,
        %get3A_1448 = arith.constant 1 : i32
        %get3A_1449 = arith.index_cast %get3A_1448 : i32 to index
        %get3A_1450 = arith.index_cast %add3A_1421 : i32 to index
        %get3A_1451 = arith.constant 32 : index
        %get3A_1452 = tpu.vector_load %arg6[%get3A_1449, %get3A_1450, %get3A_1451] {strides = array<i32>} : memref<2x256x64xf32, #tpu.memory_space<vmem>>, vector<16xf32>,
        %scatter3A_1453 = arith.constant 1 : i32
        %scatter3A_1454 = arith.constant 0 : i32
        %scatter3A_1455 = arith.constant 0 : i32
        %scatter3A_1456 = arith.constant 0 : i32
        %scatter3A_1457 = tpu.memref_slice %arg7[%scatter3A_1453, %scatter3A_1454, %scatter3A_1455, %scatter3A_1456] : memref<2x8x16x129xf32, #tpu.memory_space<vmem>> -> memref<1x8x16x129xf32, #tpu.memory_space<vmem>>
        %scatter3A_1458 = tpu.memref_squeeze %scatter3A_1457 : memref<1x8x16x129xf32, #tpu.memory_space<vmem>> -> memref<8x16x129xf32, #tpu.memory_space<vmem>>
        tpu.vector_store_idx %scatter3A_1458[%add3A_98, %add3A_1154, %add3A_1425], %get3A_1452 : memref<8x16x129xf32, #tpu.memory_space<vmem>>[vector<16xi32>, vector<16xi32>, vector<16xi32>], vector<16xf32>,
        %get3A_1459 = arith.constant 1 : i32
        %get3A_1460 = arith.index_cast %get3A_1459 : i32 to index
        %get3A_1461 = arith.index_cast %add3A_1421 : i32 to index
        %get3A_1462 = arith.constant 48 : index
        %get3A_1463 = tpu.vector_load %arg6[%get3A_1460, %get3A_1461, %get3A_1462] {strides = array<i32>} : memref<2x256x64xf32, #tpu.memory_space<vmem>>, vector<16xf32>,
        %scatter3A_1464 = arith.constant 1 : i32
        %scatter3A_1465 = arith.constant 0 : i32
        %scatter3A_1466 = arith.constant 0 : i32
        %scatter3A_1467 = arith.constant 0 : i32
        %scatter3A_1468 = tpu.memref_slice %arg7[%scatter3A_1464, %scatter3A_1465, %scatter3A_1466, %scatter3A_1467] : memref<2x8x16x129xf32, #tpu.memory_space<vmem>> -> memref<1x8x16x129xf32, #tpu.memory_space<vmem>>
        %scatter3A_1469 = tpu.memref_squeeze %scatter3A_1468 : memref<1x8x16x129xf32, #tpu.memory_space<vmem>> -> memref<8x16x129xf32, #tpu.memory_space<vmem>>
        tpu.vector_store_idx %scatter3A_1469[%add3A_132, %add3A_1154, %add3A_1425], %get3A_1463 : memref<8x16x129xf32, #tpu.memory_space<vmem>>[vector<16xi32>, vector<16xi32>, vector<16xi32>], vector<16xf32>,
        %add3A_1470 = arith.constant 6 : i32
        %add3A_1471 = arith.addi %mul3A_1150, %add3A_1470 : i32
        %mul3A_1472 = arith.constant 128 : i32
        %mul3A_1473 = arith.muli %select_n3A_1132, %mul3A_1472 : i32
        %add3A_1474 = arith.addi %mul3A_1473, %add3A_1471 : i32
        %broadcast_in_dim3A_1475 = arith.constant 0 : i32
        %broadcast_in_dim3A_1476 = vector.broadcast %broadcast_in_dim3A_1475 : i32 to vector<16xi32>
        %add3A_1477 = vector.broadcast %add3A_1471 : i32 to vector<16xi32>
        %add3A_1478 = arith.addi %broadcast_in_dim3A_1476, %add3A_1477 : vector<16xi32>
        %get3A_1479 = arith.constant 1 : i32
        %get3A_1480 = arith.index_cast %get3A_1479 : i32 to index
        %get3A_1481 = arith.index_cast %add3A_1474 : i32 to index
        %get3A_1482 = arith.constant 0 : index
        %get3A_1483 = tpu.vector_load %arg6[%get3A_1480, %get3A_1481, %get3A_1482] {strides = array<i32>} : memref<2x256x64xf32, #tpu.memory_space<vmem>>, vector<16xf32>,
        %scatter3A_1484 = arith.constant 1 : i32
        %scatter3A_1485 = arith.constant 0 : i32
        %scatter3A_1486 = arith.constant 0 : i32
        %scatter3A_1487 = arith.constant 0 : i32
        %scatter3A_1488 = tpu.memref_slice %arg7[%scatter3A_1484, %scatter3A_1485, %scatter3A_1486, %scatter3A_1487] : memref<2x8x16x129xf32, #tpu.memory_space<vmem>> -> memref<1x8x16x129xf32, #tpu.memory_space<vmem>>
        %scatter3A_1489 = tpu.memref_squeeze %scatter3A_1488 : memref<1x8x16x129xf32, #tpu.memory_space<vmem>> -> memref<8x16x129xf32, #tpu.memory_space<vmem>>
        tpu.vector_store_idx %scatter3A_1489[%add3A_30, %add3A_1154, %add3A_1478], %get3A_1483 : memref<8x16x129xf32, #tpu.memory_space<vmem>>[vector<16xi32>, vector<16xi32>, vector<16xi32>], vector<16xf32>,
        %get3A_1490 = arith.constant 1 : i32
        %get3A_1491 = arith.index_cast %get3A_1490 : i32 to index
        %get3A_1492 = arith.index_cast %add3A_1474 : i32 to index
        %get3A_1493 = arith.constant 16 : index
        %get3A_1494 = tpu.vector_load %arg6[%get3A_1491, %get3A_1492, %get3A_1493] {strides = array<i32>} : memref<2x256x64xf32, #tpu.memory_space<vmem>>, vector<16xf32>,
        %scatter3A_1495 = arith.constant 1 : i32
        %scatter3A_1496 = arith.constant 0 : i32
        %scatter3A_1497 = arith.constant 0 : i32
        %scatter3A_1498 = arith.constant 0 : i32
        %scatter3A_1499 = tpu.memref_slice %arg7[%scatter3A_1495, %scatter3A_1496, %scatter3A_1497, %scatter3A_1498] : memref<2x8x16x129xf32, #tpu.memory_space<vmem>> -> memref<1x8x16x129xf32, #tpu.memory_space<vmem>>
        %scatter3A_1500 = tpu.memref_squeeze %scatter3A_1499 : memref<1x8x16x129xf32, #tpu.memory_space<vmem>> -> memref<8x16x129xf32, #tpu.memory_space<vmem>>
        tpu.vector_store_idx %scatter3A_1500[%add3A_64, %add3A_1154, %add3A_1478], %get3A_1494 : memref<8x16x129xf32, #tpu.memory_space<vmem>>[vector<16xi32>, vector<16xi32>, vector<16xi32>], vector<16xf32>,
        %get3A_1501 = arith.constant 1 : i32
        %get3A_1502 = arith.index_cast %get3A_1501 : i32 to index
        %get3A_1503 = arith.index_cast %add3A_1474 : i32 to index
        %get3A_1504 = arith.constant 32 : index
        %get3A_1505 = tpu.vector_load %arg6[%get3A_1502, %get3A_1503, %get3A_1504] {strides = array<i32>} : memref<2x256x64xf32, #tpu.memory_space<vmem>>, vector<16xf32>,
        %scatter3A_1506 = arith.constant 1 : i32
        %scatter3A_1507 = arith.constant 0 : i32
        %scatter3A_1508 = arith.constant 0 : i32
        %scatter3A_1509 = arith.constant 0 : i32
        %scatter3A_1510 = tpu.memref_slice %arg7[%scatter3A_1506, %scatter3A_1507, %scatter3A_1508, %scatter3A_1509] : memref<2x8x16x129xf32, #tpu.memory_space<vmem>> -> memref<1x8x16x129xf32, #tpu.memory_space<vmem>>
        %scatter3A_1511 = tpu.memref_squeeze %scatter3A_1510 : memref<1x8x16x129xf32, #tpu.memory_space<vmem>> -> memref<8x16x129xf32, #tpu.memory_space<vmem>>
        tpu.vector_store_idx %scatter3A_1511[%add3A_98, %add3A_1154, %add3A_1478], %get3A_1505 : memref<8x16x129xf32, #tpu.memory_space<vmem>>[vector<16xi32>, vector<16xi32>, vector<16xi32>], vector<16xf32>,
        %get3A_1512 = arith.constant 1 : i32
        %get3A_1513 = arith.index_cast %get3A_1512 : i32 to index
        %get3A_1514 = arith.index_cast %add3A_1474 : i32 to index
        %get3A_1515 = arith.constant 48 : index
        %get3A_1516 = tpu.vector_load %arg6[%get3A_1513, %get3A_1514, %get3A_1515] {strides = array<i32>} : memref<2x256x64xf32, #tpu.memory_space<vmem>>, vector<16xf32>,
        %scatter3A_1517 = arith.constant 1 : i32
        %scatter3A_1518 = arith.constant 0 : i32
        %scatter3A_1519 = arith.constant 0 : i32
        %scatter3A_1520 = arith.constant 0 : i32
        %scatter3A_1521 = tpu.memref_slice %arg7[%scatter3A_1517, %scatter3A_1518, %scatter3A_1519, %scatter3A_1520] : memref<2x8x16x129xf32, #tpu.memory_space<vmem>> -> memref<1x8x16x129xf32, #tpu.memory_space<vmem>>
        %scatter3A_1522 = tpu.memref_squeeze %scatter3A_1521 : memref<1x8x16x129xf32, #tpu.memory_space<vmem>> -> memref<8x16x129xf32, #tpu.memory_space<vmem>>
        tpu.vector_store_idx %scatter3A_1522[%add3A_132, %add3A_1154, %add3A_1478], %get3A_1516 : memref<8x16x129xf32, #tpu.memory_space<vmem>>[vector<16xi32>, vector<16xi32>, vector<16xi32>], vector<16xf32>,
        %add3A_1523 = arith.constant 7 : i32
        %add3A_1524 = arith.addi %mul3A_1150, %add3A_1523 : i32
        %mul3A_1525 = arith.constant 128 : i32
        %mul3A_1526 = arith.muli %select_n3A_1132, %mul3A_1525 : i32
        %add3A_1527 = arith.addi %mul3A_1526, %add3A_1524 : i32
        %broadcast_in_dim3A_1528 = arith.constant 0 : i32
        %broadcast_in_dim3A_1529 = vector.broadcast %broadcast_in_dim3A_1528 : i32 to vector<16xi32>
        %add3A_1530 = vector.broadcast %add3A_1524 : i32 to vector<16xi32>
        %add3A_1531 = arith.addi %broadcast_in_dim3A_1529, %add3A_1530 : vector<16xi32>
        %get3A_1532 = arith.constant 1 : i32
        %get3A_1533 = arith.index_cast %get3A_1532 : i32 to index
        %get3A_1534 = arith.index_cast %add3A_1527 : i32 to index
        %get3A_1535 = arith.constant 0 : index
        %get3A_1536 = tpu.vector_load %arg6[%get3A_1533, %get3A_1534, %get3A_1535] {strides = array<i32>} : memref<2x256x64xf32, #tpu.memory_space<vmem>>, vector<16xf32>,
        %scatter3A_1537 = arith.constant 1 : i32
        %scatter3A_1538 = arith.constant 0 : i32
        %scatter3A_1539 = arith.constant 0 : i32
        %scatter3A_1540 = arith.constant 0 : i32
        %scatter3A_1541 = tpu.memref_slice %arg7[%scatter3A_1537, %scatter3A_1538, %scatter3A_1539, %scatter3A_1540] : memref<2x8x16x129xf32, #tpu.memory_space<vmem>> -> memref<1x8x16x129xf32, #tpu.memory_space<vmem>>
        %scatter3A_1542 = tpu.memref_squeeze %scatter3A_1541 : memref<1x8x16x129xf32, #tpu.memory_space<vmem>> -> memref<8x16x129xf32, #tpu.memory_space<vmem>>
        tpu.vector_store_idx %scatter3A_1542[%add3A_30, %add3A_1154, %add3A_1531], %get3A_1536 : memref<8x16x129xf32, #tpu.memory_space<vmem>>[vector<16xi32>, vector<16xi32>, vector<16xi32>], vector<16xf32>,
        %get3A_1543 = arith.constant 1 : i32
        %get3A_1544 = arith.index_cast %get3A_1543 : i32 to index
        %get3A_1545 = arith.index_cast %add3A_1527 : i32 to index
        %get3A_1546 = arith.constant 16 : index
        %get3A_1547 = tpu.vector_load %arg6[%get3A_1544, %get3A_1545, %get3A_1546] {strides = array<i32>} : memref<2x256x64xf32, #tpu.memory_space<vmem>>, vector<16xf32>,
        %scatter3A_1548 = arith.constant 1 : i32
        %scatter3A_1549 = arith.constant 0 : i32
        %scatter3A_1550 = arith.constant 0 : i32
        %scatter3A_1551 = arith.constant 0 : i32
        %scatter3A_1552 = tpu.memref_slice %arg7[%scatter3A_1548, %scatter3A_1549, %scatter3A_1550, %scatter3A_1551] : memref<2x8x16x129xf32, #tpu.memory_space<vmem>> -> memref<1x8x16x129xf32, #tpu.memory_space<vmem>>
        %scatter3A_1553 = tpu.memref_squeeze %scatter3A_1552 : memref<1x8x16x129xf32, #tpu.memory_space<vmem>> -> memref<8x16x129xf32, #tpu.memory_space<vmem>>
        tpu.vector_store_idx %scatter3A_1553[%add3A_64, %add3A_1154, %add3A_1531], %get3A_1547 : memref<8x16x129xf32, #tpu.memory_space<vmem>>[vector<16xi32>, vector<16xi32>, vector<16xi32>], vector<16xf32>,
        %get3A_1554 = arith.constant 1 : i32
        %get3A_1555 = arith.index_cast %get3A_1554 : i32 to index
        %get3A_1556 = arith.index_cast %add3A_1527 : i32 to index
        %get3A_1557 = arith.constant 32 : index
        %get3A_1558 = tpu.vector_load %arg6[%get3A_1555, %get3A_1556, %get3A_1557] {strides = array<i32>} : memref<2x256x64xf32, #tpu.memory_space<vmem>>, vector<16xf32>,
        %scatter3A_1559 = arith.constant 1 : i32
        %scatter3A_1560 = arith.constant 0 : i32
        %scatter3A_1561 = arith.constant 0 : i32
        %scatter3A_1562 = arith.constant 0 : i32
        %scatter3A_1563 = tpu.memref_slice %arg7[%scatter3A_1559, %scatter3A_1560, %scatter3A_1561, %scatter3A_1562] : memref<2x8x16x129xf32, #tpu.memory_space<vmem>> -> memref<1x8x16x129xf32, #tpu.memory_space<vmem>>
        %scatter3A_1564 = tpu.memref_squeeze %scatter3A_1563 : memref<1x8x16x129xf32, #tpu.memory_space<vmem>> -> memref<8x16x129xf32, #tpu.memory_space<vmem>>
        tpu.vector_store_idx %scatter3A_1564[%add3A_98, %add3A_1154, %add3A_1531], %get3A_1558 : memref<8x16x129xf32, #tpu.memory_space<vmem>>[vector<16xi32>, vector<16xi32>, vector<16xi32>], vector<16xf32>,
        %get3A_1565 = arith.constant 1 : i32
        %get3A_1566 = arith.index_cast %get3A_1565 : i32 to index
        %get3A_1567 = arith.index_cast %add3A_1527 : i32 to index
        %get3A_1568 = arith.constant 48 : index
        %get3A_1569 = tpu.vector_load %arg6[%get3A_1566, %get3A_1567, %get3A_1568] {strides = array<i32>} : memref<2x256x64xf32, #tpu.memory_space<vmem>>, vector<16xf32>,
        %scatter3A_1570 = arith.constant 1 : i32
        %scatter3A_1571 = arith.constant 0 : i32
        %scatter3A_1572 = arith.constant 0 : i32
        %scatter3A_1573 = arith.constant 0 : i32
        %scatter3A_1574 = tpu.memref_slice %arg7[%scatter3A_1570, %scatter3A_1571, %scatter3A_1572, %scatter3A_1573] : memref<2x8x16x129xf32, #tpu.memory_space<vmem>> -> memref<1x8x16x129xf32, #tpu.memory_space<vmem>>
        %scatter3A_1575 = tpu.memref_squeeze %scatter3A_1574 : memref<1x8x16x129xf32, #tpu.memory_space<vmem>> -> memref<8x16x129xf32, #tpu.memory_space<vmem>>
        tpu.vector_store_idx %scatter3A_1575[%add3A_132, %add3A_1154, %add3A_1531], %get3A_1569 : memref<8x16x129xf32, #tpu.memory_space<vmem>>[vector<16xi32>, vector<16xi32>, vector<16xi32>], vector<16xf32>,
      }
      %scan3A_897 = arith.constant 32 : i32
      %mul3A_898 = arith.constant 2 : i32
      %mul3A_899 = arith.muli %add3A_856, %mul3A_898 : i32
      %add3A_900 = arith.addi %mul3A_2, %mul3A_899 : i32
      %jit3A_901 = arith.constant 32 : i32
      %div3A_902 = arith.divsi %add3A_900, %jit3A_901 : i32
      %sign3A_903 = arith.constant 0 : i32
      %sign3A_904 = arith.cmpi sgt, %add3A_900, %sign3A_903 : i32
      %sign3A_905 = arith.extui %sign3A_904 : i1 to i32
      %sign3A_906 = arith.constant 0 : i32
      %sign3A_907 = arith.cmpi slt, %add3A_900, %sign3A_906 : i32
      %sign3A_908 = arith.extui %sign3A_907 : i1 to i32
      %sign3A_909 = arith.subi %sign3A_905, %sign3A_908 : i32
      %sign3A_910 = arith.constant 0 : i32
      %sign3A_911 = arith.cmpi sgt, %jit3A_901, %sign3A_910 : i32
      %sign3A_912 = arith.extui %sign3A_911 : i1 to i32
      %sign3A_913 = arith.constant 0 : i32
      %sign3A_914 = arith.cmpi slt, %jit3A_901, %sign3A_913 : i32
      %sign3A_915 = arith.extui %sign3A_914 : i1 to i32
      %sign3A_916 = arith.subi %sign3A_912, %sign3A_915 : i32
      %ne3A_917 = arith.cmpi ne, %sign3A_909, %sign3A_916 : i32
      %rem3A_918 = arith.remsi %add3A_900, %jit3A_901 : i32
      %ne3A_919 = arith.constant 0 : i32
      %ne3A_920 = arith.cmpi ne, %rem3A_918, %ne3A_919 : i32
      %and3A_921 = arith.andi %ne3A_917, %ne3A_920 : i1
      %sub3A_922 = arith.constant 1 : i32
      %sub3A_923 = arith.subi %div3A_902, %sub3A_922 : i32
      %select_n3A_924 = arith.select %and3A_921, %sub3A_923, %div3A_902 : i32
      %jit3A_925 = arith.constant 32 : i32
      %eq3A_926 = arith.constant 0 : i32
      %eq3A_927 = arith.cmpi eq, %jit3A_925, %eq3A_926 : i32
      %jit3A_928 = arith.constant 1 : i32
      %select_n3A_929 = arith.select %eq3A_927, %jit3A_928, %jit3A_925 : i32
      %rem3A_930 = arith.remsi %add3A_900, %select_n3A_929 : i32
      %ne3A_931 = arith.constant 0 : i32
      %ne3A_932 = arith.cmpi ne, %rem3A_930, %ne3A_931 : i32
      %lt3A_933 = arith.constant 0 : i32
      %lt3A_934 = arith.cmpi slt, %rem3A_930, %lt3A_933 : i32
      %lt3A_935 = arith.constant 0 : i32
      %lt3A_936 = arith.cmpi slt, %select_n3A_929, %lt3A_935 : i32
      %ne3A_937 = arith.xori %lt3A_934, %lt3A_936 : i1
      %and3A_938 = arith.andi %ne3A_937, %ne3A_932 : i1
      %add3A_939 = arith.addi %rem3A_930, %select_n3A_929 : i32
      %select_n3A_940 = arith.select %and3A_938, %add3A_939, %rem3A_930 : i32
      %mul3A_941 = arith.constant 8 : i32
      %mul3A_942 = arith.muli %select_n3A_940, %mul3A_941 : i32
      %add3A_943 = arith.constant 0 : i32
      %add3A_944 = arith.addi %add3A_943, %mul3A_942 : i32
      %dma_start3A_945 = arith.constant 1 : i32
      %dma_start3A_946 = arith.constant 0 : i32
      %dma_start3A_947 = arith.constant 0 : i32
      %dma_start3A_948 = arith.constant 0 : i32
      %dma_start3A_949 = tpu.memref_slice %arg7[%dma_start3A_945, %dma_start3A_946, %dma_start3A_947, %dma_start3A_948] : memref<2x8x16x129xf32, #tpu.memory_space<vmem>> -> memref<1x1x16x128xf32, #tpu.memory_space<vmem>>
      %dma_start3A_950 = tpu.memref_squeeze %dma_start3A_949 : memref<1x1x16x128xf32, #tpu.memory_space<vmem>> -> memref<16x128xf32, #tpu.memory_space<vmem>>
      %dma_start3A_951 = arith.constant 0 : i32
      %dma_start3A_952 = tpu.memref_slice %arg4[%select_n3A_924, %add3A_944, %dma_start3A_951] : memref<200x2048x128xf32, #tpu.memory_space<hbm>> -> memref<1x16x128xf32, #tpu.memory_space<hbm>>
      %dma_start3A_953 = tpu.memref_squeeze %dma_start3A_952 : memref<1x16x128xf32, #tpu.memory_space<hbm>> -> memref<16x128xf32, #tpu.memory_space<hbm>>
      %dma_start3A_954 = arith.constant 0 : i32
      %dma_start3A_955 = tpu.memref_slice %arg4[%select_n3A_924, %add3A_944, %dma_start3A_954] : memref<200x2048x128xf32, #tpu.memory_space<hbm>> -> memref<1x16x128xf32, #tpu.memory_space<hbm>>
      %dma_start3A_956 = tpu.memref_squeeze %dma_start3A_955 : memref<1x16x128xf32, #tpu.memory_space<hbm>> -> memref<16x128xf32, #tpu.memory_space<hbm>>
      %dma_start3A_957 = arith.constant 0 : i32
      %dma_start3A_958 = arith.constant 0 : i32
      %dma_start3A_959 = tpu.memref_slice %arg7[%dma_start3A_945, %dma_start3A_946, %dma_start3A_957, %dma_start3A_958] : memref<2x8x16x129xf32, #tpu.memory_space<vmem>> -> memref<1x1x16x128xf32, #tpu.memory_space<vmem>>
      %dma_start3A_960 = tpu.memref_squeeze %dma_start3A_959 : memref<1x1x16x128xf32, #tpu.memory_space<vmem>> -> memref<16x128xf32, #tpu.memory_space<vmem>>
      tpu.enqueue_dma source(%dma_start3A_960 : memref<16x128xf32, #tpu.memory_space<vmem>>) target(%dma_start3A_956 : memref<16x128xf32, #tpu.memory_space<hbm>>) target_semaphore(%arg11 : memref<!tpu.dma_semaphore, #tpu.memory_space<semaphore_mem>>)
      %mul3A_961 = arith.constant 8 : i32
      %mul3A_962 = arith.muli %select_n3A_940, %mul3A_961 : i32
      %add3A_963 = arith.constant 256 : i32
      %add3A_964 = arith.addi %add3A_963, %mul3A_962 : i32
      %dma_start3A_965 = arith.constant 1 : i32
      %dma_start3A_966 = arith.constant 1 : i32
      %dma_start3A_967 = arith.constant 0 : i32
      %dma_start3A_968 = arith.constant 0 : i32
      %dma_start3A_969 = tpu.memref_slice %arg7[%dma_start3A_965, %dma_start3A_966, %dma_start3A_967, %dma_start3A_968] : memref<2x8x16x129xf32, #tpu.memory_space<vmem>> -> memref<1x1x16x128xf32, #tpu.memory_space<vmem>>
      %dma_start3A_970 = tpu.memref_squeeze %dma_start3A_969 : memref<1x1x16x128xf32, #tpu.memory_space<vmem>> -> memref<16x128xf32, #tpu.memory_space<vmem>>
      %dma_start3A_971 = arith.constant 0 : i32
      %dma_start3A_972 = tpu.memref_slice %arg4[%select_n3A_924, %add3A_964, %dma_start3A_971] : memref<200x2048x128xf32, #tpu.memory_space<hbm>> -> memref<1x16x128xf32, #tpu.memory_space<hbm>>
      %dma_start3A_973 = tpu.memref_squeeze %dma_start3A_972 : memref<1x16x128xf32, #tpu.memory_space<hbm>> -> memref<16x128xf32, #tpu.memory_space<hbm>>
      %dma_start3A_974 = arith.constant 0 : i32
      %dma_start3A_975 = tpu.memref_slice %arg4[%select_n3A_924, %add3A_964, %dma_start3A_974] : memref<200x2048x128xf32, #tpu.memory_space<hbm>> -> memref<1x16x128xf32, #tpu.memory_space<hbm>>
      %dma_start3A_976 = tpu.memref_squeeze %dma_start3A_975 : memref<1x16x128xf32, #tpu.memory_space<hbm>> -> memref<16x128xf32, #tpu.memory_space<hbm>>
      %dma_start3A_977 = arith.constant 0 : i32
      %dma_start3A_978 = arith.constant 0 : i32
      %dma_start3A_979 = tpu.memref_slice %arg7[%dma_start3A_965, %dma_start3A_966, %dma_start3A_977, %dma_start3A_978] : memref<2x8x16x129xf32, #tpu.memory_space<vmem>> -> memref<1x1x16x128xf32, #tpu.memory_space<vmem>>
      %dma_start3A_980 = tpu.memref_squeeze %dma_start3A_979 : memref<1x1x16x128xf32, #tpu.memory_space<vmem>> -> memref<16x128xf32, #tpu.memory_space<vmem>>
      tpu.enqueue_dma source(%dma_start3A_980 : memref<16x128xf32, #tpu.memory_space<vmem>>) target(%dma_start3A_976 : memref<16x128xf32, #tpu.memory_space<hbm>>) target_semaphore(%arg11 : memref<!tpu.dma_semaphore, #tpu.memory_space<semaphore_mem>>)
      %mul3A_981 = arith.constant 8 : i32
      %mul3A_982 = arith.muli %select_n3A_940, %mul3A_981 : i32
      %add3A_983 = arith.constant 512 : i32
      %add3A_984 = arith.addi %add3A_983, %mul3A_982 : i32
      %dma_start3A_985 = arith.constant 1 : i32
      %dma_start3A_986 = arith.constant 2 : i32
      %dma_start3A_987 = arith.constant 0 : i32
      %dma_start3A_988 = arith.constant 0 : i32
      %dma_start3A_989 = tpu.memref_slice %arg7[%dma_start3A_985, %dma_start3A_986, %dma_start3A_987, %dma_start3A_988] : memref<2x8x16x129xf32, #tpu.memory_space<vmem>> -> memref<1x1x16x128xf32, #tpu.memory_space<vmem>>
      %dma_start3A_990 = tpu.memref_squeeze %dma_start3A_989 : memref<1x1x16x128xf32, #tpu.memory_space<vmem>> -> memref<16x128xf32, #tpu.memory_space<vmem>>
      %dma_start3A_991 = arith.constant 0 : i32
      %dma_start3A_992 = tpu.memref_slice %arg4[%select_n3A_924, %add3A_984, %dma_start3A_991] : memref<200x2048x128xf32, #tpu.memory_space<hbm>> -> memref<1x16x128xf32, #tpu.memory_space<hbm>>
      %dma_start3A_993 = tpu.memref_squeeze %dma_start3A_992 : memref<1x16x128xf32, #tpu.memory_space<hbm>> -> memref<16x128xf32, #tpu.memory_space<hbm>>
      %dma_start3A_994 = arith.constant 0 : i32
      %dma_start3A_995 = tpu.memref_slice %arg4[%select_n3A_924, %add3A_984, %dma_start3A_994] : memref<200x2048x128xf32, #tpu.memory_space<hbm>> -> memref<1x16x128xf32, #tpu.memory_space<hbm>>
      %dma_start3A_996 = tpu.memref_squeeze %dma_start3A_995 : memref<1x16x128xf32, #tpu.memory_space<hbm>> -> memref<16x128xf32, #tpu.memory_space<hbm>>
      %dma_start3A_997 = arith.constant 0 : i32
      %dma_start3A_998 = arith.constant 0 : i32
      %dma_start3A_999 = tpu.memref_slice %arg7[%dma_start3A_985, %dma_start3A_986, %dma_start3A_997, %dma_start3A_998] : memref<2x8x16x129xf32, #tpu.memory_space<vmem>> -> memref<1x1x16x128xf32, #tpu.memory_space<vmem>>
      %dma_start3A_1000 = tpu.memref_squeeze %dma_start3A_999 : memref<1x1x16x128xf32, #tpu.memory_space<vmem>> -> memref<16x128xf32, #tpu.memory_space<vmem>>
      tpu.enqueue_dma source(%dma_start3A_1000 : memref<16x128xf32, #tpu.memory_space<vmem>>) target(%dma_start3A_996 : memref<16x128xf32, #tpu.memory_space<hbm>>) target_semaphore(%arg11 : memref<!tpu.dma_semaphore, #tpu.memory_space<semaphore_mem>>)
      %mul3A_1001 = arith.constant 8 : i32
      %mul3A_1002 = arith.muli %select_n3A_940, %mul3A_1001 : i32
      %add3A_1003 = arith.constant 768 : i32
      %add3A_1004 = arith.addi %add3A_1003, %mul3A_1002 : i32
      %dma_start3A_1005 = arith.constant 1 : i32
      %dma_start3A_1006 = arith.constant 3 : i32
      %dma_start3A_1007 = arith.constant 0 : i32
      %dma_start3A_1008 = arith.constant 0 : i32
      %dma_start3A_1009 = tpu.memref_slice %arg7[%dma_start3A_1005, %dma_start3A_1006, %dma_start3A_1007, %dma_start3A_1008] : memref<2x8x16x129xf32, #tpu.memory_space<vmem>> -> memref<1x1x16x128xf32, #tpu.memory_space<vmem>>
      %dma_start3A_1010 = tpu.memref_squeeze %dma_start3A_1009 : memref<1x1x16x128xf32, #tpu.memory_space<vmem>> -> memref<16x128xf32, #tpu.memory_space<vmem>>
      %dma_start3A_1011 = arith.constant 0 : i32
      %dma_start3A_1012 = tpu.memref_slice %arg4[%select_n3A_924, %add3A_1004, %dma_start3A_1011] : memref<200x2048x128xf32, #tpu.memory_space<hbm>> -> memref<1x16x128xf32, #tpu.memory_space<hbm>>
      %dma_start3A_1013 = tpu.memref_squeeze %dma_start3A_1012 : memref<1x16x128xf32, #tpu.memory_space<hbm>> -> memref<16x128xf32, #tpu.memory_space<hbm>>
      %dma_start3A_1014 = arith.constant 0 : i32
      %dma_start3A_1015 = tpu.memref_slice %arg4[%select_n3A_924, %add3A_1004, %dma_start3A_1014] : memref<200x2048x128xf32, #tpu.memory_space<hbm>> -> memref<1x16x128xf32, #tpu.memory_space<hbm>>
      %dma_start3A_1016 = tpu.memref_squeeze %dma_start3A_1015 : memref<1x16x128xf32, #tpu.memory_space<hbm>> -> memref<16x128xf32, #tpu.memory_space<hbm>>
      %dma_start3A_1017 = arith.constant 0 : i32
      %dma_start3A_1018 = arith.constant 0 : i32
      %dma_start3A_1019 = tpu.memref_slice %arg7[%dma_start3A_1005, %dma_start3A_1006, %dma_start3A_1017, %dma_start3A_1018] : memref<2x8x16x129xf32, #tpu.memory_space<vmem>> -> memref<1x1x16x128xf32, #tpu.memory_space<vmem>>
      %dma_start3A_1020 = tpu.memref_squeeze %dma_start3A_1019 : memref<1x1x16x128xf32, #tpu.memory_space<vmem>> -> memref<16x128xf32, #tpu.memory_space<vmem>>
      tpu.enqueue_dma source(%dma_start3A_1020 : memref<16x128xf32, #tpu.memory_space<vmem>>) target(%dma_start3A_1016 : memref<16x128xf32, #tpu.memory_space<hbm>>) target_semaphore(%arg11 : memref<!tpu.dma_semaphore, #tpu.memory_space<semaphore_mem>>)
      %mul3A_1021 = arith.constant 8 : i32
      %mul3A_1022 = arith.muli %select_n3A_940, %mul3A_1021 : i32
      %add3A_1023 = arith.constant 1024 : i32
      %add3A_1024 = arith.addi %add3A_1023, %mul3A_1022 : i32
      %dma_start3A_1025 = arith.constant 1 : i32
      %dma_start3A_1026 = arith.constant 4 : i32
      %dma_start3A_1027 = arith.constant 0 : i32
      %dma_start3A_1028 = arith.constant 0 : i32
      %dma_start3A_1029 = tpu.memref_slice %arg7[%dma_start3A_1025, %dma_start3A_1026, %dma_start3A_1027, %dma_start3A_1028] : memref<2x8x16x129xf32, #tpu.memory_space<vmem>> -> memref<1x1x16x128xf32, #tpu.memory_space<vmem>>
      %dma_start3A_1030 = tpu.memref_squeeze %dma_start3A_1029 : memref<1x1x16x128xf32, #tpu.memory_space<vmem>> -> memref<16x128xf32, #tpu.memory_space<vmem>>
      %dma_start3A_1031 = arith.constant 0 : i32
      %dma_start3A_1032 = tpu.memref_slice %arg4[%select_n3A_924, %add3A_1024, %dma_start3A_1031] : memref<200x2048x128xf32, #tpu.memory_space<hbm>> -> memref<1x16x128xf32, #tpu.memory_space<hbm>>
      %dma_start3A_1033 = tpu.memref_squeeze %dma_start3A_1032 : memref<1x16x128xf32, #tpu.memory_space<hbm>> -> memref<16x128xf32, #tpu.memory_space<hbm>>
      %dma_start3A_1034 = arith.constant 0 : i32
      %dma_start3A_1035 = tpu.memref_slice %arg4[%select_n3A_924, %add3A_1024, %dma_start3A_1034] : memref<200x2048x128xf32, #tpu.memory_space<hbm>> -> memref<1x16x128xf32, #tpu.memory_space<hbm>>
      %dma_start3A_1036 = tpu.memref_squeeze %dma_start3A_1035 : memref<1x16x128xf32, #tpu.memory_space<hbm>> -> memref<16x128xf32, #tpu.memory_space<hbm>>
      %dma_start3A_1037 = arith.constant 0 : i32
      %dma_start3A_1038 = arith.constant 0 : i32
      %dma_start3A_1039 = tpu.memref_slice %arg7[%dma_start3A_1025, %dma_start3A_1026, %dma_start3A_1037, %dma_start3A_1038] : memref<2x8x16x129xf32, #tpu.memory_space<vmem>> -> memref<1x1x16x128xf32, #tpu.memory_space<vmem>>
      %dma_start3A_1040 = tpu.memref_squeeze %dma_start3A_1039 : memref<1x1x16x128xf32, #tpu.memory_space<vmem>> -> memref<16x128xf32, #tpu.memory_space<vmem>>
      tpu.enqueue_dma source(%dma_start3A_1040 : memref<16x128xf32, #tpu.memory_space<vmem>>) target(%dma_start3A_1036 : memref<16x128xf32, #tpu.memory_space<hbm>>) target_semaphore(%arg11 : memref<!tpu.dma_semaphore, #tpu.memory_space<semaphore_mem>>)
      %mul3A_1041 = arith.constant 8 : i32
      %mul3A_1042 = arith.muli %select_n3A_940, %mul3A_1041 : i32
      %add3A_1043 = arith.constant 1280 : i32
      %add3A_1044 = arith.addi %add3A_1043, %mul3A_1042 : i32
      %dma_start3A_1045 = arith.constant 1 : i32
      %dma_start3A_1046 = arith.constant 5 : i32
      %dma_start3A_1047 = arith.constant 0 : i32
      %dma_start3A_1048 = arith.constant 0 : i32
      %dma_start3A_1049 = tpu.memref_slice %arg7[%dma_start3A_1045, %dma_start3A_1046, %dma_start3A_1047, %dma_start3A_1048] : memref<2x8x16x129xf32, #tpu.memory_space<vmem>> -> memref<1x1x16x128xf32, #tpu.memory_space<vmem>>
      %dma_start3A_1050 = tpu.memref_squeeze %dma_start3A_1049 : memref<1x1x16x128xf32, #tpu.memory_space<vmem>> -> memref<16x128xf32, #tpu.memory_space<vmem>>
      %dma_start3A_1051 = arith.constant 0 : i32
      %dma_start3A_1052 = tpu.memref_slice %arg4[%select_n3A_924, %add3A_1044, %dma_start3A_1051] : memref<200x2048x128xf32, #tpu.memory_space<hbm>> -> memref<1x16x128xf32, #tpu.memory_space<hbm>>
      %dma_start3A_1053 = tpu.memref_squeeze %dma_start3A_1052 : memref<1x16x128xf32, #tpu.memory_space<hbm>> -> memref<16x128xf32, #tpu.memory_space<hbm>>
      %dma_start3A_1054 = arith.constant 0 : i32
      %dma_start3A_1055 = tpu.memref_slice %arg4[%select_n3A_924, %add3A_1044, %dma_start3A_1054] : memref<200x2048x128xf32, #tpu.memory_space<hbm>> -> memref<1x16x128xf32, #tpu.memory_space<hbm>>
      %dma_start3A_1056 = tpu.memref_squeeze %dma_start3A_1055 : memref<1x16x128xf32, #tpu.memory_space<hbm>> -> memref<16x128xf32, #tpu.memory_space<hbm>>
      %dma_start3A_1057 = arith.constant 0 : i32
      %dma_start3A_1058 = arith.constant 0 : i32
      %dma_start3A_1059 = tpu.memref_slice %arg7[%dma_start3A_1045, %dma_start3A_1046, %dma_start3A_1057, %dma_start3A_1058] : memref<2x8x16x129xf32, #tpu.memory_space<vmem>> -> memref<1x1x16x128xf32, #tpu.memory_space<vmem>>
      %dma_start3A_1060 = tpu.memref_squeeze %dma_start3A_1059 : memref<1x1x16x128xf32, #tpu.memory_space<vmem>> -> memref<16x128xf32, #tpu.memory_space<vmem>>
      tpu.enqueue_dma source(%dma_start3A_1060 : memref<16x128xf32, #tpu.memory_space<vmem>>) target(%dma_start3A_1056 : memref<16x128xf32, #tpu.memory_space<hbm>>) target_semaphore(%arg11 : memref<!tpu.dma_semaphore, #tpu.memory_space<semaphore_mem>>)
      %mul3A_1061 = arith.constant 8 : i32
      %mul3A_1062 = arith.muli %select_n3A_940, %mul3A_1061 : i32
      %add3A_1063 = arith.constant 1536 : i32
      %add3A_1064 = arith.addi %add3A_1063, %mul3A_1062 : i32
      %dma_start3A_1065 = arith.constant 1 : i32
      %dma_start3A_1066 = arith.constant 6 : i32
      %dma_start3A_1067 = arith.constant 0 : i32
      %dma_start3A_1068 = arith.constant 0 : i32
      %dma_start3A_1069 = tpu.memref_slice %arg7[%dma_start3A_1065, %dma_start3A_1066, %dma_start3A_1067, %dma_start3A_1068] : memref<2x8x16x129xf32, #tpu.memory_space<vmem>> -> memref<1x1x16x128xf32, #tpu.memory_space<vmem>>
      %dma_start3A_1070 = tpu.memref_squeeze %dma_start3A_1069 : memref<1x1x16x128xf32, #tpu.memory_space<vmem>> -> memref<16x128xf32, #tpu.memory_space<vmem>>
      %dma_start3A_1071 = arith.constant 0 : i32
      %dma_start3A_1072 = tpu.memref_slice %arg4[%select_n3A_924, %add3A_1064, %dma_start3A_1071] : memref<200x2048x128xf32, #tpu.memory_space<hbm>> -> memref<1x16x128xf32, #tpu.memory_space<hbm>>
      %dma_start3A_1073 = tpu.memref_squeeze %dma_start3A_1072 : memref<1x16x128xf32, #tpu.memory_space<hbm>> -> memref<16x128xf32, #tpu.memory_space<hbm>>
      %dma_start3A_1074 = arith.constant 0 : i32
      %dma_start3A_1075 = tpu.memref_slice %arg4[%select_n3A_924, %add3A_1064, %dma_start3A_1074] : memref<200x2048x128xf32, #tpu.memory_space<hbm>> -> memref<1x16x128xf32, #tpu.memory_space<hbm>>
      %dma_start3A_1076 = tpu.memref_squeeze %dma_start3A_1075 : memref<1x16x128xf32, #tpu.memory_space<hbm>> -> memref<16x128xf32, #tpu.memory_space<hbm>>
      %dma_start3A_1077 = arith.constant 0 : i32
      %dma_start3A_1078 = arith.constant 0 : i32
      %dma_start3A_1079 = tpu.memref_slice %arg7[%dma_start3A_1065, %dma_start3A_1066, %dma_start3A_1077, %dma_start3A_1078] : memref<2x8x16x129xf32, #tpu.memory_space<vmem>> -> memref<1x1x16x128xf32, #tpu.memory_space<vmem>>
      %dma_start3A_1080 = tpu.memref_squeeze %dma_start3A_1079 : memref<1x1x16x128xf32, #tpu.memory_space<vmem>> -> memref<16x128xf32, #tpu.memory_space<vmem>>
      tpu.enqueue_dma source(%dma_start3A_1080 : memref<16x128xf32, #tpu.memory_space<vmem>>) target(%dma_start3A_1076 : memref<16x128xf32, #tpu.memory_space<hbm>>) target_semaphore(%arg11 : memref<!tpu.dma_semaphore, #tpu.memory_space<semaphore_mem>>)
      %mul3A_1081 = arith.constant 8 : i32
      %mul3A_1082 = arith.muli %select_n3A_940, %mul3A_1081 : i32
      %add3A_1083 = arith.constant 1792 : i32
      %add3A_1084 = arith.addi %add3A_1083, %mul3A_1082 : i32
      %dma_start3A_1085 = arith.constant 1 : i32
      %dma_start3A_1086 = arith.constant 7 : i32
      %dma_start3A_1087 = arith.constant 0 : i32
      %dma_start3A_1088 = arith.constant 0 : i32
      %dma_start3A_1089 = tpu.memref_slice %arg7[%dma_start3A_1085, %dma_start3A_1086, %dma_start3A_1087, %dma_start3A_1088] : memref<2x8x16x129xf32, #tpu.memory_space<vmem>> -> memref<1x1x16x128xf32, #tpu.memory_space<vmem>>
      %dma_start3A_1090 = tpu.memref_squeeze %dma_start3A_1089 : memref<1x1x16x128xf32, #tpu.memory_space<vmem>> -> memref<16x128xf32, #tpu.memory_space<vmem>>
      %dma_start3A_1091 = arith.constant 0 : i32
      %dma_start3A_1092 = tpu.memref_slice %arg4[%select_n3A_924, %add3A_1084, %dma_start3A_1091] : memref<200x2048x128xf32, #tpu.memory_space<hbm>> -> memref<1x16x128xf32, #tpu.memory_space<hbm>>
      %dma_start3A_1093 = tpu.memref_squeeze %dma_start3A_1092 : memref<1x16x128xf32, #tpu.memory_space<hbm>> -> memref<16x128xf32, #tpu.memory_space<hbm>>
      %dma_start3A_1094 = arith.constant 0 : i32
      %dma_start3A_1095 = tpu.memref_slice %arg4[%select_n3A_924, %add3A_1084, %dma_start3A_1094] : memref<200x2048x128xf32, #tpu.memory_space<hbm>> -> memref<1x16x128xf32, #tpu.memory_space<hbm>>
      %dma_start3A_1096 = tpu.memref_squeeze %dma_start3A_1095 : memref<1x16x128xf32, #tpu.memory_space<hbm>> -> memref<16x128xf32, #tpu.memory_space<hbm>>
      %dma_start3A_1097 = arith.constant 0 : i32
      %dma_start3A_1098 = arith.constant 0 : i32
      %dma_start3A_1099 = tpu.memref_slice %arg7[%dma_start3A_1085, %dma_start3A_1086, %dma_start3A_1097, %dma_start3A_1098] : memref<2x8x16x129xf32, #tpu.memory_space<vmem>> -> memref<1x1x16x128xf32, #tpu.memory_space<vmem>>
      %dma_start3A_1100 = tpu.memref_squeeze %dma_start3A_1099 : memref<1x1x16x128xf32, #tpu.memory_space<vmem>> -> memref<16x128xf32, #tpu.memory_space<vmem>>
      tpu.enqueue_dma source(%dma_start3A_1100 : memref<16x128xf32, #tpu.memory_space<vmem>>) target(%dma_start3A_1096 : memref<16x128xf32, #tpu.memory_space<hbm>>) target_semaphore(%arg11 : memref<!tpu.dma_semaphore, #tpu.memory_space<semaphore_mem>>)
      %add3A_1101 = arith.constant 2 : i32
      %add3A_1102 = arith.addi %add3A_856, %add3A_1101 : i32
      %lt3A_1103 = arith.constant 100 : i32
      %lt3A_1104 = arith.cmpi slt, %add3A_1102, %lt3A_1103 : i32
      %convert_element_type3A_1105 = arith.extui %lt3A_1104 : i1 to i32
      %cond3A_1106 = arith.constant 0 : i32
      %cond3A_1107 = arith.cmpi ne, %convert_element_type3A_1105, %cond3A_1106 : i32
      scf.if %cond3A_1107 {
        %add3A_1108 = arith.constant 2 : i32
        %add3A_1109 = arith.addi %add3A_856, %add3A_1108 : i32
        %mul3A_1110 = arith.constant 2 : i32
        %mul3A_1111 = arith.muli %add3A_1109, %mul3A_1110 : i32
        %add3A_1112 = arith.constant 0 : i32
        %add3A_1113 = arith.addi %mul3A_1111, %add3A_1112 : i32
        %mul3A_1114 = arith.constant 128 : i32
        %mul3A_1115 = arith.muli %add3A_1113, %mul3A_1114 : i32
        %dma_start3A_1116 = arith.constant 1 : i32
        %dma_start3A_1117 = arith.constant 0 : i32
        %dma_start3A_1118 = arith.constant 0 : i32
        %dma_start3A_1119 = tpu.memref_slice %arg6[%dma_start3A_1116, %dma_start3A_1117, %dma_start3A_1118] : memref<2x256x64xf32, #tpu.memory_space<vmem>> -> memref<1x128x64xf32, #tpu.memory_space<vmem>>
        %dma_start3A_1120 = tpu.memref_squeeze %dma_start3A_1119 : memref<1x128x64xf32, #tpu.memory_space<vmem>> -> memref<128x64xf32, #tpu.memory_space<vmem>>
        %dma_start3A_1121 = tpu.memref_slice %arg5[%mul3A_1115] : memref<25600xi32, #tpu.memory_space<vmem>> -> memref<128xi32, #tpu.memory_space<vmem>>
        %dma_start3A_1122 = arith.constant 0 : i32
        %dma_start3A_1123 = arith.constant 0 : i32
        %dma_start3A_1124 = tpu.memref_slice %arg3[%dma_start3A_1122, %dma_start3A_1123] : memref<1000000x64xf32, #tpu.memory_space<hbm>> -> memref<1000000x64xf32, #tpu.memory_space<hbm>>
        tpu.enqueue_indirect_dma source(%dma_start3A_1124 : memref<1000000x64xf32, #tpu.memory_space<hbm>>) target(%dma_start3A_1120 : memref<128x64xf32, #tpu.memory_space<vmem>>) offsets(%dma_start3A_1121 : memref<128xi32, #tpu.memory_space<vmem>>) semaphore(%arg9 : memref<!tpu.dma_semaphore, #tpu.memory_space<semaphore_mem>>)
        %mul3A_1125 = arith.constant 2 : i32
        %mul3A_1126 = arith.muli %add3A_1109, %mul3A_1125 : i32
        %add3A_1127 = arith.constant 1 : i32
        %add3A_1128 = arith.addi %mul3A_1126, %add3A_1127 : i32
        %mul3A_1129 = arith.constant 128 : i32
        %mul3A_1130 = arith.muli %add3A_1128, %mul3A_1129 : i32
        %dma_start3A_1131 = arith.constant 1 : i32
        %dma_start3A_1132 = arith.constant 128 : i32
        %dma_start3A_1133 = arith.constant 0 : i32
        %dma_start3A_1134 = tpu.memref_slice %arg6[%dma_start3A_1131, %dma_start3A_1132, %dma_start3A_1133] : memref<2x256x64xf32, #tpu.memory_space<vmem>> -> memref<1x128x64xf32, #tpu.memory_space<vmem>>
        %dma_start3A_1135 = tpu.memref_squeeze %dma_start3A_1134 : memref<1x128x64xf32, #tpu.memory_space<vmem>> -> memref<128x64xf32, #tpu.memory_space<vmem>>
        %dma_start3A_1136 = tpu.memref_slice %arg5[%mul3A_1130] : memref<25600xi32, #tpu.memory_space<vmem>> -> memref<128xi32, #tpu.memory_space<vmem>>
        %dma_start3A_1137 = arith.constant 0 : i32
        %dma_start3A_1138 = arith.constant 0 : i32
        %dma_start3A_1139 = tpu.memref_slice %arg3[%dma_start3A_1137, %dma_start3A_1138] : memref<1000000x64xf32, #tpu.memory_space<hbm>> -> memref<1000000x64xf32, #tpu.memory_space<hbm>>
        tpu.enqueue_indirect_dma source(%dma_start3A_1139 : memref<1000000x64xf32, #tpu.memory_space<hbm>>) target(%dma_start3A_1135 : memref<128x64xf32, #tpu.memory_space<vmem>>) offsets(%dma_start3A_1136 : memref<128xi32, #tpu.memory_space<vmem>>) semaphore(%arg9 : memref<!tpu.dma_semaphore, #tpu.memory_space<semaphore_mem>>)
      } else {
      }
    }
    %scan3A_196 = arith.constant 50 : i32
    %add3A_197 = arith.constant 196 : i32
    %add3A_198 = arith.addi %mul3A_2, %add3A_197 : i32
    %jit3A_199 = arith.constant 32 : i32
    %div3A_200 = arith.divsi %add3A_198, %jit3A_199 : i32
    %sign3A_201 = arith.constant 0 : i32
    %sign3A_202 = arith.cmpi sgt, %add3A_198, %sign3A_201 : i32
    %sign3A_203 = arith.extui %sign3A_202 : i1 to i32
    %sign3A_204 = arith.constant 0 : i32
    %sign3A_205 = arith.cmpi slt, %add3A_198, %sign3A_204 : i32
    %sign3A_206 = arith.extui %sign3A_205 : i1 to i32
    %sign3A_207 = arith.subi %sign3A_203, %sign3A_206 : i32
    %sign3A_208 = arith.constant 0 : i32
    %sign3A_209 = arith.cmpi sgt, %jit3A_199, %sign3A_208 : i32
    %sign3A_210 = arith.extui %sign3A_209 : i1 to i32
    %sign3A_211 = arith.constant 0 : i32
    %sign3A_212 = arith.cmpi slt, %jit3A_199, %sign3A_211 : i32
    %sign3A_213 = arith.extui %sign3A_212 : i1 to i32
    %sign3A_214 = arith.subi %sign3A_210, %sign3A_213 : i32
    %ne3A_215 = arith.cmpi ne, %sign3A_207, %sign3A_214 : i32
    %rem3A_216 = arith.remsi %add3A_198, %jit3A_199 : i32
    %ne3A_217 = arith.constant 0 : i32
    %ne3A_218 = arith.cmpi ne, %rem3A_216, %ne3A_217 : i32
    %and3A_219 = arith.andi %ne3A_215, %ne3A_218 : i1
    %sub3A_220 = arith.constant 1 : i32
    %sub3A_221 = arith.subi %div3A_200, %sub3A_220 : i32
    %select_n3A_222 = arith.select %and3A_219, %sub3A_221, %div3A_200 : i32
    %jit3A_223 = arith.constant 32 : i32
    %eq3A_224 = arith.constant 0 : i32
    %eq3A_225 = arith.cmpi eq, %jit3A_223, %eq3A_224 : i32
    %jit3A_226 = arith.constant 1 : i32
    %select_n3A_227 = arith.select %eq3A_225, %jit3A_226, %jit3A_223 : i32
    %rem3A_228 = arith.remsi %add3A_198, %select_n3A_227 : i32
    %ne3A_229 = arith.constant 0 : i32
    %ne3A_230 = arith.cmpi ne, %rem3A_228, %ne3A_229 : i32
    %lt3A_231 = arith.constant 0 : i32
    %lt3A_232 = arith.cmpi slt, %rem3A_228, %lt3A_231 : i32
    %lt3A_233 = arith.constant 0 : i32
    %lt3A_234 = arith.cmpi slt, %select_n3A_227, %lt3A_233 : i32
    %ne3A_235 = arith.xori %lt3A_232, %lt3A_234 : i1
    %and3A_236 = arith.andi %ne3A_235, %ne3A_230 : i1
    %add3A_237 = arith.addi %rem3A_228, %select_n3A_227 : i32
    %select_n3A_238 = arith.select %and3A_236, %add3A_237, %rem3A_228 : i32
    %mul3A_239 = arith.constant 8 : i32
    %mul3A_240 = arith.muli %select_n3A_238, %mul3A_239 : i32
    %add3A_241 = arith.constant 0 : i32
    %add3A_242 = arith.addi %add3A_241, %mul3A_240 : i32
    %dma_wait3A = arith.constant 0 : i32
    %dma_wait3A_243 = arith.constant 0 : i32
    %dma_wait3A_244 = arith.constant 0 : i32
    %dma_wait3A_245 = arith.constant 0 : i32
    %dma_wait3A_246 = tpu.memref_slice %arg7[%dma_wait3A, %dma_wait3A_243, %dma_wait3A_244, %dma_wait3A_245] : memref<2x8x16x129xf32, #tpu.memory_space<vmem>> -> memref<1x1x16x128xf32, #tpu.memory_space<vmem>>
    %dma_wait3A_247 = tpu.memref_squeeze %dma_wait3A_246 : memref<1x1x16x128xf32, #tpu.memory_space<vmem>> -> memref<16x128xf32, #tpu.memory_space<vmem>>
    %dma_wait3A_248 = arith.constant 0 : i32
    %dma_wait3A_249 = tpu.memref_slice %arg4[%select_n3A_222, %add3A_242, %dma_wait3A_248] : memref<200x2048x128xf32, #tpu.memory_space<hbm>> -> memref<1x16x128xf32, #tpu.memory_space<hbm>>
    %dma_wait3A_250 = tpu.memref_squeeze %dma_wait3A_249 : memref<1x16x128xf32, #tpu.memory_space<hbm>> -> memref<16x128xf32, #tpu.memory_space<hbm>>
    %dma_wait3A_251 = arith.constant 0 : i32
    %dma_wait3A_252 = tpu.memref_slice %arg4[%select_n3A_222, %add3A_242, %dma_wait3A_251] : memref<200x2048x128xf32, #tpu.memory_space<hbm>> -> memref<1x16x128xf32, #tpu.memory_space<hbm>>
    %dma_wait3A_253 = tpu.memref_squeeze %dma_wait3A_252 : memref<1x16x128xf32, #tpu.memory_space<hbm>> -> memref<16x128xf32, #tpu.memory_space<hbm>>
    %dma_wait3A_254 = arith.constant 0 : i32
    %dma_wait3A_255 = arith.constant 0 : i32
    %dma_wait3A_256 = tpu.memref_slice %arg7[%dma_wait3A, %dma_wait3A_243, %dma_wait3A_254, %dma_wait3A_255] : memref<2x8x16x129xf32, #tpu.memory_space<vmem>> -> memref<1x1x16x128xf32, #tpu.memory_space<vmem>>
    %dma_wait3A_257 = tpu.memref_squeeze %dma_wait3A_256 : memref<1x1x16x128xf32, #tpu.memory_space<vmem>> -> memref<16x128xf32, #tpu.memory_space<vmem>>
    tpu.wait_dma2 semaphore(%arg10 : memref<!tpu.dma_semaphore, #tpu.memory_space<semaphore_mem>>) src(%dma_wait3A_257 : memref<16x128xf32, #tpu.memory_space<vmem>>) dst(%dma_wait3A_253 : memref<16x128xf32, #tpu.memory_space<hbm>>)
    %mul3A_258 = arith.constant 8 : i32
    %mul3A_259 = arith.muli %select_n3A_238, %mul3A_258 : i32
    %add3A_260 = arith.constant 256 : i32
    %add3A_261 = arith.addi %add3A_260, %mul3A_259 : i32
    %dma_wait3A_262 = arith.constant 0 : i32
    %dma_wait3A_263 = arith.constant 1 : i32
    %dma_wait3A_264 = arith.constant 0 : i32
    %dma_wait3A_265 = arith.constant 0 : i32
    %dma_wait3A_266 = tpu.memref_slice %arg7[%dma_wait3A_262, %dma_wait3A_263, %dma_wait3A_264, %dma_wait3A_265] : memref<2x8x16x129xf32, #tpu.memory_space<vmem>> -> memref<1x1x16x128xf32, #tpu.memory_space<vmem>>
    %dma_wait3A_267 = tpu.memref_squeeze %dma_wait3A_266 : memref<1x1x16x128xf32, #tpu.memory_space<vmem>> -> memref<16x128xf32, #tpu.memory_space<vmem>>
    %dma_wait3A_268 = arith.constant 0 : i32
    %dma_wait3A_269 = tpu.memref_slice %arg4[%select_n3A_222, %add3A_261, %dma_wait3A_268] : memref<200x2048x128xf32, #tpu.memory_space<hbm>> -> memref<1x16x128xf32, #tpu.memory_space<hbm>>
    %dma_wait3A_270 = tpu.memref_squeeze %dma_wait3A_269 : memref<1x16x128xf32, #tpu.memory_space<hbm>> -> memref<16x128xf32, #tpu.memory_space<hbm>>
    %dma_wait3A_271 = arith.constant 0 : i32
    %dma_wait3A_272 = tpu.memref_slice %arg4[%select_n3A_222, %add3A_261, %dma_wait3A_271] : memref<200x2048x128xf32, #tpu.memory_space<hbm>> -> memref<1x16x128xf32, #tpu.memory_space<hbm>>
    %dma_wait3A_273 = tpu.memref_squeeze %dma_wait3A_272 : memref<1x16x128xf32, #tpu.memory_space<hbm>> -> memref<16x128xf32, #tpu.memory_space<hbm>>
    %dma_wait3A_274 = arith.constant 0 : i32
    %dma_wait3A_275 = arith.constant 0 : i32
    %dma_wait3A_276 = tpu.memref_slice %arg7[%dma_wait3A_262, %dma_wait3A_263, %dma_wait3A_274, %dma_wait3A_275] : memref<2x8x16x129xf32, #tpu.memory_space<vmem>> -> memref<1x1x16x128xf32, #tpu.memory_space<vmem>>
    %dma_wait3A_277 = tpu.memref_squeeze %dma_wait3A_276 : memref<1x1x16x128xf32, #tpu.memory_space<vmem>> -> memref<16x128xf32, #tpu.memory_space<vmem>>
    tpu.wait_dma2 semaphore(%arg10 : memref<!tpu.dma_semaphore, #tpu.memory_space<semaphore_mem>>) src(%dma_wait3A_277 : memref<16x128xf32, #tpu.memory_space<vmem>>) dst(%dma_wait3A_273 : memref<16x128xf32, #tpu.memory_space<hbm>>)
    %mul3A_278 = arith.constant 8 : i32
    %mul3A_279 = arith.muli %select_n3A_238, %mul3A_278 : i32
    %add3A_280 = arith.constant 512 : i32
    %add3A_281 = arith.addi %add3A_280, %mul3A_279 : i32
    %dma_wait3A_282 = arith.constant 0 : i32
    %dma_wait3A_283 = arith.constant 2 : i32
    %dma_wait3A_284 = arith.constant 0 : i32
    %dma_wait3A_285 = arith.constant 0 : i32
    %dma_wait3A_286 = tpu.memref_slice %arg7[%dma_wait3A_282, %dma_wait3A_283, %dma_wait3A_284, %dma_wait3A_285] : memref<2x8x16x129xf32, #tpu.memory_space<vmem>> -> memref<1x1x16x128xf32, #tpu.memory_space<vmem>>
    %dma_wait3A_287 = tpu.memref_squeeze %dma_wait3A_286 : memref<1x1x16x128xf32, #tpu.memory_space<vmem>> -> memref<16x128xf32, #tpu.memory_space<vmem>>
    %dma_wait3A_288 = arith.constant 0 : i32
    %dma_wait3A_289 = tpu.memref_slice %arg4[%select_n3A_222, %add3A_281, %dma_wait3A_288] : memref<200x2048x128xf32, #tpu.memory_space<hbm>> -> memref<1x16x128xf32, #tpu.memory_space<hbm>>
    %dma_wait3A_290 = tpu.memref_squeeze %dma_wait3A_289 : memref<1x16x128xf32, #tpu.memory_space<hbm>> -> memref<16x128xf32, #tpu.memory_space<hbm>>
    %dma_wait3A_291 = arith.constant 0 : i32
    %dma_wait3A_292 = tpu.memref_slice %arg4[%select_n3A_222, %add3A_281, %dma_wait3A_291] : memref<200x2048x128xf32, #tpu.memory_space<hbm>> -> memref<1x16x128xf32, #tpu.memory_space<hbm>>
    %dma_wait3A_293 = tpu.memref_squeeze %dma_wait3A_292 : memref<1x16x128xf32, #tpu.memory_space<hbm>> -> memref<16x128xf32, #tpu.memory_space<hbm>>
    %dma_wait3A_294 = arith.constant 0 : i32
    %dma_wait3A_295 = arith.constant 0 : i32
    %dma_wait3A_296 = tpu.memref_slice %arg7[%dma_wait3A_282, %dma_wait3A_283, %dma_wait3A_294, %dma_wait3A_295] : memref<2x8x16x129xf32, #tpu.memory_space<vmem>> -> memref<1x1x16x128xf32, #tpu.memory_space<vmem>>
    %dma_wait3A_297 = tpu.memref_squeeze %dma_wait3A_296 : memref<1x1x16x128xf32, #tpu.memory_space<vmem>> -> memref<16x128xf32, #tpu.memory_space<vmem>>
    tpu.wait_dma2 semaphore(%arg10 : memref<!tpu.dma_semaphore, #tpu.memory_space<semaphore_mem>>) src(%dma_wait3A_297 : memref<16x128xf32, #tpu.memory_space<vmem>>) dst(%dma_wait3A_293 : memref<16x128xf32, #tpu.memory_space<hbm>>)
    %mul3A_298 = arith.constant 8 : i32
    %mul3A_299 = arith.muli %select_n3A_238, %mul3A_298 : i32
    %add3A_300 = arith.constant 768 : i32
    %add3A_301 = arith.addi %add3A_300, %mul3A_299 : i32
    %dma_wait3A_302 = arith.constant 0 : i32
    %dma_wait3A_303 = arith.constant 3 : i32
    %dma_wait3A_304 = arith.constant 0 : i32
    %dma_wait3A_305 = arith.constant 0 : i32
    %dma_wait3A_306 = tpu.memref_slice %arg7[%dma_wait3A_302, %dma_wait3A_303, %dma_wait3A_304, %dma_wait3A_305] : memref<2x8x16x129xf32, #tpu.memory_space<vmem>> -> memref<1x1x16x128xf32, #tpu.memory_space<vmem>>
    %dma_wait3A_307 = tpu.memref_squeeze %dma_wait3A_306 : memref<1x1x16x128xf32, #tpu.memory_space<vmem>> -> memref<16x128xf32, #tpu.memory_space<vmem>>
    %dma_wait3A_308 = arith.constant 0 : i32
    %dma_wait3A_309 = tpu.memref_slice %arg4[%select_n3A_222, %add3A_301, %dma_wait3A_308] : memref<200x2048x128xf32, #tpu.memory_space<hbm>> -> memref<1x16x128xf32, #tpu.memory_space<hbm>>
    %dma_wait3A_310 = tpu.memref_squeeze %dma_wait3A_309 : memref<1x16x128xf32, #tpu.memory_space<hbm>> -> memref<16x128xf32, #tpu.memory_space<hbm>>
    %dma_wait3A_311 = arith.constant 0 : i32
    %dma_wait3A_312 = tpu.memref_slice %arg4[%select_n3A_222, %add3A_301, %dma_wait3A_311] : memref<200x2048x128xf32, #tpu.memory_space<hbm>> -> memref<1x16x128xf32, #tpu.memory_space<hbm>>
    %dma_wait3A_313 = tpu.memref_squeeze %dma_wait3A_312 : memref<1x16x128xf32, #tpu.memory_space<hbm>> -> memref<16x128xf32, #tpu.memory_space<hbm>>
    %dma_wait3A_314 = arith.constant 0 : i32
    %dma_wait3A_315 = arith.constant 0 : i32
    %dma_wait3A_316 = tpu.memref_slice %arg7[%dma_wait3A_302, %dma_wait3A_303, %dma_wait3A_314, %dma_wait3A_315] : memref<2x8x16x129xf32, #tpu.memory_space<vmem>> -> memref<1x1x16x128xf32, #tpu.memory_space<vmem>>
    %dma_wait3A_317 = tpu.memref_squeeze %dma_wait3A_316 : memref<1x1x16x128xf32, #tpu.memory_space<vmem>> -> memref<16x128xf32, #tpu.memory_space<vmem>>
    tpu.wait_dma2 semaphore(%arg10 : memref<!tpu.dma_semaphore, #tpu.memory_space<semaphore_mem>>) src(%dma_wait3A_317 : memref<16x128xf32, #tpu.memory_space<vmem>>) dst(%dma_wait3A_313 : memref<16x128xf32, #tpu.memory_space<hbm>>)
    %mul3A_318 = arith.constant 8 : i32
    %mul3A_319 = arith.muli %select_n3A_238, %mul3A_318 : i32
    %add3A_320 = arith.constant 1024 : i32
    %add3A_321 = arith.addi %add3A_320, %mul3A_319 : i32
    %dma_wait3A_322 = arith.constant 0 : i32
    %dma_wait3A_323 = arith.constant 4 : i32
    %dma_wait3A_324 = arith.constant 0 : i32
    %dma_wait3A_325 = arith.constant 0 : i32
    %dma_wait3A_326 = tpu.memref_slice %arg7[%dma_wait3A_322, %dma_wait3A_323, %dma_wait3A_324, %dma_wait3A_325] : memref<2x8x16x129xf32, #tpu.memory_space<vmem>> -> memref<1x1x16x128xf32, #tpu.memory_space<vmem>>
    %dma_wait3A_327 = tpu.memref_squeeze %dma_wait3A_326 : memref<1x1x16x128xf32, #tpu.memory_space<vmem>> -> memref<16x128xf32, #tpu.memory_space<vmem>>
    %dma_wait3A_328 = arith.constant 0 : i32
    %dma_wait3A_329 = tpu.memref_slice %arg4[%select_n3A_222, %add3A_321, %dma_wait3A_328] : memref<200x2048x128xf32, #tpu.memory_space<hbm>> -> memref<1x16x128xf32, #tpu.memory_space<hbm>>
    %dma_wait3A_330 = tpu.memref_squeeze %dma_wait3A_329 : memref<1x16x128xf32, #tpu.memory_space<hbm>> -> memref<16x128xf32, #tpu.memory_space<hbm>>
    %dma_wait3A_331 = arith.constant 0 : i32
    %dma_wait3A_332 = tpu.memref_slice %arg4[%select_n3A_222, %add3A_321, %dma_wait3A_331] : memref<200x2048x128xf32, #tpu.memory_space<hbm>> -> memref<1x16x128xf32, #tpu.memory_space<hbm>>
    %dma_wait3A_333 = tpu.memref_squeeze %dma_wait3A_332 : memref<1x16x128xf32, #tpu.memory_space<hbm>> -> memref<16x128xf32, #tpu.memory_space<hbm>>
    %dma_wait3A_334 = arith.constant 0 : i32
    %dma_wait3A_335 = arith.constant 0 : i32
    %dma_wait3A_336 = tpu.memref_slice %arg7[%dma_wait3A_322, %dma_wait3A_323, %dma_wait3A_334, %dma_wait3A_335] : memref<2x8x16x129xf32, #tpu.memory_space<vmem>> -> memref<1x1x16x128xf32, #tpu.memory_space<vmem>>
    %dma_wait3A_337 = tpu.memref_squeeze %dma_wait3A_336 : memref<1x1x16x128xf32, #tpu.memory_space<vmem>> -> memref<16x128xf32, #tpu.memory_space<vmem>>
    tpu.wait_dma2 semaphore(%arg10 : memref<!tpu.dma_semaphore, #tpu.memory_space<semaphore_mem>>) src(%dma_wait3A_337 : memref<16x128xf32, #tpu.memory_space<vmem>>) dst(%dma_wait3A_333 : memref<16x128xf32, #tpu.memory_space<hbm>>)
    %mul3A_338 = arith.constant 8 : i32
    %mul3A_339 = arith.muli %select_n3A_238, %mul3A_338 : i32
    %add3A_340 = arith.constant 1280 : i32
    %add3A_341 = arith.addi %add3A_340, %mul3A_339 : i32
    %dma_wait3A_342 = arith.constant 0 : i32
    %dma_wait3A_343 = arith.constant 5 : i32
    %dma_wait3A_344 = arith.constant 0 : i32
    %dma_wait3A_345 = arith.constant 0 : i32
    %dma_wait3A_346 = tpu.memref_slice %arg7[%dma_wait3A_342, %dma_wait3A_343, %dma_wait3A_344, %dma_wait3A_345] : memref<2x8x16x129xf32, #tpu.memory_space<vmem>> -> memref<1x1x16x128xf32, #tpu.memory_space<vmem>>
    %dma_wait3A_347 = tpu.memref_squeeze %dma_wait3A_346 : memref<1x1x16x128xf32, #tpu.memory_space<vmem>> -> memref<16x128xf32, #tpu.memory_space<vmem>>
    %dma_wait3A_348 = arith.constant 0 : i32
    %dma_wait3A_349 = tpu.memref_slice %arg4[%select_n3A_222, %add3A_341, %dma_wait3A_348] : memref<200x2048x128xf32, #tpu.memory_space<hbm>> -> memref<1x16x128xf32, #tpu.memory_space<hbm>>
    %dma_wait3A_350 = tpu.memref_squeeze %dma_wait3A_349 : memref<1x16x128xf32, #tpu.memory_space<hbm>> -> memref<16x128xf32, #tpu.memory_space<hbm>>
    %dma_wait3A_351 = arith.constant 0 : i32
    %dma_wait3A_352 = tpu.memref_slice %arg4[%select_n3A_222, %add3A_341, %dma_wait3A_351] : memref<200x2048x128xf32, #tpu.memory_space<hbm>> -> memref<1x16x128xf32, #tpu.memory_space<hbm>>
    %dma_wait3A_353 = tpu.memref_squeeze %dma_wait3A_352 : memref<1x16x128xf32, #tpu.memory_space<hbm>> -> memref<16x128xf32, #tpu.memory_space<hbm>>
    %dma_wait3A_354 = arith.constant 0 : i32
    %dma_wait3A_355 = arith.constant 0 : i32
    %dma_wait3A_356 = tpu.memref_slice %arg7[%dma_wait3A_342, %dma_wait3A_343, %dma_wait3A_354, %dma_wait3A_355] : memref<2x8x16x129xf32, #tpu.memory_space<vmem>> -> memref<1x1x16x128xf32, #tpu.memory_space<vmem>>
    %dma_wait3A_357 = tpu.memref_squeeze %dma_wait3A_356 : memref<1x1x16x128xf32, #tpu.memory_space<vmem>> -> memref<16x128xf32, #tpu.memory_space<vmem>>
    tpu.wait_dma2 semaphore(%arg10 : memref<!tpu.dma_semaphore, #tpu.memory_space<semaphore_mem>>) src(%dma_wait3A_357 : memref<16x128xf32, #tpu.memory_space<vmem>>) dst(%dma_wait3A_353 : memref<16x128xf32, #tpu.memory_space<hbm>>)
    %mul3A_358 = arith.constant 8 : i32
    %mul3A_359 = arith.muli %select_n3A_238, %mul3A_358 : i32
    %add3A_360 = arith.constant 1536 : i32
    %add3A_361 = arith.addi %add3A_360, %mul3A_359 : i32
    %dma_wait3A_362 = arith.constant 0 : i32
    %dma_wait3A_363 = arith.constant 6 : i32
    %dma_wait3A_364 = arith.constant 0 : i32
    %dma_wait3A_365 = arith.constant 0 : i32
    %dma_wait3A_366 = tpu.memref_slice %arg7[%dma_wait3A_362, %dma_wait3A_363, %dma_wait3A_364, %dma_wait3A_365] : memref<2x8x16x129xf32, #tpu.memory_space<vmem>> -> memref<1x1x16x128xf32, #tpu.memory_space<vmem>>
    %dma_wait3A_367 = tpu.memref_squeeze %dma_wait3A_366 : memref<1x1x16x128xf32, #tpu.memory_space<vmem>> -> memref<16x128xf32, #tpu.memory_space<vmem>>
    %dma_wait3A_368 = arith.constant 0 : i32
    %dma_wait3A_369 = tpu.memref_slice %arg4[%select_n3A_222, %add3A_361, %dma_wait3A_368] : memref<200x2048x128xf32, #tpu.memory_space<hbm>> -> memref<1x16x128xf32, #tpu.memory_space<hbm>>
    %dma_wait3A_370 = tpu.memref_squeeze %dma_wait3A_369 : memref<1x16x128xf32, #tpu.memory_space<hbm>> -> memref<16x128xf32, #tpu.memory_space<hbm>>
    %dma_wait3A_371 = arith.constant 0 : i32
    %dma_wait3A_372 = tpu.memref_slice %arg4[%select_n3A_222, %add3A_361, %dma_wait3A_371] : memref<200x2048x128xf32, #tpu.memory_space<hbm>> -> memref<1x16x128xf32, #tpu.memory_space<hbm>>
    %dma_wait3A_373 = tpu.memref_squeeze %dma_wait3A_372 : memref<1x16x128xf32, #tpu.memory_space<hbm>> -> memref<16x128xf32, #tpu.memory_space<hbm>>
    %dma_wait3A_374 = arith.constant 0 : i32
    %dma_wait3A_375 = arith.constant 0 : i32
    %dma_wait3A_376 = tpu.memref_slice %arg7[%dma_wait3A_362, %dma_wait3A_363, %dma_wait3A_374, %dma_wait3A_375] : memref<2x8x16x129xf32, #tpu.memory_space<vmem>> -> memref<1x1x16x128xf32, #tpu.memory_space<vmem>>
    %dma_wait3A_377 = tpu.memref_squeeze %dma_wait3A_376 : memref<1x1x16x128xf32, #tpu.memory_space<vmem>> -> memref<16x128xf32, #tpu.memory_space<vmem>>
    tpu.wait_dma2 semaphore(%arg10 : memref<!tpu.dma_semaphore, #tpu.memory_space<semaphore_mem>>) src(%dma_wait3A_377 : memref<16x128xf32, #tpu.memory_space<vmem>>) dst(%dma_wait3A_373 : memref<16x128xf32, #tpu.memory_space<hbm>>)
    %mul3A_378 = arith.constant 8 : i32
    %mul3A_379 = arith.muli %select_n3A_238, %mul3A_378 : i32
    %add3A_380 = arith.constant 1792 : i32
    %add3A_381 = arith.addi %add3A_380, %mul3A_379 : i32
    %dma_wait3A_382 = arith.constant 0 : i32
    %dma_wait3A_383 = arith.constant 7 : i32
    %dma_wait3A_384 = arith.constant 0 : i32
    %dma_wait3A_385 = arith.constant 0 : i32
    %dma_wait3A_386 = tpu.memref_slice %arg7[%dma_wait3A_382, %dma_wait3A_383, %dma_wait3A_384, %dma_wait3A_385] : memref<2x8x16x129xf32, #tpu.memory_space<vmem>> -> memref<1x1x16x128xf32, #tpu.memory_space<vmem>>
    %dma_wait3A_387 = tpu.memref_squeeze %dma_wait3A_386 : memref<1x1x16x128xf32, #tpu.memory_space<vmem>> -> memref<16x128xf32, #tpu.memory_space<vmem>>
    %dma_wait3A_388 = arith.constant 0 : i32
    %dma_wait3A_389 = tpu.memref_slice %arg4[%select_n3A_222, %add3A_381, %dma_wait3A_388] : memref<200x2048x128xf32, #tpu.memory_space<hbm>> -> memref<1x16x128xf32, #tpu.memory_space<hbm>>
    %dma_wait3A_390 = tpu.memref_squeeze %dma_wait3A_389 : memref<1x16x128xf32, #tpu.memory_space<hbm>> -> memref<16x128xf32, #tpu.memory_space<hbm>>
    %dma_wait3A_391 = arith.constant 0 : i32
    %dma_wait3A_392 = tpu.memref_slice %arg4[%select_n3A_222, %add3A_381, %dma_wait3A_391] : memref<200x2048x128xf32, #tpu.memory_space<hbm>> -> memref<1x16x128xf32, #tpu.memory_space<hbm>>
    %dma_wait3A_393 = tpu.memref_squeeze %dma_wait3A_392 : memref<1x16x128xf32, #tpu.memory_space<hbm>> -> memref<16x128xf32, #tpu.memory_space<hbm>>
    %dma_wait3A_394 = arith.constant 0 : i32
    %dma_wait3A_395 = arith.constant 0 : i32
    %dma_wait3A_396 = tpu.memref_slice %arg7[%dma_wait3A_382, %dma_wait3A_383, %dma_wait3A_394, %dma_wait3A_395] : memref<2x8x16x129xf32, #tpu.memory_space<vmem>> -> memref<1x1x16x128xf32, #tpu.memory_space<vmem>>
    %dma_wait3A_397 = tpu.memref_squeeze %dma_wait3A_396 : memref<1x1x16x128xf32, #tpu.memory_space<vmem>> -> memref<16x128xf32, #tpu.memory_space<vmem>>
    tpu.wait_dma2 semaphore(%arg10 : memref<!tpu.dma_semaphore, #tpu.memory_space<semaphore_mem>>) src(%dma_wait3A_397 : memref<16x128xf32, #tpu.memory_space<vmem>>) dst(%dma_wait3A_393 : memref<16x128xf32, #tpu.memory_space<hbm>>)
    %add3A_398 = arith.constant 198 : i32
    %add3A_399 = arith.addi %mul3A_2, %add3A_398 : i32
    %jit3A_400 = arith.constant 32 : i32
    %div3A_401 = arith.divsi %add3A_399, %jit3A_400 : i32
    %sign3A_402 = arith.constant 0 : i32
    %sign3A_403 = arith.cmpi sgt, %add3A_399, %sign3A_402 : i32
    %sign3A_404 = arith.extui %sign3A_403 : i1 to i32
    %sign3A_405 = arith.constant 0 : i32
    %sign3A_406 = arith.cmpi slt, %add3A_399, %sign3A_405 : i32
    %sign3A_407 = arith.extui %sign3A_406 : i1 to i32
    %sign3A_408 = arith.subi %sign3A_404, %sign3A_407 : i32
    %sign3A_409 = arith.constant 0 : i32
    %sign3A_410 = arith.cmpi sgt, %jit3A_400, %sign3A_409 : i32
    %sign3A_411 = arith.extui %sign3A_410 : i1 to i32
    %sign3A_412 = arith.constant 0 : i32
    %sign3A_413 = arith.cmpi slt, %jit3A_400, %sign3A_412 : i32
    %sign3A_414 = arith.extui %sign3A_413 : i1 to i32
    %sign3A_415 = arith.subi %sign3A_411, %sign3A_414 : i32
    %ne3A_416 = arith.cmpi ne, %sign3A_408, %sign3A_415 : i32
    %rem3A_417 = arith.remsi %add3A_399, %jit3A_400 : i32
    %ne3A_418 = arith.constant 0 : i32
    %ne3A_419 = arith.cmpi ne, %rem3A_417, %ne3A_418 : i32
    %and3A_420 = arith.andi %ne3A_416, %ne3A_419 : i1
    %sub3A_421 = arith.constant 1 : i32
    %sub3A_422 = arith.subi %div3A_401, %sub3A_421 : i32
    %select_n3A_423 = arith.select %and3A_420, %sub3A_422, %div3A_401 : i32
    %jit3A_424 = arith.constant 32 : i32
    %eq3A_425 = arith.constant 0 : i32
    %eq3A_426 = arith.cmpi eq, %jit3A_424, %eq3A_425 : i32
    %jit3A_427 = arith.constant 1 : i32
    %select_n3A_428 = arith.select %eq3A_426, %jit3A_427, %jit3A_424 : i32
    %rem3A_429 = arith.remsi %add3A_399, %select_n3A_428 : i32
    %ne3A_430 = arith.constant 0 : i32
    %ne3A_431 = arith.cmpi ne, %rem3A_429, %ne3A_430 : i32
    %lt3A_432 = arith.constant 0 : i32
    %lt3A_433 = arith.cmpi slt, %rem3A_429, %lt3A_432 : i32
    %lt3A_434 = arith.constant 0 : i32
    %lt3A_435 = arith.cmpi slt, %select_n3A_428, %lt3A_434 : i32
    %ne3A_436 = arith.xori %lt3A_433, %lt3A_435 : i1
    %and3A_437 = arith.andi %ne3A_436, %ne3A_431 : i1
    %add3A_438 = arith.addi %rem3A_429, %select_n3A_428 : i32
    %select_n3A_439 = arith.select %and3A_437, %add3A_438, %rem3A_429 : i32
    %mul3A_440 = arith.constant 8 : i32
    %mul3A_441 = arith.muli %select_n3A_439, %mul3A_440 : i32
    %add3A_442 = arith.constant 0 : i32
    %add3A_443 = arith.addi %add3A_442, %mul3A_441 : i32
    %dma_wait3A_444 = arith.constant 1 : i32
    %dma_wait3A_445 = arith.constant 0 : i32
    %dma_wait3A_446 = arith.constant 0 : i32
    %dma_wait3A_447 = arith.constant 0 : i32
    %dma_wait3A_448 = tpu.memref_slice %arg7[%dma_wait3A_444, %dma_wait3A_445, %dma_wait3A_446, %dma_wait3A_447] : memref<2x8x16x129xf32, #tpu.memory_space<vmem>> -> memref<1x1x16x128xf32, #tpu.memory_space<vmem>>
    %dma_wait3A_449 = tpu.memref_squeeze %dma_wait3A_448 : memref<1x1x16x128xf32, #tpu.memory_space<vmem>> -> memref<16x128xf32, #tpu.memory_space<vmem>>
    %dma_wait3A_450 = arith.constant 0 : i32
    %dma_wait3A_451 = tpu.memref_slice %arg4[%select_n3A_423, %add3A_443, %dma_wait3A_450] : memref<200x2048x128xf32, #tpu.memory_space<hbm>> -> memref<1x16x128xf32, #tpu.memory_space<hbm>>
    %dma_wait3A_452 = tpu.memref_squeeze %dma_wait3A_451 : memref<1x16x128xf32, #tpu.memory_space<hbm>> -> memref<16x128xf32, #tpu.memory_space<hbm>>
    %dma_wait3A_453 = arith.constant 0 : i32
    %dma_wait3A_454 = tpu.memref_slice %arg4[%select_n3A_423, %add3A_443, %dma_wait3A_453] : memref<200x2048x128xf32, #tpu.memory_space<hbm>> -> memref<1x16x128xf32, #tpu.memory_space<hbm>>
    %dma_wait3A_455 = tpu.memref_squeeze %dma_wait3A_454 : memref<1x16x128xf32, #tpu.memory_space<hbm>> -> memref<16x128xf32, #tpu.memory_space<hbm>>
    %dma_wait3A_456 = arith.constant 0 : i32
    %dma_wait3A_457 = arith.constant 0 : i32
    %dma_wait3A_458 = tpu.memref_slice %arg7[%dma_wait3A_444, %dma_wait3A_445, %dma_wait3A_456, %dma_wait3A_457] : memref<2x8x16x129xf32, #tpu.memory_space<vmem>> -> memref<1x1x16x128xf32, #tpu.memory_space<vmem>>
    %dma_wait3A_459 = tpu.memref_squeeze %dma_wait3A_458 : memref<1x1x16x128xf32, #tpu.memory_space<vmem>> -> memref<16x128xf32, #tpu.memory_space<vmem>>
    tpu.wait_dma2 semaphore(%arg11 : memref<!tpu.dma_semaphore, #tpu.memory_space<semaphore_mem>>) src(%dma_wait3A_459 : memref<16x128xf32, #tpu.memory_space<vmem>>) dst(%dma_wait3A_455 : memref<16x128xf32, #tpu.memory_space<hbm>>)
    %mul3A_460 = arith.constant 8 : i32
    %mul3A_461 = arith.muli %select_n3A_439, %mul3A_460 : i32
    %add3A_462 = arith.constant 256 : i32
    %add3A_463 = arith.addi %add3A_462, %mul3A_461 : i32
    %dma_wait3A_464 = arith.constant 1 : i32
    %dma_wait3A_465 = arith.constant 1 : i32
    %dma_wait3A_466 = arith.constant 0 : i32
    %dma_wait3A_467 = arith.constant 0 : i32
    %dma_wait3A_468 = tpu.memref_slice %arg7[%dma_wait3A_464, %dma_wait3A_465, %dma_wait3A_466, %dma_wait3A_467] : memref<2x8x16x129xf32, #tpu.memory_space<vmem>> -> memref<1x1x16x128xf32, #tpu.memory_space<vmem>>
    %dma_wait3A_469 = tpu.memref_squeeze %dma_wait3A_468 : memref<1x1x16x128xf32, #tpu.memory_space<vmem>> -> memref<16x128xf32, #tpu.memory_space<vmem>>
    %dma_wait3A_470 = arith.constant 0 : i32
    %dma_wait3A_471 = tpu.memref_slice %arg4[%select_n3A_423, %add3A_463, %dma_wait3A_470] : memref<200x2048x128xf32, #tpu.memory_space<hbm>> -> memref<1x16x128xf32, #tpu.memory_space<hbm>>
    %dma_wait3A_472 = tpu.memref_squeeze %dma_wait3A_471 : memref<1x16x128xf32, #tpu.memory_space<hbm>> -> memref<16x128xf32, #tpu.memory_space<hbm>>
    %dma_wait3A_473 = arith.constant 0 : i32
    %dma_wait3A_474 = tpu.memref_slice %arg4[%select_n3A_423, %add3A_463, %dma_wait3A_473] : memref<200x2048x128xf32, #tpu.memory_space<hbm>> -> memref<1x16x128xf32, #tpu.memory_space<hbm>>
    %dma_wait3A_475 = tpu.memref_squeeze %dma_wait3A_474 : memref<1x16x128xf32, #tpu.memory_space<hbm>> -> memref<16x128xf32, #tpu.memory_space<hbm>>
    %dma_wait3A_476 = arith.constant 0 : i32
    %dma_wait3A_477 = arith.constant 0 : i32
    %dma_wait3A_478 = tpu.memref_slice %arg7[%dma_wait3A_464, %dma_wait3A_465, %dma_wait3A_476, %dma_wait3A_477] : memref<2x8x16x129xf32, #tpu.memory_space<vmem>> -> memref<1x1x16x128xf32, #tpu.memory_space<vmem>>
    %dma_wait3A_479 = tpu.memref_squeeze %dma_wait3A_478 : memref<1x1x16x128xf32, #tpu.memory_space<vmem>> -> memref<16x128xf32, #tpu.memory_space<vmem>>
    tpu.wait_dma2 semaphore(%arg11 : memref<!tpu.dma_semaphore, #tpu.memory_space<semaphore_mem>>) src(%dma_wait3A_479 : memref<16x128xf32, #tpu.memory_space<vmem>>) dst(%dma_wait3A_475 : memref<16x128xf32, #tpu.memory_space<hbm>>)
    %mul3A_480 = arith.constant 8 : i32
    %mul3A_481 = arith.muli %select_n3A_439, %mul3A_480 : i32
    %add3A_482 = arith.constant 512 : i32
    %add3A_483 = arith.addi %add3A_482, %mul3A_481 : i32
    %dma_wait3A_484 = arith.constant 1 : i32
    %dma_wait3A_485 = arith.constant 2 : i32
    %dma_wait3A_486 = arith.constant 0 : i32
    %dma_wait3A_487 = arith.constant 0 : i32
    %dma_wait3A_488 = tpu.memref_slice %arg7[%dma_wait3A_484, %dma_wait3A_485, %dma_wait3A_486, %dma_wait3A_487] : memref<2x8x16x129xf32, #tpu.memory_space<vmem>> -> memref<1x1x16x128xf32, #tpu.memory_space<vmem>>
    %dma_wait3A_489 = tpu.memref_squeeze %dma_wait3A_488 : memref<1x1x16x128xf32, #tpu.memory_space<vmem>> -> memref<16x128xf32, #tpu.memory_space<vmem>>
    %dma_wait3A_490 = arith.constant 0 : i32
    %dma_wait3A_491 = tpu.memref_slice %arg4[%select_n3A_423, %add3A_483, %dma_wait3A_490] : memref<200x2048x128xf32, #tpu.memory_space<hbm>> -> memref<1x16x128xf32, #tpu.memory_space<hbm>>
    %dma_wait3A_492 = tpu.memref_squeeze %dma_wait3A_491 : memref<1x16x128xf32, #tpu.memory_space<hbm>> -> memref<16x128xf32, #tpu.memory_space<hbm>>
    %dma_wait3A_493 = arith.constant 0 : i32
    %dma_wait3A_494 = tpu.memref_slice %arg4[%select_n3A_423, %add3A_483, %dma_wait3A_493] : memref<200x2048x128xf32, #tpu.memory_space<hbm>> -> memref<1x16x128xf32, #tpu.memory_space<hbm>>
    %dma_wait3A_495 = tpu.memref_squeeze %dma_wait3A_494 : memref<1x16x128xf32, #tpu.memory_space<hbm>> -> memref<16x128xf32, #tpu.memory_space<hbm>>
    %dma_wait3A_496 = arith.constant 0 : i32
    %dma_wait3A_497 = arith.constant 0 : i32
    %dma_wait3A_498 = tpu.memref_slice %arg7[%dma_wait3A_484, %dma_wait3A_485, %dma_wait3A_496, %dma_wait3A_497] : memref<2x8x16x129xf32, #tpu.memory_space<vmem>> -> memref<1x1x16x128xf32, #tpu.memory_space<vmem>>
    %dma_wait3A_499 = tpu.memref_squeeze %dma_wait3A_498 : memref<1x1x16x128xf32, #tpu.memory_space<vmem>> -> memref<16x128xf32, #tpu.memory_space<vmem>>
    tpu.wait_dma2 semaphore(%arg11 : memref<!tpu.dma_semaphore, #tpu.memory_space<semaphore_mem>>) src(%dma_wait3A_499 : memref<16x128xf32, #tpu.memory_space<vmem>>) dst(%dma_wait3A_495 : memref<16x128xf32, #tpu.memory_space<hbm>>)
    %mul3A_500 = arith.constant 8 : i32
    %mul3A_501 = arith.muli %select_n3A_439, %mul3A_500 : i32
    %add3A_502 = arith.constant 768 : i32
    %add3A_503 = arith.addi %add3A_502, %mul3A_501 : i32
    %dma_wait3A_504 = arith.constant 1 : i32
    %dma_wait3A_505 = arith.constant 3 : i32
    %dma_wait3A_506 = arith.constant 0 : i32
    %dma_wait3A_507 = arith.constant 0 : i32
    %dma_wait3A_508 = tpu.memref_slice %arg7[%dma_wait3A_504, %dma_wait3A_505, %dma_wait3A_506, %dma_wait3A_507] : memref<2x8x16x129xf32, #tpu.memory_space<vmem>> -> memref<1x1x16x128xf32, #tpu.memory_space<vmem>>
    %dma_wait3A_509 = tpu.memref_squeeze %dma_wait3A_508 : memref<1x1x16x128xf32, #tpu.memory_space<vmem>> -> memref<16x128xf32, #tpu.memory_space<vmem>>
    %dma_wait3A_510 = arith.constant 0 : i32
    %dma_wait3A_511 = tpu.memref_slice %arg4[%select_n3A_423, %add3A_503, %dma_wait3A_510] : memref<200x2048x128xf32, #tpu.memory_space<hbm>> -> memref<1x16x128xf32, #tpu.memory_space<hbm>>
    %dma_wait3A_512 = tpu.memref_squeeze %dma_wait3A_511 : memref<1x16x128xf32, #tpu.memory_space<hbm>> -> memref<16x128xf32, #tpu.memory_space<hbm>>
    %dma_wait3A_513 = arith.constant 0 : i32
    %dma_wait3A_514 = tpu.memref_slice %arg4[%select_n3A_423, %add3A_503, %dma_wait3A_513] : memref<200x2048x128xf32, #tpu.memory_space<hbm>> -> memref<1x16x128xf32, #tpu.memory_space<hbm>>
    %dma_wait3A_515 = tpu.memref_squeeze %dma_wait3A_514 : memref<1x16x128xf32, #tpu.memory_space<hbm>> -> memref<16x128xf32, #tpu.memory_space<hbm>>
    %dma_wait3A_516 = arith.constant 0 : i32
    %dma_wait3A_517 = arith.constant 0 : i32
    %dma_wait3A_518 = tpu.memref_slice %arg7[%dma_wait3A_504, %dma_wait3A_505, %dma_wait3A_516, %dma_wait3A_517] : memref<2x8x16x129xf32, #tpu.memory_space<vmem>> -> memref<1x1x16x128xf32, #tpu.memory_space<vmem>>
    %dma_wait3A_519 = tpu.memref_squeeze %dma_wait3A_518 : memref<1x1x16x128xf32, #tpu.memory_space<vmem>> -> memref<16x128xf32, #tpu.memory_space<vmem>>
    tpu.wait_dma2 semaphore(%arg11 : memref<!tpu.dma_semaphore, #tpu.memory_space<semaphore_mem>>) src(%dma_wait3A_519 : memref<16x128xf32, #tpu.memory_space<vmem>>) dst(%dma_wait3A_515 : memref<16x128xf32, #tpu.memory_space<hbm>>)
    %mul3A_520 = arith.constant 8 : i32
    %mul3A_521 = arith.muli %select_n3A_439, %mul3A_520 : i32
    %add3A_522 = arith.constant 1024 : i32
    %add3A_523 = arith.addi %add3A_522, %mul3A_521 : i32
    %dma_wait3A_524 = arith.constant 1 : i32
    %dma_wait3A_525 = arith.constant 4 : i32
    %dma_wait3A_526 = arith.constant 0 : i32
    %dma_wait3A_527 = arith.constant 0 : i32
    %dma_wait3A_528 = tpu.memref_slice %arg7[%dma_wait3A_524, %dma_wait3A_525, %dma_wait3A_526, %dma_wait3A_527] : memref<2x8x16x129xf32, #tpu.memory_space<vmem>> -> memref<1x1x16x128xf32, #tpu.memory_space<vmem>>
    %dma_wait3A_529 = tpu.memref_squeeze %dma_wait3A_528 : memref<1x1x16x128xf32, #tpu.memory_space<vmem>> -> memref<16x128xf32, #tpu.memory_space<vmem>>
    %dma_wait3A_530 = arith.constant 0 : i32
    %dma_wait3A_531 = tpu.memref_slice %arg4[%select_n3A_423, %add3A_523, %dma_wait3A_530] : memref<200x2048x128xf32, #tpu.memory_space<hbm>> -> memref<1x16x128xf32, #tpu.memory_space<hbm>>
    %dma_wait3A_532 = tpu.memref_squeeze %dma_wait3A_531 : memref<1x16x128xf32, #tpu.memory_space<hbm>> -> memref<16x128xf32, #tpu.memory_space<hbm>>
    %dma_wait3A_533 = arith.constant 0 : i32
    %dma_wait3A_534 = tpu.memref_slice %arg4[%select_n3A_423, %add3A_523, %dma_wait3A_533] : memref<200x2048x128xf32, #tpu.memory_space<hbm>> -> memref<1x16x128xf32, #tpu.memory_space<hbm>>
    %dma_wait3A_535 = tpu.memref_squeeze %dma_wait3A_534 : memref<1x16x128xf32, #tpu.memory_space<hbm>> -> memref<16x128xf32, #tpu.memory_space<hbm>>
    %dma_wait3A_536 = arith.constant 0 : i32
    %dma_wait3A_537 = arith.constant 0 : i32
    %dma_wait3A_538 = tpu.memref_slice %arg7[%dma_wait3A_524, %dma_wait3A_525, %dma_wait3A_536, %dma_wait3A_537] : memref<2x8x16x129xf32, #tpu.memory_space<vmem>> -> memref<1x1x16x128xf32, #tpu.memory_space<vmem>>
    %dma_wait3A_539 = tpu.memref_squeeze %dma_wait3A_538 : memref<1x1x16x128xf32, #tpu.memory_space<vmem>> -> memref<16x128xf32, #tpu.memory_space<vmem>>
    tpu.wait_dma2 semaphore(%arg11 : memref<!tpu.dma_semaphore, #tpu.memory_space<semaphore_mem>>) src(%dma_wait3A_539 : memref<16x128xf32, #tpu.memory_space<vmem>>) dst(%dma_wait3A_535 : memref<16x128xf32, #tpu.memory_space<hbm>>)
    %mul3A_540 = arith.constant 8 : i32
    %mul3A_541 = arith.muli %select_n3A_439, %mul3A_540 : i32
    %add3A_542 = arith.constant 1280 : i32
    %add3A_543 = arith.addi %add3A_542, %mul3A_541 : i32
    %dma_wait3A_544 = arith.constant 1 : i32
    %dma_wait3A_545 = arith.constant 5 : i32
    %dma_wait3A_546 = arith.constant 0 : i32
    %dma_wait3A_547 = arith.constant 0 : i32
    %dma_wait3A_548 = tpu.memref_slice %arg7[%dma_wait3A_544, %dma_wait3A_545, %dma_wait3A_546, %dma_wait3A_547] : memref<2x8x16x129xf32, #tpu.memory_space<vmem>> -> memref<1x1x16x128xf32, #tpu.memory_space<vmem>>
    %dma_wait3A_549 = tpu.memref_squeeze %dma_wait3A_548 : memref<1x1x16x128xf32, #tpu.memory_space<vmem>> -> memref<16x128xf32, #tpu.memory_space<vmem>>
    %dma_wait3A_550 = arith.constant 0 : i32
    %dma_wait3A_551 = tpu.memref_slice %arg4[%select_n3A_423, %add3A_543, %dma_wait3A_550] : memref<200x2048x128xf32, #tpu.memory_space<hbm>> -> memref<1x16x128xf32, #tpu.memory_space<hbm>>
    %dma_wait3A_552 = tpu.memref_squeeze %dma_wait3A_551 : memref<1x16x128xf32, #tpu.memory_space<hbm>> -> memref<16x128xf32, #tpu.memory_space<hbm>>
    %dma_wait3A_553 = arith.constant 0 : i32
    %dma_wait3A_554 = tpu.memref_slice %arg4[%select_n3A_423, %add3A_543, %dma_wait3A_553] : memref<200x2048x128xf32, #tpu.memory_space<hbm>> -> memref<1x16x128xf32, #tpu.memory_space<hbm>>
    %dma_wait3A_555 = tpu.memref_squeeze %dma_wait3A_554 : memref<1x16x128xf32, #tpu.memory_space<hbm>> -> memref<16x128xf32, #tpu.memory_space<hbm>>
    %dma_wait3A_556 = arith.constant 0 : i32
    %dma_wait3A_557 = arith.constant 0 : i32
    %dma_wait3A_558 = tpu.memref_slice %arg7[%dma_wait3A_544, %dma_wait3A_545, %dma_wait3A_556, %dma_wait3A_557] : memref<2x8x16x129xf32, #tpu.memory_space<vmem>> -> memref<1x1x16x128xf32, #tpu.memory_space<vmem>>
    %dma_wait3A_559 = tpu.memref_squeeze %dma_wait3A_558 : memref<1x1x16x128xf32, #tpu.memory_space<vmem>> -> memref<16x128xf32, #tpu.memory_space<vmem>>
    tpu.wait_dma2 semaphore(%arg11 : memref<!tpu.dma_semaphore, #tpu.memory_space<semaphore_mem>>) src(%dma_wait3A_559 : memref<16x128xf32, #tpu.memory_space<vmem>>) dst(%dma_wait3A_555 : memref<16x128xf32, #tpu.memory_space<hbm>>)
    %mul3A_560 = arith.constant 8 : i32
    %mul3A_561 = arith.muli %select_n3A_439, %mul3A_560 : i32
    %add3A_562 = arith.constant 1536 : i32
    %add3A_563 = arith.addi %add3A_562, %mul3A_561 : i32
    %dma_wait3A_564 = arith.constant 1 : i32
    %dma_wait3A_565 = arith.constant 6 : i32
    %dma_wait3A_566 = arith.constant 0 : i32
    %dma_wait3A_567 = arith.constant 0 : i32
    %dma_wait3A_568 = tpu.memref_slice %arg7[%dma_wait3A_564, %dma_wait3A_565, %dma_wait3A_566, %dma_wait3A_567] : memref<2x8x16x129xf32, #tpu.memory_space<vmem>> -> memref<1x1x16x128xf32, #tpu.memory_space<vmem>>
    %dma_wait3A_569 = tpu.memref_squeeze %dma_wait3A_568 : memref<1x1x16x128xf32, #tpu.memory_space<vmem>> -> memref<16x128xf32, #tpu.memory_space<vmem>>
    %dma_wait3A_570 = arith.constant 0 : i32
    %dma_wait3A_571 = tpu.memref_slice %arg4[%select_n3A_423, %add3A_563, %dma_wait3A_570] : memref<200x2048x128xf32, #tpu.memory_space<hbm>> -> memref<1x16x128xf32, #tpu.memory_space<hbm>>
    %dma_wait3A_572 = tpu.memref_squeeze %dma_wait3A_571 : memref<1x16x128xf32, #tpu.memory_space<hbm>> -> memref<16x128xf32, #tpu.memory_space<hbm>>
    %dma_wait3A_573 = arith.constant 0 : i32
    %dma_wait3A_574 = tpu.memref_slice %arg4[%select_n3A_423, %add3A_563, %dma_wait3A_573] : memref<200x2048x128xf32, #tpu.memory_space<hbm>> -> memref<1x16x128xf32, #tpu.memory_space<hbm>>
    %dma_wait3A_575 = tpu.memref_squeeze %dma_wait3A_574 : memref<1x16x128xf32, #tpu.memory_space<hbm>> -> memref<16x128xf32, #tpu.memory_space<hbm>>
    %dma_wait3A_576 = arith.constant 0 : i32
    %dma_wait3A_577 = arith.constant 0 : i32
    %dma_wait3A_578 = tpu.memref_slice %arg7[%dma_wait3A_564, %dma_wait3A_565, %dma_wait3A_576, %dma_wait3A_577] : memref<2x8x16x129xf32, #tpu.memory_space<vmem>> -> memref<1x1x16x128xf32, #tpu.memory_space<vmem>>
    %dma_wait3A_579 = tpu.memref_squeeze %dma_wait3A_578 : memref<1x1x16x128xf32, #tpu.memory_space<vmem>> -> memref<16x128xf32, #tpu.memory_space<vmem>>
    tpu.wait_dma2 semaphore(%arg11 : memref<!tpu.dma_semaphore, #tpu.memory_space<semaphore_mem>>) src(%dma_wait3A_579 : memref<16x128xf32, #tpu.memory_space<vmem>>) dst(%dma_wait3A_575 : memref<16x128xf32, #tpu.memory_space<hbm>>)
    %mul3A_580 = arith.constant 8 : i32
    %mul3A_581 = arith.muli %select_n3A_439, %mul3A_580 : i32
    %add3A_582 = arith.constant 1792 : i32
    %add3A_583 = arith.addi %add3A_582, %mul3A_581 : i32
    %dma_wait3A_584 = arith.constant 1 : i32
    %dma_wait3A_585 = arith.constant 7 : i32
    %dma_wait3A_586 = arith.constant 0 : i32
    %dma_wait3A_587 = arith.constant 0 : i32
    %dma_wait3A_588 = tpu.memref_slice %arg7[%dma_wait3A_584, %dma_wait3A_585, %dma_wait3A_586, %dma_wait3A_587] : memref<2x8x16x129xf32, #tpu.memory_space<vmem>> -> memref<1x1x16x128xf32, #tpu.memory_space<vmem>>
    %dma_wait3A_589 = tpu.memref_squeeze %dma_wait3A_588 : memref<1x1x16x128xf32, #tpu.memory_space<vmem>> -> memref<16x128xf32, #tpu.memory_space<vmem>>
    %dma_wait3A_590 = arith.constant 0 : i32
    %dma_wait3A_591 = tpu.memref_slice %arg4[%select_n3A_423, %add3A_583, %dma_wait3A_590] : memref<200x2048x128xf32, #tpu.memory_space<hbm>> -> memref<1x16x128xf32, #tpu.memory_space<hbm>>
    %dma_wait3A_592 = tpu.memref_squeeze %dma_wait3A_591 : memref<1x16x128xf32, #tpu.memory_space<hbm>> -> memref<16x128xf32, #tpu.memory_space<hbm>>
    %dma_wait3A_593 = arith.constant 0 : i32
    %dma_wait3A_594 = tpu.memref_slice %arg4[%select_n3A_423, %add3A_583, %dma_wait3A_593] : memref<200x2048x128xf32, #tpu.memory_space<hbm>> -> memref<1x16x128xf32, #tpu.memory_space<hbm>>
    %dma_wait3A_595 = tpu.memref_squeeze %dma_wait3A_594 : memref<1x16x128xf32, #tpu.memory_space<hbm>> -> memref<16x128xf32, #tpu.memory_space<hbm>>
    %dma_wait3A_596 = arith.constant 0 : i32
    %dma_wait3A_597 = arith.constant 0 : i32
    %dma_wait3A_598 = tpu.memref_slice %arg7[%dma_wait3A_584, %dma_wait3A_585, %dma_wait3A_596, %dma_wait3A_597] : memref<2x8x16x129xf32, #tpu.memory_space<vmem>> -> memref<1x1x16x128xf32, #tpu.memory_space<vmem>>
    %dma_wait3A_599 = tpu.memref_squeeze %dma_wait3A_598 : memref<1x1x16x128xf32, #tpu.memory_space<vmem>> -> memref<16x128xf32, #tpu.memory_space<vmem>>
    tpu.wait_dma2 semaphore(%arg11 : memref<!tpu.dma_semaphore, #tpu.memory_space<semaphore_mem>>) src(%dma_wait3A_599 : memref<16x128xf32, #tpu.memory_space<vmem>>) dst(%dma_wait3A_595 : memref<16x128xf32, #tpu.memory_space<hbm>>)
    return
  }
}

</mosaic_0001>

<sc_bundles>
// kernel: kernel.3.cloned.1.call-start
scs
__scs_entry_jumppad:
0x0: {  	(pc) =	sbr.rel $0x88, $3  }
0x1: {  	(tag) =	ssettag $0x0;
	lr =	simm.s32 $0x1  }
0x2: {  	[smem:$0x3F9F] =	sst lr;
	_ =	strace $0xD0000000  }
0x3: {  	_ = 	snop  }
0x4: {  	_ = 	snop  }
0x5: {  	_ = 	snop  }
0x6: {  	_ = 	snop  }
0x7: {  	_ = 	snop  }
__scs_overlays_trampoline_lowered:
0x8: {  	[smem:$0x3FAE] =	sst s0  }
0x9: {  	[smem:$0x3FAF] =	sst s1  }
0xa: {  	[smem:$0x3FB0] =	sst s2  }
0xb: {  	[smem:$0x3FB1] =	sst s3  }
0xc: {  	[smem:$0x3FB2] =	sst s4  }
0xd: {  	[smem:$0x3FB3] =	sst s5  }
0xe: {  	[smem:$0x3FB4] =	sst s6  }
0xf: {  	[smem:$0x3FB5] =	sst s7  }
0x10: {  	[smem:$0x3FB6] =	sst s8  }
0x11: {  	[smem:$0x3FB7] =	sst s9;
	s0 =	simm.s32 @!p0 $0x0  }
0x12: {  	s1 =	sld [smem:$0x3F9D];
	s0 =	simm.s32 @p0 $0x1  }
0x13: {  	[smem:$0x3FB8] =	sst s0;
	s0 =	simm.s32 @!p1 $0x0  }
0x14: {  	s2 =	sld [smem:$0x3F9C];
	s0 =	simm.s32 @p1 $0x1  }
0x15: {  	[smem:$0x3FB9] =	sst s0;
	s0 =	simm.s32 @!p2 $0x0  }
0x16: {  	s3 =	sld [smem:$0x3FDB];
	s0 =	simm.s32 @p2 $0x1  }
0x17: {  	s4 =	simm.s32 $0x1BF5;
	[smem:$0x3FBB] =	sst s0  }
0x18: {  	s0 =	sld [smem:$0x3F9E];
	_ =	swait.ge [sflag:s4], $0x0  }
0x19: {  	s7 =	sld [smem:$0x3F9F]  }
0x1a: {  	s8 =	sadd.s32 $0xFFFFE003, lr  }
0x1b: {  	s9 =	sadd.s32 $0xFFFFFEF7, lr;
	s5 =	simm.s32 $0xFFFFFFFF;
	p2 =	slt.u32 s8, $0xFFFFF086  }
0x1c: {  	p1 =	slt.u32 s9, $0xF7A;
	s5 =	simm.s32 @!p2 $0x0  }
0x1d: {  	s5 =	simm.s32 @p1 $0x1;
	p0 =	seq.s32 s7, s2  }
0x1e: {  	s7 =	smul.u32 @!p0 $0xF7A, s2;
	p2 =	seq.s32 @!p0 s5, $0x0  }
0x1f: {  	s9 =	smul.u32 $0xF7A, s1;
	s8 =	simm.s32 @!p0 $0x1BF5;
	p2 =	por !p2, p0  }
0x20: {  	[sflag:s8] =	ssyncset.s32 @!p0 $0xFFFFF086;
	s6 =	sadd.s32 @!p0 s3, s7;
	s7 =	simm.s32 @!p0 $0x108  }
0x21: {  	s3 =	sadd.s32 s3, s9;
	s6 =	sadd.s32 @!p0 $0x88, s6;
	s7 =	simm.s32 @p2 $0x1082  }
0x22: {  	[simem:s7], [sflag:s8] =	dma.local @!p0 [hbm:s6], $0xF7A  }
0x23: {  	s9 =	sor.u32 $0xD0000000, s2;
	s6 =	simm.s32 $0x108;
	_ =	swait.ge @!p0 [sflag:s8], $0x0  }
0x24: {  	s3 =	sadd.s32 $0x88, s3;
	s6 =	simm.s32 @!p1 $0x1082;
	[sflag:s4] =	ssyncset.s32 $0xFFFFF086  }
0x25: {  	[simem:s6], [sflag:s4] =	dma.local [hbm:s3], $0xF7A  }
0x26: {  	[smem:$0x3F9F] =	sst s1;
	(tag) =	ssettag s2;
	_ =	strace s9  }
0x27: {  	s1 =	sld [smem:$0x3FAF]  }
0x28: {  	s2 =	sld [smem:$0x3FB0]  }
0x29: {  	s4 =	sld [smem:$0x3FB2]  }
0x2a: {  	p0 =	seq.s32 s5, $0x0;
	s5 =	sld [smem:$0x3FB3]  }
0x2b: {  	s6 =	sld [smem:$0x3FB4]  }
0x2c: {  	s7 =	sld [smem:$0x3FB5]  }
0x2d: {  	s3 =	simm.s32 $0x108;
	s8 =	sld [smem:$0x3FB6]  }
0x2e: {  	s3 =	simm.s32 @!p0 $0x1082;
	s9 =	sld [smem:$0x3FB7]  }
0x2f: {  	lr =	sadd.s32 s0, s3;
	s0 =	sld [smem:$0x3FAE]  }
0x30: {  	s3 =	sld [smem:$0x3FB1]  }
0x31: {  	[smem:$0x3FBA] =	sst s10  }
0x32: {  	s10 =	sld [smem:$0x3FB8];
	_ =	sdelay $0x3  }
0x33: {  	p0 =	seq.s32 s10, $0x1;
	s10 =	sld [smem:$0x3FBA];
	_ =	sdelay $0x3  }
0x34: {  	[smem:$0x3FBA] =	sst s10  }
0x35: {  	s10 =	sld [smem:$0x3FB9];
	_ =	sdelay $0x3  }
0x36: {  	p1 =	seq.s32 s10, $0x1;
	s10 =	sld [smem:$0x3FBA];
	_ =	sdelay $0x3  }
0x37: {  	[smem:$0x3FBA] =	sst s10  }
0x38: {  	s10 =	sld [smem:$0x3FBB]  }
0x39: {  	_ = 	snop;
	(pc) =	sbr.ind lr, $3  }
0x3a: {  	_ = 	snop  }
0x3b: {  	_ = 	snop  }
0x3c: {  	p2 =	seq.s32 s10, $0x1;
	s10 =	sld [smem:$0x3FBA]  }
0x3d: {  	_ =	shalt  }
0x3e: {  	_ =	shalt  }
0x3f: {  	_ =	shalt  }
0x40: {  	_ =	shalt  }
0x41: {  	_ =	shalt  }
0x42: {  	_ =	shalt  }
0x43: {  	_ =	shalt  }
0x44: {  	_ =	shalt  }
0x45: {  	_ =	shalt  }
0x46: {  	_ =	shalt  }
0x47: {  	_ =	shalt  }
0x48: {  	_ =	shalt  }
0x49: {  	_ =	shalt  }
0x4a: {  	_ =	shalt  }
0x4b: {  	_ =	shalt  }
0x4c: {  	_ =	shalt  }
0x4d: {  	_ =	shalt  }
0x4e: {  	_ =	shalt  }
0x4f: {  	_ =	shalt  }
0x50: {  	_ =	shalt  }
0x51: {  	_ =	shalt  }
0x52: {  	_ =	shalt  }
0x53: {  	_ =	shalt  }
0x54: {  	_ =	shalt  }
0x55: {  	_ =	shalt  }
0x56: {  	_ =	shalt  }
0x57: {  	_ =	shalt  }
0x58: {  	_ =	shalt  }
0x59: {  	_ =	shalt  }
0x5a: {  	_ =	shalt  }
0x5b: {  	_ =	shalt  }
0x5c: {  	_ =	shalt  }
0x5d: {  	_ =	shalt  }
0x5e: {  	_ =	shalt  }
0x5f: {  	_ =	shalt  }
0x60: {  	_ =	shalt  }
0x61: {  	_ =	shalt  }
0x62: {  	_ =	shalt  }
0x63: {  	_ =	shalt  }
0x64: {  	_ =	shalt  }
0x65: {  	_ =	shalt  }
0x66: {  	_ =	shalt  }
0x67: {  	_ =	shalt  }
0x68: {  	_ =	shalt  }
0x69: {  	_ =	shalt  }
0x6a: {  	_ =	shalt  }
0x6b: {  	_ =	shalt  }
0x6c: {  	_ =	shalt  }
0x6d: {  	_ =	shalt  }
0x6e: {  	_ =	shalt  }
0x6f: {  	_ =	shalt  }
0x70: {  	_ =	shalt  }
0x71: {  	_ =	shalt  }
0x72: {  	_ =	shalt  }
0x73: {  	_ =	shalt  }
0x74: {  	_ =	shalt  }
0x75: {  	_ =	shalt  }
0x76: {  	_ =	shalt  }
0x77: {  	_ =	shalt  }
0x78: {  	_ =	shalt  }
0x79: {  	_ =	shalt  }
0x7a: {  	_ =	shalt  }
0x7b: {  	_ =	shalt  }
0x7c: {  	_ =	shalt  }
0x7d: {  	_ =	shalt  }
0x7e: {  	_ =	shalt  }
0x7f: {  	_ =	shalt  }
0x80: {  	_ =	shalt  }
0x81: {  	_ =	shalt  }
0x82: {  	_ =	shalt  }
0x83: {  	_ =	shalt  }
0x84: {  	_ =	shalt  }
0x85: {  	_ =	shalt  }
0x86: {  	_ =	shalt  }
0x87: {  	_ =	shalt  }
.Lfunc_end0:
.L_simem_size_0:
called_computation_lowered:
.L_overlay_start_0:
0x88: {  	s2 =	sld [smem:$0x3FD9]  }
0x89: {  	s3 =	sld [smem:$0x3FFE];
	_ =	sdelay $0x1  }
0x8a: {  	s1 =	srdreg.scid  }
0x8b: {  	s0 =	sand.u32 $0x1, s1  }
0x8c: {  	s17 =	sshll.u32 s0, $0xA;
	s2 =	sadd.s32 s3, s2  }
0x8d: {  	s2 =	sadd.s32 s2, s17  }
0x8e: {  	[smem:$0x3FC6] =	sst s2  }
0x8f: {  	_ = 	snop  }
0x90: {  	s2 =	sld [smem:$0x3FD0];
	(tm) =	ssettm $0x1  }
0x91: {  	s18 =	sld [smem:$0x3FFB];
	_ =	sdelay $0x3  }
0x92: {  	_ =	strace s18  }
0x93: {  	s3 =	sld [smem:$0x3FFC];
	_ =	sdelay $0x3  }
0x94: {  	_ =	strace s3  }
0x95: {  	s3 =	sld [smem:$0x3FFD];
	_ =	sdelay $0x3  }
0x96: {  	_ =	strace s3  }
0x97: {  	_ =	strace $0x8FFFFFFF  }
0x98: {  	s19 =	sld [smem:$0x3FDB];
	_ =	sdelay $0x1  }
0x99: {  	s4 =	simm.s32 $_scs_section_size  }
0x9a: {  	s5 =	simm.s32 $_size__tile_overlayer_lowered;
	s6 =	simm.s32 $_tile_overlayer_lowered  }
0x9b: {  	s22 =	simm.s32 $0x1BFF;
	s21 =	sshll.u32 s6, $0x1;
	s3 =	sadd.s32 s4, s19  }
0x9c: {  	s7 =	simm.s32 $0x0;
	s20 =	sshll.u32 s5, $0x1;
	s5 =	sadd.s32 s21, s3  }
0x9d: {  	[timem:s7], [sflag:s22] =	dma.local [hbm:s5], s20  }
0x9e: {  	_ =	swait.ge [sflag:s22], s20  }
0x9f: {  	s4 =	ssub.s32 $0x0, s20;
	[sflag:s22] =	ssyncset.done $0x0  }
0xa0: {  	[sflag:s22] =	ssyncadd.s32 s4;
	_ =	sdelay $0x1  }
0xa1: {  	s23 =	simm.s32 $0x1B8B  }
0xa2: {  	_ =	swait.ge [sflag:s23], $0x1  }
0xa3: {  	[sflag:s23] =	ssyncset.done $0x0  }
0xa4: {  	s25 =	simm.s32 $0x1B8E;
	s24 =	sld [smem:$0x3FFE];
	[sflag:s23] =	ssyncadd.s32 $0xFFFFFFFF  }
0xa5: {  	s26 =	simm.s32 $execute0_lowered;
	[smem:$0x3FD2] =	sst s25  }
0xa6: {  	s5 =	sshll.u32 s26, $0x1;
	_ =	strace $0x80000046;
	[dreg:$0x1] =	wrdreg $0xFFFFFFFF  }
0xa7: {  	s28 =	simm.s32 $_size_execute0_lowered;
	s3 =	sadd.s32 s3, s5;
	[dreg:$0x0] =	wrdreg $0x0  }
0xa8: {  	s5 =	sshll.u32 s28, $0x1;
	[dreg:$0x2] =	wrdreg s3  }
0xa9: {  	[dreg:$0x3] =	wrdreg s5  }
0xaa: {  	[dreg:$0x4] =	wrdreg $0xC0  }
0xab: {  	_ =	task [dreg:s7], $0x5FFFF  }
0xac: {  	[dreg:$0x1] =	wrdreg $0xFFFFFFFF  }
0xad: {  	[dreg:$0x0] =	wrdreg $0x60  }
0xae: {  	[dreg:$0x2] =	wrdreg s24  }
0xaf: {  	[dreg:$0x3] =	wrdreg s2  }
0xb0: {  	[dreg:$0x4] =	wrdreg $0x9  }
0xb1: {  	_ =	task.clear_ibuf [dreg:s7], $0x5FFFF;
	_ =	strace $0x90000046  }
0xb2: {  	s29 =	simm.s32 $0x9;
	_ =	strace $0x80000048  }
0xb3: {  	_ =	swait.ge [sflag:s29], $0x1  }
0xb4: {  	[sflag:s29] =	ssyncadd.s32 $0xFFFFFFFF  }
0xb5: {  	_ =	strace $0x90000048  }
0xb6: {  	_ =	sfence  }
0xb7: {  	s30 =	sld [smem:$0x0];
	_ =	sdelay $0x2  }
0xb8: {  	s31 =	sshll.u32 s1, $0xD;
	s1 =	sshrl.u32 s1, $0x2  }
0xb9: {  	s3 =	sand.u32 $0x4000, s31;
	s1 =	sadd.s32 s1, s30  }
0xba: {  	s0 =	sor.u32 s3, s0;
	s1 =	sshll.u32 s1, $0x11  }
0xbb: {  	s0 =	sor.u32 s1, s0  }
0xbc: {  	s0 =	sadd.s32 $0x8F2B, s0  }
0xbd: {  	[sflag:s0] =	ssyncadd.remote.s32 $0x1  }
0xbe: {  	_ =	sfence.sel $0xFFFF  }
0xbf: {  	[dreg:$0x0] =	wrdreg $0xFFFFFFFF;
	(pc) =	sbr.abs _section_cstart, $3  }
0xc0: {  	[dreg:$0x1] =	wrdreg $0xFFFFFFFF  }
0xc1: {  	_ =	task.clear_ibuf [dreg:s7], $0x2FFFF;
	_ =	strace $0x9FFFFFFF  }
0xc2: {  	(tm) =	ssettm $0x7FFFFFFF  }
0xc3: {  	_ =	shalt  }
tec
execute0_lowered:
.L_overlay_start_1:
0x0: {  	(tag) =	ssettag $0x1  }
0x1: {  	v0 =	vimm.s32 $0xC38;
	vm14 =	vcmask $0x300;
	vm13 =	vcmask $0x704  }
0x2: {  	vm12 =	vcmask $0xB08;
	vm11 =	vcmask $0xF0C;
	vm10 =	vcmask $0x1310  }
0x3: {  	vm9 =	vcmask $0x1714;
	vm8 =	vcmask $0x1B18;
	vm7 =	vcmask $0x1F1C  }
0x4: {  	vm6 =	vcmask $0x2320;
	vm5 =	vcmask $0x2724;
	vm4 =	vcmask $0x2B28  }
0x5: {  	vm3 =	vcmask $0x2F2C;
	vm2 =	vcmask $0x3330;
	vm1 =	vcmask $0x3734  }
0x6: {  	vm0 =	vcmask $0x3B38;
	v1 =	vimm.s32 $0x0;
	v2 =	vimm.s32 $0x1D38  }
0x7: {  	v3 =	vimm.s32 $0x2E38;
	v4 =	vimm.s32 $0x3F38;
	v0 =	vsel vm14, $0x0, v0  }
0x8: {  	v1 =	vsel vm14, $0x3, v1;
	v2 =	vsel vm14, $0x1100, v2;
	v3 =	vsel vm14, $0x2200, v3  }
0x9: {  	v4 =	vsel vm14, $0x3300, v4;
	v0 =	vsel vm13, $0x88, v0;
	v2 =	vsel vm13, $0x1188, v2  }
0xa: {  	v3 =	vsel vm13, $0x2288, v3;
	v4 =	vsel vm13, $0x3388, v4;
	v0 =	vsel vm12, $0x110, v0  }
0xb: {  	v2 =	vsel vm12, $0x1210, v2;
	v3 =	vsel vm12, $0x2310, v3;
	v4 =	vsel vm12, $0x3410, v4  }
0xc: {  	v0 =	vsel vm11, $0x198, v0;
	v2 =	vsel vm11, $0x1298, v2;
	v3 =	vsel vm11, $0x2398, v3  }
0xd: {  	v4 =	vsel vm11, $0x3498, v4;
	v0 =	vsel vm10, $0x220, v0;
	v2 =	vsel vm10, $0x1320, v2  }
0xe: {  	s0 =	rddreg [dreg:$0x0];
	s1 =	srdreg.scid;
	v3 =	vsel vm10, $0x2420, v3;
	v4 =	vsel vm10, $0x3520, v4;
	v0 =	vsel vm9, $0x2A8, v0  }
0xf: {  	s3 =	stileid.u32;
	s2 =	rddreg [dreg:$0x1];
	s9 =	simm.s32 $0x80;
	v2 =	vsel vm9, $0x13A8, v2;
	v3 =	vsel vm9, $0x24A8, v3;
	v4 =	vsel vm9, $0x35A8, v4  }
0x10: {  	s16 =	simm.s32 $0x1;
	s17 =	simm.s32 $0xE400;
	s25 =	simm.s32 $0x2;
	v0 =	vsel vm8, $0x330, v0;
	v2 =	vsel vm8, $0x1430, v2;
	v3 =	vsel vm8, $0x2530, v3  }
0x11: {  	s26 =	simm.s32 $0x12800;
	s10 =	simm.s32 $0x16518;
	s11 =	simm.s32 $0x165A0;
	v4 =	vsel vm8, $0x3630, v4;
	v0 =	vsel vm7, $0x3B8, v0;
	v2 =	vsel vm7, $0x14B8, v2  }
0x12: {  	s12 =	simm.s32 $0x16628;
	s14 =	simm.s32 $0x166B0;
	s7 =	simm.s32 $0x167C0;
	v3 =	vsel vm7, $0x25B8, v3;
	v4 =	vsel vm7, $0x36B8, v4;
	v0 =	vsel vm6, $0x880, v0  }
0x13: {  	s8 =	simm.s32 $0x16848;
	s13 =	simm.s32 $0x168D0;
	s15 =	simm.s32 $0x16958;
	v2 =	vsel vm6, $0x1980, v2;
	v3 =	vsel vm6, $0x2A80, v3;
	v4 =	vsel vm6, $0x3B80, v4  }
0x14: {  	s18 =	simm.s32 $0x169E0;
	s1 =	sand.u32 $0x1, s1;
	s4 =	sshll.u32 s3, $0x1;
	v0 =	vsel vm5, $0x908, v0;
	v2 =	vsel vm5, $0x1A08, v2;
	v3 =	vsel vm5, $0x2B08, v3  }
0x15: {  	s19 =	simm.s32 $0x16A68;
	s3 =	simm.s32 $0x0;
	s5 =	sor.u32 s1, s4;
	v4 =	vsel vm5, $0x3C08, v4;
	v0 =	vsel vm4, $0x990, v0;
	v2 =	vsel vm4, $0x1A90, v2  }
0x16: {  	s22 =	simm.s32 $0x0;
	[smem:$0x7FF] =	sst s3;
	s4 =	smul.u32 $0xC80, s5;
	v3 =	vsel vm4, $0x2B90, v3;
	v4 =	vsel vm4, $0x3C90, v4;
	v0 =	vsel vm3, $0xA18, v0  }
.Ltmp0:
0x17: {  	s1 =	ssub.s32 $0x2, s1;
	_ =	strace $0x80000047;
	v2 =	vsel vm3, $0x1B18, v2;
	v3 =	vsel vm3, $0x2C18, v3;
	v4 =	vsel vm3, $0x3D18, v4;
	(pc) =	sbr.rel .LBB2_1-.Ltmp0, $4  }
0x18: {  	s30 =	sshrl.u32 s1, $0x1;
	s5 =	smul.u32 $0xC8, s5;
	s6 =	sadd.s32 s4, s0;
	v0 =	vsel vm2, $0xAA0, v0;
	v2 =	vsel vm2, $0x1BA0, v2;
	v3 =	vsel vm2, $0x2CA0, v3  }
0x19: {  	s4 =	sadd.s32 $0xF42A00, s0;
	s0 =	ssub.s32 s1, s30;
	s31 =	sadd.s32 $0x600, s6;
	v4 =	vsel vm2, $0x3DA0, v4;
	v0 =	vsel vm1, $0xB28, v0;
	v2 =	vsel vm1, $0x1C28, v2  }
0x1a: {  	s1 =	simm.s32 $0x16408;
	s0 =	smax.u32 s0, $0x1;
	[dreg:$0x3] =	wrdreg s31;
	v3 =	vsel vm1, $0x2D28, v3;
	v4 =	vsel vm1, $0x3E28, v4;
	v0 =	vsel vm0, $0xBB0, v0  }
0x1b: {  	s6 =	simm.s32 $0x16738;
	[dreg:$0x4] =	wrdreg s0;
	s0 =	simm.s32 $0x16490;
	v2 =	vsel vm0, $0x1CB0, v2;
	v3 =	vsel vm0, $0x2DB0, v3;
	v4 =	vsel vm0, $0x3EB0, v4  }
.LBB2_8:
0x1c: {  	s20 =	simm.s32 $0x3  }
0x1d: {  	_ =	swait.ge [sflag:s20], $0x800  }
0x1e: {  	[sflag:s20] =	ssyncset.done $0x0  }
0x1f: {  	[sflag:s20] =	ssyncadd.s32 $0xFFFFF800  }
0x20: {  	_ =	swait.ge [sflag:s20], $0x800  }
0x21: {  	[sflag:s20] =	ssyncset.done $0x0  }
0x22: {  	[sflag:s20] =	ssyncadd.s32 $0xFFFFF800  }
0x23: {  	_ =	swait.ge [sflag:s20], $0x800  }
0x24: {  	[sflag:s20] =	ssyncset.done $0x0  }
0x25: {  	[sflag:s20] =	ssyncadd.s32 $0xFFFFF800  }
0x26: {  	_ =	swait.ge [sflag:s20], $0x800  }
0x27: {  	[sflag:s20] =	ssyncset.done $0x0  }
0x28: {  	[sflag:s20] =	ssyncadd.s32 $0xFFFFF800  }
0x29: {  	_ =	swait.ge [sflag:s20], $0x800  }
0x2a: {  	[sflag:s20] =	ssyncset.done $0x0  }
0x2b: {  	[sflag:s20] =	ssyncadd.s32 $0xFFFFF800  }
0x2c: {  	_ =	swait.ge [sflag:s20], $0x800  }
0x2d: {  	[sflag:s20] =	ssyncset.done $0x0  }
0x2e: {  	[sflag:s20] =	ssyncadd.s32 $0xFFFFF800  }
0x2f: {  	_ =	swait.ge [sflag:s20], $0x800  }
0x30: {  	[sflag:s20] =	ssyncset.done $0x0  }
0x31: {  	[sflag:s20] =	ssyncadd.s32 $0xFFFFF800  }
0x32: {  	_ =	swait.ge [sflag:s20], $0x800  }
0x33: {  	[sflag:s20] =	ssyncset.done $0x0  }
0x34: {  	s21 =	simm.s32 $0x4;
	[sflag:s20] =	ssyncadd.s32 $0xFFFFF800  }
0x35: {  	_ =	swait.ge [sflag:s21], $0x800  }
0x36: {  	[sflag:s21] =	ssyncset.done $0x0  }
0x37: {  	[sflag:s21] =	ssyncadd.s32 $0xFFFFF800  }
0x38: {  	_ =	swait.ge [sflag:s21], $0x800  }
0x39: {  	[sflag:s21] =	ssyncset.done $0x0  }
0x3a: {  	[sflag:s21] =	ssyncadd.s32 $0xFFFFF800  }
0x3b: {  	_ =	swait.ge [sflag:s21], $0x800  }
0x3c: {  	[sflag:s21] =	ssyncset.done $0x0  }
0x3d: {  	[sflag:s21] =	ssyncadd.s32 $0xFFFFF800  }
0x3e: {  	_ =	swait.ge [sflag:s21], $0x800  }
0x3f: {  	[sflag:s21] =	ssyncset.done $0x0  }
0x40: {  	[sflag:s21] =	ssyncadd.s32 $0xFFFFF800  }
0x41: {  	_ =	swait.ge [sflag:s21], $0x800  }
0x42: {  	[sflag:s21] =	ssyncset.done $0x0  }
0x43: {  	[sflag:s21] =	ssyncadd.s32 $0xFFFFF800  }
0x44: {  	_ =	swait.ge [sflag:s21], $0x800  }
0x45: {  	[sflag:s21] =	ssyncset.done $0x0  }
0x46: {  	[sflag:s21] =	ssyncadd.s32 $0xFFFFF800  }
0x47: {  	_ =	swait.ge [sflag:s21], $0x800  }
0x48: {  	[sflag:s21] =	ssyncset.done $0x0  }
0x49: {  	[sflag:s21] =	ssyncadd.s32 $0xFFFFF800  }
0x4a: {  	_ =	swait.ge [sflag:s21], $0x800  }
0x4b: {  	s22 =	rddreg [dreg:$0x5]  }
0x4c: {  	s31 =	rddreg [dreg:$0x4];
	s22 =	sadd.s32 $0x1, s22  }
0x4d: {  	p0 =	sne.s32 s22, s31  }
.Ltmp1:
0x4e: {  	_ = 	snop;
	(pc) =	sbr.rel @!p0 .LBB2_9-.Ltmp1, $3  }
0x4f: {  	_ =	sdelay $0x1  }
0x50: {  	[sflag:s21] =	ssyncset.done $0x0  }
0x51: {  	[sflag:s21] =	ssyncadd.s32 $0xFFFFF800  }
.LBB2_1:
0x52: {  	[dreg:$0x5] =	wrdreg s22  }
0x53: {  	s20 =	rddreg [dreg:$0x3];
	s23 =	simm.s32 $0x5  }
0x54: {  	[tilespmem:s3], [sflag:$0x5] =	stream.linear.gather [hbm4b:s20+s3], $0x6400, $0x38;
	[tilespmem:$0x16C00] =	vst v63  }
0x55: {  	_ =	swait.ge [sflag:s23], $0x6400  }
0x56: {  	[sflag:s23] =	ssyncset.done $0x0  }
0x57: {  	s24 =	simm.s32 $0x6400;
	[sflag:s23] =	ssyncadd.s32 $0xFFFF9C00  }
0x58: {  	[tilespmem:s24], [sflag:$0x1] =	stream.indirect.gather [hbm4b:s4+s9], $0x40, s3, s9, $0xb8;
	[tilespmem:$0x16C00] =	vst v63  }
0x59: {  	s28 =	simm.s32 $0x8400  }
0x5a: {  	[tilespmem:s28], [sflag:$0x1] =	stream.indirect.gather [hbm4b:s4+s9], $0x40, s9, s9, $0xb8;
	[tilespmem:$0x16C00] =	vst v63  }
0x5b: {  	s29 =	simm.s32 $0x100;
	s21 =	simm.s32 $0xA400  }
0x5c: {  	[tilespmem:s21], [sflag:$0x2] =	stream.indirect.gather [hbm4b:s4+s9], $0x40, s29, s9, $0xb8;
	[tilespmem:$0x16C00] =	vst v63  }
0x5d: {  	s30 =	simm.s32 $0x180;
	s31 =	simm.s32 $0xC400;
	s20 =	simm.s32 $0x0  }
0x5e: {  	[tilespmem:s31], [sflag:$0x2] =	stream.indirect.gather [hbm4b:s4+s9], $0x40, s30, s9, $0xb8;
	[tilespmem:$0x16C00] =	vst v63  }
.LBB2_2:
0x5f: {  	_ =	swait.ge [sflag:s16], $0x2000  }
0x60: {  	[sflag:s16] =	ssyncset.done $0x0  }
0x61: {  	[sflag:s16] =	ssyncadd.s32 $0xFFFFE000  }
0x62: {  	_ =	swait.ge [sflag:s16], $0x2000  }
0x63: {  	p0 =	seq.s32 s20, $0x0;
	[sflag:s16] =	ssyncset.done $0x0  }
0x64: {  	s24 =	simm.s32 @!p0 $0x3;
	[sflag:s16] =	ssyncadd.s32 $0xFFFFE000  }
0x65: {  	_ =	swait.ge @!p0 [sflag:s24], $0x800  }
0x66: {  	[sflag:s24] =	ssyncset.done @!p0 $0x0  }
0x67: {  	[sflag:s24] =	ssyncadd.s32 @!p0 $0xFFFFF800  }
0x68: {  	_ =	swait.ge @!p0 [sflag:s24], $0x800  }
0x69: {  	[sflag:s24] =	ssyncset.done @!p0 $0x0  }
0x6a: {  	[sflag:s24] =	ssyncadd.s32 @!p0 $0xFFFFF800  }
0x6b: {  	_ =	swait.ge @!p0 [sflag:s24], $0x800  }
0x6c: {  	[sflag:s24] =	ssyncset.done @!p0 $0x0  }
0x6d: {  	[sflag:s24] =	ssyncadd.s32 @!p0 $0xFFFFF800  }
0x6e: {  	_ =	swait.ge @!p0 [sflag:s24], $0x800  }
0x6f: {  	[sflag:s24] =	ssyncset.done @!p0 $0x0  }
0x70: {  	[sflag:s24] =	ssyncadd.s32 @!p0 $0xFFFFF800  }
0x71: {  	_ =	swait.ge @!p0 [sflag:s24], $0x800  }
0x72: {  	[sflag:s24] =	ssyncset.done @!p0 $0x0  }
0x73: {  	[sflag:s24] =	ssyncadd.s32 @!p0 $0xFFFFF800  }
0x74: {  	_ =	swait.ge @!p0 [sflag:s24], $0x800  }
0x75: {  	[sflag:s24] =	ssyncset.done @!p0 $0x0  }
0x76: {  	s22 =	simm.s32 $0x0;
	s23 =	simm.s32 $0x0;
	[sflag:s24] =	ssyncadd.s32 @!p0 $0xFFFFF800  }
0x77: {  	s21 =	sand.u32 $0x78, s22;
	v5 =	vmov s23;
	_ =	swait.ge @!p0 [sflag:s24], $0x800  }
0x78: {  	v6 =	vmov s21;
	v5 =	vmul.u32 $0x88, v5;
	[sflag:s24] =	ssyncset.done @!p0 $0x0  }
0x79: {  	s23 =	simm.s32 $0x0;
	v6 =	vshrl.u32 v6, $0x3;
	[sflag:s24] =	ssyncadd.s32 @!p0 $0xFFFFF800  }
0x7a: {  	s28 =	sor.u32 s21, s23;
	v5 =	vbroadcast v5, $0x0;
	v6 =	vshll.u32 v6, v1;
	_ =	swait.ge @!p0 [sflag:s24], $0x800  }
0x7b: {  	s28 =	sshll.u32 s28, $0x6;
	v9 =	vbroadcast v6, $0x0;
	[sflag:s24] =	ssyncset.done @!p0 $0x0  }
0x7c: {  	s30 =	sand.u32 $0x3FFFFE00, s28;
	v6 =	vadd.s32 v0, v5;
	[sflag:s24] =	ssyncadd.s32 @!p0 $0xFFFFF800  }
0x7d: {  	v8 =	vadd.s32 v9, v6;
	v7 =	vld [tilespmem:s30+$0x6400];
	_ =	sdelay $0x4  }
0x7e: {  	[tilespmem:v8+s17+$0x0] =	vst.idx.msk $0xffff, v7;
	v7 =	vadd.s32 v2, v5  }
0x7f: {  	v8 =	vld [tilespmem:s30+$0x6410];
	v10 =	vadd.s32 v9, v7;
	_ =	sdelay $0x4  }
0x80: {  	[tilespmem:v10+s17+$0x0] =	vst.idx.msk $0xffff, v8;
	v8 =	vadd.s32 v3, v5  }
0x81: {  	v10 =	vld [tilespmem:s30+$0x6420];
	v11 =	vadd.s32 v9, v8;
	_ =	sdelay $0x4  }
0x82: {  	s31 =	sor.u32 $0x1, s21;
	v5 =	vadd.s32 v4, v5;
	[tilespmem:v11+s17+$0x0] =	vst.idx.msk $0xffff, v10  }
0x83: {  	v9 =	vadd.s32 v9, v5;
	v11 =	vmov s31;
	v10 =	vld [tilespmem:s30+$0x6430]  }
0x84: {  	v11 =	vshrl.u32 v11, $0x3  }
0x85: {  	v11 =	vshll.u32 v11, v1  }
0x86: {  	s30 =	sor.u32 s23, s31;
	v11 =	vbroadcast v11, $0x0  }
0x87: {  	s24 =	sshll.u32 s30, $0x6  }
0x88: {  	s24 =	sand.u32 $0x3FFFFE40, s24;
	[tilespmem:v9+s17+$0x0] =	vst.idx.msk $0xffff, v10;
	v9 =	vadd.s32 v6, v11  }
0x89: {  	v10 =	vld [tilespmem:s24+$0x6400];
	v9 =	vor.u32 $0x1, v9;
	_ =	sdelay $0x4  }
0x8a: {  	[tilespmem:v9+s17+$0x0] =	vst.idx.msk $0xffff, v10;
	v9 =	vadd.s32 v7, v11  }
0x8b: {  	v10 =	vld [tilespmem:s24+$0x6410];
	v9 =	vor.u32 $0x1, v9;
	_ =	sdelay $0x4  }
0x8c: {  	[tilespmem:v9+s17+$0x0] =	vst.idx.msk $0xffff, v10;
	v9 =	vadd.s32 v8, v11  }
0x8d: {  	v10 =	vld [tilespmem:s24+$0x6420];
	v9 =	vor.u32 $0x1, v9;
	_ =	sdelay $0x4  }
0x8e: {  	s31 =	sor.u32 $0x2, s21;
	[tilespmem:v9+s17+$0x0] =	vst.idx.msk $0xffff, v10;
	v9 =	vadd.s32 v5, v11  }
0x8f: {  	v11 =	vmov s31;
	v10 =	vld [tilespmem:s24+$0x6430];
	v9 =	vor.u32 $0x1, v9  }
0x90: {  	v11 =	vshrl.u32 v11, $0x3  }
0x91: {  	v11 =	vshll.u32 v11, v1  }
0x92: {  	s30 =	sor.u32 s23, s31;
	v11 =	vbroadcast v11, $0x0  }
0x93: {  	s24 =	sshll.u32 s30, $0x6  }
0x94: {  	s24 =	sand.u32 $0x3FFFFE80, s24;
	[tilespmem:v9+s17+$0x0] =	vst.idx.msk $0xffff, v10;
	v9 =	vadd.s32 v6, v11  }
0x95: {  	v10 =	vld [tilespmem:s24+$0x6400];
	v9 =	vor.u32 $0x2, v9;
	_ =	sdelay $0x4  }
0x96: {  	[tilespmem:v9+s17+$0x0] =	vst.idx.msk $0xffff, v10;
	v9 =	vadd.s32 v7, v11  }
0x97: {  	v10 =	vld [tilespmem:s24+$0x6410];
	v9 =	vor.u32 $0x2, v9;
	_ =	sdelay $0x4  }
0x98: {  	[tilespmem:v9+s17+$0x0] =	vst.idx.msk $0xffff, v10;
	v9 =	vadd.s32 v8, v11  }
0x99: {  	v10 =	vld [tilespmem:s24+$0x6420];
	v9 =	vor.u32 $0x2, v9;
	_ =	sdelay $0x4  }
0x9a: {  	s31 =	sor.u32 $0x3, s21;
	[tilespmem:v9+s17+$0x0] =	vst.idx.msk $0xffff, v10;
	v9 =	vadd.s32 v5, v11  }
0x9b: {  	v11 =	vmov s31;
	v10 =	vld [tilespmem:s24+$0x6430];
	v9 =	vor.u32 $0x2, v9  }
0x9c: {  	v11 =	vshrl.u32 v11, $0x3  }
0x9d: {  	v11 =	vshll.u32 v11, v1  }
0x9e: {  	s30 =	sor.u32 s23, s31;
	v11 =	vbroadcast v11, $0x0  }
0x9f: {  	s24 =	sshll.u32 s30, $0x6  }
0xa0: {  	s24 =	sand.u32 $0x3FFFFEC0, s24;
	[tilespmem:v9+s17+$0x0] =	vst.idx.msk $0xffff, v10;
	v9 =	vadd.s32 v6, v11  }
0xa1: {  	v10 =	vld [tilespmem:s24+$0x6400];
	v9 =	vor.u32 $0x3, v9;
	_ =	sdelay $0x4  }
0xa2: {  	[tilespmem:v9+s17+$0x0] =	vst.idx.msk $0xffff, v10;
	v9 =	vadd.s32 v7, v11  }
0xa3: {  	v10 =	vld [tilespmem:s24+$0x6410];
	v9 =	vor.u32 $0x3, v9;
	_ =	sdelay $0x4  }
0xa4: {  	[tilespmem:v9+s17+$0x0] =	vst.idx.msk $0xffff, v10;
	v9 =	vadd.s32 v8, v11  }
0xa5: {  	v10 =	vld [tilespmem:s24+$0x6420];
	v9 =	vor.u32 $0x3, v9;
	_ =	sdelay $0x4  }
0xa6: {  	s31 =	sor.u32 $0x4, s21;
	[tilespmem:v9+s17+$0x0] =	vst.idx.msk $0xffff, v10;
	v9 =	vadd.s32 v5, v11  }
0xa7: {  	v11 =	vmov s31;
	v10 =	vld [tilespmem:s24+$0x6430];
	v9 =	vor.u32 $0x3, v9  }
0xa8: {  	v11 =	vshrl.u32 v11, $0x3  }
0xa9: {  	v11 =	vshll.u32 v11, v1  }
0xaa: {  	s30 =	sor.u32 s23, s31;
	v11 =	vbroadcast v11, $0x0  }
0xab: {  	s24 =	sshll.u32 s30, $0x6  }
0xac: {  	s24 =	sand.u32 $0x3FFFFF00, s24;
	[tilespmem:v9+s17+$0x0] =	vst.idx.msk $0xffff, v10;
	v9 =	vadd.s32 v6, v11  }
0xad: {  	v10 =	vld [tilespmem:s24+$0x6400];
	v9 =	vor.u32 $0x4, v9;
	_ =	sdelay $0x4  }
0xae: {  	[tilespmem:v9+s17+$0x0] =	vst.idx.msk $0xffff, v10;
	v9 =	vadd.s32 v7, v11  }
0xaf: {  	v10 =	vld [tilespmem:s24+$0x6410];
	v9 =	vor.u32 $0x4, v9;
	_ =	sdelay $0x4  }
0xb0: {  	[tilespmem:v9+s17+$0x0] =	vst.idx.msk $0xffff, v10;
	v9 =	vadd.s32 v8, v11  }
0xb1: {  	v10 =	vld [tilespmem:s24+$0x6420];
	v9 =	vor.u32 $0x4, v9;
	_ =	sdelay $0x4  }
0xb2: {  	s31 =	sor.u32 $0x5, s21;
	[tilespmem:v9+s17+$0x0] =	vst.idx.msk $0xffff, v10;
	v9 =	vadd.s32 v5, v11  }
0xb3: {  	v11 =	vmov s31;
	v10 =	vld [tilespmem:s24+$0x6430];
	v9 =	vor.u32 $0x4, v9  }
0xb4: {  	v11 =	vshrl.u32 v11, $0x3  }
0xb5: {  	v11 =	vshll.u32 v11, v1  }
0xb6: {  	s28 =	sor.u32 s23, s31;
	v11 =	vbroadcast v11, $0x0  }
0xb7: {  	s24 =	sshll.u32 s28, $0x6  }
0xb8: {  	s24 =	sand.u32 $0x3FFFFF40, s24;
	[tilespmem:v9+s17+$0x0] =	vst.idx.msk $0xffff, v10;
	v9 =	vadd.s32 v6, v11  }
0xb9: {  	v10 =	vld [tilespmem:s24+$0x6400];
	v9 =	vor.u32 $0x5, v9;
	_ =	sdelay $0x4  }
0xba: {  	[tilespmem:v9+s17+$0x0] =	vst.idx.msk $0xffff, v10;
	v9 =	vadd.s32 v7, v11  }
0xbb: {  	v10 =	vld [tilespmem:s24+$0x6410];
	v9 =	vor.u32 $0x5, v9;
	_ =	sdelay $0x4  }
0xbc: {  	[tilespmem:v9+s17+$0x0] =	vst.idx.msk $0xffff, v10;
	v9 =	vadd.s32 v8, v11  }
0xbd: {  	v10 =	vld [tilespmem:s24+$0x6420];
	v9 =	vor.u32 $0x5, v9;
	_ =	sdelay $0x4  }
0xbe: {  	s30 =	sor.u32 $0x6, s21;
	[tilespmem:v9+s17+$0x0] =	vst.idx.msk $0xffff, v10;
	v9 =	vadd.s32 v5, v11  }
0xbf: {  	v11 =	vmov s30;
	v10 =	vld [tilespmem:s24+$0x6430];
	v9 =	vor.u32 $0x5, v9  }
0xc0: {  	v11 =	vshrl.u32 v11, $0x3  }
0xc1: {  	v11 =	vshll.u32 v11, v1  }
0xc2: {  	s31 =	sor.u32 s23, s30;
	v11 =	vbroadcast v11, $0x0  }
0xc3: {  	s24 =	sshll.u32 s31, $0x6  }
0xc4: {  	s24 =	sand.u32 $0x3FFFFF80, s24;
	[tilespmem:v9+s17+$0x0] =	vst.idx.msk $0xffff, v10;
	v9 =	vadd.s32 v6, v11  }
0xc5: {  	v10 =	vld [tilespmem:s24+$0x6400];
	v9 =	vor.u32 $0x6, v9;
	_ =	sdelay $0x4  }
0xc6: {  	[tilespmem:v9+s17+$0x0] =	vst.idx.msk $0xffff, v10;
	v9 =	vadd.s32 v7, v11  }
0xc7: {  	v10 =	vld [tilespmem:s24+$0x6410];
	v9 =	vor.u32 $0x6, v9;
	_ =	sdelay $0x4  }
0xc8: {  	[tilespmem:v9+s17+$0x0] =	vst.idx.msk $0xffff, v10;
	v9 =	vadd.s32 v8, v11  }
0xc9: {  	v10 =	vld [tilespmem:s24+$0x6420];
	v9 =	vor.u32 $0x6, v9;
	_ =	sdelay $0x4  }
0xca: {  	s21 =	sor.u32 $0x7, s21;
	[tilespmem:v9+s17+$0x0] =	vst.idx.msk $0xffff, v10;
	v9 =	vadd.s32 v5, v11  }
0xcb: {  	v10 =	vld [tilespmem:s24+$0x6430];
	v11 =	vor.u32 $0x6, v9;
	v9 =	vmov s21  }
0xcc: {  	v9 =	vshrl.u32 v9, $0x3  }
0xcd: {  	v9 =	vshll.u32 v9, v1  }
0xce: {  	s21 =	sor.u32 s23, s21;
	v9 =	vbroadcast v9, $0x0  }
0xcf: {  	s21 =	sshll.u32 s21, $0x6  }
0xd0: {  	s24 =	sand.u32 $0x3FFFFFC0, s21;
	[tilespmem:v11+s17+$0x0] =	vst.idx.msk $0xffff, v10;
	v6 =	vadd.s32 v6, v9  }
0xd1: {  	v10 =	vld [tilespmem:s24+$0x6400];
	v6 =	vor.u32 $0x7, v6;
	_ =	sdelay $0x4  }
0xd2: {  	[tilespmem:v6+s17+$0x0] =	vst.idx.msk $0xffff, v10;
	v6 =	vadd.s32 v7, v9  }
0xd3: {  	v7 =	vld [tilespmem:s24+$0x6410];
	v6 =	vor.u32 $0x7, v6;
	_ =	sdelay $0x4  }
0xd4: {  	[tilespmem:v6+s17+$0x0] =	vst.idx.msk $0xffff, v7;
	v7 =	vadd.s32 v8, v9  }
0xd5: {  	v6 =	vld [tilespmem:s24+$0x6420];
	v7 =	vor.u32 $0x7, v7;
	_ =	sdelay $0x3  }
0xd6: {  	s29 =	simm.s32 $0x0;
	s23 =	simm.s32 $0x2;
	s21 =	sshll.u32 s20, $0xB  }
.LBB2_3:
0xd7: {  	p1 =	sne.s32 s23, $0x1F;
	s30 =	sshll.u32 s29, $0x3;
	[tilespmem:v7+s17+$0x0] =	vst.idx.msk $0xffff, v6;
	v5 =	vadd.s32 v5, v9;
	s22 =	sadd.s32 $0x8, s22  }
0xd8: {  	s28 =	sand.u32 $0x78, s22;
	v6 =	vmov s30;
	v7 =	vld [tilespmem:s24+$0x6430];
	v5 =	vor.u32 $0x7, v5  }
0xd9: {  	v8 =	vmov s28;
	v6 =	vmul.u32 $0x88, v6  }
0xda: {  	s24 =	sshll.u32 s29, $0x7;
	v8 =	vshrl.u32 v8, $0x3  }
0xdb: {  	s29 =	sor.u32 s28, s24;
	v9 =	vbroadcast v6, $0x0;
	v6 =	vshll.u32 v8, v1  }
0xdc: {  	s29 =	sshll.u32 s29, $0x6;
	v10 =	vbroadcast v6, $0x0  }
0xdd: {  	s29 =	sand.u32 $0x3FFFFE00, s29;
	v6 =	vadd.s32 v0, v9;
	[tilespmem:v5+s17+$0x0] =	vst.idx.msk $0xffff, v7  }
0xde: {  	v5 =	vld [tilespmem:s29+$0x6400];
	v7 =	vadd.s32 v10, v6;
	_ =	sdelay $0x4  }
0xdf: {  	[tilespmem:v7+s17+$0x0] =	vst.idx.msk $0xffff, v5;
	v7 =	vadd.s32 v2, v9  }
0xe0: {  	v5 =	vld [tilespmem:s29+$0x6410];
	v8 =	vadd.s32 v10, v7;
	_ =	sdelay $0x4  }
0xe1: {  	[tilespmem:v8+s17+$0x0] =	vst.idx.msk $0xffff, v5;
	v8 =	vadd.s32 v3, v9  }
0xe2: {  	v5 =	vld [tilespmem:s29+$0x6420];
	v11 =	vadd.s32 v10, v8;
	_ =	sdelay $0x4  }
0xe3: {  	s30 =	sor.u32 $0x1, s28;
	[tilespmem:v11+s17+$0x0] =	vst.idx.msk $0xffff, v5;
	v5 =	vadd.s32 v4, v9  }
0xe4: {  	v11 =	vmov s30;
	v9 =	vld [tilespmem:s29+$0x6430];
	v10 =	vadd.s32 v10, v5  }
0xe5: {  	v11 =	vshrl.u32 v11, $0x3  }
0xe6: {  	v11 =	vshll.u32 v11, v1  }
0xe7: {  	s29 =	sor.u32 s24, s30;
	v11 =	vbroadcast v11, $0x0  }
0xe8: {  	s29 =	sshll.u32 s29, $0x6  }
0xe9: {  	s29 =	sand.u32 $0x3FFFFE40, s29;
	[tilespmem:v10+s17+$0x0] =	vst.idx.msk $0xffff, v9;
	v9 =	vadd.s32 v6, v11  }
0xea: {  	v10 =	vld [tilespmem:s29+$0x6400];
	v9 =	vor.u32 $0x1, v9;
	_ =	sdelay $0x4  }
0xeb: {  	[tilespmem:v9+s17+$0x0] =	vst.idx.msk $0xffff, v10;
	v9 =	vadd.s32 v7, v11  }
0xec: {  	v10 =	vld [tilespmem:s29+$0x6410];
	v9 =	vor.u32 $0x1, v9;
	_ =	sdelay $0x4  }
0xed: {  	[tilespmem:v9+s17+$0x0] =	vst.idx.msk $0xffff, v10;
	v9 =	vadd.s32 v8, v11  }
0xee: {  	v10 =	vld [tilespmem:s29+$0x6420];
	v9 =	vor.u32 $0x1, v9;
	_ =	sdelay $0x4  }
0xef: {  	s30 =	sor.u32 $0x2, s28;
	[tilespmem:v9+s17+$0x0] =	vst.idx.msk $0xffff, v10;
	v9 =	vadd.s32 v5, v11  }
0xf0: {  	v11 =	vmov s30;
	v10 =	vld [tilespmem:s29+$0x6430];
	v9 =	vor.u32 $0x1, v9  }
0xf1: {  	v11 =	vshrl.u32 v11, $0x3  }
0xf2: {  	v11 =	vshll.u32 v11, v1  }
0xf3: {  	s29 =	sor.u32 s24, s30;
	v11 =	vbroadcast v11, $0x0  }
0xf4: {  	s29 =	sshll.u32 s29, $0x6  }
0xf5: {  	s29 =	sand.u32 $0x3FFFFE80, s29;
	[tilespmem:v9+s17+$0x0] =	vst.idx.msk $0xffff, v10;
	v9 =	vadd.s32 v6, v11  }
0xf6: {  	v10 =	vld [tilespmem:s29+$0x6400];
	v9 =	vor.u32 $0x2, v9;
	_ =	sdelay $0x4  }
0xf7: {  	[tilespmem:v9+s17+$0x0] =	vst.idx.msk $0xffff, v10;
	v9 =	vadd.s32 v7, v11  }
0xf8: {  	v10 =	vld [tilespmem:s29+$0x6410];
	v9 =	vor.u32 $0x2, v9;
	_ =	sdelay $0x4  }
0xf9: {  	[tilespmem:v9+s17+$0x0] =	vst.idx.msk $0xffff, v10;
	v9 =	vadd.s32 v8, v11  }
0xfa: {  	v10 =	vld [tilespmem:s29+$0x6420];
	v9 =	vor.u32 $0x2, v9;
	_ =	sdelay $0x4  }
0xfb: {  	s30 =	sor.u32 $0x3, s28;
	[tilespmem:v9+s17+$0x0] =	vst.idx.msk $0xffff, v10;
	v9 =	vadd.s32 v5, v11  }
0xfc: {  	v11 =	vmov s30;
	v10 =	vld [tilespmem:s29+$0x6430];
	v9 =	vor.u32 $0x2, v9  }
0xfd: {  	v11 =	vshrl.u32 v11, $0x3  }
0xfe: {  	v11 =	vshll.u32 v11, v1  }
0xff: {  	s29 =	sor.u32 s24, s30;
	v11 =	vbroadcast v11, $0x0  }
0x100: {  	s29 =	sshll.u32 s29, $0x6  }
0x101: {  	s29 =	sand.u32 $0x3FFFFEC0, s29;
	[tilespmem:v9+s17+$0x0] =	vst.idx.msk $0xffff, v10;
	v9 =	vadd.s32 v6, v11  }
0x102: {  	v10 =	vld [tilespmem:s29+$0x6400];
	v9 =	vor.u32 $0x3, v9;
	_ =	sdelay $0x4  }
0x103: {  	[tilespmem:v9+s17+$0x0] =	vst.idx.msk $0xffff, v10;
	v9 =	vadd.s32 v7, v11  }
0x104: {  	v10 =	vld [tilespmem:s29+$0x6410];
	v9 =	vor.u32 $0x3, v9;
	_ =	sdelay $0x4  }
0x105: {  	[tilespmem:v9+s17+$0x0] =	vst.idx.msk $0xffff, v10;
	v9 =	vadd.s32 v8, v11  }
0x106: {  	v10 =	vld [tilespmem:s29+$0x6420];
	v9 =	vor.u32 $0x3, v9;
	_ =	sdelay $0x4  }
0x107: {  	s30 =	sor.u32 $0x4, s28;
	[tilespmem:v9+s17+$0x0] =	vst.idx.msk $0xffff, v10;
	v9 =	vadd.s32 v5, v11  }
0x108: {  	v11 =	vmov s30;
	v10 =	vld [tilespmem:s29+$0x6430];
	v9 =	vor.u32 $0x3, v9  }
0x109: {  	v11 =	vshrl.u32 v11, $0x3  }
0x10a: {  	v11 =	vshll.u32 v11, v1  }
0x10b: {  	s29 =	sor.u32 s24, s30;
	v11 =	vbroadcast v11, $0x0  }
0x10c: {  	s29 =	sshll.u32 s29, $0x6  }
0x10d: {  	s29 =	sand.u32 $0x3FFFFF00, s29;
	[tilespmem:v9+s17+$0x0] =	vst.idx.msk $0xffff, v10;
	v9 =	vadd.s32 v6, v11  }
0x10e: {  	v10 =	vld [tilespmem:s29+$0x6400];
	v9 =	vor.u32 $0x4, v9;
	_ =	sdelay $0x4  }
0x10f: {  	[tilespmem:v9+s17+$0x0] =	vst.idx.msk $0xffff, v10;
	v9 =	vadd.s32 v7, v11  }
0x110: {  	v10 =	vld [tilespmem:s29+$0x6410];
	v9 =	vor.u32 $0x4, v9;
	_ =	sdelay $0x4  }
0x111: {  	[tilespmem:v9+s17+$0x0] =	vst.idx.msk $0xffff, v10;
	v9 =	vadd.s32 v8, v11  }
0x112: {  	v10 =	vld [tilespmem:s29+$0x6420];
	v9 =	vor.u32 $0x4, v9;
	_ =	sdelay $0x4  }
0x113: {  	s30 =	sor.u32 $0x5, s28;
	[tilespmem:v9+s17+$0x0] =	vst.idx.msk $0xffff, v10;
	v9 =	vadd.s32 v5, v11  }
0x114: {  	v11 =	vmov s30;
	v10 =	vld [tilespmem:s29+$0x6430];
	v9 =	vor.u32 $0x4, v9  }
0x115: {  	v11 =	vshrl.u32 v11, $0x3  }
0x116: {  	v11 =	vshll.u32 v11, v1  }
0x117: {  	s29 =	sor.u32 s24, s30;
	v11 =	vbroadcast v11, $0x0  }
0x118: {  	s29 =	sshll.u32 s29, $0x6  }
0x119: {  	s29 =	sand.u32 $0x3FFFFF40, s29;
	[tilespmem:v9+s17+$0x0] =	vst.idx.msk $0xffff, v10;
	v9 =	vadd.s32 v6, v11  }
0x11a: {  	v10 =	vld [tilespmem:s29+$0x6400];
	v9 =	vor.u32 $0x5, v9;
	_ =	sdelay $0x4  }
0x11b: {  	[tilespmem:v9+s17+$0x0] =	vst.idx.msk $0xffff, v10;
	v9 =	vadd.s32 v7, v11  }
0x11c: {  	v10 =	vld [tilespmem:s29+$0x6410];
	v9 =	vor.u32 $0x5, v9;
	_ =	sdelay $0x4  }
0x11d: {  	[tilespmem:v9+s17+$0x0] =	vst.idx.msk $0xffff, v10;
	v9 =	vadd.s32 v8, v11  }
0x11e: {  	v10 =	vld [tilespmem:s29+$0x6420];
	v9 =	vor.u32 $0x5, v9;
	_ =	sdelay $0x4  }
0x11f: {  	s30 =	sor.u32 $0x6, s28;
	[tilespmem:v9+s17+$0x0] =	vst.idx.msk $0xffff, v10;
	v9 =	vadd.s32 v5, v11  }
0x120: {  	v11 =	vmov s30;
	v10 =	vld [tilespmem:s29+$0x6430];
	v9 =	vor.u32 $0x5, v9  }
0x121: {  	v11 =	vshrl.u32 v11, $0x3  }
0x122: {  	v11 =	vshll.u32 v11, v1  }
0x123: {  	s29 =	sor.u32 s24, s30;
	v11 =	vbroadcast v11, $0x0  }
0x124: {  	s29 =	sshll.u32 s29, $0x6  }
0x125: {  	s29 =	sand.u32 $0x3FFFFF80, s29;
	[tilespmem:v9+s17+$0x0] =	vst.idx.msk $0xffff, v10;
	v9 =	vadd.s32 v6, v11  }
0x126: {  	v10 =	vld [tilespmem:s29+$0x6400];
	v9 =	vor.u32 $0x6, v9;
	_ =	sdelay $0x4  }
0x127: {  	[tilespmem:v9+s17+$0x0] =	vst.idx.msk $0xffff, v10;
	v9 =	vadd.s32 v7, v11  }
0x128: {  	v10 =	vld [tilespmem:s29+$0x6410];
	v9 =	vor.u32 $0x6, v9;
	_ =	sdelay $0x4  }
0x129: {  	[tilespmem:v9+s17+$0x0] =	vst.idx.msk $0xffff, v10;
	v9 =	vadd.s32 v8, v11  }
0x12a: {  	v10 =	vld [tilespmem:s29+$0x6420];
	v9 =	vor.u32 $0x6, v9;
	_ =	sdelay $0x4  }
0x12b: {  	s28 =	sor.u32 $0x7, s28;
	[tilespmem:v9+s17+$0x0] =	vst.idx.msk $0xffff, v10;
	v9 =	vadd.s32 v5, v11  }
0x12c: {  	v10 =	vld [tilespmem:s29+$0x6430];
	v11 =	vor.u32 $0x6, v9;
	v9 =	vmov s28  }
0x12d: {  	v9 =	vshrl.u32 v9, $0x3  }
0x12e: {  	v9 =	vshll.u32 v9, v1  }
0x12f: {  	s24 =	sor.u32 s24, s28;
	v9 =	vbroadcast v9, $0x0  }
0x130: {  	s24 =	sshll.u32 s24, $0x6  }
0x131: {  	s24 =	sand.u32 $0x3FFFFFC0, s24;
	[tilespmem:v11+s17+$0x0] =	vst.idx.msk $0xffff, v10;
	v6 =	vadd.s32 v6, v9  }
0x132: {  	v10 =	vld [tilespmem:s24+$0x6400];
	v6 =	vor.u32 $0x7, v6;
	_ =	sdelay $0x4  }
0x133: {  	[tilespmem:v6+s17+$0x0] =	vst.idx.msk $0xffff, v10;
	v6 =	vadd.s32 v7, v9  }
0x134: {  	v7 =	vld [tilespmem:s24+$0x6410];
	v6 =	vor.u32 $0x7, v6;
	_ =	sdelay $0x4  }
0x135: {  	[tilespmem:v6+s17+$0x0] =	vst.idx.msk $0xffff, v7;
	v7 =	vadd.s32 v8, v9  }
.Ltmp2:
0x136: {  	v6 =	vld [tilespmem:s24+$0x6420];
	v7 =	vor.u32 $0x7, v7;
	(pc) =	sbr.rel @p1 .LBB2_3-.Ltmp2, $2  }
0x137: {  	_ =	sdelay $0x2  }
0x138: {  	s29 =	sshrl.u32 s23, $0x4;
	s23 =	sadd.s32 $0x1, s23  }
0x139: {  	_ =	sdelay $0x3  }
0x13a: {  	s23 =	sshll.u32 s29, $0x3;
	[tilespmem:v7+s17+$0x0] =	vst.idx.msk $0xffff, v6;
	v5 =	vadd.s32 v5, v9;
	s22 =	sadd.s32 $0x8, s22  }
0x13b: {  	s22 =	sand.u32 $0x78, s22;
	v6 =	vmov s23;
	v7 =	vld [tilespmem:s24+$0x6430];
	v8 =	vor.u32 $0x7, v5  }
0x13c: {  	v5 =	vmov s22;
	v6 =	vmul.u32 $0x88, v6  }
0x13d: {  	s23 =	sshll.u32 s29, $0x7;
	v5 =	vshrl.u32 v5, $0x3  }
0x13e: {  	s29 =	sor.u32 s22, s23;
	v9 =	vbroadcast v6, $0x0;
	v5 =	vshll.u32 v5, v1  }
0x13f: {  	s24 =	sshll.u32 s29, $0x6;
	v10 =	vbroadcast v5, $0x0  }
0x140: {  	s24 =	sand.u32 $0x3FFFFE00, s24;
	v5 =	vadd.s32 v0, v9;
	[tilespmem:v8+s17+$0x0] =	vst.idx.msk $0xffff, v7  }
0x141: {  	v6 =	vld [tilespmem:s24+$0x6400];
	v7 =	vadd.s32 v10, v5;
	_ =	sdelay $0x4  }
0x142: {  	[tilespmem:v7+s17+$0x0] =	vst.idx.msk $0xffff, v6;
	v6 =	vadd.s32 v2, v9  }
0x143: {  	v7 =	vld [tilespmem:s24+$0x6410];
	v8 =	vadd.s32 v10, v6;
	_ =	sdelay $0x4  }
0x144: {  	[tilespmem:v8+s17+$0x0] =	vst.idx.msk $0xffff, v7;
	v7 =	vadd.s32 v3, v9  }
0x145: {  	v8 =	vld [tilespmem:s24+$0x6420];
	v11 =	vadd.s32 v10, v7;
	_ =	sdelay $0x4  }
0x146: {  	s28 =	sor.u32 $0x1, s22;
	[tilespmem:v11+s17+$0x0] =	vst.idx.msk $0xffff, v8;
	v8 =	vadd.s32 v4, v9  }
0x147: {  	v11 =	vmov s28;
	v9 =	vld [tilespmem:s24+$0x6430];
	v10 =	vadd.s32 v10, v8  }
0x148: {  	v11 =	vshrl.u32 v11, $0x3  }
0x149: {  	v11 =	vshll.u32 v11, v1  }
0x14a: {  	s31 =	sor.u32 s23, s28;
	v11 =	vbroadcast v11, $0x0  }
0x14b: {  	s24 =	sshll.u32 s31, $0x6  }
0x14c: {  	s24 =	sand.u32 $0x3FFFFE40, s24;
	[tilespmem:v10+s17+$0x0] =	vst.idx.msk $0xffff, v9;
	v9 =	vadd.s32 v5, v11  }
0x14d: {  	v10 =	vld [tilespmem:s24+$0x6400];
	v9 =	vor.u32 $0x1, v9;
	_ =	sdelay $0x4  }
0x14e: {  	[tilespmem:v9+s17+$0x0] =	vst.idx.msk $0xffff, v10;
	v9 =	vadd.s32 v6, v11  }
0x14f: {  	v10 =	vld [tilespmem:s24+$0x6410];
	v9 =	vor.u32 $0x1, v9;
	_ =	sdelay $0x4  }
0x150: {  	[tilespmem:v9+s17+$0x0] =	vst.idx.msk $0xffff, v10;
	v9 =	vadd.s32 v7, v11  }
0x151: {  	v10 =	vld [tilespmem:s24+$0x6420];
	v9 =	vor.u32 $0x1, v9;
	_ =	sdelay $0x4  }
0x152: {  	s28 =	sor.u32 $0x2, s22;
	[tilespmem:v9+s17+$0x0] =	vst.idx.msk $0xffff, v10;
	v9 =	vadd.s32 v8, v11  }
0x153: {  	v11 =	vmov s28;
	v10 =	vld [tilespmem:s24+$0x6430];
	v9 =	vor.u32 $0x1, v9  }
0x154: {  	v11 =	vshrl.u32 v11, $0x3  }
0x155: {  	v11 =	vshll.u32 v11, v1  }
0x156: {  	s29 =	sor.u32 s23, s28;
	v11 =	vbroadcast v11, $0x0  }
0x157: {  	s24 =	sshll.u32 s29, $0x6  }
0x158: {  	s24 =	sand.u32 $0x3FFFFE80, s24;
	[tilespmem:v9+s17+$0x0] =	vst.idx.msk $0xffff, v10;
	v9 =	vadd.s32 v5, v11  }
0x159: {  	v10 =	vld [tilespmem:s24+$0x6400];
	v9 =	vor.u32 $0x2, v9;
	_ =	sdelay $0x4  }
0x15a: {  	[tilespmem:v9+s17+$0x0] =	vst.idx.msk $0xffff, v10;
	v9 =	vadd.s32 v6, v11  }
0x15b: {  	v10 =	vld [tilespmem:s24+$0x6410];
	v9 =	vor.u32 $0x2, v9;
	_ =	sdelay $0x4  }
0x15c: {  	[tilespmem:v9+s17+$0x0] =	vst.idx.msk $0xffff, v10;
	v9 =	vadd.s32 v7, v11  }
0x15d: {  	v10 =	vld [tilespmem:s24+$0x6420];
	v9 =	vor.u32 $0x2, v9;
	_ =	sdelay $0x4  }
0x15e: {  	s28 =	sor.u32 $0x3, s22;
	[tilespmem:v9+s17+$0x0] =	vst.idx.msk $0xffff, v10;
	v9 =	vadd.s32 v8, v11  }
0x15f: {  	v11 =	vmov s28;
	v10 =	vld [tilespmem:s24+$0x6430];
	v9 =	vor.u32 $0x2, v9  }
0x160: {  	v11 =	vshrl.u32 v11, $0x3  }
0x161: {  	v11 =	vshll.u32 v11, v1  }
0x162: {  	s31 =	sor.u32 s23, s28;
	v11 =	vbroadcast v11, $0x0  }
0x163: {  	s24 =	sshll.u32 s31, $0x6  }
0x164: {  	s24 =	sand.u32 $0x3FFFFEC0, s24;
	[tilespmem:v9+s17+$0x0] =	vst.idx.msk $0xffff, v10;
	v9 =	vadd.s32 v5, v11  }
0x165: {  	v10 =	vld [tilespmem:s24+$0x6400];
	v9 =	vor.u32 $0x3, v9;
	_ =	sdelay $0x4  }
0x166: {  	[tilespmem:v9+s17+$0x0] =	vst.idx.msk $0xffff, v10;
	v9 =	vadd.s32 v6, v11  }
0x167: {  	v10 =	vld [tilespmem:s24+$0x6410];
	v9 =	vor.u32 $0x3, v9;
	_ =	sdelay $0x4  }
0x168: {  	[tilespmem:v9+s17+$0x0] =	vst.idx.msk $0xffff, v10;
	v9 =	vadd.s32 v7, v11  }
0x169: {  	v10 =	vld [tilespmem:s24+$0x6420];
	v9 =	vor.u32 $0x3, v9;
	_ =	sdelay $0x4  }
0x16a: {  	s28 =	sor.u32 $0x4, s22;
	[tilespmem:v9+s17+$0x0] =	vst.idx.msk $0xffff, v10;
	v9 =	vadd.s32 v8, v11  }
0x16b: {  	v11 =	vmov s28;
	v10 =	vld [tilespmem:s24+$0x6430];
	v9 =	vor.u32 $0x3, v9  }
0x16c: {  	v11 =	vshrl.u32 v11, $0x3  }
0x16d: {  	v11 =	vshll.u32 v11, v1  }
0x16e: {  	s29 =	sor.u32 s23, s28;
	v11 =	vbroadcast v11, $0x0  }
0x16f: {  	s24 =	sshll.u32 s29, $0x6  }
0x170: {  	s24 =	sand.u32 $0x3FFFFF00, s24;
	[tilespmem:v9+s17+$0x0] =	vst.idx.msk $0xffff, v10;
	v9 =	vadd.s32 v5, v11  }
0x171: {  	v10 =	vld [tilespmem:s24+$0x6400];
	v9 =	vor.u32 $0x4, v9;
	_ =	sdelay $0x4  }
0x172: {  	[tilespmem:v9+s17+$0x0] =	vst.idx.msk $0xffff, v10;
	v9 =	vadd.s32 v6, v11  }
0x173: {  	v10 =	vld [tilespmem:s24+$0x6410];
	v9 =	vor.u32 $0x4, v9;
	_ =	sdelay $0x4  }
0x174: {  	[tilespmem:v9+s17+$0x0] =	vst.idx.msk $0xffff, v10;
	v9 =	vadd.s32 v7, v11  }
0x175: {  	v10 =	vld [tilespmem:s24+$0x6420];
	v9 =	vor.u32 $0x4, v9;
	_ =	sdelay $0x4  }
0x176: {  	s28 =	sor.u32 $0x5, s22;
	[tilespmem:v9+s17+$0x0] =	vst.idx.msk $0xffff, v10;
	v9 =	vadd.s32 v8, v11  }
0x177: {  	v11 =	vmov s28;
	v10 =	vld [tilespmem:s24+$0x6430];
	v9 =	vor.u32 $0x4, v9  }
0x178: {  	v11 =	vshrl.u32 v11, $0x3  }
0x179: {  	v11 =	vshll.u32 v11, v1  }
0x17a: {  	s31 =	sor.u32 s23, s28;
	v11 =	vbroadcast v11, $0x0  }
0x17b: {  	s24 =	sshll.u32 s31, $0x6  }
0x17c: {  	s24 =	sand.u32 $0x3FFFFF40, s24;
	[tilespmem:v9+s17+$0x0] =	vst.idx.msk $0xffff, v10;
	v9 =	vadd.s32 v5, v11  }
0x17d: {  	v10 =	vld [tilespmem:s24+$0x6400];
	v9 =	vor.u32 $0x5, v9;
	_ =	sdelay $0x4  }
0x17e: {  	[tilespmem:v9+s17+$0x0] =	vst.idx.msk $0xffff, v10;
	v9 =	vadd.s32 v6, v11  }
0x17f: {  	v10 =	vld [tilespmem:s24+$0x6410];
	v9 =	vor.u32 $0x5, v9;
	_ =	sdelay $0x4  }
0x180: {  	[tilespmem:v9+s17+$0x0] =	vst.idx.msk $0xffff, v10;
	v9 =	vadd.s32 v7, v11  }
0x181: {  	v10 =	vld [tilespmem:s24+$0x6420];
	v9 =	vor.u32 $0x5, v9;
	_ =	sdelay $0x4  }
0x182: {  	s28 =	sor.u32 $0x6, s22;
	[tilespmem:v9+s17+$0x0] =	vst.idx.msk $0xffff, v10;
	v9 =	vadd.s32 v8, v11  }
0x183: {  	v11 =	vmov s28;
	v10 =	vld [tilespmem:s24+$0x6430];
	v9 =	vor.u32 $0x5, v9  }
0x184: {  	v11 =	vshrl.u32 v11, $0x3  }
0x185: {  	v11 =	vshll.u32 v11, v1  }
0x186: {  	s29 =	sor.u32 s23, s28;
	v11 =	vbroadcast v11, $0x0  }
0x187: {  	s24 =	sshll.u32 s29, $0x6  }
0x188: {  	s24 =	sand.u32 $0x3FFFFF80, s24;
	[tilespmem:v9+s17+$0x0] =	vst.idx.msk $0xffff, v10;
	v9 =	vadd.s32 v5, v11  }
0x189: {  	v10 =	vld [tilespmem:s24+$0x6400];
	v9 =	vor.u32 $0x6, v9;
	_ =	sdelay $0x4  }
0x18a: {  	[tilespmem:v9+s17+$0x0] =	vst.idx.msk $0xffff, v10;
	v9 =	vadd.s32 v6, v11  }
0x18b: {  	v10 =	vld [tilespmem:s24+$0x6410];
	v9 =	vor.u32 $0x6, v9;
	_ =	sdelay $0x4  }
0x18c: {  	[tilespmem:v9+s17+$0x0] =	vst.idx.msk $0xffff, v10;
	v9 =	vadd.s32 v7, v11  }
0x18d: {  	v10 =	vld [tilespmem:s24+$0x6420];
	v9 =	vor.u32 $0x6, v9;
	_ =	sdelay $0x4  }
0x18e: {  	s22 =	sor.u32 $0x7, s22;
	[tilespmem:v9+s17+$0x0] =	vst.idx.msk $0xffff, v10;
	v9 =	vadd.s32 v8, v11  }
0x18f: {  	v11 =	vmov s22;
	v10 =	vld [tilespmem:s24+$0x6430];
	v9 =	vor.u32 $0x6, v9  }
0x190: {  	v11 =	vshrl.u32 v11, $0x3  }
0x191: {  	v11 =	vshll.u32 v11, v1  }
0x192: {  	s22 =	sor.u32 s23, s22;
	v11 =	vbroadcast v11, $0x0  }
0x193: {  	s22 =	sshll.u32 s22, $0x6  }
0x194: {  	s31 =	sand.u32 $0x3FFFFFC0, s22;
	v5 =	vadd.s32 v5, v11;
	[tilespmem:v9+s17+$0x0] =	vst.idx.msk $0xffff, v10  }
0x195: {  	v5 =	vor.u32 $0x7, v5;
	v9 =	vld [tilespmem:s31+$0x6400];
	_ =	sdelay $0x4  }
0x196: {  	[tilespmem:v5+s17+$0x0] =	vst.idx.msk $0xffff, v9;
	v5 =	vadd.s32 v6, v11  }
0x197: {  	v6 =	vld [tilespmem:s31+$0x6410];
	v5 =	vor.u32 $0x7, v5;
	_ =	sdelay $0x4  }
0x198: {  	[tilespmem:v5+s17+$0x0] =	vst.idx.msk $0xffff, v6;
	v5 =	vadd.s32 v7, v11  }
0x199: {  	v6 =	vld [tilespmem:s31+$0x6420];
	v5 =	vor.u32 $0x7, v5;
	_ =	sdelay $0x4  }
0x19a: {  	s22 =	sshll.u32 s20, $0x2;
	[tilespmem:v5+s17+$0x0] =	vst.idx.msk $0xffff, v6;
	v5 =	vadd.s32 v8, v11  }
0x19b: {  	s24 =	sadd.s32 s5, s22;
	v6 =	vld [tilespmem:s31+$0x6430];
	v5 =	vor.u32 $0x7, v5  }
0x19c: {  	s29 =	sshll.u32 s24, $0xA;
	s23 =	sshll.u32 s24, $0xD  }
0x19d: {  	s24 =	sand.u32 $0x7000, s29;
	s28 =	sand.u32 $0x7FFC0000, s23  }
0x19e: {  	s28 =	sor.u32 s24, s28  }
0x19f: {  	s28 =	sshrl.u32 s28, $0x3  }
0x1a0: {  	s28 =	sadd.s32 s2, s28;
	[tilespmem:v5+s17+$0x0] =	vst.idx.msk $0xffff, v6  }
0x1a1: {  	[hbm4b:s28+s3] =	stream.linear.scatter [tilespmem:s17], [sflag:$0x3], $0x80, $0x38;
	[tilespmem:$0x16C00] =	vst v63  }
0x1a2: {  	s30 =	simm.s32 $0xE488;
	s31 =	sadd.s32 $0x10, s28  }
0x1a3: {  	[hbm4b:s31+s3] =	stream.linear.scatter [tilespmem:s30], [sflag:$0x3], $0x80, $0x38;
	[tilespmem:$0x16C00] =	vst v63  }
0x1a4: {  	s31 =	sadd.s32 $0x20, s28;
	s30 =	simm.s32 $0xE510  }
0x1a5: {  	[hbm4b:s31+s3] =	stream.linear.scatter [tilespmem:s30], [sflag:$0x3], $0x80, $0x38;
	[tilespmem:$0x16C00] =	vst v63  }
0x1a6: {  	s31 =	sadd.s32 $0x30, s28;
	s30 =	simm.s32 $0xE598  }
0x1a7: {  	[hbm4b:s31+s3] =	stream.linear.scatter [tilespmem:s30], [sflag:$0x3], $0x80, $0x38;
	[tilespmem:$0x16C00] =	vst v63  }
0x1a8: {  	s31 =	sadd.s32 $0x40, s28;
	s30 =	simm.s32 $0xE620  }
0x1a9: {  	[hbm4b:s31+s3] =	stream.linear.scatter [tilespmem:s30], [sflag:$0x3], $0x80, $0x38;
	[tilespmem:$0x16C00] =	vst v63  }
0x1aa: {  	s31 =	sadd.s32 $0x50, s28;
	s30 =	simm.s32 $0xE6A8  }
0x1ab: {  	[hbm4b:s31+s3] =	stream.linear.scatter [tilespmem:s30], [sflag:$0x3], $0x80, $0x38;
	[tilespmem:$0x16C00] =	vst v63  }
0x1ac: {  	s31 =	sadd.s32 $0x60, s28;
	s30 =	simm.s32 $0xE730  }
0x1ad: {  	[hbm4b:s31+s3] =	stream.linear.scatter [tilespmem:s30], [sflag:$0x3], $0x80, $0x38;
	[tilespmem:$0x16C00] =	vst v63  }
0x1ae: {  	s31 =	sadd.s32 $0x70, s28;
	s30 =	simm.s32 $0xE7B8  }
0x1af: {  	[hbm4b:s31+s3] =	stream.linear.scatter [tilespmem:s30], [sflag:$0x3], $0x80, $0x38;
	[tilespmem:$0x16C00] =	vst v63  }
0x1b0: {  	s31 =	sadd.s32 $0x80, s28;
	s30 =	simm.s32 $0xE840  }
0x1b1: {  	[hbm4b:s31+s3] =	stream.linear.scatter [tilespmem:s30], [sflag:$0x3], $0x80, $0x38;
	[tilespmem:$0x16C00] =	vst v63  }
0x1b2: {  	s31 =	sadd.s32 $0x90, s28;
	s30 =	simm.s32 $0xE8C8  }
0x1b3: {  	[hbm4b:s31+s3] =	stream.linear.scatter [tilespmem:s30], [sflag:$0x3], $0x80, $0x38;
	[tilespmem:$0x16C00] =	vst v63  }
0x1b4: {  	s31 =	sadd.s32 $0xA0, s28;
	s30 =	simm.s32 $0xE950  }
0x1b5: {  	[hbm4b:s31+s3] =	stream.linear.scatter [tilespmem:s30], [sflag:$0x3], $0x80, $0x38;
	[tilespmem:$0x16C00] =	vst v63  }
0x1b6: {  	s31 =	sadd.s32 $0xB0, s28;
	s30 =	simm.s32 $0xE9D8  }
0x1b7: {  	[hbm4b:s31+s3] =	stream.linear.scatter [tilespmem:s30], [sflag:$0x3], $0x80, $0x38;
	[tilespmem:$0x16C00] =	vst v63  }
0x1b8: {  	s31 =	sadd.s32 $0xC0, s28;
	s30 =	simm.s32 $0xEA60  }
0x1b9: {  	[hbm4b:s31+s3] =	stream.linear.scatter [tilespmem:s30], [sflag:$0x3], $0x80, $0x38;
	[tilespmem:$0x16C00] =	vst v63  }
0x1ba: {  	s31 =	sadd.s32 $0xD0, s28;
	s30 =	simm.s32 $0xEAE8  }
0x1bb: {  	[hbm4b:s31+s3] =	stream.linear.scatter [tilespmem:s30], [sflag:$0x3], $0x80, $0x38;
	[tilespmem:$0x16C00] =	vst v63  }
0x1bc: {  	s31 =	sadd.s32 $0xE0, s28;
	s30 =	simm.s32 $0xEB70  }
0x1bd: {  	[hbm4b:s31+s3] =	stream.linear.scatter [tilespmem:s30], [sflag:$0x3], $0x80, $0x38;
	[tilespmem:$0x16C00] =	vst v63  }
0x1be: {  	s31 =	sadd.s32 $0xF0, s28;
	s30 =	simm.s32 $0xEBF8  }
0x1bf: {  	[hbm4b:s31+s3] =	stream.linear.scatter [tilespmem:s30], [sflag:$0x3], $0x80, $0x38;
	[tilespmem:$0x16C00] =	vst v63  }
0x1c0: {  	s31 =	sadd.s32 $0x1000, s28;
	s30 =	simm.s32 $0xEC80  }
0x1c1: {  	[hbm4b:s31+s3] =	stream.linear.scatter [tilespmem:s30], [sflag:$0x3], $0x80, $0x38;
	[tilespmem:$0x16C00] =	vst v63  }
0x1c2: {  	s31 =	sadd.s32 $0x1010, s28;
	s30 =	simm.s32 $0xED08  }
0x1c3: {  	[hbm4b:s31+s3] =	stream.linear.scatter [tilespmem:s30], [sflag:$0x3], $0x80, $0x38;
	[tilespmem:$0x16C00] =	vst v63  }
0x1c4: {  	s31 =	sadd.s32 $0x1020, s28;
	s30 =	simm.s32 $0xED90  }
0x1c5: {  	[hbm4b:s31+s3] =	stream.linear.scatter [tilespmem:s30], [sflag:$0x3], $0x80, $0x38;
	[tilespmem:$0x16C00] =	vst v63  }
0x1c6: {  	s31 =	sadd.s32 $0x1030, s28;
	s30 =	simm.s32 $0xEE18  }
0x1c7: {  	[hbm4b:s31+s3] =	stream.linear.scatter [tilespmem:s30], [sflag:$0x3], $0x80, $0x38;
	[tilespmem:$0x16C00] =	vst v63  }
0x1c8: {  	s31 =	sadd.s32 $0x1040, s28;
	s30 =	simm.s32 $0xEEA0  }
0x1c9: {  	[hbm4b:s31+s3] =	stream.linear.scatter [tilespmem:s30], [sflag:$0x3], $0x80, $0x38;
	[tilespmem:$0x16C00] =	vst v63  }
0x1ca: {  	s31 =	sadd.s32 $0x1050, s28;
	s30 =	simm.s32 $0xEF28  }
0x1cb: {  	[hbm4b:s31+s3] =	stream.linear.scatter [tilespmem:s30], [sflag:$0x3], $0x80, $0x38;
	[tilespmem:$0x16C00] =	vst v63  }
0x1cc: {  	s31 =	sadd.s32 $0x1060, s28;
	s30 =	simm.s32 $0xEFB0  }
0x1cd: {  	[hbm4b:s31+s3] =	stream.linear.scatter [tilespmem:s30], [sflag:$0x3], $0x80, $0x38;
	[tilespmem:$0x16C00] =	vst v63  }
0x1ce: {  	s31 =	sadd.s32 $0x1070, s28;
	s30 =	simm.s32 $0xF038  }
0x1cf: {  	[hbm4b:s31+s3] =	stream.linear.scatter [tilespmem:s30], [sflag:$0x3], $0x80, $0x38;
	[tilespmem:$0x16C00] =	vst v63  }
0x1d0: {  	s31 =	sadd.s32 $0x1080, s28;
	s30 =	simm.s32 $0xF0C0  }
0x1d1: {  	[hbm4b:s31+s3] =	stream.linear.scatter [tilespmem:s30], [sflag:$0x3], $0x80, $0x38;
	[tilespmem:$0x16C00] =	vst v63  }
0x1d2: {  	s31 =	sadd.s32 $0x1090, s28;
	s30 =	simm.s32 $0xF148  }
0x1d3: {  	[hbm4b:s31+s3] =	stream.linear.scatter [tilespmem:s30], [sflag:$0x3], $0x80, $0x38;
	[tilespmem:$0x16C00] =	vst v63  }
0x1d4: {  	s31 =	sadd.s32 $0x10A0, s28;
	s30 =	simm.s32 $0xF1D0  }
0x1d5: {  	[hbm4b:s31+s3] =	stream.linear.scatter [tilespmem:s30], [sflag:$0x3], $0x80, $0x38;
	[tilespmem:$0x16C00] =	vst v63  }
0x1d6: {  	s31 =	sadd.s32 $0x10B0, s28;
	s30 =	simm.s32 $0xF258  }
0x1d7: {  	[hbm4b:s31+s3] =	stream.linear.scatter [tilespmem:s30], [sflag:$0x3], $0x80, $0x38;
	[tilespmem:$0x16C00] =	vst v63  }
0x1d8: {  	s31 =	sadd.s32 $0x10C0, s28;
	s30 =	simm.s32 $0xF2E0  }
0x1d9: {  	[hbm4b:s31+s3] =	stream.linear.scatter [tilespmem:s30], [sflag:$0x3], $0x80, $0x38;
	[tilespmem:$0x16C00] =	vst v63  }
0x1da: {  	s31 =	sadd.s32 $0x10D0, s28;
	s30 =	simm.s32 $0xF368  }
0x1db: {  	[hbm4b:s31+s3] =	stream.linear.scatter [tilespmem:s30], [sflag:$0x3], $0x80, $0x38;
	[tilespmem:$0x16C00] =	vst v63  }
0x1dc: {  	s31 =	sadd.s32 $0x10E0, s28;
	s30 =	simm.s32 $0xF3F0  }
0x1dd: {  	[hbm4b:s31+s3] =	stream.linear.scatter [tilespmem:s30], [sflag:$0x3], $0x80, $0x38;
	[tilespmem:$0x16C00] =	vst v63  }
0x1de: {  	s31 =	sadd.s32 $0x10F0, s28;
	s30 =	simm.s32 $0xF478  }
0x1df: {  	[hbm4b:s31+s3] =	stream.linear.scatter [tilespmem:s30], [sflag:$0x3], $0x80, $0x38;
	[tilespmem:$0x16C00] =	vst v63  }
0x1e0: {  	s31 =	sadd.s32 $0x2000, s28;
	s30 =	simm.s32 $0xF500  }
0x1e1: {  	[hbm4b:s31+s3] =	stream.linear.scatter [tilespmem:s30], [sflag:$0x3], $0x80, $0x38;
	[tilespmem:$0x16C00] =	vst v63  }
0x1e2: {  	s31 =	sadd.s32 $0x2010, s28;
	s30 =	simm.s32 $0xF588  }
0x1e3: {  	[hbm4b:s31+s3] =	stream.linear.scatter [tilespmem:s30], [sflag:$0x3], $0x80, $0x38;
	[tilespmem:$0x16C00] =	vst v63  }
0x1e4: {  	s31 =	sadd.s32 $0x2020, s28;
	s30 =	simm.s32 $0xF610  }
0x1e5: {  	[hbm4b:s31+s3] =	stream.linear.scatter [tilespmem:s30], [sflag:$0x3], $0x80, $0x38;
	[tilespmem:$0x16C00] =	vst v63  }
0x1e6: {  	s31 =	sadd.s32 $0x2030, s28;
	s30 =	simm.s32 $0xF698  }
0x1e7: {  	[hbm4b:s31+s3] =	stream.linear.scatter [tilespmem:s30], [sflag:$0x3], $0x80, $0x38;
	[tilespmem:$0x16C00] =	vst v63  }
0x1e8: {  	s31 =	sadd.s32 $0x2040, s28;
	s30 =	simm.s32 $0xF720  }
0x1e9: {  	[hbm4b:s31+s3] =	stream.linear.scatter [tilespmem:s30], [sflag:$0x3], $0x80, $0x38;
	[tilespmem:$0x16C00] =	vst v63  }
0x1ea: {  	s31 =	sadd.s32 $0x2050, s28;
	s30 =	simm.s32 $0xF7A8  }
0x1eb: {  	[hbm4b:s31+s3] =	stream.linear.scatter [tilespmem:s30], [sflag:$0x3], $0x80, $0x38;
	[tilespmem:$0x16C00] =	vst v63  }
0x1ec: {  	s31 =	sadd.s32 $0x2060, s28;
	s30 =	simm.s32 $0xF830  }
0x1ed: {  	[hbm4b:s31+s3] =	stream.linear.scatter [tilespmem:s30], [sflag:$0x3], $0x80, $0x38;
	[tilespmem:$0x16C00] =	vst v63  }
0x1ee: {  	s31 =	sadd.s32 $0x2070, s28;
	s30 =	simm.s32 $0xF8B8  }
0x1ef: {  	[hbm4b:s31+s3] =	stream.linear.scatter [tilespmem:s30], [sflag:$0x3], $0x80, $0x38;
	[tilespmem:$0x16C00] =	vst v63  }
0x1f0: {  	s31 =	sadd.s32 $0x2080, s28;
	s30 =	simm.s32 $0xF940  }
0x1f1: {  	[hbm4b:s31+s3] =	stream.linear.scatter [tilespmem:s30], [sflag:$0x3], $0x80, $0x38;
	[tilespmem:$0x16C00] =	vst v63  }
0x1f2: {  	s31 =	sadd.s32 $0x2090, s28;
	s30 =	simm.s32 $0xF9C8  }
0x1f3: {  	[hbm4b:s31+s3] =	stream.linear.scatter [tilespmem:s30], [sflag:$0x3], $0x80, $0x38;
	[tilespmem:$0x16C00] =	vst v63  }
0x1f4: {  	s31 =	sadd.s32 $0x20A0, s28;
	s30 =	simm.s32 $0xFA50  }
0x1f5: {  	[hbm4b:s31+s3] =	stream.linear.scatter [tilespmem:s30], [sflag:$0x3], $0x80, $0x38;
	[tilespmem:$0x16C00] =	vst v63  }
0x1f6: {  	s31 =	sadd.s32 $0x20B0, s28;
	s30 =	simm.s32 $0xFAD8  }
0x1f7: {  	[hbm4b:s31+s3] =	stream.linear.scatter [tilespmem:s30], [sflag:$0x3], $0x80, $0x38;
	[tilespmem:$0x16C00] =	vst v63  }
0x1f8: {  	s31 =	sadd.s32 $0x20C0, s28;
	s30 =	simm.s32 $0xFB60  }
0x1f9: {  	[hbm4b:s31+s3] =	stream.linear.scatter [tilespmem:s30], [sflag:$0x3], $0x80, $0x38;
	[tilespmem:$0x16C00] =	vst v63  }
0x1fa: {  	s31 =	sadd.s32 $0x20D0, s28;
	s30 =	simm.s32 $0xFBE8  }
0x1fb: {  	[hbm4b:s31+s3] =	stream.linear.scatter [tilespmem:s30], [sflag:$0x3], $0x80, $0x38;
	[tilespmem:$0x16C00] =	vst v63  }
0x1fc: {  	s31 =	sadd.s32 $0x20E0, s28;
	s30 =	simm.s32 $0xFC70  }
0x1fd: {  	[hbm4b:s31+s3] =	stream.linear.scatter [tilespmem:s30], [sflag:$0x3], $0x80, $0x38;
	[tilespmem:$0x16C00] =	vst v63  }
0x1fe: {  	s31 =	sadd.s32 $0x20F0, s28;
	s30 =	simm.s32 $0xFCF8  }
0x1ff: {  	[hbm4b:s31+s3] =	stream.linear.scatter [tilespmem:s30], [sflag:$0x3], $0x80, $0x38;
	[tilespmem:$0x16C00] =	vst v63  }
0x200: {  	s31 =	sadd.s32 $0x3000, s28;
	s30 =	simm.s32 $0xFD80  }
0x201: {  	[hbm4b:s31+s3] =	stream.linear.scatter [tilespmem:s30], [sflag:$0x3], $0x80, $0x38;
	[tilespmem:$0x16C00] =	vst v63  }
0x202: {  	s31 =	sadd.s32 $0x3010, s28;
	s30 =	simm.s32 $0xFE08  }
0x203: {  	[hbm4b:s31+s3] =	stream.linear.scatter [tilespmem:s30], [sflag:$0x3], $0x80, $0x38;
	[tilespmem:$0x16C00] =	vst v63  }
0x204: {  	s31 =	sadd.s32 $0x3020, s28;
	s30 =	simm.s32 $0xFE90  }
0x205: {  	[hbm4b:s31+s3] =	stream.linear.scatter [tilespmem:s30], [sflag:$0x3], $0x80, $0x38;
	[tilespmem:$0x16C00] =	vst v63  }
0x206: {  	s31 =	sadd.s32 $0x3030, s28;
	s30 =	simm.s32 $0xFF18  }
0x207: {  	[hbm4b:s31+s3] =	stream.linear.scatter [tilespmem:s30], [sflag:$0x3], $0x80, $0x38;
	[tilespmem:$0x16C00] =	vst v63  }
0x208: {  	s31 =	sadd.s32 $0x3040, s28;
	s30 =	simm.s32 $0xFFA0  }
0x209: {  	[hbm4b:s31+s3] =	stream.linear.scatter [tilespmem:s30], [sflag:$0x3], $0x80, $0x38;
	[tilespmem:$0x16C00] =	vst v63  }
0x20a: {  	s31 =	sadd.s32 $0x3050, s28;
	s30 =	simm.s32 $0x10028  }
0x20b: {  	[hbm4b:s31+s3] =	stream.linear.scatter [tilespmem:s30], [sflag:$0x3], $0x80, $0x38;
	[tilespmem:$0x16C00] =	vst v63  }
0x20c: {  	s31 =	sadd.s32 $0x3060, s28;
	s30 =	simm.s32 $0x100B0  }
0x20d: {  	[hbm4b:s31+s3] =	stream.linear.scatter [tilespmem:s30], [sflag:$0x3], $0x80, $0x38;
	[tilespmem:$0x16C00] =	vst v63  }
0x20e: {  	s31 =	sadd.s32 $0x3070, s28;
	s30 =	simm.s32 $0x10138  }
0x20f: {  	[hbm4b:s31+s3] =	stream.linear.scatter [tilespmem:s30], [sflag:$0x3], $0x80, $0x38;
	[tilespmem:$0x16C00] =	vst v63  }
0x210: {  	s31 =	sadd.s32 $0x3080, s28;
	s30 =	simm.s32 $0x101C0  }
0x211: {  	[hbm4b:s31+s3] =	stream.linear.scatter [tilespmem:s30], [sflag:$0x3], $0x80, $0x38;
	[tilespmem:$0x16C00] =	vst v63  }
0x212: {  	s31 =	sadd.s32 $0x3090, s28;
	s30 =	simm.s32 $0x10248  }
0x213: {  	[hbm4b:s31+s3] =	stream.linear.scatter [tilespmem:s30], [sflag:$0x3], $0x80, $0x38;
	[tilespmem:$0x16C00] =	vst v63  }
0x214: {  	s31 =	sadd.s32 $0x30A0, s28;
	s30 =	simm.s32 $0x102D0  }
0x215: {  	[hbm4b:s31+s3] =	stream.linear.scatter [tilespmem:s30], [sflag:$0x3], $0x80, $0x38;
	[tilespmem:$0x16C00] =	vst v63  }
0x216: {  	s31 =	sadd.s32 $0x30B0, s28;
	s30 =	simm.s32 $0x10358  }
0x217: {  	[hbm4b:s31+s3] =	stream.linear.scatter [tilespmem:s30], [sflag:$0x3], $0x80, $0x38;
	[tilespmem:$0x16C00] =	vst v63  }
0x218: {  	s31 =	sadd.s32 $0x30C0, s28;
	s30 =	simm.s32 $0x103E0  }
0x219: {  	[hbm4b:s31+s3] =	stream.linear.scatter [tilespmem:s30], [sflag:$0x3], $0x80, $0x38;
	[tilespmem:$0x16C00] =	vst v63  }
0x21a: {  	s31 =	sadd.s32 $0x30D0, s28;
	s30 =	simm.s32 $0x10468  }
0x21b: {  	[hbm4b:s31+s3] =	stream.linear.scatter [tilespmem:s30], [sflag:$0x3], $0x80, $0x38;
	[tilespmem:$0x16C00] =	vst v63  }
0x21c: {  	s31 =	sadd.s32 $0x30E0, s28;
	s30 =	simm.s32 $0x104F0  }
0x21d: {  	[hbm4b:s31+s3] =	stream.linear.scatter [tilespmem:s30], [sflag:$0x3], $0x80, $0x38;
	[tilespmem:$0x16C00] =	vst v63  }
0x21e: {  	s31 =	sadd.s32 $0x30F0, s28;
	s30 =	simm.s32 $0x10578  }
0x21f: {  	[hbm4b:s31+s3] =	stream.linear.scatter [tilespmem:s30], [sflag:$0x3], $0x80, $0x38;
	[tilespmem:$0x16C00] =	vst v63  }
0x220: {  	s31 =	sadd.s32 $0x4000, s28;
	s30 =	simm.s32 $0x10600  }
0x221: {  	[hbm4b:s31+s3] =	stream.linear.scatter [tilespmem:s30], [sflag:$0x3], $0x80, $0x38;
	[tilespmem:$0x16C00] =	vst v63  }
0x222: {  	s31 =	sadd.s32 $0x4010, s28;
	s30 =	simm.s32 $0x10688  }
0x223: {  	[hbm4b:s31+s3] =	stream.linear.scatter [tilespmem:s30], [sflag:$0x3], $0x80, $0x38;
	[tilespmem:$0x16C00] =	vst v63  }
0x224: {  	s31 =	sadd.s32 $0x4020, s28;
	s30 =	simm.s32 $0x10710  }
0x225: {  	[hbm4b:s31+s3] =	stream.linear.scatter [tilespmem:s30], [sflag:$0x3], $0x80, $0x38;
	[tilespmem:$0x16C00] =	vst v63  }
0x226: {  	s31 =	sadd.s32 $0x4030, s28;
	s30 =	simm.s32 $0x10798  }
0x227: {  	[hbm4b:s31+s3] =	stream.linear.scatter [tilespmem:s30], [sflag:$0x3], $0x80, $0x38;
	[tilespmem:$0x16C00] =	vst v63  }
0x228: {  	s31 =	sadd.s32 $0x4040, s28;
	s30 =	simm.s32 $0x10820  }
0x229: {  	[hbm4b:s31+s3] =	stream.linear.scatter [tilespmem:s30], [sflag:$0x3], $0x80, $0x38;
	[tilespmem:$0x16C00] =	vst v63  }
0x22a: {  	s31 =	sadd.s32 $0x4050, s28;
	s30 =	simm.s32 $0x108A8  }
0x22b: {  	[hbm4b:s31+s3] =	stream.linear.scatter [tilespmem:s30], [sflag:$0x3], $0x80, $0x38;
	[tilespmem:$0x16C00] =	vst v63  }
0x22c: {  	s31 =	sadd.s32 $0x4060, s28;
	s30 =	simm.s32 $0x10930  }
0x22d: {  	[hbm4b:s31+s3] =	stream.linear.scatter [tilespmem:s30], [sflag:$0x3], $0x80, $0x38;
	[tilespmem:$0x16C00] =	vst v63  }
0x22e: {  	s31 =	sadd.s32 $0x4070, s28;
	s30 =	simm.s32 $0x109B8  }
0x22f: {  	[hbm4b:s31+s3] =	stream.linear.scatter [tilespmem:s30], [sflag:$0x3], $0x80, $0x38;
	[tilespmem:$0x16C00] =	vst v63  }
0x230: {  	s31 =	sadd.s32 $0x4080, s28;
	s30 =	simm.s32 $0x10A40  }
0x231: {  	[hbm4b:s31+s3] =	stream.linear.scatter [tilespmem:s30], [sflag:$0x3], $0x80, $0x38;
	[tilespmem:$0x16C00] =	vst v63  }
0x232: {  	s31 =	sadd.s32 $0x4090, s28;
	s30 =	simm.s32 $0x10AC8  }
0x233: {  	[hbm4b:s31+s3] =	stream.linear.scatter [tilespmem:s30], [sflag:$0x3], $0x80, $0x38;
	[tilespmem:$0x16C00] =	vst v63  }
0x234: {  	s31 =	sadd.s32 $0x40A0, s28;
	s30 =	simm.s32 $0x10B50  }
0x235: {  	[hbm4b:s31+s3] =	stream.linear.scatter [tilespmem:s30], [sflag:$0x3], $0x80, $0x38;
	[tilespmem:$0x16C00] =	vst v63  }
0x236: {  	s31 =	sadd.s32 $0x40B0, s28;
	s30 =	simm.s32 $0x10BD8  }
0x237: {  	[hbm4b:s31+s3] =	stream.linear.scatter [tilespmem:s30], [sflag:$0x3], $0x80, $0x38;
	[tilespmem:$0x16C00] =	vst v63  }
0x238: {  	s31 =	sadd.s32 $0x40C0, s28;
	s30 =	simm.s32 $0x10C60  }
0x239: {  	[hbm4b:s31+s3] =	stream.linear.scatter [tilespmem:s30], [sflag:$0x3], $0x80, $0x38;
	[tilespmem:$0x16C00] =	vst v63  }
0x23a: {  	s31 =	sadd.s32 $0x40D0, s28;
	s30 =	simm.s32 $0x10CE8  }
0x23b: {  	[hbm4b:s31+s3] =	stream.linear.scatter [tilespmem:s30], [sflag:$0x3], $0x80, $0x38;
	[tilespmem:$0x16C00] =	vst v63  }
0x23c: {  	s31 =	sadd.s32 $0x40E0, s28;
	s30 =	simm.s32 $0x10D70  }
0x23d: {  	[hbm4b:s31+s3] =	stream.linear.scatter [tilespmem:s30], [sflag:$0x3], $0x80, $0x38;
	[tilespmem:$0x16C00] =	vst v63  }
0x23e: {  	s31 =	sadd.s32 $0x40F0, s28;
	s30 =	simm.s32 $0x10DF8  }
0x23f: {  	[hbm4b:s31+s3] =	stream.linear.scatter [tilespmem:s30], [sflag:$0x3], $0x80, $0x38;
	[tilespmem:$0x16C00] =	vst v63  }
0x240: {  	s31 =	sadd.s32 $0x5000, s28;
	s30 =	simm.s32 $0x10E80  }
0x241: {  	[hbm4b:s31+s3] =	stream.linear.scatter [tilespmem:s30], [sflag:$0x3], $0x80, $0x38;
	[tilespmem:$0x16C00] =	vst v63  }
0x242: {  	s31 =	sadd.s32 $0x5010, s28;
	s30 =	simm.s32 $0x10F08  }
0x243: {  	[hbm4b:s31+s3] =	stream.linear.scatter [tilespmem:s30], [sflag:$0x3], $0x80, $0x38;
	[tilespmem:$0x16C00] =	vst v63  }
0x244: {  	s31 =	sadd.s32 $0x5020, s28;
	s30 =	simm.s32 $0x10F90  }
0x245: {  	[hbm4b:s31+s3] =	stream.linear.scatter [tilespmem:s30], [sflag:$0x3], $0x80, $0x38;
	[tilespmem:$0x16C00] =	vst v63  }
0x246: {  	s31 =	sadd.s32 $0x5030, s28;
	s30 =	simm.s32 $0x11018  }
0x247: {  	[hbm4b:s31+s3] =	stream.linear.scatter [tilespmem:s30], [sflag:$0x3], $0x80, $0x38;
	[tilespmem:$0x16C00] =	vst v63  }
0x248: {  	s31 =	sadd.s32 $0x5040, s28;
	s30 =	simm.s32 $0x110A0  }
0x249: {  	[hbm4b:s31+s3] =	stream.linear.scatter [tilespmem:s30], [sflag:$0x3], $0x80, $0x38;
	[tilespmem:$0x16C00] =	vst v63  }
0x24a: {  	s31 =	sadd.s32 $0x5050, s28;
	s30 =	simm.s32 $0x11128  }
0x24b: {  	[hbm4b:s31+s3] =	stream.linear.scatter [tilespmem:s30], [sflag:$0x3], $0x80, $0x38;
	[tilespmem:$0x16C00] =	vst v63  }
0x24c: {  	s31 =	sadd.s32 $0x5060, s28;
	s30 =	simm.s32 $0x111B0  }
0x24d: {  	[hbm4b:s31+s3] =	stream.linear.scatter [tilespmem:s30], [sflag:$0x3], $0x80, $0x38;
	[tilespmem:$0x16C00] =	vst v63  }
0x24e: {  	s31 =	sadd.s32 $0x5070, s28;
	s30 =	simm.s32 $0x11238  }
0x24f: {  	[hbm4b:s31+s3] =	stream.linear.scatter [tilespmem:s30], [sflag:$0x3], $0x80, $0x38;
	[tilespmem:$0x16C00] =	vst v63  }
0x250: {  	s31 =	sadd.s32 $0x5080, s28;
	s30 =	simm.s32 $0x112C0  }
0x251: {  	[hbm4b:s31+s3] =	stream.linear.scatter [tilespmem:s30], [sflag:$0x3], $0x80, $0x38;
	[tilespmem:$0x16C00] =	vst v63  }
0x252: {  	s31 =	sadd.s32 $0x5090, s28;
	s30 =	simm.s32 $0x11348  }
0x253: {  	[hbm4b:s31+s3] =	stream.linear.scatter [tilespmem:s30], [sflag:$0x3], $0x80, $0x38;
	[tilespmem:$0x16C00] =	vst v63  }
0x254: {  	s31 =	sadd.s32 $0x50A0, s28;
	s30 =	simm.s32 $0x113D0  }
0x255: {  	[hbm4b:s31+s3] =	stream.linear.scatter [tilespmem:s30], [sflag:$0x3], $0x80, $0x38;
	[tilespmem:$0x16C00] =	vst v63  }
0x256: {  	s31 =	sadd.s32 $0x50B0, s28;
	s30 =	simm.s32 $0x11458  }
0x257: {  	[hbm4b:s31+s3] =	stream.linear.scatter [tilespmem:s30], [sflag:$0x3], $0x80, $0x38;
	[tilespmem:$0x16C00] =	vst v63  }
0x258: {  	s31 =	sadd.s32 $0x50C0, s28;
	s30 =	simm.s32 $0x114E0  }
0x259: {  	[hbm4b:s31+s3] =	stream.linear.scatter [tilespmem:s30], [sflag:$0x3], $0x80, $0x38;
	[tilespmem:$0x16C00] =	vst v63  }
0x25a: {  	s31 =	sadd.s32 $0x50D0, s28;
	s30 =	simm.s32 $0x11568  }
0x25b: {  	[hbm4b:s31+s3] =	stream.linear.scatter [tilespmem:s30], [sflag:$0x3], $0x80, $0x38;
	[tilespmem:$0x16C00] =	vst v63  }
0x25c: {  	s31 =	sadd.s32 $0x50E0, s28;
	s30 =	simm.s32 $0x115F0  }
0x25d: {  	[hbm4b:s31+s3] =	stream.linear.scatter [tilespmem:s30], [sflag:$0x3], $0x80, $0x38;
	[tilespmem:$0x16C00] =	vst v63  }
0x25e: {  	s31 =	sadd.s32 $0x50F0, s28;
	s30 =	simm.s32 $0x11678  }
0x25f: {  	[hbm4b:s31+s3] =	stream.linear.scatter [tilespmem:s30], [sflag:$0x3], $0x80, $0x38;
	[tilespmem:$0x16C00] =	vst v63  }
0x260: {  	s31 =	sadd.s32 $0x6000, s28;
	s30 =	simm.s32 $0x11700  }
0x261: {  	[hbm4b:s31+s3] =	stream.linear.scatter [tilespmem:s30], [sflag:$0x3], $0x80, $0x38;
	[tilespmem:$0x16C00] =	vst v63  }
0x262: {  	s31 =	sadd.s32 $0x6010, s28;
	s30 =	simm.s32 $0x11788  }
0x263: {  	[hbm4b:s31+s3] =	stream.linear.scatter [tilespmem:s30], [sflag:$0x3], $0x80, $0x38;
	[tilespmem:$0x16C00] =	vst v63  }
0x264: {  	s31 =	sadd.s32 $0x6020, s28;
	s30 =	simm.s32 $0x11810  }
0x265: {  	[hbm4b:s31+s3] =	stream.linear.scatter [tilespmem:s30], [sflag:$0x3], $0x80, $0x38;
	[tilespmem:$0x16C00] =	vst v63  }
0x266: {  	s31 =	sadd.s32 $0x6030, s28;
	s30 =	simm.s32 $0x11898  }
0x267: {  	[hbm4b:s31+s3] =	stream.linear.scatter [tilespmem:s30], [sflag:$0x3], $0x80, $0x38;
	[tilespmem:$0x16C00] =	vst v63  }
0x268: {  	s31 =	sadd.s32 $0x6040, s28;
	s30 =	simm.s32 $0x11920  }
0x269: {  	[hbm4b:s31+s3] =	stream.linear.scatter [tilespmem:s30], [sflag:$0x3], $0x80, $0x38;
	[tilespmem:$0x16C00] =	vst v63  }
0x26a: {  	s31 =	sadd.s32 $0x6050, s28;
	s30 =	simm.s32 $0x119A8  }
0x26b: {  	[hbm4b:s31+s3] =	stream.linear.scatter [tilespmem:s30], [sflag:$0x3], $0x80, $0x38;
	[tilespmem:$0x16C00] =	vst v63  }
0x26c: {  	s31 =	sadd.s32 $0x6060, s28;
	s30 =	simm.s32 $0x11A30  }
0x26d: {  	[hbm4b:s31+s3] =	stream.linear.scatter [tilespmem:s30], [sflag:$0x3], $0x80, $0x38;
	[tilespmem:$0x16C00] =	vst v63  }
0x26e: {  	s31 =	sadd.s32 $0x6070, s28;
	s30 =	simm.s32 $0x11AB8  }
0x26f: {  	[hbm4b:s31+s3] =	stream.linear.scatter [tilespmem:s30], [sflag:$0x3], $0x80, $0x38;
	[tilespmem:$0x16C00] =	vst v63  }
0x270: {  	s31 =	sadd.s32 $0x6080, s28;
	s30 =	simm.s32 $0x11B40  }
0x271: {  	[hbm4b:s31+s3] =	stream.linear.scatter [tilespmem:s30], [sflag:$0x3], $0x80, $0x38;
	[tilespmem:$0x16C00] =	vst v63  }
0x272: {  	s31 =	sadd.s32 $0x6090, s28;
	s30 =	simm.s32 $0x11BC8  }
0x273: {  	[hbm4b:s31+s3] =	stream.linear.scatter [tilespmem:s30], [sflag:$0x3], $0x80, $0x38;
	[tilespmem:$0x16C00] =	vst v63  }
0x274: {  	s31 =	sadd.s32 $0x60A0, s28;
	s30 =	simm.s32 $0x11C50  }
0x275: {  	[hbm4b:s31+s3] =	stream.linear.scatter [tilespmem:s30], [sflag:$0x3], $0x80, $0x38;
	[tilespmem:$0x16C00] =	vst v63  }
0x276: {  	s31 =	sadd.s32 $0x60B0, s28;
	s30 =	simm.s32 $0x11CD8  }
0x277: {  	[hbm4b:s31+s3] =	stream.linear.scatter [tilespmem:s30], [sflag:$0x3], $0x80, $0x38;
	[tilespmem:$0x16C00] =	vst v63  }
0x278: {  	s31 =	sadd.s32 $0x60C0, s28;
	s30 =	simm.s32 $0x11D60  }
0x279: {  	[hbm4b:s31+s3] =	stream.linear.scatter [tilespmem:s30], [sflag:$0x3], $0x80, $0x38;
	[tilespmem:$0x16C00] =	vst v63  }
0x27a: {  	s23 =	sor.u32 s24, s23;
	s31 =	sadd.s32 $0x60D0, s28;
	s30 =	simm.s32 $0x11DE8  }
0x27b: {  	[hbm4b:s31+s3] =	stream.linear.scatter [tilespmem:s30], [sflag:$0x3], $0x80, $0x38;
	[tilespmem:$0x16C00] =	vst v63  }
0x27c: {  	s23 =	sshrl.u32 s23, $0x3;
	s31 =	sadd.s32 $0x60E0, s28;
	s30 =	simm.s32 $0x11E70  }
0x27d: {  	[hbm4b:s31+s3] =	stream.linear.scatter [tilespmem:s30], [sflag:$0x3], $0x80, $0x38;
	[tilespmem:$0x16C00] =	vst v63  }
0x27e: {  	s23 =	sor.u32 $0x7000, s23;
	s28 =	sadd.s32 $0x60F0, s28;
	s31 =	simm.s32 $0x11EF8  }
0x27f: {  	[hbm4b:s28+s3] =	stream.linear.scatter [tilespmem:s31], [sflag:$0x3], $0x80, $0x38;
	[tilespmem:$0x16C00] =	vst v63  }
0x280: {  	s23 =	sadd.s32 s2, s23;
	s31 =	simm.s32 $0x11F80  }
0x281: {  	[hbm4b:s23+s3] =	stream.linear.scatter [tilespmem:s31], [sflag:$0x3], $0x80, $0x38;
	[tilespmem:$0x16C00] =	vst v63  }
0x282: {  	s29 =	sadd.s32 $0x10, s23;
	s28 =	simm.s32 $0x12008  }
0x283: {  	[hbm4b:s29+s3] =	stream.linear.scatter [tilespmem:s28], [sflag:$0x3], $0x80, $0x38;
	[tilespmem:$0x16C00] =	vst v63  }
0x284: {  	s31 =	sadd.s32 $0x20, s23;
	s28 =	simm.s32 $0x12090  }
0x285: {  	[hbm4b:s31+s3] =	stream.linear.scatter [tilespmem:s28], [sflag:$0x3], $0x80, $0x38;
	[tilespmem:$0x16C00] =	vst v63  }
0x286: {  	s29 =	sadd.s32 $0x30, s23;
	s28 =	simm.s32 $0x12118  }
0x287: {  	[hbm4b:s29+s3] =	stream.linear.scatter [tilespmem:s28], [sflag:$0x3], $0x80, $0x38;
	[tilespmem:$0x16C00] =	vst v63  }
0x288: {  	s31 =	sadd.s32 $0x40, s23;
	s28 =	simm.s32 $0x121A0  }
0x289: {  	[hbm4b:s31+s3] =	stream.linear.scatter [tilespmem:s28], [sflag:$0x3], $0x80, $0x38;
	[tilespmem:$0x16C00] =	vst v63  }
0x28a: {  	s29 =	sadd.s32 $0x50, s23;
	s28 =	simm.s32 $0x12228  }
0x28b: {  	[hbm4b:s29+s3] =	stream.linear.scatter [tilespmem:s28], [sflag:$0x3], $0x80, $0x38;
	[tilespmem:$0x16C00] =	vst v63  }
0x28c: {  	s31 =	sadd.s32 $0x60, s23;
	s28 =	simm.s32 $0x122B0  }
0x28d: {  	[hbm4b:s31+s3] =	stream.linear.scatter [tilespmem:s28], [sflag:$0x3], $0x80, $0x38;
	[tilespmem:$0x16C00] =	vst v63  }
0x28e: {  	s29 =	sadd.s32 $0x70, s23;
	s28 =	simm.s32 $0x12338  }
0x28f: {  	[hbm4b:s29+s3] =	stream.linear.scatter [tilespmem:s28], [sflag:$0x3], $0x80, $0x38;
	[tilespmem:$0x16C00] =	vst v63  }
0x290: {  	s31 =	sadd.s32 $0x80, s23;
	s28 =	simm.s32 $0x123C0  }
0x291: {  	[hbm4b:s31+s3] =	stream.linear.scatter [tilespmem:s28], [sflag:$0x3], $0x80, $0x38;
	[tilespmem:$0x16C00] =	vst v63  }
0x292: {  	s29 =	sadd.s32 $0x90, s23;
	s28 =	simm.s32 $0x12448  }
0x293: {  	[hbm4b:s29+s3] =	stream.linear.scatter [tilespmem:s28], [sflag:$0x3], $0x80, $0x38;
	[tilespmem:$0x16C00] =	vst v63  }
0x294: {  	s31 =	sadd.s32 $0xA0, s23;
	s28 =	simm.s32 $0x124D0  }
0x295: {  	[hbm4b:s31+s3] =	stream.linear.scatter [tilespmem:s28], [sflag:$0x3], $0x80, $0x38;
	[tilespmem:$0x16C00] =	vst v63  }
0x296: {  	s29 =	sadd.s32 $0xB0, s23;
	s28 =	simm.s32 $0x12558  }
0x297: {  	[hbm4b:s29+s3] =	stream.linear.scatter [tilespmem:s28], [sflag:$0x3], $0x80, $0x38;
	[tilespmem:$0x16C00] =	vst v63  }
0x298: {  	s31 =	sadd.s32 $0xC0, s23;
	s28 =	simm.s32 $0x125E0  }
0x299: {  	[hbm4b:s31+s3] =	stream.linear.scatter [tilespmem:s28], [sflag:$0x3], $0x80, $0x38;
	[tilespmem:$0x16C00] =	vst v63  }
0x29a: {  	s29 =	sadd.s32 $0xD0, s23;
	s28 =	simm.s32 $0x12668  }
0x29b: {  	[hbm4b:s29+s3] =	stream.linear.scatter [tilespmem:s28], [sflag:$0x3], $0x80, $0x38;
	[tilespmem:$0x16C00] =	vst v63  }
0x29c: {  	s31 =	sadd.s32 $0xE0, s23;
	s28 =	simm.s32 $0x126F0  }
0x29d: {  	[hbm4b:s31+s3] =	stream.linear.scatter [tilespmem:s28], [sflag:$0x3], $0x80, $0x38;
	[tilespmem:$0x16C00] =	vst v63  }
0x29e: {  	p1 =	seq.s32 s20, $0x31;
	s23 =	sadd.s32 $0xF0, s23;
	s29 =	simm.s32 $0x12778  }
0x29f: {  	[hbm4b:s23+s3] =	stream.linear.scatter [tilespmem:s29], [sflag:$0x3], $0x80, $0x38;
	[tilespmem:$0x16C00] =	vst v63  }
0x2a0: {  	s23 =	sshrl.u32 @!p1 s21, $0x2  }
0x2a1: {  	s28 =	simm.s32 @!p1 $0x80;
	s29 =	simm.s32 @!p1 $0x6400;
	s24 =	sadd.s32 @!p1 $0x200, s23  }
0x2a2: {  	[tilespmem:s29], [sflag:$0x1] =	stream.indirect.gather @!p1 [hbm4b:s4+s28], $0x40, s24, s28, $0xb8;
	[tilespmem:$0x16C00] =	vst v63  }
0x2a3: {  	s23 =	sadd.s32 @!p1 $0x280, s23;
	s24 =	simm.s32 @!p1 $0x8400  }
0x2a4: {  	[tilespmem:s24], [sflag:$0x1] =	stream.indirect.gather @!p1 [hbm4b:s4+s28], $0x40, s23, s28, $0xb8;
	[tilespmem:$0x16C00] =	vst v63  }
0x2a5: {  	_ =	swait.ge [sflag:s25], $0x2000  }
0x2a6: {  	[sflag:s25] =	ssyncset.done $0x0  }
0x2a7: {  	[sflag:s25] =	ssyncadd.s32 $0xFFFFE000  }
0x2a8: {  	_ =	swait.ge [sflag:s25], $0x2000  }
0x2a9: {  	[sflag:s25] =	ssyncset.done $0x0  }
0x2aa: {  	s29 =	simm.s32 @!p0 $0x4;
	[sflag:s25] =	ssyncadd.s32 $0xFFFFE000  }
0x2ab: {  	_ =	swait.ge @!p0 [sflag:s29], $0x800  }
0x2ac: {  	[sflag:s29] =	ssyncset.done @!p0 $0x0  }
0x2ad: {  	[sflag:s29] =	ssyncadd.s32 @!p0 $0xFFFFF800  }
0x2ae: {  	_ =	swait.ge @!p0 [sflag:s29], $0x800  }
0x2af: {  	[sflag:s29] =	ssyncset.done @!p0 $0x0  }
0x2b0: {  	[sflag:s29] =	ssyncadd.s32 @!p0 $0xFFFFF800  }
0x2b1: {  	_ =	swait.ge @!p0 [sflag:s29], $0x800  }
0x2b2: {  	[sflag:s29] =	ssyncset.done @!p0 $0x0  }
0x2b3: {  	[sflag:s29] =	ssyncadd.s32 @!p0 $0xFFFFF800  }
0x2b4: {  	_ =	swait.ge @!p0 [sflag:s29], $0x800  }
0x2b5: {  	[sflag:s29] =	ssyncset.done @!p0 $0x0  }
0x2b6: {  	[sflag:s29] =	ssyncadd.s32 @!p0 $0xFFFFF800  }
0x2b7: {  	_ =	swait.ge @!p0 [sflag:s29], $0x800  }
0x2b8: {  	[sflag:s29] =	ssyncset.done @!p0 $0x0  }
0x2b9: {  	[sflag:s29] =	ssyncadd.s32 @!p0 $0xFFFFF800  }
0x2ba: {  	_ =	swait.ge @!p0 [sflag:s29], $0x800  }
0x2bb: {  	[sflag:s29] =	ssyncset.done @!p0 $0x0  }
0x2bc: {  	s23 =	simm.s32 $0x0;
	s28 =	simm.s32 $0x0;
	[sflag:s29] =	ssyncadd.s32 @!p0 $0xFFFFF800  }
0x2bd: {  	s24 =	sand.u32 $0x78, s23;
	v5 =	vmov s28;
	_ =	swait.ge @!p0 [sflag:s29], $0x800  }
0x2be: {  	v6 =	vmov s24;
	v5 =	vmul.u32 $0x88, v5;
	[sflag:s29] =	ssyncset.done @!p0 $0x0  }
0x2bf: {  	s28 =	simm.s32 $0x0;
	v6 =	vshrl.u32 v6, $0x3;
	[sflag:s29] =	ssyncadd.s32 @!p0 $0xFFFFF800  }
0x2c0: {  	s30 =	sor.u32 s24, s28;
	v5 =	vbroadcast v5, $0x0;
	v6 =	vshll.u32 v6, v1;
	_ =	swait.ge @!p0 [sflag:s29], $0x800  }
0x2c1: {  	s30 =	sshll.u32 s30, $0x6;
	v9 =	vbroadcast v6, $0x0;
	[sflag:s29] =	ssyncset.done @!p0 $0x0  }
0x2c2: {  	s31 =	sand.u32 $0x3FFFFE00, s30;
	v6 =	vadd.s32 v0, v5;
	[sflag:s29] =	ssyncadd.s32 @!p0 $0xFFFFF800  }
0x2c3: {  	v8 =	vadd.s32 v9, v6;
	v7 =	vld [tilespmem:s31+$0xA400];
	_ =	sdelay $0x4  }
0x2c4: {  	[tilespmem:v8+s26+$0x0] =	vst.idx.msk $0xffff, v7;
	v7 =	vadd.s32 v2, v5  }
0x2c5: {  	v8 =	vld [tilespmem:s31+$0xA410];
	v10 =	vadd.s32 v9, v7;
	_ =	sdelay $0x4  }
0x2c6: {  	[tilespmem:v10+s26+$0x0] =	vst.idx.msk $0xffff, v8;
	v8 =	vadd.s32 v3, v5  }
0x2c7: {  	v10 =	vld [tilespmem:s31+$0xA420];
	v11 =	vadd.s32 v9, v8;
	_ =	sdelay $0x4  }
0x2c8: {  	s30 =	sor.u32 $0x1, s24;
	v5 =	vadd.s32 v4, v5;
	[tilespmem:v11+s26+$0x0] =	vst.idx.msk $0xffff, v10  }
0x2c9: {  	v9 =	vadd.s32 v9, v5;
	v11 =	vmov s30;
	v10 =	vld [tilespmem:s31+$0xA430]  }
0x2ca: {  	v11 =	vshrl.u32 v11, $0x3  }
0x2cb: {  	v11 =	vshll.u32 v11, v1  }
0x2cc: {  	s31 =	sor.u32 s28, s30;
	v11 =	vbroadcast v11, $0x0  }
0x2cd: {  	s29 =	sshll.u32 s31, $0x6  }
0x2ce: {  	s29 =	sand.u32 $0x3FFFFE40, s29;
	[tilespmem:v9+s26+$0x0] =	vst.idx.msk $0xffff, v10;
	v9 =	vadd.s32 v6, v11  }
0x2cf: {  	v10 =	vld [tilespmem:s29+$0xA400];
	v9 =	vor.u32 $0x1, v9;
	_ =	sdelay $0x4  }
0x2d0: {  	[tilespmem:v9+s26+$0x0] =	vst.idx.msk $0xffff, v10;
	v9 =	vadd.s32 v7, v11  }
0x2d1: {  	v10 =	vld [tilespmem:s29+$0xA410];
	v9 =	vor.u32 $0x1, v9;
	_ =	sdelay $0x4  }
0x2d2: {  	[tilespmem:v9+s26+$0x0] =	vst.idx.msk $0xffff, v10;
	v9 =	vadd.s32 v8, v11  }
0x2d3: {  	v10 =	vld [tilespmem:s29+$0xA420];
	v9 =	vor.u32 $0x1, v9;
	_ =	sdelay $0x4  }
0x2d4: {  	s30 =	sor.u32 $0x2, s24;
	[tilespmem:v9+s26+$0x0] =	vst.idx.msk $0xffff, v10;
	v9 =	vadd.s32 v5, v11  }
0x2d5: {  	v11 =	vmov s30;
	v10 =	vld [tilespmem:s29+$0xA430];
	v9 =	vor.u32 $0x1, v9  }
0x2d6: {  	v11 =	vshrl.u32 v11, $0x3  }
0x2d7: {  	v11 =	vshll.u32 v11, v1  }
0x2d8: {  	s31 =	sor.u32 s28, s30;
	v11 =	vbroadcast v11, $0x0  }
0x2d9: {  	s29 =	sshll.u32 s31, $0x6  }
0x2da: {  	s29 =	sand.u32 $0x3FFFFE80, s29;
	[tilespmem:v9+s26+$0x0] =	vst.idx.msk $0xffff, v10;
	v9 =	vadd.s32 v6, v11  }
0x2db: {  	v10 =	vld [tilespmem:s29+$0xA400];
	v9 =	vor.u32 $0x2, v9;
	_ =	sdelay $0x4  }
0x2dc: {  	[tilespmem:v9+s26+$0x0] =	vst.idx.msk $0xffff, v10;
	v9 =	vadd.s32 v7, v11  }
0x2dd: {  	v10 =	vld [tilespmem:s29+$0xA410];
	v9 =	vor.u32 $0x2, v9;
	_ =	sdelay $0x4  }
0x2de: {  	[tilespmem:v9+s26+$0x0] =	vst.idx.msk $0xffff, v10;
	v9 =	vadd.s32 v8, v11  }
0x2df: {  	v10 =	vld [tilespmem:s29+$0xA420];
	v9 =	vor.u32 $0x2, v9;
	_ =	sdelay $0x4  }
0x2e0: {  	s30 =	sor.u32 $0x3, s24;
	[tilespmem:v9+s26+$0x0] =	vst.idx.msk $0xffff, v10;
	v9 =	vadd.s32 v5, v11  }
0x2e1: {  	v11 =	vmov s30;
	v10 =	vld [tilespmem:s29+$0xA430];
	v9 =	vor.u32 $0x2, v9  }
0x2e2: {  	v11 =	vshrl.u32 v11, $0x3  }
0x2e3: {  	v11 =	vshll.u32 v11, v1  }
0x2e4: {  	s31 =	sor.u32 s28, s30;
	v11 =	vbroadcast v11, $0x0  }
0x2e5: {  	s29 =	sshll.u32 s31, $0x6  }
0x2e6: {  	s29 =	sand.u32 $0x3FFFFEC0, s29;
	[tilespmem:v9+s26+$0x0] =	vst.idx.msk $0xffff, v10;
	v9 =	vadd.s32 v6, v11  }
0x2e7: {  	v10 =	vld [tilespmem:s29+$0xA400];
	v9 =	vor.u32 $0x3, v9;
	_ =	sdelay $0x4  }
0x2e8: {  	[tilespmem:v9+s26+$0x0] =	vst.idx.msk $0xffff, v10;
	v9 =	vadd.s32 v7, v11  }
0x2e9: {  	v10 =	vld [tilespmem:s29+$0xA410];
	v9 =	vor.u32 $0x3, v9;
	_ =	sdelay $0x4  }
0x2ea: {  	[tilespmem:v9+s26+$0x0] =	vst.idx.msk $0xffff, v10;
	v9 =	vadd.s32 v8, v11  }
0x2eb: {  	v10 =	vld [tilespmem:s29+$0xA420];
	v9 =	vor.u32 $0x3, v9;
	_ =	sdelay $0x4  }
0x2ec: {  	s30 =	sor.u32 $0x4, s24;
	[tilespmem:v9+s26+$0x0] =	vst.idx.msk $0xffff, v10;
	v9 =	vadd.s32 v5, v11  }
0x2ed: {  	v11 =	vmov s30;
	v10 =	vld [tilespmem:s29+$0xA430];
	v9 =	vor.u32 $0x3, v9  }
0x2ee: {  	v11 =	vshrl.u32 v11, $0x3  }
0x2ef: {  	v11 =	vshll.u32 v11, v1  }
0x2f0: {  	s31 =	sor.u32 s28, s30;
	v11 =	vbroadcast v11, $0x0  }
0x2f1: {  	s29 =	sshll.u32 s31, $0x6  }
0x2f2: {  	s29 =	sand.u32 $0x3FFFFF00, s29;
	[tilespmem:v9+s26+$0x0] =	vst.idx.msk $0xffff, v10;
	v9 =	vadd.s32 v6, v11  }
0x2f3: {  	v10 =	vld [tilespmem:s29+$0xA400];
	v9 =	vor.u32 $0x4, v9;
	_ =	sdelay $0x4  }
0x2f4: {  	[tilespmem:v9+s26+$0x0] =	vst.idx.msk $0xffff, v10;
	v9 =	vadd.s32 v7, v11  }
0x2f5: {  	v10 =	vld [tilespmem:s29+$0xA410];
	v9 =	vor.u32 $0x4, v9;
	_ =	sdelay $0x4  }
0x2f6: {  	[tilespmem:v9+s26+$0x0] =	vst.idx.msk $0xffff, v10;
	v9 =	vadd.s32 v8, v11  }
0x2f7: {  	v10 =	vld [tilespmem:s29+$0xA420];
	v9 =	vor.u32 $0x4, v9;
	_ =	sdelay $0x4  }
0x2f8: {  	s30 =	sor.u32 $0x5, s24;
	[tilespmem:v9+s26+$0x0] =	vst.idx.msk $0xffff, v10;
	v9 =	vadd.s32 v5, v11  }
0x2f9: {  	v11 =	vmov s30;
	v10 =	vld [tilespmem:s29+$0xA430];
	v9 =	vor.u32 $0x4, v9  }
0x2fa: {  	v11 =	vshrl.u32 v11, $0x3  }
0x2fb: {  	v11 =	vshll.u32 v11, v1  }
0x2fc: {  	s31 =	sor.u32 s28, s30;
	v11 =	vbroadcast v11, $0x0  }
0x2fd: {  	s29 =	sshll.u32 s31, $0x6  }
0x2fe: {  	s29 =	sand.u32 $0x3FFFFF40, s29;
	[tilespmem:v9+s26+$0x0] =	vst.idx.msk $0xffff, v10;
	v9 =	vadd.s32 v6, v11  }
0x2ff: {  	v10 =	vld [tilespmem:s29+$0xA400];
	v9 =	vor.u32 $0x5, v9;
	_ =	sdelay $0x4  }
0x300: {  	[tilespmem:v9+s26+$0x0] =	vst.idx.msk $0xffff, v10;
	v9 =	vadd.s32 v7, v11  }
0x301: {  	v10 =	vld [tilespmem:s29+$0xA410];
	v9 =	vor.u32 $0x5, v9;
	_ =	sdelay $0x4  }
0x302: {  	[tilespmem:v9+s26+$0x0] =	vst.idx.msk $0xffff, v10;
	v9 =	vadd.s32 v8, v11  }
0x303: {  	v10 =	vld [tilespmem:s29+$0xA420];
	v9 =	vor.u32 $0x5, v9;
	_ =	sdelay $0x4  }
0x304: {  	s30 =	sor.u32 $0x6, s24;
	[tilespmem:v9+s26+$0x0] =	vst.idx.msk $0xffff, v10;
	v9 =	vadd.s32 v5, v11  }
0x305: {  	v11 =	vmov s30;
	v10 =	vld [tilespmem:s29+$0xA430];
	v9 =	vor.u32 $0x5, v9  }
0x306: {  	v11 =	vshrl.u32 v11, $0x3  }
0x307: {  	v11 =	vshll.u32 v11, v1  }
0x308: {  	s31 =	sor.u32 s28, s30;
	v11 =	vbroadcast v11, $0x0  }
0x309: {  	s29 =	sshll.u32 s31, $0x6  }
0x30a: {  	s29 =	sand.u32 $0x3FFFFF80, s29;
	[tilespmem:v9+s26+$0x0] =	vst.idx.msk $0xffff, v10;
	v9 =	vadd.s32 v6, v11  }
0x30b: {  	v10 =	vld [tilespmem:s29+$0xA400];
	v9 =	vor.u32 $0x6, v9;
	_ =	sdelay $0x4  }
0x30c: {  	[tilespmem:v9+s26+$0x0] =	vst.idx.msk $0xffff, v10;
	v9 =	vadd.s32 v7, v11  }
0x30d: {  	v10 =	vld [tilespmem:s29+$0xA410];
	v9 =	vor.u32 $0x6, v9;
	_ =	sdelay $0x4  }
0x30e: {  	[tilespmem:v9+s26+$0x0] =	vst.idx.msk $0xffff, v10;
	v9 =	vadd.s32 v8, v11  }
0x30f: {  	v10 =	vld [tilespmem:s29+$0xA420];
	v9 =	vor.u32 $0x6, v9;
	_ =	sdelay $0x4  }
0x310: {  	s24 =	sor.u32 $0x7, s24;
	[tilespmem:v9+s26+$0x0] =	vst.idx.msk $0xffff, v10;
	v9 =	vadd.s32 v5, v11  }
0x311: {  	v10 =	vld [tilespmem:s29+$0xA430];
	v11 =	vor.u32 $0x6, v9;
	v9 =	vmov s24  }
0x312: {  	v9 =	vshrl.u32 v9, $0x3  }
0x313: {  	v9 =	vshll.u32 v9, v1  }
0x314: {  	s24 =	sor.u32 s28, s24;
	v9 =	vbroadcast v9, $0x0  }
0x315: {  	s24 =	sshll.u32 s24, $0x6  }
0x316: {  	s28 =	sand.u32 $0x3FFFFFC0, s24;
	[tilespmem:v11+s26+$0x0] =	vst.idx.msk $0xffff, v10;
	v6 =	vadd.s32 v6, v9  }
0x317: {  	v10 =	vld [tilespmem:s28+$0xA400];
	v6 =	vor.u32 $0x7, v6;
	_ =	sdelay $0x4  }
0x318: {  	[tilespmem:v6+s26+$0x0] =	vst.idx.msk $0xffff, v10;
	v6 =	vadd.s32 v7, v9  }
0x319: {  	v7 =	vld [tilespmem:s28+$0xA410];
	v6 =	vor.u32 $0x7, v6;
	_ =	sdelay $0x4  }
0x31a: {  	[tilespmem:v6+s26+$0x0] =	vst.idx.msk $0xffff, v7;
	v7 =	vadd.s32 v8, v9  }
0x31b: {  	v6 =	vld [tilespmem:s28+$0xA420];
	v7 =	vor.u32 $0x7, v7;
	_ =	sdelay $0x3  }
0x31c: {  	s30 =	simm.s32 $0x0;
	s24 =	simm.s32 $0x2  }
.LBB2_5:
0x31d: {  	p0 =	sne.s32 s24, $0x1F;
	s31 =	sshll.u32 s30, $0x3;
	[tilespmem:v7+s26+$0x0] =	vst.idx.msk $0xffff, v6;
	v5 =	vadd.s32 v5, v9;
	s23 =	sadd.s32 $0x8, s23  }
0x31e: {  	s29 =	sand.u32 $0x78, s23;
	v6 =	vmov s31;
	v7 =	vld [tilespmem:s28+$0xA430];
	v5 =	vor.u32 $0x7, v5  }
0x31f: {  	v8 =	vmov s29;
	v6 =	vmul.u32 $0x88, v6  }
0x320: {  	s28 =	sshll.u32 s30, $0x7;
	v8 =	vshrl.u32 v8, $0x3  }
0x321: {  	s30 =	sor.u32 s29, s28;
	v9 =	vbroadcast v6, $0x0;
	v6 =	vshll.u32 v8, v1  }
0x322: {  	s30 =	sshll.u32 s30, $0x6;
	v10 =	vbroadcast v6, $0x0  }
0x323: {  	s30 =	sand.u32 $0x3FFFFE00, s30;
	v6 =	vadd.s32 v0, v9;
	[tilespmem:v5+s26+$0x0] =	vst.idx.msk $0xffff, v7  }
0x324: {  	v5 =	vld [tilespmem:s30+$0xA400];
	v7 =	vadd.s32 v10, v6;
	_ =	sdelay $0x4  }
0x325: {  	[tilespmem:v7+s26+$0x0] =	vst.idx.msk $0xffff, v5;
	v7 =	vadd.s32 v2, v9  }
0x326: {  	v5 =	vld [tilespmem:s30+$0xA410];
	v8 =	vadd.s32 v10, v7;
	_ =	sdelay $0x4  }
0x327: {  	[tilespmem:v8+s26+$0x0] =	vst.idx.msk $0xffff, v5;
	v8 =	vadd.s32 v3, v9  }
0x328: {  	v5 =	vld [tilespmem:s30+$0xA420];
	v11 =	vadd.s32 v10, v8;
	_ =	sdelay $0x4  }
0x329: {  	s31 =	sor.u32 $0x1, s29;
	[tilespmem:v11+s26+$0x0] =	vst.idx.msk $0xffff, v5;
	v5 =	vadd.s32 v4, v9  }
0x32a: {  	v11 =	vmov s31;
	v9 =	vld [tilespmem:s30+$0xA430];
	v10 =	vadd.s32 v10, v5  }
0x32b: {  	v11 =	vshrl.u32 v11, $0x3  }
0x32c: {  	v11 =	vshll.u32 v11, v1  }
0x32d: {  	s30 =	sor.u32 s28, s31;
	v11 =	vbroadcast v11, $0x0  }
0x32e: {  	s30 =	sshll.u32 s30, $0x6  }
0x32f: {  	s30 =	sand.u32 $0x3FFFFE40, s30;
	[tilespmem:v10+s26+$0x0] =	vst.idx.msk $0xffff, v9;
	v9 =	vadd.s32 v6, v11  }
0x330: {  	v10 =	vld [tilespmem:s30+$0xA400];
	v9 =	vor.u32 $0x1, v9;
	_ =	sdelay $0x4  }
0x331: {  	[tilespmem:v9+s26+$0x0] =	vst.idx.msk $0xffff, v10;
	v9 =	vadd.s32 v7, v11  }
0x332: {  	v10 =	vld [tilespmem:s30+$0xA410];
	v9 =	vor.u32 $0x1, v9;
	_ =	sdelay $0x4  }
0x333: {  	[tilespmem:v9+s26+$0x0] =	vst.idx.msk $0xffff, v10;
	v9 =	vadd.s32 v8, v11  }
0x334: {  	v10 =	vld [tilespmem:s30+$0xA420];
	v9 =	vor.u32 $0x1, v9;
	_ =	sdelay $0x4  }
0x335: {  	s31 =	sor.u32 $0x2, s29;
	[tilespmem:v9+s26+$0x0] =	vst.idx.msk $0xffff, v10;
	v9 =	vadd.s32 v5, v11  }
0x336: {  	v11 =	vmov s31;
	v10 =	vld [tilespmem:s30+$0xA430];
	v9 =	vor.u32 $0x1, v9  }
0x337: {  	v11 =	vshrl.u32 v11, $0x3  }
0x338: {  	v11 =	vshll.u32 v11, v1  }
0x339: {  	s30 =	sor.u32 s28, s31;
	v11 =	vbroadcast v11, $0x0  }
0x33a: {  	s30 =	sshll.u32 s30, $0x6  }
0x33b: {  	s30 =	sand.u32 $0x3FFFFE80, s30;
	[tilespmem:v9+s26+$0x0] =	vst.idx.msk $0xffff, v10;
	v9 =	vadd.s32 v6, v11  }
0x33c: {  	v10 =	vld [tilespmem:s30+$0xA400];
	v9 =	vor.u32 $0x2, v9;
	_ =	sdelay $0x4  }
0x33d: {  	[tilespmem:v9+s26+$0x0] =	vst.idx.msk $0xffff, v10;
	v9 =	vadd.s32 v7, v11  }
0x33e: {  	v10 =	vld [tilespmem:s30+$0xA410];
	v9 =	vor.u32 $0x2, v9;
	_ =	sdelay $0x4  }
0x33f: {  	[tilespmem:v9+s26+$0x0] =	vst.idx.msk $0xffff, v10;
	v9 =	vadd.s32 v8, v11  }
0x340: {  	v10 =	vld [tilespmem:s30+$0xA420];
	v9 =	vor.u32 $0x2, v9;
	_ =	sdelay $0x4  }
0x341: {  	s31 =	sor.u32 $0x3, s29;
	[tilespmem:v9+s26+$0x0] =	vst.idx.msk $0xffff, v10;
	v9 =	vadd.s32 v5, v11  }
0x342: {  	v11 =	vmov s31;
	v10 =	vld [tilespmem:s30+$0xA430];
	v9 =	vor.u32 $0x2, v9  }
0x343: {  	v11 =	vshrl.u32 v11, $0x3  }
0x344: {  	v11 =	vshll.u32 v11, v1  }
0x345: {  	s30 =	sor.u32 s28, s31;
	v11 =	vbroadcast v11, $0x0  }
0x346: {  	s30 =	sshll.u32 s30, $0x6  }
0x347: {  	s30 =	sand.u32 $0x3FFFFEC0, s30;
	[tilespmem:v9+s26+$0x0] =	vst.idx.msk $0xffff, v10;
	v9 =	vadd.s32 v6, v11  }
0x348: {  	v10 =	vld [tilespmem:s30+$0xA400];
	v9 =	vor.u32 $0x3, v9;
	_ =	sdelay $0x4  }
0x349: {  	[tilespmem:v9+s26+$0x0] =	vst.idx.msk $0xffff, v10;
	v9 =	vadd.s32 v7, v11  }
0x34a: {  	v10 =	vld [tilespmem:s30+$0xA410];
	v9 =	vor.u32 $0x3, v9;
	_ =	sdelay $0x4  }
0x34b: {  	[tilespmem:v9+s26+$0x0] =	vst.idx.msk $0xffff, v10;
	v9 =	vadd.s32 v8, v11  }
0x34c: {  	v10 =	vld [tilespmem:s30+$0xA420];
	v9 =	vor.u32 $0x3, v9;
	_ =	sdelay $0x4  }
0x34d: {  	s31 =	sor.u32 $0x4, s29;
	[tilespmem:v9+s26+$0x0] =	vst.idx.msk $0xffff, v10;
	v9 =	vadd.s32 v5, v11  }
0x34e: {  	v11 =	vmov s31;
	v10 =	vld [tilespmem:s30+$0xA430];
	v9 =	vor.u32 $0x3, v9  }
0x34f: {  	v11 =	vshrl.u32 v11, $0x3  }
0x350: {  	v11 =	vshll.u32 v11, v1  }
0x351: {  	s30 =	sor.u32 s28, s31;
	v11 =	vbroadcast v11, $0x0  }
0x352: {  	s30 =	sshll.u32 s30, $0x6  }
0x353: {  	s30 =	sand.u32 $0x3FFFFF00, s30;
	[tilespmem:v9+s26+$0x0] =	vst.idx.msk $0xffff, v10;
	v9 =	vadd.s32 v6, v11  }
0x354: {  	v10 =	vld [tilespmem:s30+$0xA400];
	v9 =	vor.u32 $0x4, v9;
	_ =	sdelay $0x4  }
0x355: {  	[tilespmem:v9+s26+$0x0] =	vst.idx.msk $0xffff, v10;
	v9 =	vadd.s32 v7, v11  }
0x356: {  	v10 =	vld [tilespmem:s30+$0xA410];
	v9 =	vor.u32 $0x4, v9;
	_ =	sdelay $0x4  }
0x357: {  	[tilespmem:v9+s26+$0x0] =	vst.idx.msk $0xffff, v10;
	v9 =	vadd.s32 v8, v11  }
0x358: {  	v10 =	vld [tilespmem:s30+$0xA420];
	v9 =	vor.u32 $0x4, v9;
	_ =	sdelay $0x4  }
0x359: {  	s31 =	sor.u32 $0x5, s29;
	[tilespmem:v9+s26+$0x0] =	vst.idx.msk $0xffff, v10;
	v9 =	vadd.s32 v5, v11  }
0x35a: {  	v11 =	vmov s31;
	v10 =	vld [tilespmem:s30+$0xA430];
	v9 =	vor.u32 $0x4, v9  }
0x35b: {  	v11 =	vshrl.u32 v11, $0x3  }
0x35c: {  	v11 =	vshll.u32 v11, v1  }
0x35d: {  	s30 =	sor.u32 s28, s31;
	v11 =	vbroadcast v11, $0x0  }
0x35e: {  	s30 =	sshll.u32 s30, $0x6  }
0x35f: {  	s30 =	sand.u32 $0x3FFFFF40, s30;
	[tilespmem:v9+s26+$0x0] =	vst.idx.msk $0xffff, v10;
	v9 =	vadd.s32 v6, v11  }
0x360: {  	v10 =	vld [tilespmem:s30+$0xA400];
	v9 =	vor.u32 $0x5, v9;
	_ =	sdelay $0x4  }
0x361: {  	[tilespmem:v9+s26+$0x0] =	vst.idx.msk $0xffff, v10;
	v9 =	vadd.s32 v7, v11  }
0x362: {  	v10 =	vld [tilespmem:s30+$0xA410];
	v9 =	vor.u32 $0x5, v9;
	_ =	sdelay $0x4  }
0x363: {  	[tilespmem:v9+s26+$0x0] =	vst.idx.msk $0xffff, v10;
	v9 =	vadd.s32 v8, v11  }
0x364: {  	v10 =	vld [tilespmem:s30+$0xA420];
	v9 =	vor.u32 $0x5, v9;
	_ =	sdelay $0x4  }
0x365: {  	s31 =	sor.u32 $0x6, s29;
	[tilespmem:v9+s26+$0x0] =	vst.idx.msk $0xffff, v10;
	v9 =	vadd.s32 v5, v11  }
0x366: {  	v11 =	vmov s31;
	v10 =	vld [tilespmem:s30+$0xA430];
	v9 =	vor.u32 $0x5, v9  }
0x367: {  	v11 =	vshrl.u32 v11, $0x3  }
0x368: {  	v11 =	vshll.u32 v11, v1  }
0x369: {  	s30 =	sor.u32 s28, s31;
	v11 =	vbroadcast v11, $0x0  }
0x36a: {  	s30 =	sshll.u32 s30, $0x6  }
0x36b: {  	s30 =	sand.u32 $0x3FFFFF80, s30;
	[tilespmem:v9+s26+$0x0] =	vst.idx.msk $0xffff, v10;
	v9 =	vadd.s32 v6, v11  }
0x36c: {  	v10 =	vld [tilespmem:s30+$0xA400];
	v9 =	vor.u32 $0x6, v9;
	_ =	sdelay $0x4  }
0x36d: {  	[tilespmem:v9+s26+$0x0] =	vst.idx.msk $0xffff, v10;
	v9 =	vadd.s32 v7, v11  }
0x36e: {  	v10 =	vld [tilespmem:s30+$0xA410];
	v9 =	vor.u32 $0x6, v9;
	_ =	sdelay $0x4  }
0x36f: {  	[tilespmem:v9+s26+$0x0] =	vst.idx.msk $0xffff, v10;
	v9 =	vadd.s32 v8, v11  }
0x370: {  	v10 =	vld [tilespmem:s30+$0xA420];
	v9 =	vor.u32 $0x6, v9;
	_ =	sdelay $0x4  }
0x371: {  	s29 =	sor.u32 $0x7, s29;
	[tilespmem:v9+s26+$0x0] =	vst.idx.msk $0xffff, v10;
	v9 =	vadd.s32 v5, v11  }
0x372: {  	v10 =	vld [tilespmem:s30+$0xA430];
	v11 =	vor.u32 $0x6, v9;
	v9 =	vmov s29  }
0x373: {  	v9 =	vshrl.u32 v9, $0x3  }
0x374: {  	v9 =	vshll.u32 v9, v1  }
0x375: {  	s28 =	sor.u32 s28, s29;
	v9 =	vbroadcast v9, $0x0  }
0x376: {  	s28 =	sshll.u32 s28, $0x6  }
0x377: {  	s28 =	sand.u32 $0x3FFFFFC0, s28;
	[tilespmem:v11+s26+$0x0] =	vst.idx.msk $0xffff, v10;
	v6 =	vadd.s32 v6, v9  }
0x378: {  	v10 =	vld [tilespmem:s28+$0xA400];
	v6 =	vor.u32 $0x7, v6;
	_ =	sdelay $0x4  }
0x379: {  	[tilespmem:v6+s26+$0x0] =	vst.idx.msk $0xffff, v10;
	v6 =	vadd.s32 v7, v9  }
0x37a: {  	v7 =	vld [tilespmem:s28+$0xA410];
	v6 =	vor.u32 $0x7, v6;
	_ =	sdelay $0x4  }
0x37b: {  	[tilespmem:v6+s26+$0x0] =	vst.idx.msk $0xffff, v7;
	v7 =	vadd.s32 v8, v9  }
.Ltmp3:
0x37c: {  	v6 =	vld [tilespmem:s28+$0xA420];
	v7 =	vor.u32 $0x7, v7;
	(pc) =	sbr.rel @p0 .LBB2_5-.Ltmp3, $2  }
0x37d: {  	_ =	sdelay $0x2  }
0x37e: {  	s30 =	sshrl.u32 s24, $0x4;
	s24 =	sadd.s32 $0x1, s24  }
0x37f: {  	_ =	sdelay $0x3  }
0x380: {  	s24 =	sshll.u32 s30, $0x3;
	[tilespmem:v7+s26+$0x0] =	vst.idx.msk $0xffff, v6;
	v5 =	vadd.s32 v5, v9;
	s23 =	sadd.s32 $0x8, s23  }
0x381: {  	s23 =	sand.u32 $0x78, s23;
	v6 =	vmov s24;
	v7 =	vld [tilespmem:s28+$0xA430];
	v8 =	vor.u32 $0x7, v5  }
0x382: {  	v5 =	vmov s23;
	v6 =	vmul.u32 $0x88, v6  }
0x383: {  	s24 =	sshll.u32 s30, $0x7;
	v5 =	vshrl.u32 v5, $0x3  }
0x384: {  	s29 =	sor.u32 s23, s24;
	v29 =	vbroadcast v6, $0x0;
	v5 =	vshll.u32 v5, v1  }
0x385: {  	s28 =	sshll.u32 s29, $0x6;
	v10 =	vbroadcast v5, $0x0  }
0x386: {  	s28 =	sand.u32 $0x3FFFFE00, s28;
	v5 =	vadd.s32 v0, v29;
	[tilespmem:v8+s26+$0x0] =	vst.idx.msk $0xffff, v7  }
0x387: {  	v6 =	vld [tilespmem:s28+$0xA400];
	v7 =	vadd.s32 v10, v5;
	_ =	sdelay $0x4  }
0x388: {  	[tilespmem:v7+s26+$0x0] =	vst.idx.msk $0xffff, v6;
	v6 =	vadd.s32 v2, v29  }
0x389: {  	v7 =	vld [tilespmem:s28+$0xA410];
	v30 =	vadd.s32 v10, v6;
	_ =	sdelay $0x4  }
0x38a: {  	[tilespmem:v30+s26+$0x0] =	vst.idx.msk $0xffff, v7;
	v7 =	vadd.s32 v3, v29  }
0x38b: {  	v8 =	vld [tilespmem:s28+$0xA420];
	v11 =	vadd.s32 v10, v7;
	_ =	sdelay $0x4  }
0x38c: {  	s29 =	sor.u32 $0x1, s23;
	v31 =	vadd.s32 v4, v29;
	[tilespmem:v11+s26+$0x0] =	vst.idx.msk $0xffff, v8  }
0x38d: {  	v33 =	vmov s29;
	v10 =	vadd.s32 v10, v31;
	v32 =	vld [tilespmem:s28+$0xA430]  }
0x38e: {  	v11 =	vshrl.u32 v33, $0x3  }
0x38f: {  	v11 =	vshll.u32 v11, v1  }
0x390: {  	s30 =	sor.u32 s24, s29;
	v11 =	vbroadcast v11, $0x0  }
0x391: {  	s28 =	sshll.u32 s30, $0x6  }
0x392: {  	s28 =	sand.u32 $0x3FFFFE40, s28;
	v34 =	vadd.s32 v5, v11;
	[tilespmem:v10+s26+$0x0] =	vst.idx.msk $0xffff, v32  }
0x393: {  	v9 =	vor.u32 $0x1, v34;
	v10 =	vld [tilespmem:s28+$0xA400];
	_ =	sdelay $0x4  }
0x394: {  	v35 =	vadd.s32 v6, v11;
	[tilespmem:v9+s26+$0x0] =	vst.idx.msk $0xffff, v10  }
0x395: {  	v9 =	vor.u32 $0x1, v35;
	v10 =	vld [tilespmem:s28+$0xA410];
	_ =	sdelay $0x4  }
0x396: {  	v36 =	vadd.s32 v7, v11;
	[tilespmem:v9+s26+$0x0] =	vst.idx.msk $0xffff, v10  }
0x397: {  	v9 =	vor.u32 $0x1, v36;
	v10 =	vld [tilespmem:s28+$0xA420];
	_ =	sdelay $0x4  }
0x398: {  	s31 =	sor.u32 $0x2, s23;
	v37 =	vadd.s32 v31, v11;
	[tilespmem:v9+s26+$0x0] =	vst.idx.msk $0xffff, v10  }
0x399: {  	v38 =	vmov s31;
	v9 =	vor.u32 $0x1, v37;
	v10 =	vld [tilespmem:s28+$0xA430]  }
0x39a: {  	v11 =	vshrl.u32 v38, $0x3  }
0x39b: {  	v11 =	vshll.u32 v11, v1  }
0x39c: {  	s30 =	sor.u32 s24, s31;
	v11 =	vbroadcast v11, $0x0  }
0x39d: {  	s28 =	sshll.u32 s30, $0x6  }
0x39e: {  	v39 =	vadd.s32 v5, v11;
	s28 =	sand.u32 $0x3FFFFE80, s28;
	[tilespmem:v9+s26+$0x0] =	vst.idx.msk $0xffff, v10  }
0x39f: {  	v9 =	vor.u32 $0x2, v39;
	v10 =	vld [tilespmem:s28+$0xA400];
	_ =	sdelay $0x4  }
0x3a0: {  	v40 =	vadd.s32 v6, v11;
	[tilespmem:v9+s26+$0x0] =	vst.idx.msk $0xffff, v10  }
0x3a1: {  	v9 =	vor.u32 $0x2, v40;
	v10 =	vld [tilespmem:s28+$0xA410];
	_ =	sdelay $0x4  }
0x3a2: {  	v41 =	vadd.s32 v7, v11;
	[tilespmem:v9+s26+$0x0] =	vst.idx.msk $0xffff, v10  }
0x3a3: {  	v9 =	vor.u32 $0x2, v41;
	v10 =	vld [tilespmem:s28+$0xA420];
	_ =	sdelay $0x4  }
0x3a4: {  	s31 =	sor.u32 $0x3, s23;
	v42 =	vadd.s32 v31, v11;
	[tilespmem:v9+s26+$0x0] =	vst.idx.msk $0xffff, v10  }
0x3a5: {  	v43 =	vmov s31;
	v9 =	vor.u32 $0x2, v42;
	v10 =	vld [tilespmem:s28+$0xA430]  }
0x3a6: {  	v11 =	vshrl.u32 v43, $0x3  }
0x3a7: {  	v11 =	vshll.u32 v11, v1  }
0x3a8: {  	v11 =	vbroadcast v11, $0x0;
	s30 =	sor.u32 s24, s31  }
0x3a9: {  	s28 =	sshll.u32 s30, $0x6  }
0x3aa: {  	v44 =	vadd.s32 v5, v11;
	s28 =	sand.u32 $0x3FFFFEC0, s28;
	[tilespmem:v9+s26+$0x0] =	vst.idx.msk $0xffff, v10  }
0x3ab: {  	v9 =	vor.u32 $0x3, v44;
	v10 =	vld [tilespmem:s28+$0xA400];
	_ =	sdelay $0x4  }
0x3ac: {  	v45 =	vadd.s32 v6, v11;
	[tilespmem:v9+s26+$0x0] =	vst.idx.msk $0xffff, v10  }
0x3ad: {  	v9 =	vor.u32 $0x3, v45;
	v10 =	vld [tilespmem:s28+$0xA410];
	_ =	sdelay $0x4  }
0x3ae: {  	v46 =	vadd.s32 v7, v11;
	[tilespmem:v9+s26+$0x0] =	vst.idx.msk $0xffff, v10  }
0x3af: {  	v9 =	vor.u32 $0x3, v46;
	v10 =	vld [tilespmem:s28+$0xA420];
	_ =	sdelay $0x4  }
0x3b0: {  	v47 =	vadd.s32 v31, v11;
	s31 =	sor.u32 $0x4, s23;
	[tilespmem:v9+s26+$0x0] =	vst.idx.msk $0xffff, v10  }
0x3b1: {  	v48 =	vmov s31;
	v9 =	vor.u32 $0x3, v47;
	v10 =	vld [tilespmem:s28+$0xA430]  }
0x3b2: {  	v11 =	vshrl.u32 v48, $0x3  }
0x3b3: {  	v11 =	vshll.u32 v11, v1  }
0x3b4: {  	v11 =	vbroadcast v11, $0x0;
	s30 =	sor.u32 s24, s31  }
0x3b5: {  	s28 =	sshll.u32 s30, $0x6  }
0x3b6: {  	v49 =	vadd.s32 v5, v11;
	s28 =	sand.u32 $0x3FFFFF00, s28;
	[tilespmem:v9+s26+$0x0] =	vst.idx.msk $0xffff, v10  }
0x3b7: {  	v9 =	vor.u32 $0x4, v49;
	v10 =	vld [tilespmem:s28+$0xA400];
	_ =	sdelay $0x4  }
0x3b8: {  	v50 =	vadd.s32 v6, v11;
	[tilespmem:v9+s26+$0x0] =	vst.idx.msk $0xffff, v10  }
0x3b9: {  	v9 =	vor.u32 $0x4, v50;
	v10 =	vld [tilespmem:s28+$0xA410];
	_ =	sdelay $0x4  }
0x3ba: {  	v51 =	vadd.s32 v7, v11;
	[tilespmem:v9+s26+$0x0] =	vst.idx.msk $0xffff, v10  }
0x3bb: {  	v9 =	vor.u32 $0x4, v51;
	v10 =	vld [tilespmem:s28+$0xA420];
	_ =	sdelay $0x4  }
0x3bc: {  	v52 =	vadd.s32 v31, v11;
	s31 =	sor.u32 $0x5, s23;
	[tilespmem:v9+s26+$0x0] =	vst.idx.msk $0xffff, v10  }
0x3bd: {  	v53 =	vmov s31;
	v9 =	vor.u32 $0x4, v52;
	v10 =	vld [tilespmem:s28+$0xA430]  }
0x3be: {  	v11 =	vshrl.u32 v53, $0x3  }
0x3bf: {  	v11 =	vshll.u32 v11, v1  }
0x3c0: {  	s29 =	sor.u32 s24, s31;
	v11 =	vbroadcast v11, $0x0  }
0x3c1: {  	s28 =	sshll.u32 s29, $0x6  }
0x3c2: {  	v54 =	vadd.s32 v5, v11;
	s28 =	sand.u32 $0x3FFFFF40, s28;
	[tilespmem:v9+s26+$0x0] =	vst.idx.msk $0xffff, v10  }
0x3c3: {  	v9 =	vor.u32 $0x5, v54;
	v10 =	vld [tilespmem:s28+$0xA400];
	_ =	sdelay $0x4  }
0x3c4: {  	v55 =	vadd.s32 v6, v11;
	[tilespmem:v9+s26+$0x0] =	vst.idx.msk $0xffff, v10  }
0x3c5: {  	v9 =	vor.u32 $0x5, v55;
	v10 =	vld [tilespmem:s28+$0xA410];
	_ =	sdelay $0x4  }
0x3c6: {  	v56 =	vadd.s32 v7, v11;
	[tilespmem:v9+s26+$0x0] =	vst.idx.msk $0xffff, v10  }
0x3c7: {  	v9 =	vor.u32 $0x5, v56;
	v10 =	vld [tilespmem:s28+$0xA420];
	_ =	sdelay $0x4  }
0x3c8: {  	v57 =	vadd.s32 v31, v11;
	s30 =	sor.u32 $0x6, s23;
	[tilespmem:v9+s26+$0x0] =	vst.idx.msk $0xffff, v10  }
0x3c9: {  	v58 =	vmov s30;
	v9 =	vor.u32 $0x5, v57;
	v10 =	vld [tilespmem:s28+$0xA430]  }
0x3ca: {  	v11 =	vshrl.u32 v58, $0x3  }
0x3cb: {  	v11 =	vshll.u32 v11, v1  }
0x3cc: {  	s31 =	sor.u32 s24, s30;
	v11 =	vbroadcast v11, $0x0  }
0x3cd: {  	s28 =	sshll.u32 s31, $0x6  }
0x3ce: {  	v59 =	vadd.s32 v5, v11;
	s28 =	sand.u32 $0x3FFFFF80, s28;
	[tilespmem:v9+s26+$0x0] =	vst.idx.msk $0xffff, v10  }
0x3cf: {  	v9 =	vor.u32 $0x6, v59;
	v10 =	vld [tilespmem:s28+$0xA400];
	_ =	sdelay $0x4  }
0x3d0: {  	v60 =	vadd.s32 v6, v11;
	[tilespmem:v9+s26+$0x0] =	vst.idx.msk $0xffff, v10  }
0x3d1: {  	v9 =	vor.u32 $0x6, v60;
	v10 =	vld [tilespmem:s28+$0xA410];
	_ =	sdelay $0x4  }
0x3d2: {  	v61 =	vadd.s32 v7, v11;
	[tilespmem:v9+s26+$0x0] =	vst.idx.msk $0xffff, v10  }
0x3d3: {  	v9 =	vor.u32 $0x6, v61;
	v10 =	vld [tilespmem:s28+$0xA420];
	_ =	sdelay $0x4  }
0x3d4: {  	s23 =	sor.u32 $0x7, s23;
	v62 =	vadd.s32 v31, v11;
	[tilespmem:v9+s26+$0x0] =	vst.idx.msk $0xffff, v10  }
0x3d5: {  	v63 =	vmov s23;
	v9 =	vor.u32 $0x6, v62;
	v10 =	vld [tilespmem:s28+$0xA430]  }
0x3d6: {  	v11 =	vshrl.u32 v63, $0x3  }
0x3d7: {  	v11 =	vshll.u32 v11, v1  }
0x3d8: {  	s23 =	sor.u32 s24, s23;
	v11 =	vbroadcast v11, $0x0  }
0x3d9: {  	s23 =	sshll.u32 s23, $0x6  }
0x3da: {  	s23 =	sand.u32 $0x3FFFFFC0, s23;
	v5 =	vadd.s32 v5, v11;
	[tilespmem:v9+s26+$0x0] =	vst.idx.msk $0xffff, v10  }
0x3db: {  	v5 =	vor.u32 $0x7, v5;
	v9 =	vld [tilespmem:s23+$0xA400];
	_ =	sdelay $0x4  }
0x3dc: {  	[tilespmem:v5+s26+$0x0] =	vst.idx.msk $0xffff, v9;
	v5 =	vadd.s32 v6, v11  }
0x3dd: {  	v6 =	vld [tilespmem:s23+$0xA410];
	v5 =	vor.u32 $0x7, v5;
	_ =	sdelay $0x4  }
0x3de: {  	[tilespmem:v5+s26+$0x0] =	vst.idx.msk $0xffff, v6;
	v5 =	vadd.s32 v7, v11  }
0x3df: {  	v6 =	vld [tilespmem:s23+$0xA420];
	v5 =	vor.u32 $0x7, v5;
	_ =	sdelay $0x4  }
0x3e0: {  	s22 =	sadd.s32 s22, s5;
	[tilespmem:v5+s26+$0x0] =	vst.idx.msk $0xffff, v6;
	v5 =	vadd.s32 v31, v11  }
0x3e1: {  	s22 =	sadd.s32 $0x2, s22;
	v6 =	vld [tilespmem:s23+$0xA430];
	v5 =	vor.u32 $0x7, v5  }
0x3e2: {  	s24 =	sshll.u32 s22, $0xA;
	s22 =	sshll.u32 s22, $0xD  }
0x3e3: {  	s22 =	sand.u32 $0x7FFC0000, s22;
	s23 =	sand.u32 $0x7800, s24  }
0x3e4: {  	s22 =	sor.u32 s23, s22  }
0x3e5: {  	s22 =	sshrl.u32 s22, $0x3  }
0x3e6: {  	s22 =	sadd.s32 s2, s22;
	[tilespmem:v5+s26+$0x0] =	vst.idx.msk $0xffff, v6  }
0x3e7: {  	[hbm4b:s22+s3] =	stream.linear.scatter [tilespmem:s26], [sflag:$0x4], $0x80, $0x38;
	[tilespmem:$0x16C00] =	vst v63  }
0x3e8: {  	s29 =	simm.s32 $0x12888;
	s28 =	sadd.s32 $0x10, s22  }
0x3e9: {  	[hbm4b:s28+s3] =	stream.linear.scatter [tilespmem:s29], [sflag:$0x4], $0x80, $0x38;
	[tilespmem:$0x16C00] =	vst v63  }
0x3ea: {  	s31 =	simm.s32 $0x12910;
	s30 =	sadd.s32 $0x20, s22  }
0x3eb: {  	[hbm4b:s30+s3] =	stream.linear.scatter [tilespmem:s31], [sflag:$0x4], $0x80, $0x38;
	[tilespmem:$0x16C00] =	vst v63  }
0x3ec: {  	s28 =	sadd.s32 $0x30, s22;
	s29 =	simm.s32 $0x12998  }
0x3ed: {  	[hbm4b:s28+s3] =	stream.linear.scatter [tilespmem:s29], [sflag:$0x4], $0x80, $0x38;
	[tilespmem:$0x16C00] =	vst v63  }
0x3ee: {  	s30 =	sadd.s32 $0x40, s22;
	s31 =	simm.s32 $0x12A20  }
0x3ef: {  	[hbm4b:s30+s3] =	stream.linear.scatter [tilespmem:s31], [sflag:$0x4], $0x80, $0x38;
	[tilespmem:$0x16C00] =	vst v63  }
0x3f0: {  	s28 =	sadd.s32 $0x50, s22;
	s29 =	simm.s32 $0x12AA8  }
0x3f1: {  	[hbm4b:s28+s3] =	stream.linear.scatter [tilespmem:s29], [sflag:$0x4], $0x80, $0x38;
	[tilespmem:$0x16C00] =	vst v63  }
0x3f2: {  	s30 =	sadd.s32 $0x60, s22;
	s31 =	simm.s32 $0x12B30  }
0x3f3: {  	[hbm4b:s30+s3] =	stream.linear.scatter [tilespmem:s31], [sflag:$0x4], $0x80, $0x38;
	[tilespmem:$0x16C00] =	vst v63  }
0x3f4: {  	s28 =	sadd.s32 $0x70, s22;
	s29 =	simm.s32 $0x12BB8  }
0x3f5: {  	[hbm4b:s28+s3] =	stream.linear.scatter [tilespmem:s29], [sflag:$0x4], $0x80, $0x38;
	[tilespmem:$0x16C00] =	vst v63  }
0x3f6: {  	s30 =	sadd.s32 $0x80, s22;
	s31 =	simm.s32 $0x12C40  }
0x3f7: {  	[hbm4b:s30+s3] =	stream.linear.scatter [tilespmem:s31], [sflag:$0x4], $0x80, $0x38;
	[tilespmem:$0x16C00] =	vst v63  }
0x3f8: {  	s28 =	sadd.s32 $0x90, s22;
	s29 =	simm.s32 $0x12CC8  }
0x3f9: {  	[hbm4b:s28+s3] =	stream.linear.scatter [tilespmem:s29], [sflag:$0x4], $0x80, $0x38;
	[tilespmem:$0x16C00] =	vst v63  }
0x3fa: {  	s30 =	sadd.s32 $0xA0, s22;
	s31 =	simm.s32 $0x12D50  }
0x3fb: {  	[hbm4b:s30+s3] =	stream.linear.scatter [tilespmem:s31], [sflag:$0x4], $0x80, $0x38;
	[tilespmem:$0x16C00] =	vst v63  }
0x3fc: {  	s28 =	sadd.s32 $0xB0, s22;
	s29 =	simm.s32 $0x12DD8  }
0x3fd: {  	[hbm4b:s28+s3] =	stream.linear.scatter [tilespmem:s29], [sflag:$0x4], $0x80, $0x38;
	[tilespmem:$0x16C00] =	vst v63  }
0x3fe: {  	s30 =	sadd.s32 $0xC0, s22;
	s31 =	simm.s32 $0x12E60  }
0x3ff: {  	[hbm4b:s30+s3] =	stream.linear.scatter [tilespmem:s31], [sflag:$0x4], $0x80, $0x38;
	[tilespmem:$0x16C00] =	vst v63  }
0x400: {  	s28 =	sadd.s32 $0xD0, s22;
	s29 =	simm.s32 $0x12EE8  }
0x401: {  	[hbm4b:s28+s3] =	stream.linear.scatter [tilespmem:s29], [sflag:$0x4], $0x80, $0x38;
	[tilespmem:$0x16C00] =	vst v63  }
0x402: {  	s30 =	sadd.s32 $0xE0, s22;
	s31 =	simm.s32 $0x12F70  }
0x403: {  	[hbm4b:s30+s3] =	stream.linear.scatter [tilespmem:s31], [sflag:$0x4], $0x80, $0x38;
	[tilespmem:$0x16C00] =	vst v63  }
0x404: {  	s28 =	sadd.s32 $0xF0, s22;
	s29 =	simm.s32 $0x12FF8  }
0x405: {  	[hbm4b:s28+s3] =	stream.linear.scatter [tilespmem:s29], [sflag:$0x4], $0x80, $0x38;
	[tilespmem:$0x16C00] =	vst v63  }
0x406: {  	s30 =	sadd.s32 $0x1000, s22;
	s31 =	simm.s32 $0x13080  }
0x407: {  	[hbm4b:s30+s3] =	stream.linear.scatter [tilespmem:s31], [sflag:$0x4], $0x80, $0x38;
	[tilespmem:$0x16C00] =	vst v63  }
0x408: {  	s28 =	sadd.s32 $0x1010, s22;
	s29 =	simm.s32 $0x13108  }
0x409: {  	[hbm4b:s28+s3] =	stream.linear.scatter [tilespmem:s29], [sflag:$0x4], $0x80, $0x38;
	[tilespmem:$0x16C00] =	vst v63  }
0x40a: {  	s30 =	sadd.s32 $0x1020, s22;
	s31 =	simm.s32 $0x13190  }
0x40b: {  	[hbm4b:s30+s3] =	stream.linear.scatter [tilespmem:s31], [sflag:$0x4], $0x80, $0x38;
	[tilespmem:$0x16C00] =	vst v63  }
0x40c: {  	s28 =	sadd.s32 $0x1030, s22;
	s29 =	simm.s32 $0x13218  }
0x40d: {  	[hbm4b:s28+s3] =	stream.linear.scatter [tilespmem:s29], [sflag:$0x4], $0x80, $0x38;
	[tilespmem:$0x16C00] =	vst v63  }
0x40e: {  	s30 =	sadd.s32 $0x1040, s22;
	s31 =	simm.s32 $0x132A0  }
0x40f: {  	[hbm4b:s30+s3] =	stream.linear.scatter [tilespmem:s31], [sflag:$0x4], $0x80, $0x38;
	[tilespmem:$0x16C00] =	vst v63  }
0x410: {  	s28 =	sadd.s32 $0x1050, s22;
	s29 =	simm.s32 $0x13328  }
0x411: {  	[hbm4b:s28+s3] =	stream.linear.scatter [tilespmem:s29], [sflag:$0x4], $0x80, $0x38;
	[tilespmem:$0x16C00] =	vst v63  }
0x412: {  	s30 =	sadd.s32 $0x1060, s22;
	s31 =	simm.s32 $0x133B0  }
0x413: {  	[hbm4b:s30+s3] =	stream.linear.scatter [tilespmem:s31], [sflag:$0x4], $0x80, $0x38;
	[tilespmem:$0x16C00] =	vst v63  }
0x414: {  	s28 =	sadd.s32 $0x1070, s22;
	s29 =	simm.s32 $0x13438  }
0x415: {  	[hbm4b:s28+s3] =	stream.linear.scatter [tilespmem:s29], [sflag:$0x4], $0x80, $0x38;
	[tilespmem:$0x16C00] =	vst v63  }
0x416: {  	s30 =	sadd.s32 $0x1080, s22;
	s31 =	simm.s32 $0x134C0  }
0x417: {  	[hbm4b:s30+s3] =	stream.linear.scatter [tilespmem:s31], [sflag:$0x4], $0x80, $0x38;
	[tilespmem:$0x16C00] =	vst v63  }
0x418: {  	s28 =	sadd.s32 $0x1090, s22;
	s29 =	simm.s32 $0x13548  }
0x419: {  	[hbm4b:s28+s3] =	stream.linear.scatter [tilespmem:s29], [sflag:$0x4], $0x80, $0x38;
	[tilespmem:$0x16C00] =	vst v63  }
0x41a: {  	s30 =	sadd.s32 $0x10A0, s22;
	s31 =	simm.s32 $0x135D0  }
0x41b: {  	[hbm4b:s30+s3] =	stream.linear.scatter [tilespmem:s31], [sflag:$0x4], $0x80, $0x38;
	[tilespmem:$0x16C00] =	vst v63  }
0x41c: {  	s28 =	sadd.s32 $0x10B0, s22;
	s29 =	simm.s32 $0x13658  }
0x41d: {  	[hbm4b:s28+s3] =	stream.linear.scatter [tilespmem:s29], [sflag:$0x4], $0x80, $0x38;
	[tilespmem:$0x16C00] =	vst v63  }
0x41e: {  	s30 =	sadd.s32 $0x10C0, s22;
	s31 =	simm.s32 $0x136E0  }
0x41f: {  	[hbm4b:s30+s3] =	stream.linear.scatter [tilespmem:s31], [sflag:$0x4], $0x80, $0x38;
	[tilespmem:$0x16C00] =	vst v63  }
0x420: {  	s28 =	sadd.s32 $0x10D0, s22;
	s29 =	simm.s32 $0x13768  }
0x421: {  	[hbm4b:s28+s3] =	stream.linear.scatter [tilespmem:s29], [sflag:$0x4], $0x80, $0x38;
	[tilespmem:$0x16C00] =	vst v63  }
0x422: {  	s30 =	sadd.s32 $0x10E0, s22;
	s31 =	simm.s32 $0x137F0  }
0x423: {  	[hbm4b:s30+s3] =	stream.linear.scatter [tilespmem:s31], [sflag:$0x4], $0x80, $0x38;
	[tilespmem:$0x16C00] =	vst v63  }
0x424: {  	s28 =	sadd.s32 $0x10F0, s22;
	s29 =	simm.s32 $0x13878  }
0x425: {  	[hbm4b:s28+s3] =	stream.linear.scatter [tilespmem:s29], [sflag:$0x4], $0x80, $0x38;
	[tilespmem:$0x16C00] =	vst v63  }
0x426: {  	s30 =	sadd.s32 $0x2000, s22;
	s31 =	simm.s32 $0x13900  }
0x427: {  	[hbm4b:s30+s3] =	stream.linear.scatter [tilespmem:s31], [sflag:$0x4], $0x80, $0x38;
	[tilespmem:$0x16C00] =	vst v63  }
0x428: {  	s28 =	sadd.s32 $0x2010, s22;
	s29 =	simm.s32 $0x13988  }
0x429: {  	[hbm4b:s28+s3] =	stream.linear.scatter [tilespmem:s29], [sflag:$0x4], $0x80, $0x38;
	[tilespmem:$0x16C00] =	vst v63  }
0x42a: {  	s30 =	sadd.s32 $0x2020, s22;
	s31 =	simm.s32 $0x13A10  }
0x42b: {  	[hbm4b:s30+s3] =	stream.linear.scatter [tilespmem:s31], [sflag:$0x4], $0x80, $0x38;
	[tilespmem:$0x16C00] =	vst v63  }
0x42c: {  	s28 =	sadd.s32 $0x2030, s22;
	s29 =	simm.s32 $0x13A98  }
0x42d: {  	[hbm4b:s28+s3] =	stream.linear.scatter [tilespmem:s29], [sflag:$0x4], $0x80, $0x38;
	[tilespmem:$0x16C00] =	vst v63  }
0x42e: {  	s30 =	sadd.s32 $0x2040, s22;
	s31 =	simm.s32 $0x13B20  }
0x42f: {  	[hbm4b:s30+s3] =	stream.linear.scatter [tilespmem:s31], [sflag:$0x4], $0x80, $0x38;
	[tilespmem:$0x16C00] =	vst v63  }
0x430: {  	s28 =	sadd.s32 $0x2050, s22;
	s29 =	simm.s32 $0x13BA8  }
0x431: {  	[hbm4b:s28+s3] =	stream.linear.scatter [tilespmem:s29], [sflag:$0x4], $0x80, $0x38;
	[tilespmem:$0x16C00] =	vst v63  }
0x432: {  	s30 =	sadd.s32 $0x2060, s22;
	s31 =	simm.s32 $0x13C30  }
0x433: {  	[hbm4b:s30+s3] =	stream.linear.scatter [tilespmem:s31], [sflag:$0x4], $0x80, $0x38;
	[tilespmem:$0x16C00] =	vst v63  }
0x434: {  	s28 =	sadd.s32 $0x2070, s22;
	s29 =	simm.s32 $0x13CB8  }
0x435: {  	[hbm4b:s28+s3] =	stream.linear.scatter [tilespmem:s29], [sflag:$0x4], $0x80, $0x38;
	[tilespmem:$0x16C00] =	vst v63  }
0x436: {  	s30 =	sadd.s32 $0x2080, s22;
	s31 =	simm.s32 $0x13D40  }
0x437: {  	[hbm4b:s30+s3] =	stream.linear.scatter [tilespmem:s31], [sflag:$0x4], $0x80, $0x38;
	[tilespmem:$0x16C00] =	vst v63  }
0x438: {  	s28 =	sadd.s32 $0x2090, s22;
	s29 =	simm.s32 $0x13DC8  }
0x439: {  	[hbm4b:s28+s3] =	stream.linear.scatter [tilespmem:s29], [sflag:$0x4], $0x80, $0x38;
	[tilespmem:$0x16C00] =	vst v63  }
0x43a: {  	s30 =	sadd.s32 $0x20A0, s22;
	s31 =	simm.s32 $0x13E50  }
0x43b: {  	[hbm4b:s30+s3] =	stream.linear.scatter [tilespmem:s31], [sflag:$0x4], $0x80, $0x38;
	[tilespmem:$0x16C00] =	vst v63  }
0x43c: {  	s28 =	sadd.s32 $0x20B0, s22;
	s29 =	simm.s32 $0x13ED8  }
0x43d: {  	[hbm4b:s28+s3] =	stream.linear.scatter [tilespmem:s29], [sflag:$0x4], $0x80, $0x38;
	[tilespmem:$0x16C00] =	vst v63  }
0x43e: {  	s30 =	sadd.s32 $0x20C0, s22;
	s31 =	simm.s32 $0x13F60  }
0x43f: {  	[hbm4b:s30+s3] =	stream.linear.scatter [tilespmem:s31], [sflag:$0x4], $0x80, $0x38;
	[tilespmem:$0x16C00] =	vst v63  }
0x440: {  	s28 =	sadd.s32 $0x20D0, s22;
	s29 =	simm.s32 $0x13FE8  }
0x441: {  	[hbm4b:s28+s3] =	stream.linear.scatter [tilespmem:s29], [sflag:$0x4], $0x80, $0x38;
	[tilespmem:$0x16C00] =	vst v63  }
0x442: {  	s30 =	sadd.s32 $0x20E0, s22;
	s31 =	simm.s32 $0x14070  }
0x443: {  	[hbm4b:s30+s3] =	stream.linear.scatter [tilespmem:s31], [sflag:$0x4], $0x80, $0x38;
	[tilespmem:$0x16C00] =	vst v63  }
0x444: {  	s28 =	sadd.s32 $0x20F0, s22;
	s29 =	simm.s32 $0x140F8  }
0x445: {  	[hbm4b:s28+s3] =	stream.linear.scatter [tilespmem:s29], [sflag:$0x4], $0x80, $0x38;
	[tilespmem:$0x16C00] =	vst v63  }
0x446: {  	s30 =	sadd.s32 $0x3000, s22;
	s31 =	simm.s32 $0x14180  }
0x447: {  	[hbm4b:s30+s3] =	stream.linear.scatter [tilespmem:s31], [sflag:$0x4], $0x80, $0x38;
	[tilespmem:$0x16C00] =	vst v63  }
0x448: {  	s28 =	sadd.s32 $0x3010, s22;
	s29 =	simm.s32 $0x14208  }
0x449: {  	[hbm4b:s28+s3] =	stream.linear.scatter [tilespmem:s29], [sflag:$0x4], $0x80, $0x38;
	[tilespmem:$0x16C00] =	vst v63  }
0x44a: {  	s30 =	sadd.s32 $0x3020, s22;
	s31 =	simm.s32 $0x14290  }
0x44b: {  	[hbm4b:s30+s3] =	stream.linear.scatter [tilespmem:s31], [sflag:$0x4], $0x80, $0x38;
	[tilespmem:$0x16C00] =	vst v63  }
0x44c: {  	s28 =	sadd.s32 $0x3030, s22;
	s29 =	simm.s32 $0x14318  }
0x44d: {  	[hbm4b:s28+s3] =	stream.linear.scatter [tilespmem:s29], [sflag:$0x4], $0x80, $0x38;
	[tilespmem:$0x16C00] =	vst v63  }
0x44e: {  	s30 =	sadd.s32 $0x3040, s22;
	s31 =	simm.s32 $0x143A0  }
0x44f: {  	[hbm4b:s30+s3] =	stream.linear.scatter [tilespmem:s31], [sflag:$0x4], $0x80, $0x38;
	[tilespmem:$0x16C00] =	vst v63  }
0x450: {  	s28 =	sadd.s32 $0x3050, s22;
	s29 =	simm.s32 $0x14428  }
0x451: {  	[hbm4b:s28+s3] =	stream.linear.scatter [tilespmem:s29], [sflag:$0x4], $0x80, $0x38;
	[tilespmem:$0x16C00] =	vst v63  }
0x452: {  	s30 =	sadd.s32 $0x3060, s22;
	s31 =	simm.s32 $0x144B0  }
0x453: {  	[hbm4b:s30+s3] =	stream.linear.scatter [tilespmem:s31], [sflag:$0x4], $0x80, $0x38;
	[tilespmem:$0x16C00] =	vst v63  }
0x454: {  	s28 =	sadd.s32 $0x3070, s22;
	s29 =	simm.s32 $0x14538  }
0x455: {  	[hbm4b:s28+s3] =	stream.linear.scatter [tilespmem:s29], [sflag:$0x4], $0x80, $0x38;
	[tilespmem:$0x16C00] =	vst v63  }
0x456: {  	s30 =	sadd.s32 $0x3080, s22;
	s31 =	simm.s32 $0x145C0  }
0x457: {  	[hbm4b:s30+s3] =	stream.linear.scatter [tilespmem:s31], [sflag:$0x4], $0x80, $0x38;
	[tilespmem:$0x16C00] =	vst v63  }
0x458: {  	s28 =	sadd.s32 $0x3090, s22;
	s29 =	simm.s32 $0x14648  }
0x459: {  	[hbm4b:s28+s3] =	stream.linear.scatter [tilespmem:s29], [sflag:$0x4], $0x80, $0x38;
	[tilespmem:$0x16C00] =	vst v63  }
0x45a: {  	s30 =	sadd.s32 $0x30A0, s22;
	s31 =	simm.s32 $0x146D0  }
0x45b: {  	[hbm4b:s30+s3] =	stream.linear.scatter [tilespmem:s31], [sflag:$0x4], $0x80, $0x38;
	[tilespmem:$0x16C00] =	vst v63  }
0x45c: {  	s28 =	sadd.s32 $0x30B0, s22;
	s29 =	simm.s32 $0x14758  }
0x45d: {  	[hbm4b:s28+s3] =	stream.linear.scatter [tilespmem:s29], [sflag:$0x4], $0x80, $0x38;
	[tilespmem:$0x16C00] =	vst v63  }
0x45e: {  	s30 =	sadd.s32 $0x30C0, s22;
	s31 =	simm.s32 $0x147E0  }
0x45f: {  	[hbm4b:s30+s3] =	stream.linear.scatter [tilespmem:s31], [sflag:$0x4], $0x80, $0x38;
	[tilespmem:$0x16C00] =	vst v63  }
0x460: {  	s28 =	sadd.s32 $0x30D0, s22;
	s29 =	simm.s32 $0x14868  }
0x461: {  	[hbm4b:s28+s3] =	stream.linear.scatter [tilespmem:s29], [sflag:$0x4], $0x80, $0x38;
	[tilespmem:$0x16C00] =	vst v63  }
0x462: {  	s30 =	sadd.s32 $0x30E0, s22;
	s31 =	simm.s32 $0x148F0  }
0x463: {  	[hbm4b:s30+s3] =	stream.linear.scatter [tilespmem:s31], [sflag:$0x4], $0x80, $0x38;
	[tilespmem:$0x16C00] =	vst v63  }
0x464: {  	s28 =	sadd.s32 $0x30F0, s22;
	s29 =	simm.s32 $0x14978  }
0x465: {  	[hbm4b:s28+s3] =	stream.linear.scatter [tilespmem:s29], [sflag:$0x4], $0x80, $0x38;
	[tilespmem:$0x16C00] =	vst v63  }
0x466: {  	s30 =	sadd.s32 $0x4000, s22;
	s31 =	simm.s32 $0x14A00  }
0x467: {  	[hbm4b:s30+s3] =	stream.linear.scatter [tilespmem:s31], [sflag:$0x4], $0x80, $0x38;
	[tilespmem:$0x16C00] =	vst v63  }
0x468: {  	s28 =	sadd.s32 $0x4010, s22;
	s29 =	simm.s32 $0x14A88  }
0x469: {  	[hbm4b:s28+s3] =	stream.linear.scatter [tilespmem:s29], [sflag:$0x4], $0x80, $0x38;
	[tilespmem:$0x16C00] =	vst v63  }
0x46a: {  	s30 =	sadd.s32 $0x4020, s22;
	s31 =	simm.s32 $0x14B10  }
0x46b: {  	[hbm4b:s30+s3] =	stream.linear.scatter [tilespmem:s31], [sflag:$0x4], $0x80, $0x38;
	[tilespmem:$0x16C00] =	vst v63  }
0x46c: {  	s28 =	sadd.s32 $0x4030, s22;
	s29 =	simm.s32 $0x14B98  }
0x46d: {  	[hbm4b:s28+s3] =	stream.linear.scatter [tilespmem:s29], [sflag:$0x4], $0x80, $0x38;
	[tilespmem:$0x16C00] =	vst v63  }
0x46e: {  	s30 =	sadd.s32 $0x4040, s22;
	s31 =	simm.s32 $0x14C20  }
0x46f: {  	[hbm4b:s30+s3] =	stream.linear.scatter [tilespmem:s31], [sflag:$0x4], $0x80, $0x38;
	[tilespmem:$0x16C00] =	vst v63  }
0x470: {  	s28 =	sadd.s32 $0x4050, s22;
	s29 =	simm.s32 $0x14CA8  }
0x471: {  	[hbm4b:s28+s3] =	stream.linear.scatter [tilespmem:s29], [sflag:$0x4], $0x80, $0x38;
	[tilespmem:$0x16C00] =	vst v63  }
0x472: {  	s30 =	sadd.s32 $0x4060, s22;
	s31 =	simm.s32 $0x14D30  }
0x473: {  	[hbm4b:s30+s3] =	stream.linear.scatter [tilespmem:s31], [sflag:$0x4], $0x80, $0x38;
	[tilespmem:$0x16C00] =	vst v63  }
0x474: {  	s28 =	sadd.s32 $0x4070, s22;
	s29 =	simm.s32 $0x14DB8  }
0x475: {  	[hbm4b:s28+s3] =	stream.linear.scatter [tilespmem:s29], [sflag:$0x4], $0x80, $0x38;
	[tilespmem:$0x16C00] =	vst v63  }
0x476: {  	s30 =	sadd.s32 $0x4080, s22;
	s31 =	simm.s32 $0x14E40  }
0x477: {  	[hbm4b:s30+s3] =	stream.linear.scatter [tilespmem:s31], [sflag:$0x4], $0x80, $0x38;
	[tilespmem:$0x16C00] =	vst v63  }
0x478: {  	s28 =	sadd.s32 $0x4090, s22;
	s29 =	simm.s32 $0x14EC8  }
0x479: {  	[hbm4b:s28+s3] =	stream.linear.scatter [tilespmem:s29], [sflag:$0x4], $0x80, $0x38;
	[tilespmem:$0x16C00] =	vst v63  }
0x47a: {  	s30 =	sadd.s32 $0x40A0, s22;
	s31 =	simm.s32 $0x14F50  }
0x47b: {  	[hbm4b:s30+s3] =	stream.linear.scatter [tilespmem:s31], [sflag:$0x4], $0x80, $0x38;
	[tilespmem:$0x16C00] =	vst v63  }
0x47c: {  	s28 =	sadd.s32 $0x40B0, s22;
	s29 =	simm.s32 $0x14FD8  }
0x47d: {  	[hbm4b:s28+s3] =	stream.linear.scatter [tilespmem:s29], [sflag:$0x4], $0x80, $0x38;
	[tilespmem:$0x16C00] =	vst v63  }
0x47e: {  	s30 =	sadd.s32 $0x40C0, s22;
	s31 =	simm.s32 $0x15060  }
0x47f: {  	[hbm4b:s30+s3] =	stream.linear.scatter [tilespmem:s31], [sflag:$0x4], $0x80, $0x38;
	[tilespmem:$0x16C00] =	vst v63  }
0x480: {  	s28 =	sadd.s32 $0x40D0, s22;
	s29 =	simm.s32 $0x150E8  }
0x481: {  	[hbm4b:s28+s3] =	stream.linear.scatter [tilespmem:s29], [sflag:$0x4], $0x80, $0x38;
	[tilespmem:$0x16C00] =	vst v63  }
0x482: {  	s30 =	sadd.s32 $0x40E0, s22;
	s31 =	simm.s32 $0x15170  }
0x483: {  	[hbm4b:s30+s3] =	stream.linear.scatter [tilespmem:s31], [sflag:$0x4], $0x80, $0x38;
	[tilespmem:$0x16C00] =	vst v63  }
0x484: {  	s28 =	sadd.s32 $0x40F0, s22;
	s29 =	simm.s32 $0x151F8  }
0x485: {  	[hbm4b:s28+s3] =	stream.linear.scatter [tilespmem:s29], [sflag:$0x4], $0x80, $0x38;
	[tilespmem:$0x16C00] =	vst v63  }
0x486: {  	s30 =	sadd.s32 $0x5000, s22;
	s31 =	simm.s32 $0x15280  }
0x487: {  	[hbm4b:s30+s3] =	stream.linear.scatter [tilespmem:s31], [sflag:$0x4], $0x80, $0x38;
	[tilespmem:$0x16C00] =	vst v63  }
0x488: {  	s28 =	sadd.s32 $0x5010, s22;
	s29 =	simm.s32 $0x15308  }
0x489: {  	[hbm4b:s28+s3] =	stream.linear.scatter [tilespmem:s29], [sflag:$0x4], $0x80, $0x38;
	[tilespmem:$0x16C00] =	vst v63  }
0x48a: {  	s30 =	sadd.s32 $0x5020, s22;
	s31 =	simm.s32 $0x15390  }
0x48b: {  	[hbm4b:s30+s3] =	stream.linear.scatter [tilespmem:s31], [sflag:$0x4], $0x80, $0x38;
	[tilespmem:$0x16C00] =	vst v63  }
0x48c: {  	s28 =	sadd.s32 $0x5030, s22;
	s29 =	simm.s32 $0x15418  }
0x48d: {  	[hbm4b:s28+s3] =	stream.linear.scatter [tilespmem:s29], [sflag:$0x4], $0x80, $0x38;
	[tilespmem:$0x16C00] =	vst v63  }
0x48e: {  	s30 =	sadd.s32 $0x5040, s22;
	s31 =	simm.s32 $0x154A0  }
0x48f: {  	[hbm4b:s30+s3] =	stream.linear.scatter [tilespmem:s31], [sflag:$0x4], $0x80, $0x38;
	[tilespmem:$0x16C00] =	vst v63  }
0x490: {  	s28 =	sadd.s32 $0x5050, s22;
	s29 =	simm.s32 $0x15528  }
0x491: {  	[hbm4b:s28+s3] =	stream.linear.scatter [tilespmem:s29], [sflag:$0x4], $0x80, $0x38;
	[tilespmem:$0x16C00] =	vst v63  }
0x492: {  	s30 =	sadd.s32 $0x5060, s22;
	s31 =	simm.s32 $0x155B0  }
0x493: {  	[hbm4b:s30+s3] =	stream.linear.scatter [tilespmem:s31], [sflag:$0x4], $0x80, $0x38;
	[tilespmem:$0x16C00] =	vst v63  }
0x494: {  	s28 =	sadd.s32 $0x5070, s22;
	s29 =	simm.s32 $0x15638  }
0x495: {  	[hbm4b:s28+s3] =	stream.linear.scatter [tilespmem:s29], [sflag:$0x4], $0x80, $0x38;
	[tilespmem:$0x16C00] =	vst v63  }
0x496: {  	s30 =	sadd.s32 $0x5080, s22;
	s31 =	simm.s32 $0x156C0  }
0x497: {  	[hbm4b:s30+s3] =	stream.linear.scatter [tilespmem:s31], [sflag:$0x4], $0x80, $0x38;
	[tilespmem:$0x16C00] =	vst v63  }
0x498: {  	s28 =	sadd.s32 $0x5090, s22;
	s29 =	simm.s32 $0x15748  }
0x499: {  	[hbm4b:s28+s3] =	stream.linear.scatter [tilespmem:s29], [sflag:$0x4], $0x80, $0x38;
	[tilespmem:$0x16C00] =	vst v63  }
0x49a: {  	s30 =	sadd.s32 $0x50A0, s22;
	s31 =	simm.s32 $0x157D0  }
0x49b: {  	[hbm4b:s30+s3] =	stream.linear.scatter [tilespmem:s31], [sflag:$0x4], $0x80, $0x38;
	[tilespmem:$0x16C00] =	vst v63  }
0x49c: {  	s28 =	sadd.s32 $0x50B0, s22;
	s29 =	simm.s32 $0x15858  }
0x49d: {  	[hbm4b:s28+s3] =	stream.linear.scatter [tilespmem:s29], [sflag:$0x4], $0x80, $0x38;
	[tilespmem:$0x16C00] =	vst v63  }
0x49e: {  	s30 =	sadd.s32 $0x50C0, s22;
	s31 =	simm.s32 $0x158E0  }
0x49f: {  	[hbm4b:s30+s3] =	stream.linear.scatter [tilespmem:s31], [sflag:$0x4], $0x80, $0x38;
	[tilespmem:$0x16C00] =	vst v63  }
0x4a0: {  	s28 =	sadd.s32 $0x50D0, s22;
	s29 =	simm.s32 $0x15968  }
0x4a1: {  	[hbm4b:s28+s3] =	stream.linear.scatter [tilespmem:s29], [sflag:$0x4], $0x80, $0x38;
	[tilespmem:$0x16C00] =	vst v63  }
0x4a2: {  	s30 =	sadd.s32 $0x50E0, s22;
	s31 =	simm.s32 $0x159F0  }
0x4a3: {  	[hbm4b:s30+s3] =	stream.linear.scatter [tilespmem:s31], [sflag:$0x4], $0x80, $0x38;
	[tilespmem:$0x16C00] =	vst v63  }
0x4a4: {  	s28 =	sadd.s32 $0x50F0, s22;
	s29 =	simm.s32 $0x15A78  }
0x4a5: {  	[hbm4b:s28+s3] =	stream.linear.scatter [tilespmem:s29], [sflag:$0x4], $0x80, $0x38;
	[tilespmem:$0x16C00] =	vst v63  }
0x4a6: {  	s30 =	sadd.s32 $0x6000, s22;
	s31 =	simm.s32 $0x15B00  }
0x4a7: {  	[hbm4b:s30+s3] =	stream.linear.scatter [tilespmem:s31], [sflag:$0x4], $0x80, $0x38;
	[tilespmem:$0x16C00] =	vst v63  }
0x4a8: {  	s28 =	sadd.s32 $0x6010, s22;
	s29 =	simm.s32 $0x15B88  }
0x4a9: {  	[hbm4b:s28+s3] =	stream.linear.scatter [tilespmem:s29], [sflag:$0x4], $0x80, $0x38;
	[tilespmem:$0x16C00] =	vst v63  }
0x4aa: {  	s30 =	sadd.s32 $0x6020, s22;
	s31 =	simm.s32 $0x15C10  }
0x4ab: {  	[hbm4b:s30+s3] =	stream.linear.scatter [tilespmem:s31], [sflag:$0x4], $0x80, $0x38;
	[tilespmem:$0x16C00] =	vst v63  }
0x4ac: {  	s28 =	sadd.s32 $0x6030, s22;
	s29 =	simm.s32 $0x15C98  }
0x4ad: {  	[hbm4b:s28+s3] =	stream.linear.scatter [tilespmem:s29], [sflag:$0x4], $0x80, $0x38;
	[tilespmem:$0x16C00] =	vst v63  }
0x4ae: {  	s30 =	sadd.s32 $0x6040, s22;
	s31 =	simm.s32 $0x15D20  }
0x4af: {  	[hbm4b:s30+s3] =	stream.linear.scatter [tilespmem:s31], [sflag:$0x4], $0x80, $0x38;
	[tilespmem:$0x16C00] =	vst v63  }
0x4b0: {  	s28 =	sadd.s32 $0x6050, s22;
	s29 =	simm.s32 $0x15DA8  }
0x4b1: {  	[hbm4b:s28+s3] =	stream.linear.scatter [tilespmem:s29], [sflag:$0x4], $0x80, $0x38;
	[tilespmem:$0x16C00] =	vst v63  }
0x4b2: {  	s30 =	sadd.s32 $0x6060, s22;
	s31 =	simm.s32 $0x15E30  }
0x4b3: {  	[hbm4b:s30+s3] =	stream.linear.scatter [tilespmem:s31], [sflag:$0x4], $0x80, $0x38;
	[tilespmem:$0x16C00] =	vst v63  }
0x4b4: {  	s28 =	sadd.s32 $0x6070, s22;
	s29 =	simm.s32 $0x15EB8  }
0x4b5: {  	[hbm4b:s28+s3] =	stream.linear.scatter [tilespmem:s29], [sflag:$0x4], $0x80, $0x38;
	[tilespmem:$0x16C00] =	vst v63  }
0x4b6: {  	s30 =	sadd.s32 $0x6080, s22;
	s31 =	simm.s32 $0x15F40  }
0x4b7: {  	[hbm4b:s30+s3] =	stream.linear.scatter [tilespmem:s31], [sflag:$0x4], $0x80, $0x38;
	[tilespmem:$0x16C00] =	vst v63  }
0x4b8: {  	s28 =	sadd.s32 $0x6090, s22;
	s29 =	simm.s32 $0x15FC8  }
0x4b9: {  	[hbm4b:s28+s3] =	stream.linear.scatter [tilespmem:s29], [sflag:$0x4], $0x80, $0x38;
	[tilespmem:$0x16C00] =	vst v63  }
0x4ba: {  	s30 =	sadd.s32 $0x60A0, s22;
	s31 =	simm.s32 $0x16050  }
0x4bb: {  	[hbm4b:s30+s3] =	stream.linear.scatter [tilespmem:s31], [sflag:$0x4], $0x80, $0x38;
	[tilespmem:$0x16C00] =	vst v63  }
0x4bc: {  	s28 =	sadd.s32 $0x60B0, s22;
	s29 =	simm.s32 $0x160D8  }
0x4bd: {  	[hbm4b:s28+s3] =	stream.linear.scatter [tilespmem:s29], [sflag:$0x4], $0x80, $0x38;
	[tilespmem:$0x16C00] =	vst v63  }
0x4be: {  	s30 =	sadd.s32 $0x60C0, s22;
	s31 =	simm.s32 $0x16160  }
0x4bf: {  	[hbm4b:s30+s3] =	stream.linear.scatter [tilespmem:s31], [sflag:$0x4], $0x80, $0x38;
	[tilespmem:$0x16C00] =	vst v63  }
0x4c0: {  	s28 =	sadd.s32 $0x60D0, s22;
	s29 =	simm.s32 $0x161E8  }
0x4c1: {  	[hbm4b:s28+s3] =	stream.linear.scatter [tilespmem:s29], [sflag:$0x4], $0x80, $0x38;
	[tilespmem:$0x16C00] =	vst v63  }
0x4c2: {  	s30 =	sadd.s32 $0x60E0, s22;
	s31 =	simm.s32 $0x16270  }
0x4c3: {  	[hbm4b:s30+s3] =	stream.linear.scatter [tilespmem:s31], [sflag:$0x4], $0x80, $0x38;
	[tilespmem:$0x16C00] =	vst v63  }
0x4c4: {  	s24 =	sadd.s32 $0x60F0, s22;
	s28 =	simm.s32 $0x162F8  }
0x4c5: {  	[hbm4b:s24+s3] =	stream.linear.scatter [tilespmem:s28], [sflag:$0x4], $0x80, $0x38;
	[tilespmem:$0x16C00] =	vst v63  }
0x4c6: {  	s29 =	sadd.s32 $0x7000, s22;
	s30 =	simm.s32 $0x16380  }
0x4c7: {  	[hbm4b:s29+s3] =	stream.linear.scatter [tilespmem:s30], [sflag:$0x4], $0x80, $0x38;
	[tilespmem:$0x16C00] =	vst v63  }
0x4c8: {  	s31 =	sadd.s32 $0x7010, s22  }
0x4c9: {  	[hbm4b:s31+s3] =	stream.linear.scatter [tilespmem:s1], [sflag:$0x4], $0x80, $0x38;
	[tilespmem:$0x16C00] =	vst v63  }
0x4ca: {  	s24 =	sadd.s32 $0x7020, s22  }
0x4cb: {  	[hbm4b:s24+s3] =	stream.linear.scatter [tilespmem:s0], [sflag:$0x4], $0x80, $0x38;
	[tilespmem:$0x16C00] =	vst v63  }
0x4cc: {  	s28 =	sadd.s32 $0x7030, s22  }
0x4cd: {  	[hbm4b:s28+s3] =	stream.linear.scatter [tilespmem:s10], [sflag:$0x4], $0x80, $0x38;
	[tilespmem:$0x16C00] =	vst v63  }
0x4ce: {  	s29 =	sadd.s32 $0x7040, s22  }
0x4cf: {  	[hbm4b:s29+s3] =	stream.linear.scatter [tilespmem:s11], [sflag:$0x4], $0x80, $0x38;
	[tilespmem:$0x16C00] =	vst v63  }
0x4d0: {  	s30 =	sadd.s32 $0x7050, s22  }
0x4d1: {  	[hbm4b:s30+s3] =	stream.linear.scatter [tilespmem:s12], [sflag:$0x4], $0x80, $0x38;
	[tilespmem:$0x16C00] =	vst v63  }
0x4d2: {  	s31 =	sadd.s32 $0x7060, s22  }
0x4d3: {  	[hbm4b:s31+s3] =	stream.linear.scatter [tilespmem:s14], [sflag:$0x4], $0x80, $0x38;
	[tilespmem:$0x16C00] =	vst v63  }
0x4d4: {  	s24 =	sadd.s32 $0x7070, s22  }
0x4d5: {  	[hbm4b:s24+s3] =	stream.linear.scatter [tilespmem:s6], [sflag:$0x4], $0x80, $0x38;
	[tilespmem:$0x16C00] =	vst v63  }
0x4d6: {  	s28 =	sadd.s32 $0x7080, s22  }
0x4d7: {  	[hbm4b:s28+s3] =	stream.linear.scatter [tilespmem:s7], [sflag:$0x4], $0x80, $0x38;
	[tilespmem:$0x16C00] =	vst v63  }
0x4d8: {  	s29 =	sadd.s32 $0x7090, s22  }
0x4d9: {  	[hbm4b:s29+s3] =	stream.linear.scatter [tilespmem:s8], [sflag:$0x4], $0x80, $0x38;
	[tilespmem:$0x16C00] =	vst v63  }
0x4da: {  	s30 =	sadd.s32 $0x70A0, s22  }
0x4db: {  	[hbm4b:s30+s3] =	stream.linear.scatter [tilespmem:s13], [sflag:$0x4], $0x80, $0x38;
	[tilespmem:$0x16C00] =	vst v63  }
0x4dc: {  	s31 =	sadd.s32 $0x70B0, s22  }
0x4dd: {  	[hbm4b:s31+s3] =	stream.linear.scatter [tilespmem:s15], [sflag:$0x4], $0x80, $0x38;
	[tilespmem:$0x16C00] =	vst v63  }
0x4de: {  	s24 =	sadd.s32 $0x70C0, s22  }
0x4df: {  	[hbm4b:s24+s3] =	stream.linear.scatter [tilespmem:s18], [sflag:$0x4], $0x80, $0x38;
	[tilespmem:$0x16C00] =	vst v63  }
0x4e0: {  	s28 =	sadd.s32 $0x70D0, s22  }
0x4e1: {  	[hbm4b:s28+s3] =	stream.linear.scatter [tilespmem:s19], [sflag:$0x4], $0x80, $0x38;
	[tilespmem:$0x16C00] =	vst v63  }
.Ltmp4:
0x4e2: {  	_ = 	snop;
	(pc) =	sbr.rel @p1 .LBB2_8-.Ltmp4, $4  }
0x4e3: {  	s29 =	sadd.s32 $0x70E0, s22;
	s30 =	simm.s32 $0x16AF0  }
0x4e4: {  	[hbm4b:s29+s3] =	stream.linear.scatter [tilespmem:s30], [sflag:$0x4], $0x80, $0x38;
	[tilespmem:$0x16C00] =	vst v63  }
0x4e5: {  	s22 =	sadd.s32 $0x70F0, s22;
	s31 =	simm.s32 $0x16B78  }
0x4e6: {  	[hbm4b:s22+s3] =	stream.linear.scatter [tilespmem:s31], [sflag:$0x4], $0x80, $0x38;
	[tilespmem:$0x16C00] =	vst v63  }
.Ltmp5:
0x4e7: {  	s21 =	sshrl.u32 s21, $0x2;
	(pc) =	sbr.rel .LBB2_2-.Ltmp5, $4  }
0x4e8: {  	s23 =	simm.s32 $0xA400;
	s22 =	sadd.s32 $0x300, s21  }
0x4e9: {  	[tilespmem:s23], [sflag:$0x2] =	stream.indirect.gather [hbm4b:s4+s9], $0x40, s22, s9, $0xb8;
	[tilespmem:$0x16C00] =	vst v63  }
0x4ea: {  	s31 =	simm.s32 $0xC400;
	s20 =	sadd.s32 $0x1, s20;
	s21 =	sadd.s32 $0x380, s21  }
0x4eb: {  	[tilespmem:s31], [sflag:$0x2] =	stream.indirect.gather [hbm4b:s4+s9], $0x40, s21, s9, $0xb8;
	[tilespmem:$0x16C00] =	vst v63  }
.LBB2_9:
0x4ec: {  	_ =	sfence.sel $0x180000  }
0x4ed: {  	[bflag:$0x0] =	sbarrier.arrive $0xFFFF  }
0x4ee: {  	_ =	strace $0x90000047  }
0x4ef: {  	s0 =	stileid.u32;
	[bflag:$0x2] =	sbarrier.arrive $0xFFFF  }
0x4f0: {  	p0 =	sne.s32 s0, $0x0;
	s0 =	rddreg [dreg:$0x2]  }
0x4f1: {  	s0 =	sadd.s32 @!p0 $0x100000, s0  }
0x4f2: {  	[sflag:s0] =	ssyncadd.tile.s32 @!p0 $0x1;
	_ =	shalt  }
.Lfunc_end2:
_tile_overlayer_lowered:
.L_overlay_start_2:
0x4f3: {  	(tag) =	ssettag $0x2  }
0x4f4: {  	s0 =	rddreg [dreg:$0x0];
	s2 =	stileid.u32  }
0x4f5: {  	s1 =	rddreg [dreg:$0x1];
	p0 =	sne.s32 s2, $0x0  }
0x4f6: {  	s3 =	rddreg [dreg:$0x2];
	[bflag:$0x3] =	sbarrier.arrive $0xFFFF;
	s2 =	simm.s32 @!p0 $0x1C05  }
0x4f7: {  	[timem:s3], [sflag:s2] =	dma.local @!p0 [hbm:s0], s1  }
0x4f8: {  	s0 =	simm.s32 @!p0 $0x5  }
0x4f9: {  	_ =	swait.ge @!p0 [sflag:s0], s1  }
0x4fa: {  	s1 =	ssub.s32 @!p0 $0x0, s1;
	[sflag:s0] =	ssyncset.done @!p0 $0x0  }
0x4fb: {  	[sflag:s0] =	ssyncadd.s32 @!p0 s1  }
0x4fc: {  	[bflag:$0x3] =	sbarrier.arrive $0xFFFF  }
0x4fd: {  	_ =	shalt  }

</sc_bundles>
